<compile_context>
chip_gen: v7x
topology: tpu7x:2x2x1
jax: 0.10.2.dev20260603
libtpu: 0.0.44.dev20260713+nightly
codegen_flags: <defaults>
</compile_context>

<pallas_src>
import functools

import jax
import jax.numpy as jnp
from jax import lax
from jax.experimental import pallas as pl
from jax.experimental.pallas import tpu as pltpu
from jax.experimental.pallas import tpu_sc as plsc


def _topk_body(adj_ref, idx_ref, *, rows_per_batch, blocks_per_batch, k):
    blk = pl.program_id(0)
    v = adj_ref[...]
    r, n = v.shape
    col = lax.broadcasted_iota(jnp.int32, (r, n), 1)
    slot = lax.broadcasted_iota(jnp.int32, (r, k), 1)
    base = (blk // blocks_per_batch) * rows_per_batch

    def body(t, carry):
        vv, acc = carry
        i = jnp.argmax(vv, axis=1, keepdims=True)
        acc = acc + jnp.where(slot == t, i + base, 0)
        vv = jnp.where(col == i, -1.0, vv)
        return vv, acc

    _, acc = lax.fori_loop(
        0, k, body, (v, jnp.zeros((r, k), jnp.int32)), unroll=32
    )
    idx_ref[...] = acc


def _topk(adj, k, rows_per_batch, block_rows=512):
    rows, n = adj.shape
    grid = rows // block_rows
    return pl.pallas_call(
        functools.partial(
            _topk_body,
            rows_per_batch=rows_per_batch,
            blocks_per_batch=rows_per_batch // block_rows,
            k=k,
        ),
        grid=(grid,),
        in_specs=[pl.BlockSpec((block_rows, n), lambda i: (i, 0))],
        out_specs=pl.BlockSpec((block_rows, k), lambda i: (i, 0)),
        out_shape=jax.ShapeDtypeStruct((rows, k), jnp.int32),
    )(adj)


def _y_body(x_ref, y_ref, *, c):
    xb = x_ref[...]
    x0 = xb[:, 0:c]
    xc = jnp.clip(x0, -1.0, 1.0)
    t = 2.0 * jnp.arctan2(jnp.sqrt(1.0 - xc), jnp.sqrt(1.0 + xc))
    s = t / (jnp.sin(t) + 1e-4)
    y0 = (x0 - jnp.cos(t)) * s
    y1 = xb[:, c : 2 * c] * s
    y2 = xb[:, 2 * c : 3 * c] * s
    pad = jnp.zeros((xb.shape[0], 128 - 3 * c), jnp.float32)
    y_ref[...] = jnp.concatenate([y0, y1, y2, pad], axis=1)


def _point_transform(xf, c):
    rows = xf.shape[0]
    return pl.pallas_call(
        functools.partial(_y_body, c=c),
        out_shape=jax.ShapeDtypeStruct((rows, 128), jnp.float32),
    )(xf)


def _sc_gather_reduce(y, idx_flat, wrow, k):
    rows, w = y.shape
    wa = wrow.shape[1]
    info = plsc.get_sparse_core_info()
    nw = info.num_cores * info.num_subcores
    nodes_per_w = rows // nw
    chunk = 8
    n_chunks = nodes_per_w // chunk
    mesh = plsc.VectorSubcoreMesh(core_axis_name="c", subcore_axis_name="s")

    @functools.partial(
        pl.kernel,
        mesh=mesh,
        out_type=jax.ShapeDtypeStruct((rows, wa), jnp.float32),
        scratch_types=[
            pltpu.VMEM((nodes_per_w * k,), jnp.int32),
            pltpu.VMEM((2, chunk * k, w), jnp.float32),
            pltpu.VMEM((k, wa), jnp.float32),
            pltpu.VMEM((chunk, wa), jnp.float32),
            pltpu.SemaphoreType.DMA,
            pltpu.SemaphoreType.DMA,
        ],
    )
    def body(
        y_hbm, idx_hbm, wrow_hbm, out_hbm, idx_v, rows_v, wrow_v, acc_v, sem0, sem1
    ):
        wid = lax.axis_index("s") * info.num_cores + lax.axis_index("c")
        pltpu.sync_copy(wrow_hbm, wrow_v)
        pltpu.sync_copy(idx_hbm.at[pl.ds(wid * nodes_per_w * k, nodes_per_w * k)], idx_v)

        def fire(ch, buf, sem):
            pltpu.async_copy(
                y_hbm.at[idx_v.at[pl.ds(ch * chunk * k, chunk * k)]],
                rows_v.at[buf],
                sem,
            )

        def drain(buf, sem):
            pltpu.make_async_copy(
                y_hbm.at[idx_v.at[pl.ds(0, chunk * k)]], rows_v.at[buf], sem
            ).wait()

        def compute(ch, buf):
            def pair_comp(i2, _):
                ia = i2 * 2
                ib = ia + 1
                z = jnp.zeros((16,), jnp.float32)
                a0e, a0o, a1e, a1o = z, z, z, z
                b0e, b0o, b1e, b1o = z, z, z, z
                for j in range(k):
                    w0 = wrow_v[j, pl.ds(0, 16)]
                    w1 = wrow_v[j, pl.ds(16, 16)]
                    ra0 = rows_v[buf, ia * k + j, pl.ds(0, 16)]
                    ra1 = rows_v[buf, ia * k + j, pl.ds(16, 16)]
                    rb0 = rows_v[buf, ib * k + j, pl.ds(0, 16)]
                    rb1 = rows_v[buf, ib * k + j, pl.ds(16, 16)]
                    if j % 2 == 0:
                        a0e = a0e + ra0 * w0
                        a1e = a1e + ra1 * w1
                        b0e = b0e + rb0 * w0
                        b1e = b1e + rb1 * w1
                    else:
                        a0o = a0o + ra0 * w0
                        a1o = a1o + ra1 * w1
                        b0o = b0o + rb0 * w0
                        b1o = b1o + rb1 * w1
                acc_v[ia, pl.ds(0, 16)] = a0e + a0o
                acc_v[ia, pl.ds(16, 16)] = a1e + a1o
                acc_v[ib, pl.ds(0, 16)] = b0e + b0o
                acc_v[ib, pl.ds(16, 16)] = b1e + b1o
                return 0

            lax.fori_loop(0, chunk // 2, pair_comp, 0)
            node0 = wid * nodes_per_w + ch * chunk
            pltpu.sync_copy(acc_v, out_hbm.at[pl.ds(node0, chunk)])

        fire(0, 0, sem0)

        def pair_body(p, _):
            ch0 = p * 2
            drain(0, sem0)
            fire(ch0 + 1, 1, sem1)
            compute(ch0, 0)
            drain(1, sem1)

            @pl.when(p < n_chunks // 2 - 1)
            def _():
                fire(ch0 + 2, 0, sem0)

            compute(ch0 + 1, 1)
            return 0

        lax.fori_loop(0, n_chunks // 2, pair_body, 0)

    return body(y, idx_flat, wrow)


def _fin_body(w_ref, w2_ref, o_ref, *, m):
    wv = w_ref[...]
    w2 = w2_ref[...]
    ws = jnp.dot(wv, w2, preferred_element_type=jnp.float32)
    a = ws[:, 0:m]
    b = ws[:, m : 2 * m]
    c = ws[:, 2 * m : 3 * m]
    vmag = jnp.sqrt(a * a + b * b + c * c)
    sv = jnp.sin(vmag) / jnp.maximum(vmag, 1e-12)
    o_ref[...] = jnp.concatenate(
        [jnp.cos(vmag) + sv * a, sv * b, sv * c], axis=1
    )


def _finale(weighted, w2blk, m):
    rows = weighted.shape[0]
    return pl.pallas_call(
        functools.partial(_fin_body, m=m),
        out_shape=jax.ShapeDtypeStruct((rows, 3 * m), jnp.float32),
    )(weighted, w2blk)


def kernel(x, adj_mtr, w1, w2):
    B, N, D, C = x.shape
    k = w1.shape[1]
    m = w2.shape[0]

    adj = adj_mtr.reshape(B * N, N)
    idx = _topk(adj, k, rows_per_batch=N)

    xf = x.reshape(B * N, D * C)
    y = _point_transform(xf, C)

    w1n = w1 * w1
    w1n = w1n / jnp.sum(w1n, axis=1, keepdims=True)
    wrow = jnp.concatenate(
        [jnp.tile(w1n.T, (1, D)), jnp.zeros((k, C), jnp.float32)], axis=1
    ) / float(k)

    weighted = _sc_gather_reduce(y, idx.reshape(-1), wrow, k)

    w2n = w2 * w2
    w2n = (w2n / jnp.sum(w2n, axis=1, keepdims=True)).T
    w2blk = jnp.zeros((4 * C, D * m), jnp.float32)
    for d in range(D):
        w2blk = w2blk.at[d * C : (d + 1) * C, d * m : (d + 1) * m].set(w2n)

    out = _finale(weighted, w2blk, m)
    return out.reshape(B, N, D, m)

# --- scband reference (transcript-rebuilt; emitter-appended) ---
"""Pipeline reference for scband-w-fmlayer-51092930953753 (READ-ONLY COPY).

The authoritative reference and input builder live on the scoring server;
editing this copy changes nothing except your own understanding.
"""

import jax, jax.numpy as jnp
import numpy as np

K_NEIGHBORS = 32

def weightNormalize(weights_in):
    weights = weights_in ** 2
    return weights / jnp.sum(weights, axis=1, keepdims=True)

def knn(adj_mtr, k):
    # top-k largest entries per row, as in standard torch knn helpers
    _, idx = jax.lax.top_k(adj_mtr, k)
    return idx

def setup_inputs(seed: int = 0) -> dict:
    key = jax.random.key(seed)
    k1, k2, k3, k4 = jax.random.split(key, 4)
    B, N, D, C = 4, 2048, 3, 8
    m, k = 16, K_NEIGHBORS
    x = jax.random.uniform(k1, (B, N, D, C), dtype=jnp.float32)
    adj_mtr = jax.random.uniform(k2, (B, N, N), dtype=jnp.float32)
    w1 = jax.random.normal(k3, (C, k), dtype=jnp.float32)
    w2 = jax.random.normal(k4, (m, C), dtype=jnp.float32)
    return {"x": x, "adj_mtr": adj_mtr, "w1": w1, "w2": w2}

def reference(x, adj_mtr, w1, w2):
    B, N, D, C = x.shape
    k = w1.shape[1]
    m = w2.shape[0]
    idx = (jnp.arange(B) * N).reshape(B, 1, 1)
    k2 = knn(adj_mtr, k) + idx  # [B, N, k]
    ptcld = x.reshape(B * N, D * C)
    gathered = ptcld[k2].reshape(B, N, k, D, C)
    theta = jnp.arccos(jnp.clip(gathered[:, :, :, 0, :], -1.0, 1.0))  # [B,N,k,C]
    eps = jnp.ones(theta.shape, dtype=theta.dtype) * 0.0001
    theta_sin = theta / (jnp.sin(theta) + eps)
    north_pole_cos = jnp.zeros(gathered.shape, dtype=gathered.dtype).at[:, :, :, 0, :].set(jnp.cos(theta))
    q_p = gathered - north_pole_cos
    theta_sin = jnp.tile(theta_sin, (1, 1, 1, D)).reshape(B, N, k, D, C)
    q_p_s = q_p * theta_sin
    q_p_s = jnp.swapaxes(q_p_s, 2, 3)
    q_p_s = jnp.swapaxes(q_p_s, 3, 4)  # [B,N,D,C,k]
    transformed_w1 = weightNormalize(w1)            # [C,k]
    transformed_w2 = weightNormalize(w2).T          # [C,m]
    weighted = q_p_s * transformed_w1
    weighted = jnp.mean(weighted, axis=-1)          # [B,N,D,C]
    weighted_sum = jnp.matmul(weighted, transformed_w2)  # [B,N,D,m]
    v_mag = jnp.linalg.norm(weighted_sum, axis=2)   # [B,N,m]
    north_pole_cos_vmag = jnp.zeros(weighted_sum.shape, dtype=weighted_sum.dtype).at[:, :, 0, :].set(jnp.cos(v_mag))
    denom = jnp.maximum(jnp.linalg.norm(weighted_sum, axis=2, keepdims=True), 1e-12)
    normed_w = weighted_sum / denom
    sin_vmag = jnp.tile(jnp.sin(v_mag), (1, 1, D)).reshape(B, N, D, m)
    out = north_pole_cos_vmag + sin_vmag * normed_w
    return out

if __name__ == "__main__":
    import jax
    _d = setup_inputs()
    print(jax.jit(kernel)(*tuple(_d.values())))

</pallas_src>

<mosaic_0001>
#map = affine_map<(d0, d1) -> (0, 0)>
#map1 = affine_map<(d0, d1) -> (0)>
module attributes {stable_mosaic.version = 14 : i64} {
  func.func @body(%arg0: i32, %arg1: i32, %arg2: memref<8192x128xf32, #tpu.memory_space<hbm>>, %arg3: memref<262144xi32, #tpu.memory_space<hbm>>, %arg4: memref<32x32xf32, #tpu.memory_space<hbm>>, %arg5: memref<8192x32xf32, #tpu.memory_space<hbm>>, %arg6: memref<8192xi32, #tpu.memory_space<vmem>>, %arg7: memref<2x256x128xf32, #tpu.memory_space<vmem>>, %arg8: memref<32x32xf32, #tpu.memory_space<vmem>>, %arg9: memref<8x32xf32, #tpu.memory_space<vmem>>, %arg10: memref<!tpu.dma_semaphore, #tpu.memory_space<semaphore_mem>>, %arg11: memref<!tpu.dma_semaphore, #tpu.memory_space<semaphore_mem>>) attributes {dimension_semantics = [#tpu.dimension_semantics<core_parallel>, #tpu.dimension_semantics<subcore_parallel>], iteration_bounds = array<i64: 2, 16>, scalar_prefetch = 0 : i64, scratch_operands = 6 : i64, tpu.core_type = #tpu.core_type<sc_vector_subcore>, window_params = [{transform_indices = #map}, {transform_indices = #map1}, {transform_indices = #map}, {transform_indices = #map}]} {
    %mul3A = arith.constant 2 : i32
    %mul3A_0 = arith.muli %arg1, %mul3A : i32
    %add3A = arith.addi %mul3A_0, %arg0 : i32
    "tpu.region"() ({
      %run_scoped3A = tpu.sem_alloc : memref<!tpu.dma_semaphore, #tpu.memory_space<semaphore_mem>>
      tpu.enqueue_dma source(%arg4 : memref<32x32xf32, #tpu.memory_space<hbm>>) target(%arg8 : memref<32x32xf32, #tpu.memory_space<vmem>>) target_semaphore(%run_scoped3A : memref<!tpu.dma_semaphore, #tpu.memory_space<semaphore_mem>>)
      tpu.wait_dma2 semaphore(%run_scoped3A : memref<!tpu.dma_semaphore, #tpu.memory_space<semaphore_mem>>) src(%arg4 : memref<32x32xf32, #tpu.memory_space<hbm>>) dst(%arg8 : memref<32x32xf32, #tpu.memory_space<vmem>>)
      tpu.yield
    }) : () -> ()
    %mul3A_1 = arith.constant 256 : i32
    %mul3A_2 = arith.muli %add3A, %mul3A_1 : i32
    %mul3A_3 = arith.constant 32 : i32
    %mul3A_4 = arith.muli %mul3A_2, %mul3A_3 : i32
    "tpu.region"() ({
      %run_scoped3A = tpu.sem_alloc : memref<!tpu.dma_semaphore, #tpu.memory_space<semaphore_mem>>
      %dma_start3A_20 = tpu.memref_slice %arg3[%mul3A_4] : memref<262144xi32, #tpu.memory_space<hbm>> -> memref<8192xi32, #tpu.memory_space<hbm>>
      %dma_start3A_21 = tpu.memref_slice %arg3[%mul3A_4] : memref<262144xi32, #tpu.memory_space<hbm>> -> memref<8192xi32, #tpu.memory_space<hbm>>
      tpu.enqueue_dma source(%dma_start3A_21 : memref<8192xi32, #tpu.memory_space<hbm>>) target(%arg6 : memref<8192xi32, #tpu.memory_space<vmem>>) target_semaphore(%run_scoped3A : memref<!tpu.dma_semaphore, #tpu.memory_space<semaphore_mem>>)
      %dma_wait3A = tpu.memref_slice %arg3[%mul3A_4] : memref<262144xi32, #tpu.memory_space<hbm>> -> memref<8192xi32, #tpu.memory_space<hbm>>
      %dma_wait3A_22 = tpu.memref_slice %arg3[%mul3A_4] : memref<262144xi32, #tpu.memory_space<hbm>> -> memref<8192xi32, #tpu.memory_space<hbm>>
      tpu.wait_dma2 semaphore(%run_scoped3A : memref<!tpu.dma_semaphore, #tpu.memory_space<semaphore_mem>>) src(%dma_wait3A_22 : memref<8192xi32, #tpu.memory_space<hbm>>) dst(%arg6 : memref<8192xi32, #tpu.memory_space<vmem>>)
      tpu.yield
    }) : () -> ()
    %dma_start3A = arith.constant 0 : i32
    %dma_start3A_5 = arith.constant 0 : i32
    %dma_start3A_6 = arith.constant 0 : i32
    %dma_start3A_7 = tpu.memref_slice %arg7[%dma_start3A, %dma_start3A_5, %dma_start3A_6] : memref<2x256x128xf32, #tpu.memory_space<vmem>> -> memref<1x256x128xf32, #tpu.memory_space<vmem>>
    %dma_start3A_8 = tpu.memref_squeeze %dma_start3A_7 : memref<1x256x128xf32, #tpu.memory_space<vmem>> -> memref<256x128xf32, #tpu.memory_space<vmem>>
    %dma_start3A_9 = arith.constant 0 : i32
    %dma_start3A_10 = tpu.memref_slice %arg6[%dma_start3A_9] : memref<8192xi32, #tpu.memory_space<vmem>> -> memref<256xi32, #tpu.memory_space<vmem>>
    %dma_start3A_11 = arith.constant 0 : i32
    %dma_start3A_12 = arith.constant 0 : i32
    %dma_start3A_13 = tpu.memref_slice %arg2[%dma_start3A_11, %dma_start3A_12] : memref<8192x128xf32, #tpu.memory_space<hbm>> -> memref<8192x128xf32, #tpu.memory_space<hbm>>
    tpu.enqueue_indirect_dma source(%dma_start3A_13 : memref<8192x128xf32, #tpu.memory_space<hbm>>) target(%dma_start3A_8 : memref<256x128xf32, #tpu.memory_space<vmem>>) offsets(%dma_start3A_10 : memref<256xi32, #tpu.memory_space<vmem>>) semaphore(%arg10 : memref<!tpu.dma_semaphore, #tpu.memory_space<semaphore_mem>>)
    %scan3A = arith.constant 0 : i32
    %scan3A_14 = arith.constant 0 : i32
    %scan3A_15 = arith.constant 16 : i32
    %scan3A_16 = arith.addi %scan3A_14, %scan3A_15 : i32
    %scan3A_17 = arith.constant 1 : i32
    %scan3A_18 = scf.for %scan3A_20 = %scan3A_14 to %scan3A_16 step %scan3A_17 iter_args(%scan3A_21 = %scan3A) -> (i32)  : i32 {
      %mul3A_22 = arith.constant 2 : i32
      %mul3A_23 = arith.muli %scan3A_20, %mul3A_22 : i32
      %dma_wait3A = arith.constant 0 : i32
      %dma_wait3A_24 = arith.constant 0 : i32
      %dma_wait3A_25 = arith.constant 0 : i32
      %dma_wait3A_26 = tpu.memref_slice %arg7[%dma_wait3A, %dma_wait3A_24, %dma_wait3A_25] : memref<2x256x128xf32, #tpu.memory_space<vmem>> -> memref<1x256x128xf32, #tpu.memory_space<vmem>>
      %dma_wait3A_27 = tpu.memref_squeeze %dma_wait3A_26 : memref<1x256x128xf32, #tpu.memory_space<vmem>> -> memref<256x128xf32, #tpu.memory_space<vmem>>
      %dma_wait3A_28 = arith.constant 0 : i32
      %dma_wait3A_29 = tpu.memref_slice %arg6[%dma_wait3A_28] : memref<8192xi32, #tpu.memory_space<vmem>> -> memref<256xi32, #tpu.memory_space<vmem>>
      %dma_wait3A_30 = arith.constant 0 : i32
      %dma_wait3A_31 = arith.constant 0 : i32
      %dma_wait3A_32 = tpu.memref_slice %arg2[%dma_wait3A_30, %dma_wait3A_31] : memref<8192x128xf32, #tpu.memory_space<hbm>> -> memref<8192x128xf32, #tpu.memory_space<hbm>>
      tpu.wait_indirect_dma semaphore(%arg10 : memref<!tpu.dma_semaphore, #tpu.memory_space<semaphore_mem>>) src(%dma_wait3A_32 : memref<8192x128xf32, #tpu.memory_space<hbm>>) dst(%dma_wait3A_27 : memref<256x128xf32, #tpu.memory_space<vmem>>)
      %add3A_33 = arith.constant 1 : i32
      %add3A_34 = arith.addi %mul3A_23, %add3A_33 : i32
      %mul3A_35 = arith.constant 8 : i32
      %mul3A_36 = arith.muli %add3A_34, %mul3A_35 : i32
      %mul3A_37 = arith.constant 32 : i32
      %mul3A_38 = arith.muli %mul3A_36, %mul3A_37 : i32
      %dma_start3A_39 = arith.constant 1 : i32
      %dma_start3A_40 = arith.constant 0 : i32
      %dma_start3A_41 = arith.constant 0 : i32
      %dma_start3A_42 = tpu.memref_slice %arg7[%dma_start3A_39, %dma_start3A_40, %dma_start3A_41] : memref<2x256x128xf32, #tpu.memory_space<vmem>> -> memref<1x256x128xf32, #tpu.memory_space<vmem>>
      %dma_start3A_43 = tpu.memref_squeeze %dma_start3A_42 : memref<1x256x128xf32, #tpu.memory_space<vmem>> -> memref<256x128xf32, #tpu.memory_space<vmem>>
      %dma_start3A_44 = tpu.memref_slice %arg6[%mul3A_38] : memref<8192xi32, #tpu.memory_space<vmem>> -> memref<256xi32, #tpu.memory_space<vmem>>
      %dma_start3A_45 = arith.constant 0 : i32
      %dma_start3A_46 = arith.constant 0 : i32
      %dma_start3A_47 = tpu.memref_slice %arg2[%dma_start3A_45, %dma_start3A_46] : memref<8192x128xf32, #tpu.memory_space<hbm>> -> memref<8192x128xf32, #tpu.memory_space<hbm>>
      tpu.enqueue_indirect_dma source(%dma_start3A_47 : memref<8192x128xf32, #tpu.memory_space<hbm>>) target(%dma_start3A_43 : memref<256x128xf32, #tpu.memory_space<vmem>>) offsets(%dma_start3A_44 : memref<256xi32, #tpu.memory_space<vmem>>) semaphore(%arg11 : memref<!tpu.dma_semaphore, #tpu.memory_space<semaphore_mem>>)
      %scan3A_48 = arith.constant 0 : i32
      %scan3A_49 = arith.constant 0 : i32
      %scan3A_50 = arith.constant 4 : i32
      %scan3A_51 = arith.addi %scan3A_49, %scan3A_50 : i32
      %scan3A_52 = arith.constant 1 : i32
      %scan3A_53 = scf.for %scan3A_87 = %scan3A_49 to %scan3A_51 step %scan3A_52 iter_args(%scan3A_88 = %scan3A_48) -> (i32)  : i32 {
        %mul3A_89 = arith.constant 2 : i32
        %mul3A_90 = arith.muli %scan3A_87, %mul3A_89 : i32
        %add3A_91 = arith.constant 1 : i32
        %add3A_92 = arith.addi %mul3A_90, %add3A_91 : i32
        %broadcast_in_dim3A = arith.constant 0.000000e+00 : f32
        %broadcast_in_dim3A_93 = vector.broadcast %broadcast_in_dim3A : f32 to vector<16xf32>
        %get3A = arith.constant 0 : i32
        %get3A_94 = arith.index_cast %get3A : i32 to index
        %get3A_95 = arith.constant 0 : index
        %get3A_96 = tpu.vector_load %arg8[%get3A_94, %get3A_95] {strides = array<i32>} : memref<32x32xf32, #tpu.memory_space<vmem>>, vector<1x16xf32>,
        %get3A_97 = vector.shape_cast %get3A_96 : vector<1x16xf32> to vector<16xf32>
        %get3A_98 = arith.constant 0 : i32
        %get3A_99 = arith.index_cast %get3A_98 : i32 to index
        %get3A_100 = arith.constant 16 : index
        %get3A_101 = tpu.vector_load %arg8[%get3A_99, %get3A_100] {strides = array<i32>} : memref<32x32xf32, #tpu.memory_space<vmem>>, vector<1x16xf32>,
        %get3A_102 = vector.shape_cast %get3A_101 : vector<1x16xf32> to vector<16xf32>
        %mul3A_103 = arith.constant 32 : i32
        %mul3A_104 = arith.muli %mul3A_90, %mul3A_103 : i32
        %add3A_105 = arith.constant 0 : i32
        %add3A_106 = arith.addi %mul3A_104, %add3A_105 : i32
        %get3A_107 = arith.constant 0 : i32
        %get3A_108 = arith.index_cast %get3A_107 : i32 to index
        %get3A_109 = arith.index_cast %add3A_106 : i32 to index
        %get3A_110 = arith.constant 0 : index
        %get3A_111 = tpu.vector_load %arg7[%get3A_108, %get3A_109, %get3A_110] {strides = array<i32>} : memref<2x256x128xf32, #tpu.memory_space<vmem>>, vector<1x1x16xf32>,
        %get3A_112 = vector.shape_cast %get3A_111 : vector<1x1x16xf32> to vector<16xf32>
        %mul3A_113 = arith.constant 32 : i32
        %mul3A_114 = arith.muli %mul3A_90, %mul3A_113 : i32
        %add3A_115 = arith.constant 0 : i32
        %add3A_116 = arith.addi %mul3A_114, %add3A_115 : i32
        %get3A_117 = arith.constant 0 : i32
        %get3A_118 = arith.index_cast %get3A_117 : i32 to index
        %get3A_119 = arith.index_cast %add3A_116 : i32 to index
        %get3A_120 = arith.constant 16 : index
        %get3A_121 = tpu.vector_load %arg7[%get3A_118, %get3A_119, %get3A_120] {strides = array<i32>} : memref<2x256x128xf32, #tpu.memory_space<vmem>>, vector<1x1x16xf32>,
        %get3A_122 = vector.shape_cast %get3A_121 : vector<1x1x16xf32> to vector<16xf32>
        %mul3A_123 = arith.constant 32 : i32
        %mul3A_124 = arith.muli %add3A_92, %mul3A_123 : i32
        %add3A_125 = arith.constant 0 : i32
        %add3A_126 = arith.addi %mul3A_124, %add3A_125 : i32
        %get3A_127 = arith.constant 0 : i32
        %get3A_128 = arith.index_cast %get3A_127 : i32 to index
        %get3A_129 = arith.index_cast %add3A_126 : i32 to index
        %get3A_130 = arith.constant 0 : index
        %get3A_131 = tpu.vector_load %arg7[%get3A_128, %get3A_129, %get3A_130] {strides = array<i32>} : memref<2x256x128xf32, #tpu.memory_space<vmem>>, vector<1x1x16xf32>,
        %get3A_132 = vector.shape_cast %get3A_131 : vector<1x1x16xf32> to vector<16xf32>
        %mul3A_133 = arith.constant 32 : i32
        %mul3A_134 = arith.muli %add3A_92, %mul3A_133 : i32
        %add3A_135 = arith.constant 0 : i32
        %add3A_136 = arith.addi %mul3A_134, %add3A_135 : i32
        %get3A_137 = arith.constant 0 : i32
        %get3A_138 = arith.index_cast %get3A_137 : i32 to index
        %get3A_139 = arith.index_cast %add3A_136 : i32 to index
        %get3A_140 = arith.constant 16 : index
        %get3A_141 = tpu.vector_load %arg7[%get3A_138, %get3A_139, %get3A_140] {strides = array<i32>} : memref<2x256x128xf32, #tpu.memory_space<vmem>>, vector<1x1x16xf32>,
        %get3A_142 = vector.shape_cast %get3A_141 : vector<1x1x16xf32> to vector<16xf32>
        %mul3A_143 = arith.mulf %get3A_112, %get3A_97 : vector<16xf32>
        %add3A_144 = arith.addf %broadcast_in_dim3A_93, %mul3A_143 : vector<16xf32>
        %mul3A_145 = arith.mulf %get3A_122, %get3A_102 : vector<16xf32>
        %add3A_146 = arith.addf %broadcast_in_dim3A_93, %mul3A_145 : vector<16xf32>
        %mul3A_147 = arith.mulf %get3A_132, %get3A_97 : vector<16xf32>
        %add3A_148 = arith.addf %broadcast_in_dim3A_93, %mul3A_147 : vector<16xf32>
        %mul3A_149 = arith.mulf %get3A_142, %get3A_102 : vector<16xf32>
        %add3A_150 = arith.addf %broadcast_in_dim3A_93, %mul3A_149 : vector<16xf32>
        %get3A_151 = arith.constant 1 : i32
        %get3A_152 = arith.index_cast %get3A_151 : i32 to index
        %get3A_153 = arith.constant 0 : index
        %get3A_154 = tpu.vector_load %arg8[%get3A_152, %get3A_153] {strides = array<i32>} : memref<32x32xf32, #tpu.memory_space<vmem>>, vector<1x16xf32>,
        %get3A_155 = vector.shape_cast %get3A_154 : vector<1x16xf32> to vector<16xf32>
        %get3A_156 = arith.constant 1 : i32
        %get3A_157 = arith.index_cast %get3A_156 : i32 to index
        %get3A_158 = arith.constant 16 : index
        %get3A_159 = tpu.vector_load %arg8[%get3A_157, %get3A_158] {strides = array<i32>} : memref<32x32xf32, #tpu.memory_space<vmem>>, vector<1x16xf32>,
        %get3A_160 = vector.shape_cast %get3A_159 : vector<1x16xf32> to vector<16xf32>
        %mul3A_161 = arith.constant 32 : i32
        %mul3A_162 = arith.muli %mul3A_90, %mul3A_161 : i32
        %add3A_163 = arith.constant 1 : i32
        %add3A_164 = arith.addi %mul3A_162, %add3A_163 : i32
        %get3A_165 = arith.constant 0 : i32
        %get3A_166 = arith.index_cast %get3A_165 : i32 to index
        %get3A_167 = arith.index_cast %add3A_164 : i32 to index
        %get3A_168 = arith.constant 0 : index
        %get3A_169 = tpu.vector_load %arg7[%get3A_166, %get3A_167, %get3A_168] {strides = array<i32>} : memref<2x256x128xf32, #tpu.memory_space<vmem>>, vector<1x1x16xf32>,
        %get3A_170 = vector.shape_cast %get3A_169 : vector<1x1x16xf32> to vector<16xf32>
        %mul3A_171 = arith.constant 32 : i32
        %mul3A_172 = arith.muli %mul3A_90, %mul3A_171 : i32
        %add3A_173 = arith.constant 1 : i32
        %add3A_174 = arith.addi %mul3A_172, %add3A_173 : i32
        %get3A_175 = arith.constant 0 : i32
        %get3A_176 = arith.index_cast %get3A_175 : i32 to index
        %get3A_177 = arith.index_cast %add3A_174 : i32 to index
        %get3A_178 = arith.constant 16 : index
        %get3A_179 = tpu.vector_load %arg7[%get3A_176, %get3A_177, %get3A_178] {strides = array<i32>} : memref<2x256x128xf32, #tpu.memory_space<vmem>>, vector<1x1x16xf32>,
        %get3A_180 = vector.shape_cast %get3A_179 : vector<1x1x16xf32> to vector<16xf32>
        %mul3A_181 = arith.constant 32 : i32
        %mul3A_182 = arith.muli %add3A_92, %mul3A_181 : i32
        %add3A_183 = arith.constant 1 : i32
        %add3A_184 = arith.addi %mul3A_182, %add3A_183 : i32
        %get3A_185 = arith.constant 0 : i32
        %get3A_186 = arith.index_cast %get3A_185 : i32 to index
        %get3A_187 = arith.index_cast %add3A_184 : i32 to index
        %get3A_188 = arith.constant 0 : index
        %get3A_189 = tpu.vector_load %arg7[%get3A_186, %get3A_187, %get3A_188] {strides = array<i32>} : memref<2x256x128xf32, #tpu.memory_space<vmem>>, vector<1x1x16xf32>,
        %get3A_190 = vector.shape_cast %get3A_189 : vector<1x1x16xf32> to vector<16xf32>
        %mul3A_191 = arith.constant 32 : i32
        %mul3A_192 = arith.muli %add3A_92, %mul3A_191 : i32
        %add3A_193 = arith.constant 1 : i32
        %add3A_194 = arith.addi %mul3A_192, %add3A_193 : i32
        %get3A_195 = arith.constant 0 : i32
        %get3A_196 = arith.index_cast %get3A_195 : i32 to index
        %get3A_197 = arith.index_cast %add3A_194 : i32 to index
        %get3A_198 = arith.constant 16 : index
        %get3A_199 = tpu.vector_load %arg7[%get3A_196, %get3A_197, %get3A_198] {strides = array<i32>} : memref<2x256x128xf32, #tpu.memory_space<vmem>>, vector<1x1x16xf32>,
        %get3A_200 = vector.shape_cast %get3A_199 : vector<1x1x16xf32> to vector<16xf32>
        %mul3A_201 = arith.mulf %get3A_170, %get3A_155 : vector<16xf32>
        %add3A_202 = arith.addf %broadcast_in_dim3A_93, %mul3A_201 : vector<16xf32>
        %mul3A_203 = arith.mulf %get3A_180, %get3A_160 : vector<16xf32>
        %add3A_204 = arith.addf %broadcast_in_dim3A_93, %mul3A_203 : vector<16xf32>
        %mul3A_205 = arith.mulf %get3A_190, %get3A_155 : vector<16xf32>
        %add3A_206 = arith.addf %broadcast_in_dim3A_93, %mul3A_205 : vector<16xf32>
        %mul3A_207 = arith.mulf %get3A_200, %get3A_160 : vector<16xf32>
        %add3A_208 = arith.addf %broadcast_in_dim3A_93, %mul3A_207 : vector<16xf32>
        %get3A_209 = arith.constant 2 : i32
        %get3A_210 = arith.index_cast %get3A_209 : i32 to index
        %get3A_211 = arith.constant 0 : index
        %get3A_212 = tpu.vector_load %arg8[%get3A_210, %get3A_211] {strides = array<i32>} : memref<32x32xf32, #tpu.memory_space<vmem>>, vector<1x16xf32>,
        %get3A_213 = vector.shape_cast %get3A_212 : vector<1x16xf32> to vector<16xf32>
        %get3A_214 = arith.constant 2 : i32
        %get3A_215 = arith.index_cast %get3A_214 : i32 to index
        %get3A_216 = arith.constant 16 : index
        %get3A_217 = tpu.vector_load %arg8[%get3A_215, %get3A_216] {strides = array<i32>} : memref<32x32xf32, #tpu.memory_space<vmem>>, vector<1x16xf32>,
        %get3A_218 = vector.shape_cast %get3A_217 : vector<1x16xf32> to vector<16xf32>
        %mul3A_219 = arith.constant 32 : i32
        %mul3A_220 = arith.muli %mul3A_90, %mul3A_219 : i32
        %add3A_221 = arith.constant 2 : i32
        %add3A_222 = arith.addi %mul3A_220, %add3A_221 : i32
        %get3A_223 = arith.constant 0 : i32
        %get3A_224 = arith.index_cast %get3A_223 : i32 to index
        %get3A_225 = arith.index_cast %add3A_222 : i32 to index
        %get3A_226 = arith.constant 0 : index
        %get3A_227 = tpu.vector_load %arg7[%get3A_224, %get3A_225, %get3A_226] {strides = array<i32>} : memref<2x256x128xf32, #tpu.memory_space<vmem>>, vector<1x1x16xf32>,
        %get3A_228 = vector.shape_cast %get3A_227 : vector<1x1x16xf32> to vector<16xf32>
        %mul3A_229 = arith.constant 32 : i32
        %mul3A_230 = arith.muli %mul3A_90, %mul3A_229 : i32
        %add3A_231 = arith.constant 2 : i32
        %add3A_232 = arith.addi %mul3A_230, %add3A_231 : i32
        %get3A_233 = arith.constant 0 : i32
        %get3A_234 = arith.index_cast %get3A_233 : i32 to index
        %get3A_235 = arith.index_cast %add3A_232 : i32 to index
        %get3A_236 = arith.constant 16 : index
        %get3A_237 = tpu.vector_load %arg7[%get3A_234, %get3A_235, %get3A_236] {strides = array<i32>} : memref<2x256x128xf32, #tpu.memory_space<vmem>>, vector<1x1x16xf32>,
        %get3A_238 = vector.shape_cast %get3A_237 : vector<1x1x16xf32> to vector<16xf32>
        %mul3A_239 = arith.constant 32 : i32
        %mul3A_240 = arith.muli %add3A_92, %mul3A_239 : i32
        %add3A_241 = arith.constant 2 : i32
        %add3A_242 = arith.addi %mul3A_240, %add3A_241 : i32
        %get3A_243 = arith.constant 0 : i32
        %get3A_244 = arith.index_cast %get3A_243 : i32 to index
        %get3A_245 = arith.index_cast %add3A_242 : i32 to index
        %get3A_246 = arith.constant 0 : index
        %get3A_247 = tpu.vector_load %arg7[%get3A_244, %get3A_245, %get3A_246] {strides = array<i32>} : memref<2x256x128xf32, #tpu.memory_space<vmem>>, vector<1x1x16xf32>,
        %get3A_248 = vector.shape_cast %get3A_247 : vector<1x1x16xf32> to vector<16xf32>
        %mul3A_249 = arith.constant 32 : i32
        %mul3A_250 = arith.muli %add3A_92, %mul3A_249 : i32
        %add3A_251 = arith.constant 2 : i32
        %add3A_252 = arith.addi %mul3A_250, %add3A_251 : i32
        %get3A_253 = arith.constant 0 : i32
        %get3A_254 = arith.index_cast %get3A_253 : i32 to index
        %get3A_255 = arith.index_cast %add3A_252 : i32 to index
        %get3A_256 = arith.constant 16 : index
        %get3A_257 = tpu.vector_load %arg7[%get3A_254, %get3A_255, %get3A_256] {strides = array<i32>} : memref<2x256x128xf32, #tpu.memory_space<vmem>>, vector<1x1x16xf32>,
        %get3A_258 = vector.shape_cast %get3A_257 : vector<1x1x16xf32> to vector<16xf32>
        %mul3A_259 = arith.mulf %get3A_228, %get3A_213 : vector<16xf32>
        %add3A_260 = arith.addf %add3A_144, %mul3A_259 : vector<16xf32>
        %mul3A_261 = arith.mulf %get3A_238, %get3A_218 : vector<16xf32>
        %add3A_262 = arith.addf %add3A_146, %mul3A_261 : vector<16xf32>
        %mul3A_263 = arith.mulf %get3A_248, %get3A_213 : vector<16xf32>
        %add3A_264 = arith.addf %add3A_148, %mul3A_263 : vector<16xf32>
        %mul3A_265 = arith.mulf %get3A_258, %get3A_218 : vector<16xf32>
        %add3A_266 = arith.addf %add3A_150, %mul3A_265 : vector<16xf32>
        %get3A_267 = arith.constant 3 : i32
        %get3A_268 = arith.index_cast %get3A_267 : i32 to index
        %get3A_269 = arith.constant 0 : index
        %get3A_270 = tpu.vector_load %arg8[%get3A_268, %get3A_269] {strides = array<i32>} : memref<32x32xf32, #tpu.memory_space<vmem>>, vector<1x16xf32>,
        %get3A_271 = vector.shape_cast %get3A_270 : vector<1x16xf32> to vector<16xf32>
        %get3A_272 = arith.constant 3 : i32
        %get3A_273 = arith.index_cast %get3A_272 : i32 to index
        %get3A_274 = arith.constant 16 : index
        %get3A_275 = tpu.vector_load %arg8[%get3A_273, %get3A_274] {strides = array<i32>} : memref<32x32xf32, #tpu.memory_space<vmem>>, vector<1x16xf32>,
        %get3A_276 = vector.shape_cast %get3A_275 : vector<1x16xf32> to vector<16xf32>
        %mul3A_277 = arith.constant 32 : i32
        %mul3A_278 = arith.muli %mul3A_90, %mul3A_277 : i32
        %add3A_279 = arith.constant 3 : i32
        %add3A_280 = arith.addi %mul3A_278, %add3A_279 : i32
        %get3A_281 = arith.constant 0 : i32
        %get3A_282 = arith.index_cast %get3A_281 : i32 to index
        %get3A_283 = arith.index_cast %add3A_280 : i32 to index
        %get3A_284 = arith.constant 0 : index
        %get3A_285 = tpu.vector_load %arg7[%get3A_282, %get3A_283, %get3A_284] {strides = array<i32>} : memref<2x256x128xf32, #tpu.memory_space<vmem>>, vector<1x1x16xf32>,
        %get3A_286 = vector.shape_cast %get3A_285 : vector<1x1x16xf32> to vector<16xf32>
        %mul3A_287 = arith.constant 32 : i32
        %mul3A_288 = arith.muli %mul3A_90, %mul3A_287 : i32
        %add3A_289 = arith.constant 3 : i32
        %add3A_290 = arith.addi %mul3A_288, %add3A_289 : i32
        %get3A_291 = arith.constant 0 : i32
        %get3A_292 = arith.index_cast %get3A_291 : i32 to index
        %get3A_293 = arith.index_cast %add3A_290 : i32 to index
        %get3A_294 = arith.constant 16 : index
        %get3A_295 = tpu.vector_load %arg7[%get3A_292, %get3A_293, %get3A_294] {strides = array<i32>} : memref<2x256x128xf32, #tpu.memory_space<vmem>>, vector<1x1x16xf32>,
        %get3A_296 = vector.shape_cast %get3A_295 : vector<1x1x16xf32> to vector<16xf32>
        %mul3A_297 = arith.constant 32 : i32
        %mul3A_298 = arith.muli %add3A_92, %mul3A_297 : i32
        %add3A_299 = arith.constant 3 : i32
        %add3A_300 = arith.addi %mul3A_298, %add3A_299 : i32
        %get3A_301 = arith.constant 0 : i32
        %get3A_302 = arith.index_cast %get3A_301 : i32 to index
        %get3A_303 = arith.index_cast %add3A_300 : i32 to index
        %get3A_304 = arith.constant 0 : index
        %get3A_305 = tpu.vector_load %arg7[%get3A_302, %get3A_303, %get3A_304] {strides = array<i32>} : memref<2x256x128xf32, #tpu.memory_space<vmem>>, vector<1x1x16xf32>,
        %get3A_306 = vector.shape_cast %get3A_305 : vector<1x1x16xf32> to vector<16xf32>
        %mul3A_307 = arith.constant 32 : i32
        %mul3A_308 = arith.muli %add3A_92, %mul3A_307 : i32
        %add3A_309 = arith.constant 3 : i32
        %add3A_310 = arith.addi %mul3A_308, %add3A_309 : i32
        %get3A_311 = arith.constant 0 : i32
        %get3A_312 = arith.index_cast %get3A_311 : i32 to index
        %get3A_313 = arith.index_cast %add3A_310 : i32 to index
        %get3A_314 = arith.constant 16 : index
        %get3A_315 = tpu.vector_load %arg7[%get3A_312, %get3A_313, %get3A_314] {strides = array<i32>} : memref<2x256x128xf32, #tpu.memory_space<vmem>>, vector<1x1x16xf32>,
        %get3A_316 = vector.shape_cast %get3A_315 : vector<1x1x16xf32> to vector<16xf32>
        %mul3A_317 = arith.mulf %get3A_286, %get3A_271 : vector<16xf32>
        %add3A_318 = arith.addf %add3A_202, %mul3A_317 : vector<16xf32>
        %mul3A_319 = arith.mulf %get3A_296, %get3A_276 : vector<16xf32>
        %add3A_320 = arith.addf %add3A_204, %mul3A_319 : vector<16xf32>
        %mul3A_321 = arith.mulf %get3A_306, %get3A_271 : vector<16xf32>
        %add3A_322 = arith.addf %add3A_206, %mul3A_321 : vector<16xf32>
        %mul3A_323 = arith.mulf %get3A_316, %get3A_276 : vector<16xf32>
        %add3A_324 = arith.addf %add3A_208, %mul3A_323 : vector<16xf32>
        %get3A_325 = arith.constant 4 : i32
        %get3A_326 = arith.index_cast %get3A_325 : i32 to index
        %get3A_327 = arith.constant 0 : index
        %get3A_328 = tpu.vector_load %arg8[%get3A_326, %get3A_327] {strides = array<i32>} : memref<32x32xf32, #tpu.memory_space<vmem>>, vector<1x16xf32>,
        %get3A_329 = vector.shape_cast %get3A_328 : vector<1x16xf32> to vector<16xf32>
        %get3A_330 = arith.constant 4 : i32
        %get3A_331 = arith.index_cast %get3A_330 : i32 to index
        %get3A_332 = arith.constant 16 : index
        %get3A_333 = tpu.vector_load %arg8[%get3A_331, %get3A_332] {strides = array<i32>} : memref<32x32xf32, #tpu.memory_space<vmem>>, vector<1x16xf32>,
        %get3A_334 = vector.shape_cast %get3A_333 : vector<1x16xf32> to vector<16xf32>
        %mul3A_335 = arith.constant 32 : i32
        %mul3A_336 = arith.muli %mul3A_90, %mul3A_335 : i32
        %add3A_337 = arith.constant 4 : i32
        %add3A_338 = arith.addi %mul3A_336, %add3A_337 : i32
        %get3A_339 = arith.constant 0 : i32
        %get3A_340 = arith.index_cast %get3A_339 : i32 to index
        %get3A_341 = arith.index_cast %add3A_338 : i32 to index
        %get3A_342 = arith.constant 0 : index
        %get3A_343 = tpu.vector_load %arg7[%get3A_340, %get3A_341, %get3A_342] {strides = array<i32>} : memref<2x256x128xf32, #tpu.memory_space<vmem>>, vector<1x1x16xf32>,
        %get3A_344 = vector.shape_cast %get3A_343 : vector<1x1x16xf32> to vector<16xf32>
        %mul3A_345 = arith.constant 32 : i32
        %mul3A_346 = arith.muli %mul3A_90, %mul3A_345 : i32
        %add3A_347 = arith.constant 4 : i32
        %add3A_348 = arith.addi %mul3A_346, %add3A_347 : i32
        %get3A_349 = arith.constant 0 : i32
        %get3A_350 = arith.index_cast %get3A_349 : i32 to index
        %get3A_351 = arith.index_cast %add3A_348 : i32 to index
        %get3A_352 = arith.constant 16 : index
        %get3A_353 = tpu.vector_load %arg7[%get3A_350, %get3A_351, %get3A_352] {strides = array<i32>} : memref<2x256x128xf32, #tpu.memory_space<vmem>>, vector<1x1x16xf32>,
        %get3A_354 = vector.shape_cast %get3A_353 : vector<1x1x16xf32> to vector<16xf32>
        %mul3A_355 = arith.constant 32 : i32
        %mul3A_356 = arith.muli %add3A_92, %mul3A_355 : i32
        %add3A_357 = arith.constant 4 : i32
        %add3A_358 = arith.addi %mul3A_356, %add3A_357 : i32
        %get3A_359 = arith.constant 0 : i32
        %get3A_360 = arith.index_cast %get3A_359 : i32 to index
        %get3A_361 = arith.index_cast %add3A_358 : i32 to index
        %get3A_362 = arith.constant 0 : index
        %get3A_363 = tpu.vector_load %arg7[%get3A_360, %get3A_361, %get3A_362] {strides = array<i32>} : memref<2x256x128xf32, #tpu.memory_space<vmem>>, vector<1x1x16xf32>,
        %get3A_364 = vector.shape_cast %get3A_363 : vector<1x1x16xf32> to vector<16xf32>
        %mul3A_365 = arith.constant 32 : i32
        %mul3A_366 = arith.muli %add3A_92, %mul3A_365 : i32
        %add3A_367 = arith.constant 4 : i32
        %add3A_368 = arith.addi %mul3A_366, %add3A_367 : i32
        %get3A_369 = arith.constant 0 : i32
        %get3A_370 = arith.index_cast %get3A_369 : i32 to index
        %get3A_371 = arith.index_cast %add3A_368 : i32 to index
        %get3A_372 = arith.constant 16 : index
        %get3A_373 = tpu.vector_load %arg7[%get3A_370, %get3A_371, %get3A_372] {strides = array<i32>} : memref<2x256x128xf32, #tpu.memory_space<vmem>>, vector<1x1x16xf32>,
        %get3A_374 = vector.shape_cast %get3A_373 : vector<1x1x16xf32> to vector<16xf32>
        %mul3A_375 = arith.mulf %get3A_344, %get3A_329 : vector<16xf32>
        %add3A_376 = arith.addf %add3A_260, %mul3A_375 : vector<16xf32>
        %mul3A_377 = arith.mulf %get3A_354, %get3A_334 : vector<16xf32>
        %add3A_378 = arith.addf %add3A_262, %mul3A_377 : vector<16xf32>
        %mul3A_379 = arith.mulf %get3A_364, %get3A_329 : vector<16xf32>
        %add3A_380 = arith.addf %add3A_264, %mul3A_379 : vector<16xf32>
        %mul3A_381 = arith.mulf %get3A_374, %get3A_334 : vector<16xf32>
        %add3A_382 = arith.addf %add3A_266, %mul3A_381 : vector<16xf32>
        %get3A_383 = arith.constant 5 : i32
        %get3A_384 = arith.index_cast %get3A_383 : i32 to index
        %get3A_385 = arith.constant 0 : index
        %get3A_386 = tpu.vector_load %arg8[%get3A_384, %get3A_385] {strides = array<i32>} : memref<32x32xf32, #tpu.memory_space<vmem>>, vector<1x16xf32>,
        %get3A_387 = vector.shape_cast %get3A_386 : vector<1x16xf32> to vector<16xf32>
        %get3A_388 = arith.constant 5 : i32
        %get3A_389 = arith.index_cast %get3A_388 : i32 to index
        %get3A_390 = arith.constant 16 : index
        %get3A_391 = tpu.vector_load %arg8[%get3A_389, %get3A_390] {strides = array<i32>} : memref<32x32xf32, #tpu.memory_space<vmem>>, vector<1x16xf32>,
        %get3A_392 = vector.shape_cast %get3A_391 : vector<1x16xf32> to vector<16xf32>
        %mul3A_393 = arith.constant 32 : i32
        %mul3A_394 = arith.muli %mul3A_90, %mul3A_393 : i32
        %add3A_395 = arith.constant 5 : i32
        %add3A_396 = arith.addi %mul3A_394, %add3A_395 : i32
        %get3A_397 = arith.constant 0 : i32
        %get3A_398 = arith.index_cast %get3A_397 : i32 to index
        %get3A_399 = arith.index_cast %add3A_396 : i32 to index
        %get3A_400 = arith.constant 0 : index
        %get3A_401 = tpu.vector_load %arg7[%get3A_398, %get3A_399, %get3A_400] {strides = array<i32>} : memref<2x256x128xf32, #tpu.memory_space<vmem>>, vector<1x1x16xf32>,
        %get3A_402 = vector.shape_cast %get3A_401 : vector<1x1x16xf32> to vector<16xf32>
        %mul3A_403 = arith.constant 32 : i32
        %mul3A_404 = arith.muli %mul3A_90, %mul3A_403 : i32
        %add3A_405 = arith.constant 5 : i32
        %add3A_406 = arith.addi %mul3A_404, %add3A_405 : i32
        %get3A_407 = arith.constant 0 : i32
        %get3A_408 = arith.index_cast %get3A_407 : i32 to index
        %get3A_409 = arith.index_cast %add3A_406 : i32 to index
        %get3A_410 = arith.constant 16 : index
        %get3A_411 = tpu.vector_load %arg7[%get3A_408, %get3A_409, %get3A_410] {strides = array<i32>} : memref<2x256x128xf32, #tpu.memory_space<vmem>>, vector<1x1x16xf32>,
        %get3A_412 = vector.shape_cast %get3A_411 : vector<1x1x16xf32> to vector<16xf32>
        %mul3A_413 = arith.constant 32 : i32
        %mul3A_414 = arith.muli %add3A_92, %mul3A_413 : i32
        %add3A_415 = arith.constant 5 : i32
        %add3A_416 = arith.addi %mul3A_414, %add3A_415 : i32
        %get3A_417 = arith.constant 0 : i32
        %get3A_418 = arith.index_cast %get3A_417 : i32 to index
        %get3A_419 = arith.index_cast %add3A_416 : i32 to index
        %get3A_420 = arith.constant 0 : index
        %get3A_421 = tpu.vector_load %arg7[%get3A_418, %get3A_419, %get3A_420] {strides = array<i32>} : memref<2x256x128xf32, #tpu.memory_space<vmem>>, vector<1x1x16xf32>,
        %get3A_422 = vector.shape_cast %get3A_421 : vector<1x1x16xf32> to vector<16xf32>
        %mul3A_423 = arith.constant 32 : i32
        %mul3A_424 = arith.muli %add3A_92, %mul3A_423 : i32
        %add3A_425 = arith.constant 5 : i32
        %add3A_426 = arith.addi %mul3A_424, %add3A_425 : i32
        %get3A_427 = arith.constant 0 : i32
        %get3A_428 = arith.index_cast %get3A_427 : i32 to index
        %get3A_429 = arith.index_cast %add3A_426 : i32 to index
        %get3A_430 = arith.constant 16 : index
        %get3A_431 = tpu.vector_load %arg7[%get3A_428, %get3A_429, %get3A_430] {strides = array<i32>} : memref<2x256x128xf32, #tpu.memory_space<vmem>>, vector<1x1x16xf32>,
        %get3A_432 = vector.shape_cast %get3A_431 : vector<1x1x16xf32> to vector<16xf32>
        %mul3A_433 = arith.mulf %get3A_402, %get3A_387 : vector<16xf32>
        %add3A_434 = arith.addf %add3A_318, %mul3A_433 : vector<16xf32>
        %mul3A_435 = arith.mulf %get3A_412, %get3A_392 : vector<16xf32>
        %add3A_436 = arith.addf %add3A_320, %mul3A_435 : vector<16xf32>
        %mul3A_437 = arith.mulf %get3A_422, %get3A_387 : vector<16xf32>
        %add3A_438 = arith.addf %add3A_322, %mul3A_437 : vector<16xf32>
        %mul3A_439 = arith.mulf %get3A_432, %get3A_392 : vector<16xf32>
        %add3A_440 = arith.addf %add3A_324, %mul3A_439 : vector<16xf32>
        %get3A_441 = arith.constant 6 : i32
        %get3A_442 = arith.index_cast %get3A_441 : i32 to index
        %get3A_443 = arith.constant 0 : index
        %get3A_444 = tpu.vector_load %arg8[%get3A_442, %get3A_443] {strides = array<i32>} : memref<32x32xf32, #tpu.memory_space<vmem>>, vector<1x16xf32>,
        %get3A_445 = vector.shape_cast %get3A_444 : vector<1x16xf32> to vector<16xf32>
        %get3A_446 = arith.constant 6 : i32
        %get3A_447 = arith.index_cast %get3A_446 : i32 to index
        %get3A_448 = arith.constant 16 : index
        %get3A_449 = tpu.vector_load %arg8[%get3A_447, %get3A_448] {strides = array<i32>} : memref<32x32xf32, #tpu.memory_space<vmem>>, vector<1x16xf32>,
        %get3A_450 = vector.shape_cast %get3A_449 : vector<1x16xf32> to vector<16xf32>
        %mul3A_451 = arith.constant 32 : i32
        %mul3A_452 = arith.muli %mul3A_90, %mul3A_451 : i32
        %add3A_453 = arith.constant 6 : i32
        %add3A_454 = arith.addi %mul3A_452, %add3A_453 : i32
        %get3A_455 = arith.constant 0 : i32
        %get3A_456 = arith.index_cast %get3A_455 : i32 to index
        %get3A_457 = arith.index_cast %add3A_454 : i32 to index
        %get3A_458 = arith.constant 0 : index
        %get3A_459 = tpu.vector_load %arg7[%get3A_456, %get3A_457, %get3A_458] {strides = array<i32>} : memref<2x256x128xf32, #tpu.memory_space<vmem>>, vector<1x1x16xf32>,
        %get3A_460 = vector.shape_cast %get3A_459 : vector<1x1x16xf32> to vector<16xf32>
        %mul3A_461 = arith.constant 32 : i32
        %mul3A_462 = arith.muli %mul3A_90, %mul3A_461 : i32
        %add3A_463 = arith.constant 6 : i32
        %add3A_464 = arith.addi %mul3A_462, %add3A_463 : i32
        %get3A_465 = arith.constant 0 : i32
        %get3A_466 = arith.index_cast %get3A_465 : i32 to index
        %get3A_467 = arith.index_cast %add3A_464 : i32 to index
        %get3A_468 = arith.constant 16 : index
        %get3A_469 = tpu.vector_load %arg7[%get3A_466, %get3A_467, %get3A_468] {strides = array<i32>} : memref<2x256x128xf32, #tpu.memory_space<vmem>>, vector<1x1x16xf32>,
        %get3A_470 = vector.shape_cast %get3A_469 : vector<1x1x16xf32> to vector<16xf32>
        %mul3A_471 = arith.constant 32 : i32
        %mul3A_472 = arith.muli %add3A_92, %mul3A_471 : i32
        %add3A_473 = arith.constant 6 : i32
        %add3A_474 = arith.addi %mul3A_472, %add3A_473 : i32
        %get3A_475 = arith.constant 0 : i32
        %get3A_476 = arith.index_cast %get3A_475 : i32 to index
        %get3A_477 = arith.index_cast %add3A_474 : i32 to index
        %get3A_478 = arith.constant 0 : index
        %get3A_479 = tpu.vector_load %arg7[%get3A_476, %get3A_477, %get3A_478] {strides = array<i32>} : memref<2x256x128xf32, #tpu.memory_space<vmem>>, vector<1x1x16xf32>,
        %get3A_480 = vector.shape_cast %get3A_479 : vector<1x1x16xf32> to vector<16xf32>
        %mul3A_481 = arith.constant 32 : i32
        %mul3A_482 = arith.muli %add3A_92, %mul3A_481 : i32
        %add3A_483 = arith.constant 6 : i32
        %add3A_484 = arith.addi %mul3A_482, %add3A_483 : i32
        %get3A_485 = arith.constant 0 : i32
        %get3A_486 = arith.index_cast %get3A_485 : i32 to index
        %get3A_487 = arith.index_cast %add3A_484 : i32 to index
        %get3A_488 = arith.constant 16 : index
        %get3A_489 = tpu.vector_load %arg7[%get3A_486, %get3A_487, %get3A_488] {strides = array<i32>} : memref<2x256x128xf32, #tpu.memory_space<vmem>>, vector<1x1x16xf32>,
        %get3A_490 = vector.shape_cast %get3A_489 : vector<1x1x16xf32> to vector<16xf32>
        %mul3A_491 = arith.mulf %get3A_460, %get3A_445 : vector<16xf32>
        %add3A_492 = arith.addf %add3A_376, %mul3A_491 : vector<16xf32>
        %mul3A_493 = arith.mulf %get3A_470, %get3A_450 : vector<16xf32>
        %add3A_494 = arith.addf %add3A_378, %mul3A_493 : vector<16xf32>
        %mul3A_495 = arith.mulf %get3A_480, %get3A_445 : vector<16xf32>
        %add3A_496 = arith.addf %add3A_380, %mul3A_495 : vector<16xf32>
        %mul3A_497 = arith.mulf %get3A_490, %get3A_450 : vector<16xf32>
        %add3A_498 = arith.addf %add3A_382, %mul3A_497 : vector<16xf32>
        %get3A_499 = arith.constant 7 : i32
        %get3A_500 = arith.index_cast %get3A_499 : i32 to index
        %get3A_501 = arith.constant 0 : index
        %get3A_502 = tpu.vector_load %arg8[%get3A_500, %get3A_501] {strides = array<i32>} : memref<32x32xf32, #tpu.memory_space<vmem>>, vector<1x16xf32>,
        %get3A_503 = vector.shape_cast %get3A_502 : vector<1x16xf32> to vector<16xf32>
        %get3A_504 = arith.constant 7 : i32
        %get3A_505 = arith.index_cast %get3A_504 : i32 to index
        %get3A_506 = arith.constant 16 : index
        %get3A_507 = tpu.vector_load %arg8[%get3A_505, %get3A_506] {strides = array<i32>} : memref<32x32xf32, #tpu.memory_space<vmem>>, vector<1x16xf32>,
        %get3A_508 = vector.shape_cast %get3A_507 : vector<1x16xf32> to vector<16xf32>
        %mul3A_509 = arith.constant 32 : i32
        %mul3A_510 = arith.muli %mul3A_90, %mul3A_509 : i32
        %add3A_511 = arith.constant 7 : i32
        %add3A_512 = arith.addi %mul3A_510, %add3A_511 : i32
        %get3A_513 = arith.constant 0 : i32
        %get3A_514 = arith.index_cast %get3A_513 : i32 to index
        %get3A_515 = arith.index_cast %add3A_512 : i32 to index
        %get3A_516 = arith.constant 0 : index
        %get3A_517 = tpu.vector_load %arg7[%get3A_514, %get3A_515, %get3A_516] {strides = array<i32>} : memref<2x256x128xf32, #tpu.memory_space<vmem>>, vector<1x1x16xf32>,
        %get3A_518 = vector.shape_cast %get3A_517 : vector<1x1x16xf32> to vector<16xf32>
        %mul3A_519 = arith.constant 32 : i32
        %mul3A_520 = arith.muli %mul3A_90, %mul3A_519 : i32
        %add3A_521 = arith.constant 7 : i32
        %add3A_522 = arith.addi %mul3A_520, %add3A_521 : i32
        %get3A_523 = arith.constant 0 : i32
        %get3A_524 = arith.index_cast %get3A_523 : i32 to index
        %get3A_525 = arith.index_cast %add3A_522 : i32 to index
        %get3A_526 = arith.constant 16 : index
        %get3A_527 = tpu.vector_load %arg7[%get3A_524, %get3A_525, %get3A_526] {strides = array<i32>} : memref<2x256x128xf32, #tpu.memory_space<vmem>>, vector<1x1x16xf32>,
        %get3A_528 = vector.shape_cast %get3A_527 : vector<1x1x16xf32> to vector<16xf32>
        %mul3A_529 = arith.constant 32 : i32
        %mul3A_530 = arith.muli %add3A_92, %mul3A_529 : i32
        %add3A_531 = arith.constant 7 : i32
        %add3A_532 = arith.addi %mul3A_530, %add3A_531 : i32
        %get3A_533 = arith.constant 0 : i32
        %get3A_534 = arith.index_cast %get3A_533 : i32 to index
        %get3A_535 = arith.index_cast %add3A_532 : i32 to index
        %get3A_536 = arith.constant 0 : index
        %get3A_537 = tpu.vector_load %arg7[%get3A_534, %get3A_535, %get3A_536] {strides = array<i32>} : memref<2x256x128xf32, #tpu.memory_space<vmem>>, vector<1x1x16xf32>,
        %get3A_538 = vector.shape_cast %get3A_537 : vector<1x1x16xf32> to vector<16xf32>
        %mul3A_539 = arith.constant 32 : i32
        %mul3A_540 = arith.muli %add3A_92, %mul3A_539 : i32
        %add3A_541 = arith.constant 7 : i32
        %add3A_542 = arith.addi %mul3A_540, %add3A_541 : i32
        %get3A_543 = arith.constant 0 : i32
        %get3A_544 = arith.index_cast %get3A_543 : i32 to index
        %get3A_545 = arith.index_cast %add3A_542 : i32 to index
        %get3A_546 = arith.constant 16 : index
        %get3A_547 = tpu.vector_load %arg7[%get3A_544, %get3A_545, %get3A_546] {strides = array<i32>} : memref<2x256x128xf32, #tpu.memory_space<vmem>>, vector<1x1x16xf32>,
        %get3A_548 = vector.shape_cast %get3A_547 : vector<1x1x16xf32> to vector<16xf32>
        %mul3A_549 = arith.mulf %get3A_518, %get3A_503 : vector<16xf32>
        %add3A_550 = arith.addf %add3A_434, %mul3A_549 : vector<16xf32>
        %mul3A_551 = arith.mulf %get3A_528, %get3A_508 : vector<16xf32>
        %add3A_552 = arith.addf %add3A_436, %mul3A_551 : vector<16xf32>
        %mul3A_553 = arith.mulf %get3A_538, %get3A_503 : vector<16xf32>
        %add3A_554 = arith.addf %add3A_438, %mul3A_553 : vector<16xf32>
        %mul3A_555 = arith.mulf %get3A_548, %get3A_508 : vector<16xf32>
        %add3A_556 = arith.addf %add3A_440, %mul3A_555 : vector<16xf32>
        %get3A_557 = arith.constant 8 : i32
        %get3A_558 = arith.index_cast %get3A_557 : i32 to index
        %get3A_559 = arith.constant 0 : index
        %get3A_560 = tpu.vector_load %arg8[%get3A_558, %get3A_559] {strides = array<i32>} : memref<32x32xf32, #tpu.memory_space<vmem>>, vector<1x16xf32>,
        %get3A_561 = vector.shape_cast %get3A_560 : vector<1x16xf32> to vector<16xf32>
        %get3A_562 = arith.constant 8 : i32
        %get3A_563 = arith.index_cast %get3A_562 : i32 to index
        %get3A_564 = arith.constant 16 : index
        %get3A_565 = tpu.vector_load %arg8[%get3A_563, %get3A_564] {strides = array<i32>} : memref<32x32xf32, #tpu.memory_space<vmem>>, vector<1x16xf32>,
        %get3A_566 = vector.shape_cast %get3A_565 : vector<1x16xf32> to vector<16xf32>
        %mul3A_567 = arith.constant 32 : i32
        %mul3A_568 = arith.muli %mul3A_90, %mul3A_567 : i32
        %add3A_569 = arith.constant 8 : i32
        %add3A_570 = arith.addi %mul3A_568, %add3A_569 : i32
        %get3A_571 = arith.constant 0 : i32
        %get3A_572 = arith.index_cast %get3A_571 : i32 to index
        %get3A_573 = arith.index_cast %add3A_570 : i32 to index
        %get3A_574 = arith.constant 0 : index
        %get3A_575 = tpu.vector_load %arg7[%get3A_572, %get3A_573, %get3A_574] {strides = array<i32>} : memref<2x256x128xf32, #tpu.memory_space<vmem>>, vector<1x1x16xf32>,
        %get3A_576 = vector.shape_cast %get3A_575 : vector<1x1x16xf32> to vector<16xf32>
        %mul3A_577 = arith.constant 32 : i32
        %mul3A_578 = arith.muli %mul3A_90, %mul3A_577 : i32
        %add3A_579 = arith.constant 8 : i32
        %add3A_580 = arith.addi %mul3A_578, %add3A_579 : i32
        %get3A_581 = arith.constant 0 : i32
        %get3A_582 = arith.index_cast %get3A_581 : i32 to index
        %get3A_583 = arith.index_cast %add3A_580 : i32 to index
        %get3A_584 = arith.constant 16 : index
        %get3A_585 = tpu.vector_load %arg7[%get3A_582, %get3A_583, %get3A_584] {strides = array<i32>} : memref<2x256x128xf32, #tpu.memory_space<vmem>>, vector<1x1x16xf32>,
        %get3A_586 = vector.shape_cast %get3A_585 : vector<1x1x16xf32> to vector<16xf32>
        %mul3A_587 = arith.constant 32 : i32
        %mul3A_588 = arith.muli %add3A_92, %mul3A_587 : i32
        %add3A_589 = arith.constant 8 : i32
        %add3A_590 = arith.addi %mul3A_588, %add3A_589 : i32
        %get3A_591 = arith.constant 0 : i32
        %get3A_592 = arith.index_cast %get3A_591 : i32 to index
        %get3A_593 = arith.index_cast %add3A_590 : i32 to index
        %get3A_594 = arith.constant 0 : index
        %get3A_595 = tpu.vector_load %arg7[%get3A_592, %get3A_593, %get3A_594] {strides = array<i32>} : memref<2x256x128xf32, #tpu.memory_space<vmem>>, vector<1x1x16xf32>,
        %get3A_596 = vector.shape_cast %get3A_595 : vector<1x1x16xf32> to vector<16xf32>
        %mul3A_597 = arith.constant 32 : i32
        %mul3A_598 = arith.muli %add3A_92, %mul3A_597 : i32
        %add3A_599 = arith.constant 8 : i32
        %add3A_600 = arith.addi %mul3A_598, %add3A_599 : i32
        %get3A_601 = arith.constant 0 : i32
        %get3A_602 = arith.index_cast %get3A_601 : i32 to index
        %get3A_603 = arith.index_cast %add3A_600 : i32 to index
        %get3A_604 = arith.constant 16 : index
        %get3A_605 = tpu.vector_load %arg7[%get3A_602, %get3A_603, %get3A_604] {strides = array<i32>} : memref<2x256x128xf32, #tpu.memory_space<vmem>>, vector<1x1x16xf32>,
        %get3A_606 = vector.shape_cast %get3A_605 : vector<1x1x16xf32> to vector<16xf32>
        %mul3A_607 = arith.mulf %get3A_576, %get3A_561 : vector<16xf32>
        %add3A_608 = arith.addf %add3A_492, %mul3A_607 : vector<16xf32>
        %mul3A_609 = arith.mulf %get3A_586, %get3A_566 : vector<16xf32>
        %add3A_610 = arith.addf %add3A_494, %mul3A_609 : vector<16xf32>
        %mul3A_611 = arith.mulf %get3A_596, %get3A_561 : vector<16xf32>
        %add3A_612 = arith.addf %add3A_496, %mul3A_611 : vector<16xf32>
        %mul3A_613 = arith.mulf %get3A_606, %get3A_566 : vector<16xf32>
        %add3A_614 = arith.addf %add3A_498, %mul3A_613 : vector<16xf32>
        %get3A_615 = arith.constant 9 : i32
        %get3A_616 = arith.index_cast %get3A_615 : i32 to index
        %get3A_617 = arith.constant 0 : index
        %get3A_618 = tpu.vector_load %arg8[%get3A_616, %get3A_617] {strides = array<i32>} : memref<32x32xf32, #tpu.memory_space<vmem>>, vector<1x16xf32>,
        %get3A_619 = vector.shape_cast %get3A_618 : vector<1x16xf32> to vector<16xf32>
        %get3A_620 = arith.constant 9 : i32
        %get3A_621 = arith.index_cast %get3A_620 : i32 to index
        %get3A_622 = arith.constant 16 : index
        %get3A_623 = tpu.vector_load %arg8[%get3A_621, %get3A_622] {strides = array<i32>} : memref<32x32xf32, #tpu.memory_space<vmem>>, vector<1x16xf32>,
        %get3A_624 = vector.shape_cast %get3A_623 : vector<1x16xf32> to vector<16xf32>
        %mul3A_625 = arith.constant 32 : i32
        %mul3A_626 = arith.muli %mul3A_90, %mul3A_625 : i32
        %add3A_627 = arith.constant 9 : i32
        %add3A_628 = arith.addi %mul3A_626, %add3A_627 : i32
        %get3A_629 = arith.constant 0 : i32
        %get3A_630 = arith.index_cast %get3A_629 : i32 to index
        %get3A_631 = arith.index_cast %add3A_628 : i32 to index
        %get3A_632 = arith.constant 0 : index
        %get3A_633 = tpu.vector_load %arg7[%get3A_630, %get3A_631, %get3A_632] {strides = array<i32>} : memref<2x256x128xf32, #tpu.memory_space<vmem>>, vector<1x1x16xf32>,
        %get3A_634 = vector.shape_cast %get3A_633 : vector<1x1x16xf32> to vector<16xf32>
        %mul3A_635 = arith.constant 32 : i32
        %mul3A_636 = arith.muli %mul3A_90, %mul3A_635 : i32
        %add3A_637 = arith.constant 9 : i32
        %add3A_638 = arith.addi %mul3A_636, %add3A_637 : i32
        %get3A_639 = arith.constant 0 : i32
        %get3A_640 = arith.index_cast %get3A_639 : i32 to index
        %get3A_641 = arith.index_cast %add3A_638 : i32 to index
        %get3A_642 = arith.constant 16 : index
        %get3A_643 = tpu.vector_load %arg7[%get3A_640, %get3A_641, %get3A_642] {strides = array<i32>} : memref<2x256x128xf32, #tpu.memory_space<vmem>>, vector<1x1x16xf32>,
        %get3A_644 = vector.shape_cast %get3A_643 : vector<1x1x16xf32> to vector<16xf32>
        %mul3A_645 = arith.constant 32 : i32
        %mul3A_646 = arith.muli %add3A_92, %mul3A_645 : i32
        %add3A_647 = arith.constant 9 : i32
        %add3A_648 = arith.addi %mul3A_646, %add3A_647 : i32
        %get3A_649 = arith.constant 0 : i32
        %get3A_650 = arith.index_cast %get3A_649 : i32 to index
        %get3A_651 = arith.index_cast %add3A_648 : i32 to index
        %get3A_652 = arith.constant 0 : index
        %get3A_653 = tpu.vector_load %arg7[%get3A_650, %get3A_651, %get3A_652] {strides = array<i32>} : memref<2x256x128xf32, #tpu.memory_space<vmem>>, vector<1x1x16xf32>,
        %get3A_654 = vector.shape_cast %get3A_653 : vector<1x1x16xf32> to vector<16xf32>
        %mul3A_655 = arith.constant 32 : i32
        %mul3A_656 = arith.muli %add3A_92, %mul3A_655 : i32
        %add3A_657 = arith.constant 9 : i32
        %add3A_658 = arith.addi %mul3A_656, %add3A_657 : i32
        %get3A_659 = arith.constant 0 : i32
        %get3A_660 = arith.index_cast %get3A_659 : i32 to index
        %get3A_661 = arith.index_cast %add3A_658 : i32 to index
        %get3A_662 = arith.constant 16 : index
        %get3A_663 = tpu.vector_load %arg7[%get3A_660, %get3A_661, %get3A_662] {strides = array<i32>} : memref<2x256x128xf32, #tpu.memory_space<vmem>>, vector<1x1x16xf32>,
        %get3A_664 = vector.shape_cast %get3A_663 : vector<1x1x16xf32> to vector<16xf32>
        %mul3A_665 = arith.mulf %get3A_634, %get3A_619 : vector<16xf32>
        %add3A_666 = arith.addf %add3A_550, %mul3A_665 : vector<16xf32>
        %mul3A_667 = arith.mulf %get3A_644, %get3A_624 : vector<16xf32>
        %add3A_668 = arith.addf %add3A_552, %mul3A_667 : vector<16xf32>
        %mul3A_669 = arith.mulf %get3A_654, %get3A_619 : vector<16xf32>
        %add3A_670 = arith.addf %add3A_554, %mul3A_669 : vector<16xf32>
        %mul3A_671 = arith.mulf %get3A_664, %get3A_624 : vector<16xf32>
        %add3A_672 = arith.addf %add3A_556, %mul3A_671 : vector<16xf32>
        %get3A_673 = arith.constant 10 : i32
        %get3A_674 = arith.index_cast %get3A_673 : i32 to index
        %get3A_675 = arith.constant 0 : index
        %get3A_676 = tpu.vector_load %arg8[%get3A_674, %get3A_675] {strides = array<i32>} : memref<32x32xf32, #tpu.memory_space<vmem>>, vector<1x16xf32>,
        %get3A_677 = vector.shape_cast %get3A_676 : vector<1x16xf32> to vector<16xf32>
        %get3A_678 = arith.constant 10 : i32
        %get3A_679 = arith.index_cast %get3A_678 : i32 to index
        %get3A_680 = arith.constant 16 : index
        %get3A_681 = tpu.vector_load %arg8[%get3A_679, %get3A_680] {strides = array<i32>} : memref<32x32xf32, #tpu.memory_space<vmem>>, vector<1x16xf32>,
        %get3A_682 = vector.shape_cast %get3A_681 : vector<1x16xf32> to vector<16xf32>
        %mul3A_683 = arith.constant 32 : i32
        %mul3A_684 = arith.muli %mul3A_90, %mul3A_683 : i32
        %add3A_685 = arith.constant 10 : i32
        %add3A_686 = arith.addi %mul3A_684, %add3A_685 : i32
        %get3A_687 = arith.constant 0 : i32
        %get3A_688 = arith.index_cast %get3A_687 : i32 to index
        %get3A_689 = arith.index_cast %add3A_686 : i32 to index
        %get3A_690 = arith.constant 0 : index
        %get3A_691 = tpu.vector_load %arg7[%get3A_688, %get3A_689, %get3A_690] {strides = array<i32>} : memref<2x256x128xf32, #tpu.memory_space<vmem>>, vector<1x1x16xf32>,
        %get3A_692 = vector.shape_cast %get3A_691 : vector<1x1x16xf32> to vector<16xf32>
        %mul3A_693 = arith.constant 32 : i32
        %mul3A_694 = arith.muli %mul3A_90, %mul3A_693 : i32
        %add3A_695 = arith.constant 10 : i32
        %add3A_696 = arith.addi %mul3A_694, %add3A_695 : i32
        %get3A_697 = arith.constant 0 : i32
        %get3A_698 = arith.index_cast %get3A_697 : i32 to index
        %get3A_699 = arith.index_cast %add3A_696 : i32 to index
        %get3A_700 = arith.constant 16 : index
        %get3A_701 = tpu.vector_load %arg7[%get3A_698, %get3A_699, %get3A_700] {strides = array<i32>} : memref<2x256x128xf32, #tpu.memory_space<vmem>>, vector<1x1x16xf32>,
        %get3A_702 = vector.shape_cast %get3A_701 : vector<1x1x16xf32> to vector<16xf32>
        %mul3A_703 = arith.constant 32 : i32
        %mul3A_704 = arith.muli %add3A_92, %mul3A_703 : i32
        %add3A_705 = arith.constant 10 : i32
        %add3A_706 = arith.addi %mul3A_704, %add3A_705 : i32
        %get3A_707 = arith.constant 0 : i32
        %get3A_708 = arith.index_cast %get3A_707 : i32 to index
        %get3A_709 = arith.index_cast %add3A_706 : i32 to index
        %get3A_710 = arith.constant 0 : index
        %get3A_711 = tpu.vector_load %arg7[%get3A_708, %get3A_709, %get3A_710] {strides = array<i32>} : memref<2x256x128xf32, #tpu.memory_space<vmem>>, vector<1x1x16xf32>,
        %get3A_712 = vector.shape_cast %get3A_711 : vector<1x1x16xf32> to vector<16xf32>
        %mul3A_713 = arith.constant 32 : i32
        %mul3A_714 = arith.muli %add3A_92, %mul3A_713 : i32
        %add3A_715 = arith.constant 10 : i32
        %add3A_716 = arith.addi %mul3A_714, %add3A_715 : i32
        %get3A_717 = arith.constant 0 : i32
        %get3A_718 = arith.index_cast %get3A_717 : i32 to index
        %get3A_719 = arith.index_cast %add3A_716 : i32 to index
        %get3A_720 = arith.constant 16 : index
        %get3A_721 = tpu.vector_load %arg7[%get3A_718, %get3A_719, %get3A_720] {strides = array<i32>} : memref<2x256x128xf32, #tpu.memory_space<vmem>>, vector<1x1x16xf32>,
        %get3A_722 = vector.shape_cast %get3A_721 : vector<1x1x16xf32> to vector<16xf32>
        %mul3A_723 = arith.mulf %get3A_692, %get3A_677 : vector<16xf32>
        %add3A_724 = arith.addf %add3A_608, %mul3A_723 : vector<16xf32>
        %mul3A_725 = arith.mulf %get3A_702, %get3A_682 : vector<16xf32>
        %add3A_726 = arith.addf %add3A_610, %mul3A_725 : vector<16xf32>
        %mul3A_727 = arith.mulf %get3A_712, %get3A_677 : vector<16xf32>
        %add3A_728 = arith.addf %add3A_612, %mul3A_727 : vector<16xf32>
        %mul3A_729 = arith.mulf %get3A_722, %get3A_682 : vector<16xf32>
        %add3A_730 = arith.addf %add3A_614, %mul3A_729 : vector<16xf32>
        %get3A_731 = arith.constant 11 : i32
        %get3A_732 = arith.index_cast %get3A_731 : i32 to index
        %get3A_733 = arith.constant 0 : index
        %get3A_734 = tpu.vector_load %arg8[%get3A_732, %get3A_733] {strides = array<i32>} : memref<32x32xf32, #tpu.memory_space<vmem>>, vector<1x16xf32>,
        %get3A_735 = vector.shape_cast %get3A_734 : vector<1x16xf32> to vector<16xf32>
        %get3A_736 = arith.constant 11 : i32
        %get3A_737 = arith.index_cast %get3A_736 : i32 to index
        %get3A_738 = arith.constant 16 : index
        %get3A_739 = tpu.vector_load %arg8[%get3A_737, %get3A_738] {strides = array<i32>} : memref<32x32xf32, #tpu.memory_space<vmem>>, vector<1x16xf32>,
        %get3A_740 = vector.shape_cast %get3A_739 : vector<1x16xf32> to vector<16xf32>
        %mul3A_741 = arith.constant 32 : i32
        %mul3A_742 = arith.muli %mul3A_90, %mul3A_741 : i32
        %add3A_743 = arith.constant 11 : i32
        %add3A_744 = arith.addi %mul3A_742, %add3A_743 : i32
        %get3A_745 = arith.constant 0 : i32
        %get3A_746 = arith.index_cast %get3A_745 : i32 to index
        %get3A_747 = arith.index_cast %add3A_744 : i32 to index
        %get3A_748 = arith.constant 0 : index
        %get3A_749 = tpu.vector_load %arg7[%get3A_746, %get3A_747, %get3A_748] {strides = array<i32>} : memref<2x256x128xf32, #tpu.memory_space<vmem>>, vector<1x1x16xf32>,
        %get3A_750 = vector.shape_cast %get3A_749 : vector<1x1x16xf32> to vector<16xf32>
        %mul3A_751 = arith.constant 32 : i32
        %mul3A_752 = arith.muli %mul3A_90, %mul3A_751 : i32
        %add3A_753 = arith.constant 11 : i32
        %add3A_754 = arith.addi %mul3A_752, %add3A_753 : i32
        %get3A_755 = arith.constant 0 : i32
        %get3A_756 = arith.index_cast %get3A_755 : i32 to index
        %get3A_757 = arith.index_cast %add3A_754 : i32 to index
        %get3A_758 = arith.constant 16 : index
        %get3A_759 = tpu.vector_load %arg7[%get3A_756, %get3A_757, %get3A_758] {strides = array<i32>} : memref<2x256x128xf32, #tpu.memory_space<vmem>>, vector<1x1x16xf32>,
        %get3A_760 = vector.shape_cast %get3A_759 : vector<1x1x16xf32> to vector<16xf32>
        %mul3A_761 = arith.constant 32 : i32
        %mul3A_762 = arith.muli %add3A_92, %mul3A_761 : i32
        %add3A_763 = arith.constant 11 : i32
        %add3A_764 = arith.addi %mul3A_762, %add3A_763 : i32
        %get3A_765 = arith.constant 0 : i32
        %get3A_766 = arith.index_cast %get3A_765 : i32 to index
        %get3A_767 = arith.index_cast %add3A_764 : i32 to index
        %get3A_768 = arith.constant 0 : index
        %get3A_769 = tpu.vector_load %arg7[%get3A_766, %get3A_767, %get3A_768] {strides = array<i32>} : memref<2x256x128xf32, #tpu.memory_space<vmem>>, vector<1x1x16xf32>,
        %get3A_770 = vector.shape_cast %get3A_769 : vector<1x1x16xf32> to vector<16xf32>
        %mul3A_771 = arith.constant 32 : i32
        %mul3A_772 = arith.muli %add3A_92, %mul3A_771 : i32
        %add3A_773 = arith.constant 11 : i32
        %add3A_774 = arith.addi %mul3A_772, %add3A_773 : i32
        %get3A_775 = arith.constant 0 : i32
        %get3A_776 = arith.index_cast %get3A_775 : i32 to index
        %get3A_777 = arith.index_cast %add3A_774 : i32 to index
        %get3A_778 = arith.constant 16 : index
        %get3A_779 = tpu.vector_load %arg7[%get3A_776, %get3A_777, %get3A_778] {strides = array<i32>} : memref<2x256x128xf32, #tpu.memory_space<vmem>>, vector<1x1x16xf32>,
        %get3A_780 = vector.shape_cast %get3A_779 : vector<1x1x16xf32> to vector<16xf32>
        %mul3A_781 = arith.mulf %get3A_750, %get3A_735 : vector<16xf32>
        %add3A_782 = arith.addf %add3A_666, %mul3A_781 : vector<16xf32>
        %mul3A_783 = arith.mulf %get3A_760, %get3A_740 : vector<16xf32>
        %add3A_784 = arith.addf %add3A_668, %mul3A_783 : vector<16xf32>
        %mul3A_785 = arith.mulf %get3A_770, %get3A_735 : vector<16xf32>
        %add3A_786 = arith.addf %add3A_670, %mul3A_785 : vector<16xf32>
        %mul3A_787 = arith.mulf %get3A_780, %get3A_740 : vector<16xf32>
        %add3A_788 = arith.addf %add3A_672, %mul3A_787 : vector<16xf32>
        %get3A_789 = arith.constant 12 : i32
        %get3A_790 = arith.index_cast %get3A_789 : i32 to index
        %get3A_791 = arith.constant 0 : index
        %get3A_792 = tpu.vector_load %arg8[%get3A_790, %get3A_791] {strides = array<i32>} : memref<32x32xf32, #tpu.memory_space<vmem>>, vector<1x16xf32>,
        %get3A_793 = vector.shape_cast %get3A_792 : vector<1x16xf32> to vector<16xf32>
        %get3A_794 = arith.constant 12 : i32
        %get3A_795 = arith.index_cast %get3A_794 : i32 to index
        %get3A_796 = arith.constant 16 : index
        %get3A_797 = tpu.vector_load %arg8[%get3A_795, %get3A_796] {strides = array<i32>} : memref<32x32xf32, #tpu.memory_space<vmem>>, vector<1x16xf32>,
        %get3A_798 = vector.shape_cast %get3A_797 : vector<1x16xf32> to vector<16xf32>
        %mul3A_799 = arith.constant 32 : i32
        %mul3A_800 = arith.muli %mul3A_90, %mul3A_799 : i32
        %add3A_801 = arith.constant 12 : i32
        %add3A_802 = arith.addi %mul3A_800, %add3A_801 : i32
        %get3A_803 = arith.constant 0 : i32
        %get3A_804 = arith.index_cast %get3A_803 : i32 to index
        %get3A_805 = arith.index_cast %add3A_802 : i32 to index
        %get3A_806 = arith.constant 0 : index
        %get3A_807 = tpu.vector_load %arg7[%get3A_804, %get3A_805, %get3A_806] {strides = array<i32>} : memref<2x256x128xf32, #tpu.memory_space<vmem>>, vector<1x1x16xf32>,
        %get3A_808 = vector.shape_cast %get3A_807 : vector<1x1x16xf32> to vector<16xf32>
        %mul3A_809 = arith.constant 32 : i32
        %mul3A_810 = arith.muli %mul3A_90, %mul3A_809 : i32
        %add3A_811 = arith.constant 12 : i32
        %add3A_812 = arith.addi %mul3A_810, %add3A_811 : i32
        %get3A_813 = arith.constant 0 : i32
        %get3A_814 = arith.index_cast %get3A_813 : i32 to index
        %get3A_815 = arith.index_cast %add3A_812 : i32 to index
        %get3A_816 = arith.constant 16 : index
        %get3A_817 = tpu.vector_load %arg7[%get3A_814, %get3A_815, %get3A_816] {strides = array<i32>} : memref<2x256x128xf32, #tpu.memory_space<vmem>>, vector<1x1x16xf32>,
        %get3A_818 = vector.shape_cast %get3A_817 : vector<1x1x16xf32> to vector<16xf32>
        %mul3A_819 = arith.constant 32 : i32
        %mul3A_820 = arith.muli %add3A_92, %mul3A_819 : i32
        %add3A_821 = arith.constant 12 : i32
        %add3A_822 = arith.addi %mul3A_820, %add3A_821 : i32
        %get3A_823 = arith.constant 0 : i32
        %get3A_824 = arith.index_cast %get3A_823 : i32 to index
        %get3A_825 = arith.index_cast %add3A_822 : i32 to index
        %get3A_826 = arith.constant 0 : index
        %get3A_827 = tpu.vector_load %arg7[%get3A_824, %get3A_825, %get3A_826] {strides = array<i32>} : memref<2x256x128xf32, #tpu.memory_space<vmem>>, vector<1x1x16xf32>,
        %get3A_828 = vector.shape_cast %get3A_827 : vector<1x1x16xf32> to vector<16xf32>
        %mul3A_829 = arith.constant 32 : i32
        %mul3A_830 = arith.muli %add3A_92, %mul3A_829 : i32
        %add3A_831 = arith.constant 12 : i32
        %add3A_832 = arith.addi %mul3A_830, %add3A_831 : i32
        %get3A_833 = arith.constant 0 : i32
        %get3A_834 = arith.index_cast %get3A_833 : i32 to index
        %get3A_835 = arith.index_cast %add3A_832 : i32 to index
        %get3A_836 = arith.constant 16 : index
        %get3A_837 = tpu.vector_load %arg7[%get3A_834, %get3A_835, %get3A_836] {strides = array<i32>} : memref<2x256x128xf32, #tpu.memory_space<vmem>>, vector<1x1x16xf32>,
        %get3A_838 = vector.shape_cast %get3A_837 : vector<1x1x16xf32> to vector<16xf32>
        %mul3A_839 = arith.mulf %get3A_808, %get3A_793 : vector<16xf32>
        %add3A_840 = arith.addf %add3A_724, %mul3A_839 : vector<16xf32>
        %mul3A_841 = arith.mulf %get3A_818, %get3A_798 : vector<16xf32>
        %add3A_842 = arith.addf %add3A_726, %mul3A_841 : vector<16xf32>
        %mul3A_843 = arith.mulf %get3A_828, %get3A_793 : vector<16xf32>
        %add3A_844 = arith.addf %add3A_728, %mul3A_843 : vector<16xf32>
        %mul3A_845 = arith.mulf %get3A_838, %get3A_798 : vector<16xf32>
        %add3A_846 = arith.addf %add3A_730, %mul3A_845 : vector<16xf32>
        %get3A_847 = arith.constant 13 : i32
        %get3A_848 = arith.index_cast %get3A_847 : i32 to index
        %get3A_849 = arith.constant 0 : index
        %get3A_850 = tpu.vector_load %arg8[%get3A_848, %get3A_849] {strides = array<i32>} : memref<32x32xf32, #tpu.memory_space<vmem>>, vector<1x16xf32>,
        %get3A_851 = vector.shape_cast %get3A_850 : vector<1x16xf32> to vector<16xf32>
        %get3A_852 = arith.constant 13 : i32
        %get3A_853 = arith.index_cast %get3A_852 : i32 to index
        %get3A_854 = arith.constant 16 : index
        %get3A_855 = tpu.vector_load %arg8[%get3A_853, %get3A_854] {strides = array<i32>} : memref<32x32xf32, #tpu.memory_space<vmem>>, vector<1x16xf32>,
        %get3A_856 = vector.shape_cast %get3A_855 : vector<1x16xf32> to vector<16xf32>
        %mul3A_857 = arith.constant 32 : i32
        %mul3A_858 = arith.muli %mul3A_90, %mul3A_857 : i32
        %add3A_859 = arith.constant 13 : i32
        %add3A_860 = arith.addi %mul3A_858, %add3A_859 : i32
        %get3A_861 = arith.constant 0 : i32
        %get3A_862 = arith.index_cast %get3A_861 : i32 to index
        %get3A_863 = arith.index_cast %add3A_860 : i32 to index
        %get3A_864 = arith.constant 0 : index
        %get3A_865 = tpu.vector_load %arg7[%get3A_862, %get3A_863, %get3A_864] {strides = array<i32>} : memref<2x256x128xf32, #tpu.memory_space<vmem>>, vector<1x1x16xf32>,
        %get3A_866 = vector.shape_cast %get3A_865 : vector<1x1x16xf32> to vector<16xf32>
        %mul3A_867 = arith.constant 32 : i32
        %mul3A_868 = arith.muli %mul3A_90, %mul3A_867 : i32
        %add3A_869 = arith.constant 13 : i32
        %add3A_870 = arith.addi %mul3A_868, %add3A_869 : i32
        %get3A_871 = arith.constant 0 : i32
        %get3A_872 = arith.index_cast %get3A_871 : i32 to index
        %get3A_873 = arith.index_cast %add3A_870 : i32 to index
        %get3A_874 = arith.constant 16 : index
        %get3A_875 = tpu.vector_load %arg7[%get3A_872, %get3A_873, %get3A_874] {strides = array<i32>} : memref<2x256x128xf32, #tpu.memory_space<vmem>>, vector<1x1x16xf32>,
        %get3A_876 = vector.shape_cast %get3A_875 : vector<1x1x16xf32> to vector<16xf32>
        %mul3A_877 = arith.constant 32 : i32
        %mul3A_878 = arith.muli %add3A_92, %mul3A_877 : i32
        %add3A_879 = arith.constant 13 : i32
        %add3A_880 = arith.addi %mul3A_878, %add3A_879 : i32
        %get3A_881 = arith.constant 0 : i32
        %get3A_882 = arith.index_cast %get3A_881 : i32 to index
        %get3A_883 = arith.index_cast %add3A_880 : i32 to index
        %get3A_884 = arith.constant 0 : index
        %get3A_885 = tpu.vector_load %arg7[%get3A_882, %get3A_883, %get3A_884] {strides = array<i32>} : memref<2x256x128xf32, #tpu.memory_space<vmem>>, vector<1x1x16xf32>,
        %get3A_886 = vector.shape_cast %get3A_885 : vector<1x1x16xf32> to vector<16xf32>
        %mul3A_887 = arith.constant 32 : i32
        %mul3A_888 = arith.muli %add3A_92, %mul3A_887 : i32
        %add3A_889 = arith.constant 13 : i32
        %add3A_890 = arith.addi %mul3A_888, %add3A_889 : i32
        %get3A_891 = arith.constant 0 : i32
        %get3A_892 = arith.index_cast %get3A_891 : i32 to index
        %get3A_893 = arith.index_cast %add3A_890 : i32 to index
        %get3A_894 = arith.constant 16 : index
        %get3A_895 = tpu.vector_load %arg7[%get3A_892, %get3A_893, %get3A_894] {strides = array<i32>} : memref<2x256x128xf32, #tpu.memory_space<vmem>>, vector<1x1x16xf32>,
        %get3A_896 = vector.shape_cast %get3A_895 : vector<1x1x16xf32> to vector<16xf32>
        %mul3A_897 = arith.mulf %get3A_866, %get3A_851 : vector<16xf32>
        %add3A_898 = arith.addf %add3A_782, %mul3A_897 : vector<16xf32>
        %mul3A_899 = arith.mulf %get3A_876, %get3A_856 : vector<16xf32>
        %add3A_900 = arith.addf %add3A_784, %mul3A_899 : vector<16xf32>
        %mul3A_901 = arith.mulf %get3A_886, %get3A_851 : vector<16xf32>
        %add3A_902 = arith.addf %add3A_786, %mul3A_901 : vector<16xf32>
        %mul3A_903 = arith.mulf %get3A_896, %get3A_856 : vector<16xf32>
        %add3A_904 = arith.addf %add3A_788, %mul3A_903 : vector<16xf32>
        %get3A_905 = arith.constant 14 : i32
        %get3A_906 = arith.index_cast %get3A_905 : i32 to index
        %get3A_907 = arith.constant 0 : index
        %get3A_908 = tpu.vector_load %arg8[%get3A_906, %get3A_907] {strides = array<i32>} : memref<32x32xf32, #tpu.memory_space<vmem>>, vector<1x16xf32>,
        %get3A_909 = vector.shape_cast %get3A_908 : vector<1x16xf32> to vector<16xf32>
        %get3A_910 = arith.constant 14 : i32
        %get3A_911 = arith.index_cast %get3A_910 : i32 to index
        %get3A_912 = arith.constant 16 : index
        %get3A_913 = tpu.vector_load %arg8[%get3A_911, %get3A_912] {strides = array<i32>} : memref<32x32xf32, #tpu.memory_space<vmem>>, vector<1x16xf32>,
        %get3A_914 = vector.shape_cast %get3A_913 : vector<1x16xf32> to vector<16xf32>
        %mul3A_915 = arith.constant 32 : i32
        %mul3A_916 = arith.muli %mul3A_90, %mul3A_915 : i32
        %add3A_917 = arith.constant 14 : i32
        %add3A_918 = arith.addi %mul3A_916, %add3A_917 : i32
        %get3A_919 = arith.constant 0 : i32
        %get3A_920 = arith.index_cast %get3A_919 : i32 to index
        %get3A_921 = arith.index_cast %add3A_918 : i32 to index
        %get3A_922 = arith.constant 0 : index
        %get3A_923 = tpu.vector_load %arg7[%get3A_920, %get3A_921, %get3A_922] {strides = array<i32>} : memref<2x256x128xf32, #tpu.memory_space<vmem>>, vector<1x1x16xf32>,
        %get3A_924 = vector.shape_cast %get3A_923 : vector<1x1x16xf32> to vector<16xf32>
        %mul3A_925 = arith.constant 32 : i32
        %mul3A_926 = arith.muli %mul3A_90, %mul3A_925 : i32
        %add3A_927 = arith.constant 14 : i32
        %add3A_928 = arith.addi %mul3A_926, %add3A_927 : i32
        %get3A_929 = arith.constant 0 : i32
        %get3A_930 = arith.index_cast %get3A_929 : i32 to index
        %get3A_931 = arith.index_cast %add3A_928 : i32 to index
        %get3A_932 = arith.constant 16 : index
        %get3A_933 = tpu.vector_load %arg7[%get3A_930, %get3A_931, %get3A_932] {strides = array<i32>} : memref<2x256x128xf32, #tpu.memory_space<vmem>>, vector<1x1x16xf32>,
        %get3A_934 = vector.shape_cast %get3A_933 : vector<1x1x16xf32> to vector<16xf32>
        %mul3A_935 = arith.constant 32 : i32
        %mul3A_936 = arith.muli %add3A_92, %mul3A_935 : i32
        %add3A_937 = arith.constant 14 : i32
        %add3A_938 = arith.addi %mul3A_936, %add3A_937 : i32
        %get3A_939 = arith.constant 0 : i32
        %get3A_940 = arith.index_cast %get3A_939 : i32 to index
        %get3A_941 = arith.index_cast %add3A_938 : i32 to index
        %get3A_942 = arith.constant 0 : index
        %get3A_943 = tpu.vector_load %arg7[%get3A_940, %get3A_941, %get3A_942] {strides = array<i32>} : memref<2x256x128xf32, #tpu.memory_space<vmem>>, vector<1x1x16xf32>,
        %get3A_944 = vector.shape_cast %get3A_943 : vector<1x1x16xf32> to vector<16xf32>
        %mul3A_945 = arith.constant 32 : i32
        %mul3A_946 = arith.muli %add3A_92, %mul3A_945 : i32
        %add3A_947 = arith.constant 14 : i32
        %add3A_948 = arith.addi %mul3A_946, %add3A_947 : i32
        %get3A_949 = arith.constant 0 : i32
        %get3A_950 = arith.index_cast %get3A_949 : i32 to index
        %get3A_951 = arith.index_cast %add3A_948 : i32 to index
        %get3A_952 = arith.constant 16 : index
        %get3A_953 = tpu.vector_load %arg7[%get3A_950, %get3A_951, %get3A_952] {strides = array<i32>} : memref<2x256x128xf32, #tpu.memory_space<vmem>>, vector<1x1x16xf32>,
        %get3A_954 = vector.shape_cast %get3A_953 : vector<1x1x16xf32> to vector<16xf32>
        %mul3A_955 = arith.mulf %get3A_924, %get3A_909 : vector<16xf32>
        %add3A_956 = arith.addf %add3A_840, %mul3A_955 : vector<16xf32>
        %mul3A_957 = arith.mulf %get3A_934, %get3A_914 : vector<16xf32>
        %add3A_958 = arith.addf %add3A_842, %mul3A_957 : vector<16xf32>
        %mul3A_959 = arith.mulf %get3A_944, %get3A_909 : vector<16xf32>
        %add3A_960 = arith.addf %add3A_844, %mul3A_959 : vector<16xf32>
        %mul3A_961 = arith.mulf %get3A_954, %get3A_914 : vector<16xf32>
        %add3A_962 = arith.addf %add3A_846, %mul3A_961 : vector<16xf32>
        %get3A_963 = arith.constant 15 : i32
        %get3A_964 = arith.index_cast %get3A_963 : i32 to index
        %get3A_965 = arith.constant 0 : index
        %get3A_966 = tpu.vector_load %arg8[%get3A_964, %get3A_965] {strides = array<i32>} : memref<32x32xf32, #tpu.memory_space<vmem>>, vector<1x16xf32>,
        %get3A_967 = vector.shape_cast %get3A_966 : vector<1x16xf32> to vector<16xf32>
        %get3A_968 = arith.constant 15 : i32
        %get3A_969 = arith.index_cast %get3A_968 : i32 to index
        %get3A_970 = arith.constant 16 : index
        %get3A_971 = tpu.vector_load %arg8[%get3A_969, %get3A_970] {strides = array<i32>} : memref<32x32xf32, #tpu.memory_space<vmem>>, vector<1x16xf32>,
        %get3A_972 = vector.shape_cast %get3A_971 : vector<1x16xf32> to vector<16xf32>
        %mul3A_973 = arith.constant 32 : i32
        %mul3A_974 = arith.muli %mul3A_90, %mul3A_973 : i32
        %add3A_975 = arith.constant 15 : i32
        %add3A_976 = arith.addi %mul3A_974, %add3A_975 : i32
        %get3A_977 = arith.constant 0 : i32
        %get3A_978 = arith.index_cast %get3A_977 : i32 to index
        %get3A_979 = arith.index_cast %add3A_976 : i32 to index
        %get3A_980 = arith.constant 0 : index
        %get3A_981 = tpu.vector_load %arg7[%get3A_978, %get3A_979, %get3A_980] {strides = array<i32>} : memref<2x256x128xf32, #tpu.memory_space<vmem>>, vector<1x1x16xf32>,
        %get3A_982 = vector.shape_cast %get3A_981 : vector<1x1x16xf32> to vector<16xf32>
        %mul3A_983 = arith.constant 32 : i32
        %mul3A_984 = arith.muli %mul3A_90, %mul3A_983 : i32
        %add3A_985 = arith.constant 15 : i32
        %add3A_986 = arith.addi %mul3A_984, %add3A_985 : i32
        %get3A_987 = arith.constant 0 : i32
        %get3A_988 = arith.index_cast %get3A_987 : i32 to index
        %get3A_989 = arith.index_cast %add3A_986 : i32 to index
        %get3A_990 = arith.constant 16 : index
        %get3A_991 = tpu.vector_load %arg7[%get3A_988, %get3A_989, %get3A_990] {strides = array<i32>} : memref<2x256x128xf32, #tpu.memory_space<vmem>>, vector<1x1x16xf32>,
        %get3A_992 = vector.shape_cast %get3A_991 : vector<1x1x16xf32> to vector<16xf32>
        %mul3A_993 = arith.constant 32 : i32
        %mul3A_994 = arith.muli %add3A_92, %mul3A_993 : i32
        %add3A_995 = arith.constant 15 : i32
        %add3A_996 = arith.addi %mul3A_994, %add3A_995 : i32
        %get3A_997 = arith.constant 0 : i32
        %get3A_998 = arith.index_cast %get3A_997 : i32 to index
        %get3A_999 = arith.index_cast %add3A_996 : i32 to index
        %get3A_1000 = arith.constant 0 : index
        %get3A_1001 = tpu.vector_load %arg7[%get3A_998, %get3A_999, %get3A_1000] {strides = array<i32>} : memref<2x256x128xf32, #tpu.memory_space<vmem>>, vector<1x1x16xf32>,
        %get3A_1002 = vector.shape_cast %get3A_1001 : vector<1x1x16xf32> to vector<16xf32>
        %mul3A_1003 = arith.constant 32 : i32
        %mul3A_1004 = arith.muli %add3A_92, %mul3A_1003 : i32
        %add3A_1005 = arith.constant 15 : i32
        %add3A_1006 = arith.addi %mul3A_1004, %add3A_1005 : i32
        %get3A_1007 = arith.constant 0 : i32
        %get3A_1008 = arith.index_cast %get3A_1007 : i32 to index
        %get3A_1009 = arith.index_cast %add3A_1006 : i32 to index
        %get3A_1010 = arith.constant 16 : index
        %get3A_1011 = tpu.vector_load %arg7[%get3A_1008, %get3A_1009, %get3A_1010] {strides = array<i32>} : memref<2x256x128xf32, #tpu.memory_space<vmem>>, vector<1x1x16xf32>,
        %get3A_1012 = vector.shape_cast %get3A_1011 : vector<1x1x16xf32> to vector<16xf32>
        %mul3A_1013 = arith.mulf %get3A_982, %get3A_967 : vector<16xf32>
        %add3A_1014 = arith.addf %add3A_898, %mul3A_1013 : vector<16xf32>
        %mul3A_1015 = arith.mulf %get3A_992, %get3A_972 : vector<16xf32>
        %add3A_1016 = arith.addf %add3A_900, %mul3A_1015 : vector<16xf32>
        %mul3A_1017 = arith.mulf %get3A_1002, %get3A_967 : vector<16xf32>
        %add3A_1018 = arith.addf %add3A_902, %mul3A_1017 : vector<16xf32>
        %mul3A_1019 = arith.mulf %get3A_1012, %get3A_972 : vector<16xf32>
        %add3A_1020 = arith.addf %add3A_904, %mul3A_1019 : vector<16xf32>
        %get3A_1021 = arith.constant 16 : i32
        %get3A_1022 = arith.index_cast %get3A_1021 : i32 to index
        %get3A_1023 = arith.constant 0 : index
        %get3A_1024 = tpu.vector_load %arg8[%get3A_1022, %get3A_1023] {strides = array<i32>} : memref<32x32xf32, #tpu.memory_space<vmem>>, vector<1x16xf32>,
        %get3A_1025 = vector.shape_cast %get3A_1024 : vector<1x16xf32> to vector<16xf32>
        %get3A_1026 = arith.constant 16 : i32
        %get3A_1027 = arith.index_cast %get3A_1026 : i32 to index
        %get3A_1028 = arith.constant 16 : index
        %get3A_1029 = tpu.vector_load %arg8[%get3A_1027, %get3A_1028] {strides = array<i32>} : memref<32x32xf32, #tpu.memory_space<vmem>>, vector<1x16xf32>,
        %get3A_1030 = vector.shape_cast %get3A_1029 : vector<1x16xf32> to vector<16xf32>
        %mul3A_1031 = arith.constant 32 : i32
        %mul3A_1032 = arith.muli %mul3A_90, %mul3A_1031 : i32
        %add3A_1033 = arith.constant 16 : i32
        %add3A_1034 = arith.addi %mul3A_1032, %add3A_1033 : i32
        %get3A_1035 = arith.constant 0 : i32
        %get3A_1036 = arith.index_cast %get3A_1035 : i32 to index
        %get3A_1037 = arith.index_cast %add3A_1034 : i32 to index
        %get3A_1038 = arith.constant 0 : index
        %get3A_1039 = tpu.vector_load %arg7[%get3A_1036, %get3A_1037, %get3A_1038] {strides = array<i32>} : memref<2x256x128xf32, #tpu.memory_space<vmem>>, vector<1x1x16xf32>,
        %get3A_1040 = vector.shape_cast %get3A_1039 : vector<1x1x16xf32> to vector<16xf32>
        %mul3A_1041 = arith.constant 32 : i32
        %mul3A_1042 = arith.muli %mul3A_90, %mul3A_1041 : i32
        %add3A_1043 = arith.constant 16 : i32
        %add3A_1044 = arith.addi %mul3A_1042, %add3A_1043 : i32
        %get3A_1045 = arith.constant 0 : i32
        %get3A_1046 = arith.index_cast %get3A_1045 : i32 to index
        %get3A_1047 = arith.index_cast %add3A_1044 : i32 to index
        %get3A_1048 = arith.constant 16 : index
        %get3A_1049 = tpu.vector_load %arg7[%get3A_1046, %get3A_1047, %get3A_1048] {strides = array<i32>} : memref<2x256x128xf32, #tpu.memory_space<vmem>>, vector<1x1x16xf32>,
        %get3A_1050 = vector.shape_cast %get3A_1049 : vector<1x1x16xf32> to vector<16xf32>
        %mul3A_1051 = arith.constant 32 : i32
        %mul3A_1052 = arith.muli %add3A_92, %mul3A_1051 : i32
        %add3A_1053 = arith.constant 16 : i32
        %add3A_1054 = arith.addi %mul3A_1052, %add3A_1053 : i32
        %get3A_1055 = arith.constant 0 : i32
        %get3A_1056 = arith.index_cast %get3A_1055 : i32 to index
        %get3A_1057 = arith.index_cast %add3A_1054 : i32 to index
        %get3A_1058 = arith.constant 0 : index
        %get3A_1059 = tpu.vector_load %arg7[%get3A_1056, %get3A_1057, %get3A_1058] {strides = array<i32>} : memref<2x256x128xf32, #tpu.memory_space<vmem>>, vector<1x1x16xf32>,
        %get3A_1060 = vector.shape_cast %get3A_1059 : vector<1x1x16xf32> to vector<16xf32>
        %mul3A_1061 = arith.constant 32 : i32
        %mul3A_1062 = arith.muli %add3A_92, %mul3A_1061 : i32
        %add3A_1063 = arith.constant 16 : i32
        %add3A_1064 = arith.addi %mul3A_1062, %add3A_1063 : i32
        %get3A_1065 = arith.constant 0 : i32
        %get3A_1066 = arith.index_cast %get3A_1065 : i32 to index
        %get3A_1067 = arith.index_cast %add3A_1064 : i32 to index
        %get3A_1068 = arith.constant 16 : index
        %get3A_1069 = tpu.vector_load %arg7[%get3A_1066, %get3A_1067, %get3A_1068] {strides = array<i32>} : memref<2x256x128xf32, #tpu.memory_space<vmem>>, vector<1x1x16xf32>,
        %get3A_1070 = vector.shape_cast %get3A_1069 : vector<1x1x16xf32> to vector<16xf32>
        %mul3A_1071 = arith.mulf %get3A_1040, %get3A_1025 : vector<16xf32>
        %add3A_1072 = arith.addf %add3A_956, %mul3A_1071 : vector<16xf32>
        %mul3A_1073 = arith.mulf %get3A_1050, %get3A_1030 : vector<16xf32>
        %add3A_1074 = arith.addf %add3A_958, %mul3A_1073 : vector<16xf32>
        %mul3A_1075 = arith.mulf %get3A_1060, %get3A_1025 : vector<16xf32>
        %add3A_1076 = arith.addf %add3A_960, %mul3A_1075 : vector<16xf32>
        %mul3A_1077 = arith.mulf %get3A_1070, %get3A_1030 : vector<16xf32>
        %add3A_1078 = arith.addf %add3A_962, %mul3A_1077 : vector<16xf32>
        %get3A_1079 = arith.constant 17 : i32
        %get3A_1080 = arith.index_cast %get3A_1079 : i32 to index
        %get3A_1081 = arith.constant 0 : index
        %get3A_1082 = tpu.vector_load %arg8[%get3A_1080, %get3A_1081] {strides = array<i32>} : memref<32x32xf32, #tpu.memory_space<vmem>>, vector<1x16xf32>,
        %get3A_1083 = vector.shape_cast %get3A_1082 : vector<1x16xf32> to vector<16xf32>
        %get3A_1084 = arith.constant 17 : i32
        %get3A_1085 = arith.index_cast %get3A_1084 : i32 to index
        %get3A_1086 = arith.constant 16 : index
        %get3A_1087 = tpu.vector_load %arg8[%get3A_1085, %get3A_1086] {strides = array<i32>} : memref<32x32xf32, #tpu.memory_space<vmem>>, vector<1x16xf32>,
        %get3A_1088 = vector.shape_cast %get3A_1087 : vector<1x16xf32> to vector<16xf32>
        %mul3A_1089 = arith.constant 32 : i32
        %mul3A_1090 = arith.muli %mul3A_90, %mul3A_1089 : i32
        %add3A_1091 = arith.constant 17 : i32
        %add3A_1092 = arith.addi %mul3A_1090, %add3A_1091 : i32
        %get3A_1093 = arith.constant 0 : i32
        %get3A_1094 = arith.index_cast %get3A_1093 : i32 to index
        %get3A_1095 = arith.index_cast %add3A_1092 : i32 to index
        %get3A_1096 = arith.constant 0 : index
        %get3A_1097 = tpu.vector_load %arg7[%get3A_1094, %get3A_1095, %get3A_1096] {strides = array<i32>} : memref<2x256x128xf32, #tpu.memory_space<vmem>>, vector<1x1x16xf32>,
        %get3A_1098 = vector.shape_cast %get3A_1097 : vector<1x1x16xf32> to vector<16xf32>
        %mul3A_1099 = arith.constant 32 : i32
        %mul3A_1100 = arith.muli %mul3A_90, %mul3A_1099 : i32
        %add3A_1101 = arith.constant 17 : i32
        %add3A_1102 = arith.addi %mul3A_1100, %add3A_1101 : i32
        %get3A_1103 = arith.constant 0 : i32
        %get3A_1104 = arith.index_cast %get3A_1103 : i32 to index
        %get3A_1105 = arith.index_cast %add3A_1102 : i32 to index
        %get3A_1106 = arith.constant 16 : index
        %get3A_1107 = tpu.vector_load %arg7[%get3A_1104, %get3A_1105, %get3A_1106] {strides = array<i32>} : memref<2x256x128xf32, #tpu.memory_space<vmem>>, vector<1x1x16xf32>,
        %get3A_1108 = vector.shape_cast %get3A_1107 : vector<1x1x16xf32> to vector<16xf32>
        %mul3A_1109 = arith.constant 32 : i32
        %mul3A_1110 = arith.muli %add3A_92, %mul3A_1109 : i32
        %add3A_1111 = arith.constant 17 : i32
        %add3A_1112 = arith.addi %mul3A_1110, %add3A_1111 : i32
        %get3A_1113 = arith.constant 0 : i32
        %get3A_1114 = arith.index_cast %get3A_1113 : i32 to index
        %get3A_1115 = arith.index_cast %add3A_1112 : i32 to index
        %get3A_1116 = arith.constant 0 : index
        %get3A_1117 = tpu.vector_load %arg7[%get3A_1114, %get3A_1115, %get3A_1116] {strides = array<i32>} : memref<2x256x128xf32, #tpu.memory_space<vmem>>, vector<1x1x16xf32>,
        %get3A_1118 = vector.shape_cast %get3A_1117 : vector<1x1x16xf32> to vector<16xf32>
        %mul3A_1119 = arith.constant 32 : i32
        %mul3A_1120 = arith.muli %add3A_92, %mul3A_1119 : i32
        %add3A_1121 = arith.constant 17 : i32
        %add3A_1122 = arith.addi %mul3A_1120, %add3A_1121 : i32
        %get3A_1123 = arith.constant 0 : i32
        %get3A_1124 = arith.index_cast %get3A_1123 : i32 to index
        %get3A_1125 = arith.index_cast %add3A_1122 : i32 to index
        %get3A_1126 = arith.constant 16 : index
        %get3A_1127 = tpu.vector_load %arg7[%get3A_1124, %get3A_1125, %get3A_1126] {strides = array<i32>} : memref<2x256x128xf32, #tpu.memory_space<vmem>>, vector<1x1x16xf32>,
        %get3A_1128 = vector.shape_cast %get3A_1127 : vector<1x1x16xf32> to vector<16xf32>
        %mul3A_1129 = arith.mulf %get3A_1098, %get3A_1083 : vector<16xf32>
        %add3A_1130 = arith.addf %add3A_1014, %mul3A_1129 : vector<16xf32>
        %mul3A_1131 = arith.mulf %get3A_1108, %get3A_1088 : vector<16xf32>
        %add3A_1132 = arith.addf %add3A_1016, %mul3A_1131 : vector<16xf32>
        %mul3A_1133 = arith.mulf %get3A_1118, %get3A_1083 : vector<16xf32>
        %add3A_1134 = arith.addf %add3A_1018, %mul3A_1133 : vector<16xf32>
        %mul3A_1135 = arith.mulf %get3A_1128, %get3A_1088 : vector<16xf32>
        %add3A_1136 = arith.addf %add3A_1020, %mul3A_1135 : vector<16xf32>
        %get3A_1137 = arith.constant 18 : i32
        %get3A_1138 = arith.index_cast %get3A_1137 : i32 to index
        %get3A_1139 = arith.constant 0 : index
        %get3A_1140 = tpu.vector_load %arg8[%get3A_1138, %get3A_1139] {strides = array<i32>} : memref<32x32xf32, #tpu.memory_space<vmem>>, vector<1x16xf32>,
        %get3A_1141 = vector.shape_cast %get3A_1140 : vector<1x16xf32> to vector<16xf32>
        %get3A_1142 = arith.constant 18 : i32
        %get3A_1143 = arith.index_cast %get3A_1142 : i32 to index
        %get3A_1144 = arith.constant 16 : index
        %get3A_1145 = tpu.vector_load %arg8[%get3A_1143, %get3A_1144] {strides = array<i32>} : memref<32x32xf32, #tpu.memory_space<vmem>>, vector<1x16xf32>,
        %get3A_1146 = vector.shape_cast %get3A_1145 : vector<1x16xf32> to vector<16xf32>
        %mul3A_1147 = arith.constant 32 : i32
        %mul3A_1148 = arith.muli %mul3A_90, %mul3A_1147 : i32
        %add3A_1149 = arith.constant 18 : i32
        %add3A_1150 = arith.addi %mul3A_1148, %add3A_1149 : i32
        %get3A_1151 = arith.constant 0 : i32
        %get3A_1152 = arith.index_cast %get3A_1151 : i32 to index
        %get3A_1153 = arith.index_cast %add3A_1150 : i32 to index
        %get3A_1154 = arith.constant 0 : index
        %get3A_1155 = tpu.vector_load %arg7[%get3A_1152, %get3A_1153, %get3A_1154] {strides = array<i32>} : memref<2x256x128xf32, #tpu.memory_space<vmem>>, vector<1x1x16xf32>,
        %get3A_1156 = vector.shape_cast %get3A_1155 : vector<1x1x16xf32> to vector<16xf32>
        %mul3A_1157 = arith.constant 32 : i32
        %mul3A_1158 = arith.muli %mul3A_90, %mul3A_1157 : i32
        %add3A_1159 = arith.constant 18 : i32
        %add3A_1160 = arith.addi %mul3A_1158, %add3A_1159 : i32
        %get3A_1161 = arith.constant 0 : i32
        %get3A_1162 = arith.index_cast %get3A_1161 : i32 to index
        %get3A_1163 = arith.index_cast %add3A_1160 : i32 to index
        %get3A_1164 = arith.constant 16 : index
        %get3A_1165 = tpu.vector_load %arg7[%get3A_1162, %get3A_1163, %get3A_1164] {strides = array<i32>} : memref<2x256x128xf32, #tpu.memory_space<vmem>>, vector<1x1x16xf32>,
        %get3A_1166 = vector.shape_cast %get3A_1165 : vector<1x1x16xf32> to vector<16xf32>
        %mul3A_1167 = arith.constant 32 : i32
        %mul3A_1168 = arith.muli %add3A_92, %mul3A_1167 : i32
        %add3A_1169 = arith.constant 18 : i32
        %add3A_1170 = arith.addi %mul3A_1168, %add3A_1169 : i32
        %get3A_1171 = arith.constant 0 : i32
        %get3A_1172 = arith.index_cast %get3A_1171 : i32 to index
        %get3A_1173 = arith.index_cast %add3A_1170 : i32 to index
        %get3A_1174 = arith.constant 0 : index
        %get3A_1175 = tpu.vector_load %arg7[%get3A_1172, %get3A_1173, %get3A_1174] {strides = array<i32>} : memref<2x256x128xf32, #tpu.memory_space<vmem>>, vector<1x1x16xf32>,
        %get3A_1176 = vector.shape_cast %get3A_1175 : vector<1x1x16xf32> to vector<16xf32>
        %mul3A_1177 = arith.constant 32 : i32
        %mul3A_1178 = arith.muli %add3A_92, %mul3A_1177 : i32
        %add3A_1179 = arith.constant 18 : i32
        %add3A_1180 = arith.addi %mul3A_1178, %add3A_1179 : i32
        %get3A_1181 = arith.constant 0 : i32
        %get3A_1182 = arith.index_cast %get3A_1181 : i32 to index
        %get3A_1183 = arith.index_cast %add3A_1180 : i32 to index
        %get3A_1184 = arith.constant 16 : index
        %get3A_1185 = tpu.vector_load %arg7[%get3A_1182, %get3A_1183, %get3A_1184] {strides = array<i32>} : memref<2x256x128xf32, #tpu.memory_space<vmem>>, vector<1x1x16xf32>,
        %get3A_1186 = vector.shape_cast %get3A_1185 : vector<1x1x16xf32> to vector<16xf32>
        %mul3A_1187 = arith.mulf %get3A_1156, %get3A_1141 : vector<16xf32>
        %add3A_1188 = arith.addf %add3A_1072, %mul3A_1187 : vector<16xf32>
        %mul3A_1189 = arith.mulf %get3A_1166, %get3A_1146 : vector<16xf32>
        %add3A_1190 = arith.addf %add3A_1074, %mul3A_1189 : vector<16xf32>
        %mul3A_1191 = arith.mulf %get3A_1176, %get3A_1141 : vector<16xf32>
        %add3A_1192 = arith.addf %add3A_1076, %mul3A_1191 : vector<16xf32>
        %mul3A_1193 = arith.mulf %get3A_1186, %get3A_1146 : vector<16xf32>
        %add3A_1194 = arith.addf %add3A_1078, %mul3A_1193 : vector<16xf32>
        %get3A_1195 = arith.constant 19 : i32
        %get3A_1196 = arith.index_cast %get3A_1195 : i32 to index
        %get3A_1197 = arith.constant 0 : index
        %get3A_1198 = tpu.vector_load %arg8[%get3A_1196, %get3A_1197] {strides = array<i32>} : memref<32x32xf32, #tpu.memory_space<vmem>>, vector<1x16xf32>,
        %get3A_1199 = vector.shape_cast %get3A_1198 : vector<1x16xf32> to vector<16xf32>
        %get3A_1200 = arith.constant 19 : i32
        %get3A_1201 = arith.index_cast %get3A_1200 : i32 to index
        %get3A_1202 = arith.constant 16 : index
        %get3A_1203 = tpu.vector_load %arg8[%get3A_1201, %get3A_1202] {strides = array<i32>} : memref<32x32xf32, #tpu.memory_space<vmem>>, vector<1x16xf32>,
        %get3A_1204 = vector.shape_cast %get3A_1203 : vector<1x16xf32> to vector<16xf32>
        %mul3A_1205 = arith.constant 32 : i32
        %mul3A_1206 = arith.muli %mul3A_90, %mul3A_1205 : i32
        %add3A_1207 = arith.constant 19 : i32
        %add3A_1208 = arith.addi %mul3A_1206, %add3A_1207 : i32
        %get3A_1209 = arith.constant 0 : i32
        %get3A_1210 = arith.index_cast %get3A_1209 : i32 to index
        %get3A_1211 = arith.index_cast %add3A_1208 : i32 to index
        %get3A_1212 = arith.constant 0 : index
        %get3A_1213 = tpu.vector_load %arg7[%get3A_1210, %get3A_1211, %get3A_1212] {strides = array<i32>} : memref<2x256x128xf32, #tpu.memory_space<vmem>>, vector<1x1x16xf32>,
        %get3A_1214 = vector.shape_cast %get3A_1213 : vector<1x1x16xf32> to vector<16xf32>
        %mul3A_1215 = arith.constant 32 : i32
        %mul3A_1216 = arith.muli %mul3A_90, %mul3A_1215 : i32
        %add3A_1217 = arith.constant 19 : i32
        %add3A_1218 = arith.addi %mul3A_1216, %add3A_1217 : i32
        %get3A_1219 = arith.constant 0 : i32
        %get3A_1220 = arith.index_cast %get3A_1219 : i32 to index
        %get3A_1221 = arith.index_cast %add3A_1218 : i32 to index
        %get3A_1222 = arith.constant 16 : index
        %get3A_1223 = tpu.vector_load %arg7[%get3A_1220, %get3A_1221, %get3A_1222] {strides = array<i32>} : memref<2x256x128xf32, #tpu.memory_space<vmem>>, vector<1x1x16xf32>,
        %get3A_1224 = vector.shape_cast %get3A_1223 : vector<1x1x16xf32> to vector<16xf32>
        %mul3A_1225 = arith.constant 32 : i32
        %mul3A_1226 = arith.muli %add3A_92, %mul3A_1225 : i32
        %add3A_1227 = arith.constant 19 : i32
        %add3A_1228 = arith.addi %mul3A_1226, %add3A_1227 : i32
        %get3A_1229 = arith.constant 0 : i32
        %get3A_1230 = arith.index_cast %get3A_1229 : i32 to index
        %get3A_1231 = arith.index_cast %add3A_1228 : i32 to index
        %get3A_1232 = arith.constant 0 : index
        %get3A_1233 = tpu.vector_load %arg7[%get3A_1230, %get3A_1231, %get3A_1232] {strides = array<i32>} : memref<2x256x128xf32, #tpu.memory_space<vmem>>, vector<1x1x16xf32>,
        %get3A_1234 = vector.shape_cast %get3A_1233 : vector<1x1x16xf32> to vector<16xf32>
        %mul3A_1235 = arith.constant 32 : i32
        %mul3A_1236 = arith.muli %add3A_92, %mul3A_1235 : i32
        %add3A_1237 = arith.constant 19 : i32
        %add3A_1238 = arith.addi %mul3A_1236, %add3A_1237 : i32
        %get3A_1239 = arith.constant 0 : i32
        %get3A_1240 = arith.index_cast %get3A_1239 : i32 to index
        %get3A_1241 = arith.index_cast %add3A_1238 : i32 to index
        %get3A_1242 = arith.constant 16 : index
        %get3A_1243 = tpu.vector_load %arg7[%get3A_1240, %get3A_1241, %get3A_1242] {strides = array<i32>} : memref<2x256x128xf32, #tpu.memory_space<vmem>>, vector<1x1x16xf32>,
        %get3A_1244 = vector.shape_cast %get3A_1243 : vector<1x1x16xf32> to vector<16xf32>
        %mul3A_1245 = arith.mulf %get3A_1214, %get3A_1199 : vector<16xf32>
        %add3A_1246 = arith.addf %add3A_1130, %mul3A_1245 : vector<16xf32>
        %mul3A_1247 = arith.mulf %get3A_1224, %get3A_1204 : vector<16xf32>
        %add3A_1248 = arith.addf %add3A_1132, %mul3A_1247 : vector<16xf32>
        %mul3A_1249 = arith.mulf %get3A_1234, %get3A_1199 : vector<16xf32>
        %add3A_1250 = arith.addf %add3A_1134, %mul3A_1249 : vector<16xf32>
        %mul3A_1251 = arith.mulf %get3A_1244, %get3A_1204 : vector<16xf32>
        %add3A_1252 = arith.addf %add3A_1136, %mul3A_1251 : vector<16xf32>
        %get3A_1253 = arith.constant 20 : i32
        %get3A_1254 = arith.index_cast %get3A_1253 : i32 to index
        %get3A_1255 = arith.constant 0 : index
        %get3A_1256 = tpu.vector_load %arg8[%get3A_1254, %get3A_1255] {strides = array<i32>} : memref<32x32xf32, #tpu.memory_space<vmem>>, vector<1x16xf32>,
        %get3A_1257 = vector.shape_cast %get3A_1256 : vector<1x16xf32> to vector<16xf32>
        %get3A_1258 = arith.constant 20 : i32
        %get3A_1259 = arith.index_cast %get3A_1258 : i32 to index
        %get3A_1260 = arith.constant 16 : index
        %get3A_1261 = tpu.vector_load %arg8[%get3A_1259, %get3A_1260] {strides = array<i32>} : memref<32x32xf32, #tpu.memory_space<vmem>>, vector<1x16xf32>,
        %get3A_1262 = vector.shape_cast %get3A_1261 : vector<1x16xf32> to vector<16xf32>
        %mul3A_1263 = arith.constant 32 : i32
        %mul3A_1264 = arith.muli %mul3A_90, %mul3A_1263 : i32
        %add3A_1265 = arith.constant 20 : i32
        %add3A_1266 = arith.addi %mul3A_1264, %add3A_1265 : i32
        %get3A_1267 = arith.constant 0 : i32
        %get3A_1268 = arith.index_cast %get3A_1267 : i32 to index
        %get3A_1269 = arith.index_cast %add3A_1266 : i32 to index
        %get3A_1270 = arith.constant 0 : index
        %get3A_1271 = tpu.vector_load %arg7[%get3A_1268, %get3A_1269, %get3A_1270] {strides = array<i32>} : memref<2x256x128xf32, #tpu.memory_space<vmem>>, vector<1x1x16xf32>,
        %get3A_1272 = vector.shape_cast %get3A_1271 : vector<1x1x16xf32> to vector<16xf32>
        %mul3A_1273 = arith.constant 32 : i32
        %mul3A_1274 = arith.muli %mul3A_90, %mul3A_1273 : i32
        %add3A_1275 = arith.constant 20 : i32
        %add3A_1276 = arith.addi %mul3A_1274, %add3A_1275 : i32
        %get3A_1277 = arith.constant 0 : i32
        %get3A_1278 = arith.index_cast %get3A_1277 : i32 to index
        %get3A_1279 = arith.index_cast %add3A_1276 : i32 to index
        %get3A_1280 = arith.constant 16 : index
        %get3A_1281 = tpu.vector_load %arg7[%get3A_1278, %get3A_1279, %get3A_1280] {strides = array<i32>} : memref<2x256x128xf32, #tpu.memory_space<vmem>>, vector<1x1x16xf32>,
        %get3A_1282 = vector.shape_cast %get3A_1281 : vector<1x1x16xf32> to vector<16xf32>
        %mul3A_1283 = arith.constant 32 : i32
        %mul3A_1284 = arith.muli %add3A_92, %mul3A_1283 : i32
        %add3A_1285 = arith.constant 20 : i32
        %add3A_1286 = arith.addi %mul3A_1284, %add3A_1285 : i32
        %get3A_1287 = arith.constant 0 : i32
        %get3A_1288 = arith.index_cast %get3A_1287 : i32 to index
        %get3A_1289 = arith.index_cast %add3A_1286 : i32 to index
        %get3A_1290 = arith.constant 0 : index
        %get3A_1291 = tpu.vector_load %arg7[%get3A_1288, %get3A_1289, %get3A_1290] {strides = array<i32>} : memref<2x256x128xf32, #tpu.memory_space<vmem>>, vector<1x1x16xf32>,
        %get3A_1292 = vector.shape_cast %get3A_1291 : vector<1x1x16xf32> to vector<16xf32>
        %mul3A_1293 = arith.constant 32 : i32
        %mul3A_1294 = arith.muli %add3A_92, %mul3A_1293 : i32
        %add3A_1295 = arith.constant 20 : i32
        %add3A_1296 = arith.addi %mul3A_1294, %add3A_1295 : i32
        %get3A_1297 = arith.constant 0 : i32
        %get3A_1298 = arith.index_cast %get3A_1297 : i32 to index
        %get3A_1299 = arith.index_cast %add3A_1296 : i32 to index
        %get3A_1300 = arith.constant 16 : index
        %get3A_1301 = tpu.vector_load %arg7[%get3A_1298, %get3A_1299, %get3A_1300] {strides = array<i32>} : memref<2x256x128xf32, #tpu.memory_space<vmem>>, vector<1x1x16xf32>,
        %get3A_1302 = vector.shape_cast %get3A_1301 : vector<1x1x16xf32> to vector<16xf32>
        %mul3A_1303 = arith.mulf %get3A_1272, %get3A_1257 : vector<16xf32>
        %add3A_1304 = arith.addf %add3A_1188, %mul3A_1303 : vector<16xf32>
        %mul3A_1305 = arith.mulf %get3A_1282, %get3A_1262 : vector<16xf32>
        %add3A_1306 = arith.addf %add3A_1190, %mul3A_1305 : vector<16xf32>
        %mul3A_1307 = arith.mulf %get3A_1292, %get3A_1257 : vector<16xf32>
        %add3A_1308 = arith.addf %add3A_1192, %mul3A_1307 : vector<16xf32>
        %mul3A_1309 = arith.mulf %get3A_1302, %get3A_1262 : vector<16xf32>
        %add3A_1310 = arith.addf %add3A_1194, %mul3A_1309 : vector<16xf32>
        %get3A_1311 = arith.constant 21 : i32
        %get3A_1312 = arith.index_cast %get3A_1311 : i32 to index
        %get3A_1313 = arith.constant 0 : index
        %get3A_1314 = tpu.vector_load %arg8[%get3A_1312, %get3A_1313] {strides = array<i32>} : memref<32x32xf32, #tpu.memory_space<vmem>>, vector<1x16xf32>,
        %get3A_1315 = vector.shape_cast %get3A_1314 : vector<1x16xf32> to vector<16xf32>
        %get3A_1316 = arith.constant 21 : i32
        %get3A_1317 = arith.index_cast %get3A_1316 : i32 to index
        %get3A_1318 = arith.constant 16 : index
        %get3A_1319 = tpu.vector_load %arg8[%get3A_1317, %get3A_1318] {strides = array<i32>} : memref<32x32xf32, #tpu.memory_space<vmem>>, vector<1x16xf32>,
        %get3A_1320 = vector.shape_cast %get3A_1319 : vector<1x16xf32> to vector<16xf32>
        %mul3A_1321 = arith.constant 32 : i32
        %mul3A_1322 = arith.muli %mul3A_90, %mul3A_1321 : i32
        %add3A_1323 = arith.constant 21 : i32
        %add3A_1324 = arith.addi %mul3A_1322, %add3A_1323 : i32
        %get3A_1325 = arith.constant 0 : i32
        %get3A_1326 = arith.index_cast %get3A_1325 : i32 to index
        %get3A_1327 = arith.index_cast %add3A_1324 : i32 to index
        %get3A_1328 = arith.constant 0 : index
        %get3A_1329 = tpu.vector_load %arg7[%get3A_1326, %get3A_1327, %get3A_1328] {strides = array<i32>} : memref<2x256x128xf32, #tpu.memory_space<vmem>>, vector<1x1x16xf32>,
        %get3A_1330 = vector.shape_cast %get3A_1329 : vector<1x1x16xf32> to vector<16xf32>
        %mul3A_1331 = arith.constant 32 : i32
        %mul3A_1332 = arith.muli %mul3A_90, %mul3A_1331 : i32
        %add3A_1333 = arith.constant 21 : i32
        %add3A_1334 = arith.addi %mul3A_1332, %add3A_1333 : i32
        %get3A_1335 = arith.constant 0 : i32
        %get3A_1336 = arith.index_cast %get3A_1335 : i32 to index
        %get3A_1337 = arith.index_cast %add3A_1334 : i32 to index
        %get3A_1338 = arith.constant 16 : index
        %get3A_1339 = tpu.vector_load %arg7[%get3A_1336, %get3A_1337, %get3A_1338] {strides = array<i32>} : memref<2x256x128xf32, #tpu.memory_space<vmem>>, vector<1x1x16xf32>,
        %get3A_1340 = vector.shape_cast %get3A_1339 : vector<1x1x16xf32> to vector<16xf32>
        %mul3A_1341 = arith.constant 32 : i32
        %mul3A_1342 = arith.muli %add3A_92, %mul3A_1341 : i32
        %add3A_1343 = arith.constant 21 : i32
        %add3A_1344 = arith.addi %mul3A_1342, %add3A_1343 : i32
        %get3A_1345 = arith.constant 0 : i32
        %get3A_1346 = arith.index_cast %get3A_1345 : i32 to index
        %get3A_1347 = arith.index_cast %add3A_1344 : i32 to index
        %get3A_1348 = arith.constant 0 : index
        %get3A_1349 = tpu.vector_load %arg7[%get3A_1346, %get3A_1347, %get3A_1348] {strides = array<i32>} : memref<2x256x128xf32, #tpu.memory_space<vmem>>, vector<1x1x16xf32>,
        %get3A_1350 = vector.shape_cast %get3A_1349 : vector<1x1x16xf32> to vector<16xf32>
        %mul3A_1351 = arith.constant 32 : i32
        %mul3A_1352 = arith.muli %add3A_92, %mul3A_1351 : i32
        %add3A_1353 = arith.constant 21 : i32
        %add3A_1354 = arith.addi %mul3A_1352, %add3A_1353 : i32
        %get3A_1355 = arith.constant 0 : i32
        %get3A_1356 = arith.index_cast %get3A_1355 : i32 to index
        %get3A_1357 = arith.index_cast %add3A_1354 : i32 to index
        %get3A_1358 = arith.constant 16 : index
        %get3A_1359 = tpu.vector_load %arg7[%get3A_1356, %get3A_1357, %get3A_1358] {strides = array<i32>} : memref<2x256x128xf32, #tpu.memory_space<vmem>>, vector<1x1x16xf32>,
        %get3A_1360 = vector.shape_cast %get3A_1359 : vector<1x1x16xf32> to vector<16xf32>
        %mul3A_1361 = arith.mulf %get3A_1330, %get3A_1315 : vector<16xf32>
        %add3A_1362 = arith.addf %add3A_1246, %mul3A_1361 : vector<16xf32>
        %mul3A_1363 = arith.mulf %get3A_1340, %get3A_1320 : vector<16xf32>
        %add3A_1364 = arith.addf %add3A_1248, %mul3A_1363 : vector<16xf32>
        %mul3A_1365 = arith.mulf %get3A_1350, %get3A_1315 : vector<16xf32>
        %add3A_1366 = arith.addf %add3A_1250, %mul3A_1365 : vector<16xf32>
        %mul3A_1367 = arith.mulf %get3A_1360, %get3A_1320 : vector<16xf32>
        %add3A_1368 = arith.addf %add3A_1252, %mul3A_1367 : vector<16xf32>
        %get3A_1369 = arith.constant 22 : i32
        %get3A_1370 = arith.index_cast %get3A_1369 : i32 to index
        %get3A_1371 = arith.constant 0 : index
        %get3A_1372 = tpu.vector_load %arg8[%get3A_1370, %get3A_1371] {strides = array<i32>} : memref<32x32xf32, #tpu.memory_space<vmem>>, vector<1x16xf32>,
        %get3A_1373 = vector.shape_cast %get3A_1372 : vector<1x16xf32> to vector<16xf32>
        %get3A_1374 = arith.constant 22 : i32
        %get3A_1375 = arith.index_cast %get3A_1374 : i32 to index
        %get3A_1376 = arith.constant 16 : index
        %get3A_1377 = tpu.vector_load %arg8[%get3A_1375, %get3A_1376] {strides = array<i32>} : memref<32x32xf32, #tpu.memory_space<vmem>>, vector<1x16xf32>,
        %get3A_1378 = vector.shape_cast %get3A_1377 : vector<1x16xf32> to vector<16xf32>
        %mul3A_1379 = arith.constant 32 : i32
        %mul3A_1380 = arith.muli %mul3A_90, %mul3A_1379 : i32
        %add3A_1381 = arith.constant 22 : i32
        %add3A_1382 = arith.addi %mul3A_1380, %add3A_1381 : i32
        %get3A_1383 = arith.constant 0 : i32
        %get3A_1384 = arith.index_cast %get3A_1383 : i32 to index
        %get3A_1385 = arith.index_cast %add3A_1382 : i32 to index
        %get3A_1386 = arith.constant 0 : index
        %get3A_1387 = tpu.vector_load %arg7[%get3A_1384, %get3A_1385, %get3A_1386] {strides = array<i32>} : memref<2x256x128xf32, #tpu.memory_space<vmem>>, vector<1x1x16xf32>,
        %get3A_1388 = vector.shape_cast %get3A_1387 : vector<1x1x16xf32> to vector<16xf32>
        %mul3A_1389 = arith.constant 32 : i32
        %mul3A_1390 = arith.muli %mul3A_90, %mul3A_1389 : i32
        %add3A_1391 = arith.constant 22 : i32
        %add3A_1392 = arith.addi %mul3A_1390, %add3A_1391 : i32
        %get3A_1393 = arith.constant 0 : i32
        %get3A_1394 = arith.index_cast %get3A_1393 : i32 to index
        %get3A_1395 = arith.index_cast %add3A_1392 : i32 to index
        %get3A_1396 = arith.constant 16 : index
        %get3A_1397 = tpu.vector_load %arg7[%get3A_1394, %get3A_1395, %get3A_1396] {strides = array<i32>} : memref<2x256x128xf32, #tpu.memory_space<vmem>>, vector<1x1x16xf32>,
        %get3A_1398 = vector.shape_cast %get3A_1397 : vector<1x1x16xf32> to vector<16xf32>
        %mul3A_1399 = arith.constant 32 : i32
        %mul3A_1400 = arith.muli %add3A_92, %mul3A_1399 : i32
        %add3A_1401 = arith.constant 22 : i32
        %add3A_1402 = arith.addi %mul3A_1400, %add3A_1401 : i32
        %get3A_1403 = arith.constant 0 : i32
        %get3A_1404 = arith.index_cast %get3A_1403 : i32 to index
        %get3A_1405 = arith.index_cast %add3A_1402 : i32 to index
        %get3A_1406 = arith.constant 0 : index
        %get3A_1407 = tpu.vector_load %arg7[%get3A_1404, %get3A_1405, %get3A_1406] {strides = array<i32>} : memref<2x256x128xf32, #tpu.memory_space<vmem>>, vector<1x1x16xf32>,
        %get3A_1408 = vector.shape_cast %get3A_1407 : vector<1x1x16xf32> to vector<16xf32>
        %mul3A_1409 = arith.constant 32 : i32
        %mul3A_1410 = arith.muli %add3A_92, %mul3A_1409 : i32
        %add3A_1411 = arith.constant 22 : i32
        %add3A_1412 = arith.addi %mul3A_1410, %add3A_1411 : i32
        %get3A_1413 = arith.constant 0 : i32
        %get3A_1414 = arith.index_cast %get3A_1413 : i32 to index
        %get3A_1415 = arith.index_cast %add3A_1412 : i32 to index
        %get3A_1416 = arith.constant 16 : index
        %get3A_1417 = tpu.vector_load %arg7[%get3A_1414, %get3A_1415, %get3A_1416] {strides = array<i32>} : memref<2x256x128xf32, #tpu.memory_space<vmem>>, vector<1x1x16xf32>,
        %get3A_1418 = vector.shape_cast %get3A_1417 : vector<1x1x16xf32> to vector<16xf32>
        %mul3A_1419 = arith.mulf %get3A_1388, %get3A_1373 : vector<16xf32>
        %add3A_1420 = arith.addf %add3A_1304, %mul3A_1419 : vector<16xf32>
        %mul3A_1421 = arith.mulf %get3A_1398, %get3A_1378 : vector<16xf32>
        %add3A_1422 = arith.addf %add3A_1306, %mul3A_1421 : vector<16xf32>
        %mul3A_1423 = arith.mulf %get3A_1408, %get3A_1373 : vector<16xf32>
        %add3A_1424 = arith.addf %add3A_1308, %mul3A_1423 : vector<16xf32>
        %mul3A_1425 = arith.mulf %get3A_1418, %get3A_1378 : vector<16xf32>
        %add3A_1426 = arith.addf %add3A_1310, %mul3A_1425 : vector<16xf32>
        %get3A_1427 = arith.constant 23 : i32
        %get3A_1428 = arith.index_cast %get3A_1427 : i32 to index
        %get3A_1429 = arith.constant 0 : index
        %get3A_1430 = tpu.vector_load %arg8[%get3A_1428, %get3A_1429] {strides = array<i32>} : memref<32x32xf32, #tpu.memory_space<vmem>>, vector<1x16xf32>,
        %get3A_1431 = vector.shape_cast %get3A_1430 : vector<1x16xf32> to vector<16xf32>
        %get3A_1432 = arith.constant 23 : i32
        %get3A_1433 = arith.index_cast %get3A_1432 : i32 to index
        %get3A_1434 = arith.constant 16 : index
        %get3A_1435 = tpu.vector_load %arg8[%get3A_1433, %get3A_1434] {strides = array<i32>} : memref<32x32xf32, #tpu.memory_space<vmem>>, vector<1x16xf32>,
        %get3A_1436 = vector.shape_cast %get3A_1435 : vector<1x16xf32> to vector<16xf32>
        %mul3A_1437 = arith.constant 32 : i32
        %mul3A_1438 = arith.muli %mul3A_90, %mul3A_1437 : i32
        %add3A_1439 = arith.constant 23 : i32
        %add3A_1440 = arith.addi %mul3A_1438, %add3A_1439 : i32
        %get3A_1441 = arith.constant 0 : i32
        %get3A_1442 = arith.index_cast %get3A_1441 : i32 to index
        %get3A_1443 = arith.index_cast %add3A_1440 : i32 to index
        %get3A_1444 = arith.constant 0 : index
        %get3A_1445 = tpu.vector_load %arg7[%get3A_1442, %get3A_1443, %get3A_1444] {strides = array<i32>} : memref<2x256x128xf32, #tpu.memory_space<vmem>>, vector<1x1x16xf32>,
        %get3A_1446 = vector.shape_cast %get3A_1445 : vector<1x1x16xf32> to vector<16xf32>
        %mul3A_1447 = arith.constant 32 : i32
        %mul3A_1448 = arith.muli %mul3A_90, %mul3A_1447 : i32
        %add3A_1449 = arith.constant 23 : i32
        %add3A_1450 = arith.addi %mul3A_1448, %add3A_1449 : i32
        %get3A_1451 = arith.constant 0 : i32
        %get3A_1452 = arith.index_cast %get3A_1451 : i32 to index
        %get3A_1453 = arith.index_cast %add3A_1450 : i32 to index
        %get3A_1454 = arith.constant 16 : index
        %get3A_1455 = tpu.vector_load %arg7[%get3A_1452, %get3A_1453, %get3A_1454] {strides = array<i32>} : memref<2x256x128xf32, #tpu.memory_space<vmem>>, vector<1x1x16xf32>,
        %get3A_1456 = vector.shape_cast %get3A_1455 : vector<1x1x16xf32> to vector<16xf32>
        %mul3A_1457 = arith.constant 32 : i32
        %mul3A_1458 = arith.muli %add3A_92, %mul3A_1457 : i32
        %add3A_1459 = arith.constant 23 : i32
        %add3A_1460 = arith.addi %mul3A_1458, %add3A_1459 : i32
        %get3A_1461 = arith.constant 0 : i32
        %get3A_1462 = arith.index_cast %get3A_1461 : i32 to index
        %get3A_1463 = arith.index_cast %add3A_1460 : i32 to index
        %get3A_1464 = arith.constant 0 : index
        %get3A_1465 = tpu.vector_load %arg7[%get3A_1462, %get3A_1463, %get3A_1464] {strides = array<i32>} : memref<2x256x128xf32, #tpu.memory_space<vmem>>, vector<1x1x16xf32>,
        %get3A_1466 = vector.shape_cast %get3A_1465 : vector<1x1x16xf32> to vector<16xf32>
        %mul3A_1467 = arith.constant 32 : i32
        %mul3A_1468 = arith.muli %add3A_92, %mul3A_1467 : i32
        %add3A_1469 = arith.constant 23 : i32
        %add3A_1470 = arith.addi %mul3A_1468, %add3A_1469 : i32
        %get3A_1471 = arith.constant 0 : i32
        %get3A_1472 = arith.index_cast %get3A_1471 : i32 to index
        %get3A_1473 = arith.index_cast %add3A_1470 : i32 to index
        %get3A_1474 = arith.constant 16 : index
        %get3A_1475 = tpu.vector_load %arg7[%get3A_1472, %get3A_1473, %get3A_1474] {strides = array<i32>} : memref<2x256x128xf32, #tpu.memory_space<vmem>>, vector<1x1x16xf32>,
        %get3A_1476 = vector.shape_cast %get3A_1475 : vector<1x1x16xf32> to vector<16xf32>
        %mul3A_1477 = arith.mulf %get3A_1446, %get3A_1431 : vector<16xf32>
        %add3A_1478 = arith.addf %add3A_1362, %mul3A_1477 : vector<16xf32>
        %mul3A_1479 = arith.mulf %get3A_1456, %get3A_1436 : vector<16xf32>
        %add3A_1480 = arith.addf %add3A_1364, %mul3A_1479 : vector<16xf32>
        %mul3A_1481 = arith.mulf %get3A_1466, %get3A_1431 : vector<16xf32>
        %add3A_1482 = arith.addf %add3A_1366, %mul3A_1481 : vector<16xf32>
        %mul3A_1483 = arith.mulf %get3A_1476, %get3A_1436 : vector<16xf32>
        %add3A_1484 = arith.addf %add3A_1368, %mul3A_1483 : vector<16xf32>
        %get3A_1485 = arith.constant 24 : i32
        %get3A_1486 = arith.index_cast %get3A_1485 : i32 to index
        %get3A_1487 = arith.constant 0 : index
        %get3A_1488 = tpu.vector_load %arg8[%get3A_1486, %get3A_1487] {strides = array<i32>} : memref<32x32xf32, #tpu.memory_space<vmem>>, vector<1x16xf32>,
        %get3A_1489 = vector.shape_cast %get3A_1488 : vector<1x16xf32> to vector<16xf32>
        %get3A_1490 = arith.constant 24 : i32
        %get3A_1491 = arith.index_cast %get3A_1490 : i32 to index
        %get3A_1492 = arith.constant 16 : index
        %get3A_1493 = tpu.vector_load %arg8[%get3A_1491, %get3A_1492] {strides = array<i32>} : memref<32x32xf32, #tpu.memory_space<vmem>>, vector<1x16xf32>,
        %get3A_1494 = vector.shape_cast %get3A_1493 : vector<1x16xf32> to vector<16xf32>
        %mul3A_1495 = arith.constant 32 : i32
        %mul3A_1496 = arith.muli %mul3A_90, %mul3A_1495 : i32
        %add3A_1497 = arith.constant 24 : i32
        %add3A_1498 = arith.addi %mul3A_1496, %add3A_1497 : i32
        %get3A_1499 = arith.constant 0 : i32
        %get3A_1500 = arith.index_cast %get3A_1499 : i32 to index
        %get3A_1501 = arith.index_cast %add3A_1498 : i32 to index
        %get3A_1502 = arith.constant 0 : index
        %get3A_1503 = tpu.vector_load %arg7[%get3A_1500, %get3A_1501, %get3A_1502] {strides = array<i32>} : memref<2x256x128xf32, #tpu.memory_space<vmem>>, vector<1x1x16xf32>,
        %get3A_1504 = vector.shape_cast %get3A_1503 : vector<1x1x16xf32> to vector<16xf32>
        %mul3A_1505 = arith.constant 32 : i32
        %mul3A_1506 = arith.muli %mul3A_90, %mul3A_1505 : i32
        %add3A_1507 = arith.constant 24 : i32
        %add3A_1508 = arith.addi %mul3A_1506, %add3A_1507 : i32
        %get3A_1509 = arith.constant 0 : i32
        %get3A_1510 = arith.index_cast %get3A_1509 : i32 to index
        %get3A_1511 = arith.index_cast %add3A_1508 : i32 to index
        %get3A_1512 = arith.constant 16 : index
        %get3A_1513 = tpu.vector_load %arg7[%get3A_1510, %get3A_1511, %get3A_1512] {strides = array<i32>} : memref<2x256x128xf32, #tpu.memory_space<vmem>>, vector<1x1x16xf32>,
        %get3A_1514 = vector.shape_cast %get3A_1513 : vector<1x1x16xf32> to vector<16xf32>
        %mul3A_1515 = arith.constant 32 : i32
        %mul3A_1516 = arith.muli %add3A_92, %mul3A_1515 : i32
        %add3A_1517 = arith.constant 24 : i32
        %add3A_1518 = arith.addi %mul3A_1516, %add3A_1517 : i32
        %get3A_1519 = arith.constant 0 : i32
        %get3A_1520 = arith.index_cast %get3A_1519 : i32 to index
        %get3A_1521 = arith.index_cast %add3A_1518 : i32 to index
        %get3A_1522 = arith.constant 0 : index
        %get3A_1523 = tpu.vector_load %arg7[%get3A_1520, %get3A_1521, %get3A_1522] {strides = array<i32>} : memref<2x256x128xf32, #tpu.memory_space<vmem>>, vector<1x1x16xf32>,
        %get3A_1524 = vector.shape_cast %get3A_1523 : vector<1x1x16xf32> to vector<16xf32>
        %mul3A_1525 = arith.constant 32 : i32
        %mul3A_1526 = arith.muli %add3A_92, %mul3A_1525 : i32
        %add3A_1527 = arith.constant 24 : i32
        %add3A_1528 = arith.addi %mul3A_1526, %add3A_1527 : i32
        %get3A_1529 = arith.constant 0 : i32
        %get3A_1530 = arith.index_cast %get3A_1529 : i32 to index
        %get3A_1531 = arith.index_cast %add3A_1528 : i32 to index
        %get3A_1532 = arith.constant 16 : index
        %get3A_1533 = tpu.vector_load %arg7[%get3A_1530, %get3A_1531, %get3A_1532] {strides = array<i32>} : memref<2x256x128xf32, #tpu.memory_space<vmem>>, vector<1x1x16xf32>,
        %get3A_1534 = vector.shape_cast %get3A_1533 : vector<1x1x16xf32> to vector<16xf32>
        %mul3A_1535 = arith.mulf %get3A_1504, %get3A_1489 : vector<16xf32>
        %add3A_1536 = arith.addf %add3A_1420, %mul3A_1535 : vector<16xf32>
        %mul3A_1537 = arith.mulf %get3A_1514, %get3A_1494 : vector<16xf32>
        %add3A_1538 = arith.addf %add3A_1422, %mul3A_1537 : vector<16xf32>
        %mul3A_1539 = arith.mulf %get3A_1524, %get3A_1489 : vector<16xf32>
        %add3A_1540 = arith.addf %add3A_1424, %mul3A_1539 : vector<16xf32>
        %mul3A_1541 = arith.mulf %get3A_1534, %get3A_1494 : vector<16xf32>
        %add3A_1542 = arith.addf %add3A_1426, %mul3A_1541 : vector<16xf32>
        %get3A_1543 = arith.constant 25 : i32
        %get3A_1544 = arith.index_cast %get3A_1543 : i32 to index
        %get3A_1545 = arith.constant 0 : index
        %get3A_1546 = tpu.vector_load %arg8[%get3A_1544, %get3A_1545] {strides = array<i32>} : memref<32x32xf32, #tpu.memory_space<vmem>>, vector<1x16xf32>,
        %get3A_1547 = vector.shape_cast %get3A_1546 : vector<1x16xf32> to vector<16xf32>
        %get3A_1548 = arith.constant 25 : i32
        %get3A_1549 = arith.index_cast %get3A_1548 : i32 to index
        %get3A_1550 = arith.constant 16 : index
        %get3A_1551 = tpu.vector_load %arg8[%get3A_1549, %get3A_1550] {strides = array<i32>} : memref<32x32xf32, #tpu.memory_space<vmem>>, vector<1x16xf32>,
        %get3A_1552 = vector.shape_cast %get3A_1551 : vector<1x16xf32> to vector<16xf32>
        %mul3A_1553 = arith.constant 32 : i32
        %mul3A_1554 = arith.muli %mul3A_90, %mul3A_1553 : i32
        %add3A_1555 = arith.constant 25 : i32
        %add3A_1556 = arith.addi %mul3A_1554, %add3A_1555 : i32
        %get3A_1557 = arith.constant 0 : i32
        %get3A_1558 = arith.index_cast %get3A_1557 : i32 to index
        %get3A_1559 = arith.index_cast %add3A_1556 : i32 to index
        %get3A_1560 = arith.constant 0 : index
        %get3A_1561 = tpu.vector_load %arg7[%get3A_1558, %get3A_1559, %get3A_1560] {strides = array<i32>} : memref<2x256x128xf32, #tpu.memory_space<vmem>>, vector<1x1x16xf32>,
        %get3A_1562 = vector.shape_cast %get3A_1561 : vector<1x1x16xf32> to vector<16xf32>
        %mul3A_1563 = arith.constant 32 : i32
        %mul3A_1564 = arith.muli %mul3A_90, %mul3A_1563 : i32
        %add3A_1565 = arith.constant 25 : i32
        %add3A_1566 = arith.addi %mul3A_1564, %add3A_1565 : i32
        %get3A_1567 = arith.constant 0 : i32
        %get3A_1568 = arith.index_cast %get3A_1567 : i32 to index
        %get3A_1569 = arith.index_cast %add3A_1566 : i32 to index
        %get3A_1570 = arith.constant 16 : index
        %get3A_1571 = tpu.vector_load %arg7[%get3A_1568, %get3A_1569, %get3A_1570] {strides = array<i32>} : memref<2x256x128xf32, #tpu.memory_space<vmem>>, vector<1x1x16xf32>,
        %get3A_1572 = vector.shape_cast %get3A_1571 : vector<1x1x16xf32> to vector<16xf32>
        %mul3A_1573 = arith.constant 32 : i32
        %mul3A_1574 = arith.muli %add3A_92, %mul3A_1573 : i32
        %add3A_1575 = arith.constant 25 : i32
        %add3A_1576 = arith.addi %mul3A_1574, %add3A_1575 : i32
        %get3A_1577 = arith.constant 0 : i32
        %get3A_1578 = arith.index_cast %get3A_1577 : i32 to index
        %get3A_1579 = arith.index_cast %add3A_1576 : i32 to index
        %get3A_1580 = arith.constant 0 : index
        %get3A_1581 = tpu.vector_load %arg7[%get3A_1578, %get3A_1579, %get3A_1580] {strides = array<i32>} : memref<2x256x128xf32, #tpu.memory_space<vmem>>, vector<1x1x16xf32>,
        %get3A_1582 = vector.shape_cast %get3A_1581 : vector<1x1x16xf32> to vector<16xf32>
        %mul3A_1583 = arith.constant 32 : i32
        %mul3A_1584 = arith.muli %add3A_92, %mul3A_1583 : i32
        %add3A_1585 = arith.constant 25 : i32
        %add3A_1586 = arith.addi %mul3A_1584, %add3A_1585 : i32
        %get3A_1587 = arith.constant 0 : i32
        %get3A_1588 = arith.index_cast %get3A_1587 : i32 to index
        %get3A_1589 = arith.index_cast %add3A_1586 : i32 to index
        %get3A_1590 = arith.constant 16 : index
        %get3A_1591 = tpu.vector_load %arg7[%get3A_1588, %get3A_1589, %get3A_1590] {strides = array<i32>} : memref<2x256x128xf32, #tpu.memory_space<vmem>>, vector<1x1x16xf32>,
        %get3A_1592 = vector.shape_cast %get3A_1591 : vector<1x1x16xf32> to vector<16xf32>
        %mul3A_1593 = arith.mulf %get3A_1562, %get3A_1547 : vector<16xf32>
        %add3A_1594 = arith.addf %add3A_1478, %mul3A_1593 : vector<16xf32>
        %mul3A_1595 = arith.mulf %get3A_1572, %get3A_1552 : vector<16xf32>
        %add3A_1596 = arith.addf %add3A_1480, %mul3A_1595 : vector<16xf32>
        %mul3A_1597 = arith.mulf %get3A_1582, %get3A_1547 : vector<16xf32>
        %add3A_1598 = arith.addf %add3A_1482, %mul3A_1597 : vector<16xf32>
        %mul3A_1599 = arith.mulf %get3A_1592, %get3A_1552 : vector<16xf32>
        %add3A_1600 = arith.addf %add3A_1484, %mul3A_1599 : vector<16xf32>
        %get3A_1601 = arith.constant 26 : i32
        %get3A_1602 = arith.index_cast %get3A_1601 : i32 to index
        %get3A_1603 = arith.constant 0 : index
        %get3A_1604 = tpu.vector_load %arg8[%get3A_1602, %get3A_1603] {strides = array<i32>} : memref<32x32xf32, #tpu.memory_space<vmem>>, vector<1x16xf32>,
        %get3A_1605 = vector.shape_cast %get3A_1604 : vector<1x16xf32> to vector<16xf32>
        %get3A_1606 = arith.constant 26 : i32
        %get3A_1607 = arith.index_cast %get3A_1606 : i32 to index
        %get3A_1608 = arith.constant 16 : index
        %get3A_1609 = tpu.vector_load %arg8[%get3A_1607, %get3A_1608] {strides = array<i32>} : memref<32x32xf32, #tpu.memory_space<vmem>>, vector<1x16xf32>,
        %get3A_1610 = vector.shape_cast %get3A_1609 : vector<1x16xf32> to vector<16xf32>
        %mul3A_1611 = arith.constant 32 : i32
        %mul3A_1612 = arith.muli %mul3A_90, %mul3A_1611 : i32
        %add3A_1613 = arith.constant 26 : i32
        %add3A_1614 = arith.addi %mul3A_1612, %add3A_1613 : i32
        %get3A_1615 = arith.constant 0 : i32
        %get3A_1616 = arith.index_cast %get3A_1615 : i32 to index
        %get3A_1617 = arith.index_cast %add3A_1614 : i32 to index
        %get3A_1618 = arith.constant 0 : index
        %get3A_1619 = tpu.vector_load %arg7[%get3A_1616, %get3A_1617, %get3A_1618] {strides = array<i32>} : memref<2x256x128xf32, #tpu.memory_space<vmem>>, vector<1x1x16xf32>,
        %get3A_1620 = vector.shape_cast %get3A_1619 : vector<1x1x16xf32> to vector<16xf32>
        %mul3A_1621 = arith.constant 32 : i32
        %mul3A_1622 = arith.muli %mul3A_90, %mul3A_1621 : i32
        %add3A_1623 = arith.constant 26 : i32
        %add3A_1624 = arith.addi %mul3A_1622, %add3A_1623 : i32
        %get3A_1625 = arith.constant 0 : i32
        %get3A_1626 = arith.index_cast %get3A_1625 : i32 to index
        %get3A_1627 = arith.index_cast %add3A_1624 : i32 to index
        %get3A_1628 = arith.constant 16 : index
        %get3A_1629 = tpu.vector_load %arg7[%get3A_1626, %get3A_1627, %get3A_1628] {strides = array<i32>} : memref<2x256x128xf32, #tpu.memory_space<vmem>>, vector<1x1x16xf32>,
        %get3A_1630 = vector.shape_cast %get3A_1629 : vector<1x1x16xf32> to vector<16xf32>
        %mul3A_1631 = arith.constant 32 : i32
        %mul3A_1632 = arith.muli %add3A_92, %mul3A_1631 : i32
        %add3A_1633 = arith.constant 26 : i32
        %add3A_1634 = arith.addi %mul3A_1632, %add3A_1633 : i32
        %get3A_1635 = arith.constant 0 : i32
        %get3A_1636 = arith.index_cast %get3A_1635 : i32 to index
        %get3A_1637 = arith.index_cast %add3A_1634 : i32 to index
        %get3A_1638 = arith.constant 0 : index
        %get3A_1639 = tpu.vector_load %arg7[%get3A_1636, %get3A_1637, %get3A_1638] {strides = array<i32>} : memref<2x256x128xf32, #tpu.memory_space<vmem>>, vector<1x1x16xf32>,
        %get3A_1640 = vector.shape_cast %get3A_1639 : vector<1x1x16xf32> to vector<16xf32>
        %mul3A_1641 = arith.constant 32 : i32
        %mul3A_1642 = arith.muli %add3A_92, %mul3A_1641 : i32
        %add3A_1643 = arith.constant 26 : i32
        %add3A_1644 = arith.addi %mul3A_1642, %add3A_1643 : i32
        %get3A_1645 = arith.constant 0 : i32
        %get3A_1646 = arith.index_cast %get3A_1645 : i32 to index
        %get3A_1647 = arith.index_cast %add3A_1644 : i32 to index
        %get3A_1648 = arith.constant 16 : index
        %get3A_1649 = tpu.vector_load %arg7[%get3A_1646, %get3A_1647, %get3A_1648] {strides = array<i32>} : memref<2x256x128xf32, #tpu.memory_space<vmem>>, vector<1x1x16xf32>,
        %get3A_1650 = vector.shape_cast %get3A_1649 : vector<1x1x16xf32> to vector<16xf32>
        %mul3A_1651 = arith.mulf %get3A_1620, %get3A_1605 : vector<16xf32>
        %add3A_1652 = arith.addf %add3A_1536, %mul3A_1651 : vector<16xf32>
        %mul3A_1653 = arith.mulf %get3A_1630, %get3A_1610 : vector<16xf32>
        %add3A_1654 = arith.addf %add3A_1538, %mul3A_1653 : vector<16xf32>
        %mul3A_1655 = arith.mulf %get3A_1640, %get3A_1605 : vector<16xf32>
        %add3A_1656 = arith.addf %add3A_1540, %mul3A_1655 : vector<16xf32>
        %mul3A_1657 = arith.mulf %get3A_1650, %get3A_1610 : vector<16xf32>
        %add3A_1658 = arith.addf %add3A_1542, %mul3A_1657 : vector<16xf32>
        %get3A_1659 = arith.constant 27 : i32
        %get3A_1660 = arith.index_cast %get3A_1659 : i32 to index
        %get3A_1661 = arith.constant 0 : index
        %get3A_1662 = tpu.vector_load %arg8[%get3A_1660, %get3A_1661] {strides = array<i32>} : memref<32x32xf32, #tpu.memory_space<vmem>>, vector<1x16xf32>,
        %get3A_1663 = vector.shape_cast %get3A_1662 : vector<1x16xf32> to vector<16xf32>
        %get3A_1664 = arith.constant 27 : i32
        %get3A_1665 = arith.index_cast %get3A_1664 : i32 to index
        %get3A_1666 = arith.constant 16 : index
        %get3A_1667 = tpu.vector_load %arg8[%get3A_1665, %get3A_1666] {strides = array<i32>} : memref<32x32xf32, #tpu.memory_space<vmem>>, vector<1x16xf32>,
        %get3A_1668 = vector.shape_cast %get3A_1667 : vector<1x16xf32> to vector<16xf32>
        %mul3A_1669 = arith.constant 32 : i32
        %mul3A_1670 = arith.muli %mul3A_90, %mul3A_1669 : i32
        %add3A_1671 = arith.constant 27 : i32
        %add3A_1672 = arith.addi %mul3A_1670, %add3A_1671 : i32
        %get3A_1673 = arith.constant 0 : i32
        %get3A_1674 = arith.index_cast %get3A_1673 : i32 to index
        %get3A_1675 = arith.index_cast %add3A_1672 : i32 to index
        %get3A_1676 = arith.constant 0 : index
        %get3A_1677 = tpu.vector_load %arg7[%get3A_1674, %get3A_1675, %get3A_1676] {strides = array<i32>} : memref<2x256x128xf32, #tpu.memory_space<vmem>>, vector<1x1x16xf32>,
        %get3A_1678 = vector.shape_cast %get3A_1677 : vector<1x1x16xf32> to vector<16xf32>
        %mul3A_1679 = arith.constant 32 : i32
        %mul3A_1680 = arith.muli %mul3A_90, %mul3A_1679 : i32
        %add3A_1681 = arith.constant 27 : i32
        %add3A_1682 = arith.addi %mul3A_1680, %add3A_1681 : i32
        %get3A_1683 = arith.constant 0 : i32
        %get3A_1684 = arith.index_cast %get3A_1683 : i32 to index
        %get3A_1685 = arith.index_cast %add3A_1682 : i32 to index
        %get3A_1686 = arith.constant 16 : index
        %get3A_1687 = tpu.vector_load %arg7[%get3A_1684, %get3A_1685, %get3A_1686] {strides = array<i32>} : memref<2x256x128xf32, #tpu.memory_space<vmem>>, vector<1x1x16xf32>,
        %get3A_1688 = vector.shape_cast %get3A_1687 : vector<1x1x16xf32> to vector<16xf32>
        %mul3A_1689 = arith.constant 32 : i32
        %mul3A_1690 = arith.muli %add3A_92, %mul3A_1689 : i32
        %add3A_1691 = arith.constant 27 : i32
        %add3A_1692 = arith.addi %mul3A_1690, %add3A_1691 : i32
        %get3A_1693 = arith.constant 0 : i32
        %get3A_1694 = arith.index_cast %get3A_1693 : i32 to index
        %get3A_1695 = arith.index_cast %add3A_1692 : i32 to index
        %get3A_1696 = arith.constant 0 : index
        %get3A_1697 = tpu.vector_load %arg7[%get3A_1694, %get3A_1695, %get3A_1696] {strides = array<i32>} : memref<2x256x128xf32, #tpu.memory_space<vmem>>, vector<1x1x16xf32>,
        %get3A_1698 = vector.shape_cast %get3A_1697 : vector<1x1x16xf32> to vector<16xf32>
        %mul3A_1699 = arith.constant 32 : i32
        %mul3A_1700 = arith.muli %add3A_92, %mul3A_1699 : i32
        %add3A_1701 = arith.constant 27 : i32
        %add3A_1702 = arith.addi %mul3A_1700, %add3A_1701 : i32
        %get3A_1703 = arith.constant 0 : i32
        %get3A_1704 = arith.index_cast %get3A_1703 : i32 to index
        %get3A_1705 = arith.index_cast %add3A_1702 : i32 to index
        %get3A_1706 = arith.constant 16 : index
        %get3A_1707 = tpu.vector_load %arg7[%get3A_1704, %get3A_1705, %get3A_1706] {strides = array<i32>} : memref<2x256x128xf32, #tpu.memory_space<vmem>>, vector<1x1x16xf32>,
        %get3A_1708 = vector.shape_cast %get3A_1707 : vector<1x1x16xf32> to vector<16xf32>
        %mul3A_1709 = arith.mulf %get3A_1678, %get3A_1663 : vector<16xf32>
        %add3A_1710 = arith.addf %add3A_1594, %mul3A_1709 : vector<16xf32>
        %mul3A_1711 = arith.mulf %get3A_1688, %get3A_1668 : vector<16xf32>
        %add3A_1712 = arith.addf %add3A_1596, %mul3A_1711 : vector<16xf32>
        %mul3A_1713 = arith.mulf %get3A_1698, %get3A_1663 : vector<16xf32>
        %add3A_1714 = arith.addf %add3A_1598, %mul3A_1713 : vector<16xf32>
        %mul3A_1715 = arith.mulf %get3A_1708, %get3A_1668 : vector<16xf32>
        %add3A_1716 = arith.addf %add3A_1600, %mul3A_1715 : vector<16xf32>
        %get3A_1717 = arith.constant 28 : i32
        %get3A_1718 = arith.index_cast %get3A_1717 : i32 to index
        %get3A_1719 = arith.constant 0 : index
        %get3A_1720 = tpu.vector_load %arg8[%get3A_1718, %get3A_1719] {strides = array<i32>} : memref<32x32xf32, #tpu.memory_space<vmem>>, vector<1x16xf32>,
        %get3A_1721 = vector.shape_cast %get3A_1720 : vector<1x16xf32> to vector<16xf32>
        %get3A_1722 = arith.constant 28 : i32
        %get3A_1723 = arith.index_cast %get3A_1722 : i32 to index
        %get3A_1724 = arith.constant 16 : index
        %get3A_1725 = tpu.vector_load %arg8[%get3A_1723, %get3A_1724] {strides = array<i32>} : memref<32x32xf32, #tpu.memory_space<vmem>>, vector<1x16xf32>,
        %get3A_1726 = vector.shape_cast %get3A_1725 : vector<1x16xf32> to vector<16xf32>
        %mul3A_1727 = arith.constant 32 : i32
        %mul3A_1728 = arith.muli %mul3A_90, %mul3A_1727 : i32
        %add3A_1729 = arith.constant 28 : i32
        %add3A_1730 = arith.addi %mul3A_1728, %add3A_1729 : i32
        %get3A_1731 = arith.constant 0 : i32
        %get3A_1732 = arith.index_cast %get3A_1731 : i32 to index
        %get3A_1733 = arith.index_cast %add3A_1730 : i32 to index
        %get3A_1734 = arith.constant 0 : index
        %get3A_1735 = tpu.vector_load %arg7[%get3A_1732, %get3A_1733, %get3A_1734] {strides = array<i32>} : memref<2x256x128xf32, #tpu.memory_space<vmem>>, vector<1x1x16xf32>,
        %get3A_1736 = vector.shape_cast %get3A_1735 : vector<1x1x16xf32> to vector<16xf32>
        %mul3A_1737 = arith.constant 32 : i32
        %mul3A_1738 = arith.muli %mul3A_90, %mul3A_1737 : i32
        %add3A_1739 = arith.constant 28 : i32
        %add3A_1740 = arith.addi %mul3A_1738, %add3A_1739 : i32
        %get3A_1741 = arith.constant 0 : i32
        %get3A_1742 = arith.index_cast %get3A_1741 : i32 to index
        %get3A_1743 = arith.index_cast %add3A_1740 : i32 to index
        %get3A_1744 = arith.constant 16 : index
        %get3A_1745 = tpu.vector_load %arg7[%get3A_1742, %get3A_1743, %get3A_1744] {strides = array<i32>} : memref<2x256x128xf32, #tpu.memory_space<vmem>>, vector<1x1x16xf32>,
        %get3A_1746 = vector.shape_cast %get3A_1745 : vector<1x1x16xf32> to vector<16xf32>
        %mul3A_1747 = arith.constant 32 : i32
        %mul3A_1748 = arith.muli %add3A_92, %mul3A_1747 : i32
        %add3A_1749 = arith.constant 28 : i32
        %add3A_1750 = arith.addi %mul3A_1748, %add3A_1749 : i32
        %get3A_1751 = arith.constant 0 : i32
        %get3A_1752 = arith.index_cast %get3A_1751 : i32 to index
        %get3A_1753 = arith.index_cast %add3A_1750 : i32 to index
        %get3A_1754 = arith.constant 0 : index
        %get3A_1755 = tpu.vector_load %arg7[%get3A_1752, %get3A_1753, %get3A_1754] {strides = array<i32>} : memref<2x256x128xf32, #tpu.memory_space<vmem>>, vector<1x1x16xf32>,
        %get3A_1756 = vector.shape_cast %get3A_1755 : vector<1x1x16xf32> to vector<16xf32>
        %mul3A_1757 = arith.constant 32 : i32
        %mul3A_1758 = arith.muli %add3A_92, %mul3A_1757 : i32
        %add3A_1759 = arith.constant 28 : i32
        %add3A_1760 = arith.addi %mul3A_1758, %add3A_1759 : i32
        %get3A_1761 = arith.constant 0 : i32
        %get3A_1762 = arith.index_cast %get3A_1761 : i32 to index
        %get3A_1763 = arith.index_cast %add3A_1760 : i32 to index
        %get3A_1764 = arith.constant 16 : index
        %get3A_1765 = tpu.vector_load %arg7[%get3A_1762, %get3A_1763, %get3A_1764] {strides = array<i32>} : memref<2x256x128xf32, #tpu.memory_space<vmem>>, vector<1x1x16xf32>,
        %get3A_1766 = vector.shape_cast %get3A_1765 : vector<1x1x16xf32> to vector<16xf32>
        %mul3A_1767 = arith.mulf %get3A_1736, %get3A_1721 : vector<16xf32>
        %add3A_1768 = arith.addf %add3A_1652, %mul3A_1767 : vector<16xf32>
        %mul3A_1769 = arith.mulf %get3A_1746, %get3A_1726 : vector<16xf32>
        %add3A_1770 = arith.addf %add3A_1654, %mul3A_1769 : vector<16xf32>
        %mul3A_1771 = arith.mulf %get3A_1756, %get3A_1721 : vector<16xf32>
        %add3A_1772 = arith.addf %add3A_1656, %mul3A_1771 : vector<16xf32>
        %mul3A_1773 = arith.mulf %get3A_1766, %get3A_1726 : vector<16xf32>
        %add3A_1774 = arith.addf %add3A_1658, %mul3A_1773 : vector<16xf32>
        %get3A_1775 = arith.constant 29 : i32
        %get3A_1776 = arith.index_cast %get3A_1775 : i32 to index
        %get3A_1777 = arith.constant 0 : index
        %get3A_1778 = tpu.vector_load %arg8[%get3A_1776, %get3A_1777] {strides = array<i32>} : memref<32x32xf32, #tpu.memory_space<vmem>>, vector<1x16xf32>,
        %get3A_1779 = vector.shape_cast %get3A_1778 : vector<1x16xf32> to vector<16xf32>
        %get3A_1780 = arith.constant 29 : i32
        %get3A_1781 = arith.index_cast %get3A_1780 : i32 to index
        %get3A_1782 = arith.constant 16 : index
        %get3A_1783 = tpu.vector_load %arg8[%get3A_1781, %get3A_1782] {strides = array<i32>} : memref<32x32xf32, #tpu.memory_space<vmem>>, vector<1x16xf32>,
        %get3A_1784 = vector.shape_cast %get3A_1783 : vector<1x16xf32> to vector<16xf32>
        %mul3A_1785 = arith.constant 32 : i32
        %mul3A_1786 = arith.muli %mul3A_90, %mul3A_1785 : i32
        %add3A_1787 = arith.constant 29 : i32
        %add3A_1788 = arith.addi %mul3A_1786, %add3A_1787 : i32
        %get3A_1789 = arith.constant 0 : i32
        %get3A_1790 = arith.index_cast %get3A_1789 : i32 to index
        %get3A_1791 = arith.index_cast %add3A_1788 : i32 to index
        %get3A_1792 = arith.constant 0 : index
        %get3A_1793 = tpu.vector_load %arg7[%get3A_1790, %get3A_1791, %get3A_1792] {strides = array<i32>} : memref<2x256x128xf32, #tpu.memory_space<vmem>>, vector<1x1x16xf32>,
        %get3A_1794 = vector.shape_cast %get3A_1793 : vector<1x1x16xf32> to vector<16xf32>
        %mul3A_1795 = arith.constant 32 : i32
        %mul3A_1796 = arith.muli %mul3A_90, %mul3A_1795 : i32
        %add3A_1797 = arith.constant 29 : i32
        %add3A_1798 = arith.addi %mul3A_1796, %add3A_1797 : i32
        %get3A_1799 = arith.constant 0 : i32
        %get3A_1800 = arith.index_cast %get3A_1799 : i32 to index
        %get3A_1801 = arith.index_cast %add3A_1798 : i32 to index
        %get3A_1802 = arith.constant 16 : index
        %get3A_1803 = tpu.vector_load %arg7[%get3A_1800, %get3A_1801, %get3A_1802] {strides = array<i32>} : memref<2x256x128xf32, #tpu.memory_space<vmem>>, vector<1x1x16xf32>,
        %get3A_1804 = vector.shape_cast %get3A_1803 : vector<1x1x16xf32> to vector<16xf32>
        %mul3A_1805 = arith.constant 32 : i32
        %mul3A_1806 = arith.muli %add3A_92, %mul3A_1805 : i32
        %add3A_1807 = arith.constant 29 : i32
        %add3A_1808 = arith.addi %mul3A_1806, %add3A_1807 : i32
        %get3A_1809 = arith.constant 0 : i32
        %get3A_1810 = arith.index_cast %get3A_1809 : i32 to index
        %get3A_1811 = arith.index_cast %add3A_1808 : i32 to index
        %get3A_1812 = arith.constant 0 : index
        %get3A_1813 = tpu.vector_load %arg7[%get3A_1810, %get3A_1811, %get3A_1812] {strides = array<i32>} : memref<2x256x128xf32, #tpu.memory_space<vmem>>, vector<1x1x16xf32>,
        %get3A_1814 = vector.shape_cast %get3A_1813 : vector<1x1x16xf32> to vector<16xf32>
        %mul3A_1815 = arith.constant 32 : i32
        %mul3A_1816 = arith.muli %add3A_92, %mul3A_1815 : i32
        %add3A_1817 = arith.constant 29 : i32
        %add3A_1818 = arith.addi %mul3A_1816, %add3A_1817 : i32
        %get3A_1819 = arith.constant 0 : i32
        %get3A_1820 = arith.index_cast %get3A_1819 : i32 to index
        %get3A_1821 = arith.index_cast %add3A_1818 : i32 to index
        %get3A_1822 = arith.constant 16 : index
        %get3A_1823 = tpu.vector_load %arg7[%get3A_1820, %get3A_1821, %get3A_1822] {strides = array<i32>} : memref<2x256x128xf32, #tpu.memory_space<vmem>>, vector<1x1x16xf32>,
        %get3A_1824 = vector.shape_cast %get3A_1823 : vector<1x1x16xf32> to vector<16xf32>
        %mul3A_1825 = arith.mulf %get3A_1794, %get3A_1779 : vector<16xf32>
        %add3A_1826 = arith.addf %add3A_1710, %mul3A_1825 : vector<16xf32>
        %mul3A_1827 = arith.mulf %get3A_1804, %get3A_1784 : vector<16xf32>
        %add3A_1828 = arith.addf %add3A_1712, %mul3A_1827 : vector<16xf32>
        %mul3A_1829 = arith.mulf %get3A_1814, %get3A_1779 : vector<16xf32>
        %add3A_1830 = arith.addf %add3A_1714, %mul3A_1829 : vector<16xf32>
        %mul3A_1831 = arith.mulf %get3A_1824, %get3A_1784 : vector<16xf32>
        %add3A_1832 = arith.addf %add3A_1716, %mul3A_1831 : vector<16xf32>
        %get3A_1833 = arith.constant 30 : i32
        %get3A_1834 = arith.index_cast %get3A_1833 : i32 to index
        %get3A_1835 = arith.constant 0 : index
        %get3A_1836 = tpu.vector_load %arg8[%get3A_1834, %get3A_1835] {strides = array<i32>} : memref<32x32xf32, #tpu.memory_space<vmem>>, vector<1x16xf32>,
        %get3A_1837 = vector.shape_cast %get3A_1836 : vector<1x16xf32> to vector<16xf32>
        %get3A_1838 = arith.constant 30 : i32
        %get3A_1839 = arith.index_cast %get3A_1838 : i32 to index
        %get3A_1840 = arith.constant 16 : index
        %get3A_1841 = tpu.vector_load %arg8[%get3A_1839, %get3A_1840] {strides = array<i32>} : memref<32x32xf32, #tpu.memory_space<vmem>>, vector<1x16xf32>,
        %get3A_1842 = vector.shape_cast %get3A_1841 : vector<1x16xf32> to vector<16xf32>
        %mul3A_1843 = arith.constant 32 : i32
        %mul3A_1844 = arith.muli %mul3A_90, %mul3A_1843 : i32
        %add3A_1845 = arith.constant 30 : i32
        %add3A_1846 = arith.addi %mul3A_1844, %add3A_1845 : i32
        %get3A_1847 = arith.constant 0 : i32
        %get3A_1848 = arith.index_cast %get3A_1847 : i32 to index
        %get3A_1849 = arith.index_cast %add3A_1846 : i32 to index
        %get3A_1850 = arith.constant 0 : index
        %get3A_1851 = tpu.vector_load %arg7[%get3A_1848, %get3A_1849, %get3A_1850] {strides = array<i32>} : memref<2x256x128xf32, #tpu.memory_space<vmem>>, vector<1x1x16xf32>,
        %get3A_1852 = vector.shape_cast %get3A_1851 : vector<1x1x16xf32> to vector<16xf32>
        %mul3A_1853 = arith.constant 32 : i32
        %mul3A_1854 = arith.muli %mul3A_90, %mul3A_1853 : i32
        %add3A_1855 = arith.constant 30 : i32
        %add3A_1856 = arith.addi %mul3A_1854, %add3A_1855 : i32
        %get3A_1857 = arith.constant 0 : i32
        %get3A_1858 = arith.index_cast %get3A_1857 : i32 to index
        %get3A_1859 = arith.index_cast %add3A_1856 : i32 to index
        %get3A_1860 = arith.constant 16 : index
        %get3A_1861 = tpu.vector_load %arg7[%get3A_1858, %get3A_1859, %get3A_1860] {strides = array<i32>} : memref<2x256x128xf32, #tpu.memory_space<vmem>>, vector<1x1x16xf32>,
        %get3A_1862 = vector.shape_cast %get3A_1861 : vector<1x1x16xf32> to vector<16xf32>
        %mul3A_1863 = arith.constant 32 : i32
        %mul3A_1864 = arith.muli %add3A_92, %mul3A_1863 : i32
        %add3A_1865 = arith.constant 30 : i32
        %add3A_1866 = arith.addi %mul3A_1864, %add3A_1865 : i32
        %get3A_1867 = arith.constant 0 : i32
        %get3A_1868 = arith.index_cast %get3A_1867 : i32 to index
        %get3A_1869 = arith.index_cast %add3A_1866 : i32 to index
        %get3A_1870 = arith.constant 0 : index
        %get3A_1871 = tpu.vector_load %arg7[%get3A_1868, %get3A_1869, %get3A_1870] {strides = array<i32>} : memref<2x256x128xf32, #tpu.memory_space<vmem>>, vector<1x1x16xf32>,
        %get3A_1872 = vector.shape_cast %get3A_1871 : vector<1x1x16xf32> to vector<16xf32>
        %mul3A_1873 = arith.constant 32 : i32
        %mul3A_1874 = arith.muli %add3A_92, %mul3A_1873 : i32
        %add3A_1875 = arith.constant 30 : i32
        %add3A_1876 = arith.addi %mul3A_1874, %add3A_1875 : i32
        %get3A_1877 = arith.constant 0 : i32
        %get3A_1878 = arith.index_cast %get3A_1877 : i32 to index
        %get3A_1879 = arith.index_cast %add3A_1876 : i32 to index
        %get3A_1880 = arith.constant 16 : index
        %get3A_1881 = tpu.vector_load %arg7[%get3A_1878, %get3A_1879, %get3A_1880] {strides = array<i32>} : memref<2x256x128xf32, #tpu.memory_space<vmem>>, vector<1x1x16xf32>,
        %get3A_1882 = vector.shape_cast %get3A_1881 : vector<1x1x16xf32> to vector<16xf32>
        %mul3A_1883 = arith.mulf %get3A_1852, %get3A_1837 : vector<16xf32>
        %add3A_1884 = arith.addf %add3A_1768, %mul3A_1883 : vector<16xf32>
        %mul3A_1885 = arith.mulf %get3A_1862, %get3A_1842 : vector<16xf32>
        %add3A_1886 = arith.addf %add3A_1770, %mul3A_1885 : vector<16xf32>
        %mul3A_1887 = arith.mulf %get3A_1872, %get3A_1837 : vector<16xf32>
        %add3A_1888 = arith.addf %add3A_1772, %mul3A_1887 : vector<16xf32>
        %mul3A_1889 = arith.mulf %get3A_1882, %get3A_1842 : vector<16xf32>
        %add3A_1890 = arith.addf %add3A_1774, %mul3A_1889 : vector<16xf32>
        %get3A_1891 = arith.constant 31 : i32
        %get3A_1892 = arith.index_cast %get3A_1891 : i32 to index
        %get3A_1893 = arith.constant 0 : index
        %get3A_1894 = tpu.vector_load %arg8[%get3A_1892, %get3A_1893] {strides = array<i32>} : memref<32x32xf32, #tpu.memory_space<vmem>>, vector<1x16xf32>,
        %get3A_1895 = vector.shape_cast %get3A_1894 : vector<1x16xf32> to vector<16xf32>
        %get3A_1896 = arith.constant 31 : i32
        %get3A_1897 = arith.index_cast %get3A_1896 : i32 to index
        %get3A_1898 = arith.constant 16 : index
        %get3A_1899 = tpu.vector_load %arg8[%get3A_1897, %get3A_1898] {strides = array<i32>} : memref<32x32xf32, #tpu.memory_space<vmem>>, vector<1x16xf32>,
        %get3A_1900 = vector.shape_cast %get3A_1899 : vector<1x16xf32> to vector<16xf32>
        %mul3A_1901 = arith.constant 32 : i32
        %mul3A_1902 = arith.muli %mul3A_90, %mul3A_1901 : i32
        %add3A_1903 = arith.constant 31 : i32
        %add3A_1904 = arith.addi %mul3A_1902, %add3A_1903 : i32
        %get3A_1905 = arith.constant 0 : i32
        %get3A_1906 = arith.index_cast %get3A_1905 : i32 to index
        %get3A_1907 = arith.index_cast %add3A_1904 : i32 to index
        %get3A_1908 = arith.constant 0 : index
        %get3A_1909 = tpu.vector_load %arg7[%get3A_1906, %get3A_1907, %get3A_1908] {strides = array<i32>} : memref<2x256x128xf32, #tpu.memory_space<vmem>>, vector<1x1x16xf32>,
        %get3A_1910 = vector.shape_cast %get3A_1909 : vector<1x1x16xf32> to vector<16xf32>
        %mul3A_1911 = arith.constant 32 : i32
        %mul3A_1912 = arith.muli %mul3A_90, %mul3A_1911 : i32
        %add3A_1913 = arith.constant 31 : i32
        %add3A_1914 = arith.addi %mul3A_1912, %add3A_1913 : i32
        %get3A_1915 = arith.constant 0 : i32
        %get3A_1916 = arith.index_cast %get3A_1915 : i32 to index
        %get3A_1917 = arith.index_cast %add3A_1914 : i32 to index
        %get3A_1918 = arith.constant 16 : index
        %get3A_1919 = tpu.vector_load %arg7[%get3A_1916, %get3A_1917, %get3A_1918] {strides = array<i32>} : memref<2x256x128xf32, #tpu.memory_space<vmem>>, vector<1x1x16xf32>,
        %get3A_1920 = vector.shape_cast %get3A_1919 : vector<1x1x16xf32> to vector<16xf32>
        %mul3A_1921 = arith.constant 32 : i32
        %mul3A_1922 = arith.muli %add3A_92, %mul3A_1921 : i32
        %add3A_1923 = arith.constant 31 : i32
        %add3A_1924 = arith.addi %mul3A_1922, %add3A_1923 : i32
        %get3A_1925 = arith.constant 0 : i32
        %get3A_1926 = arith.index_cast %get3A_1925 : i32 to index
        %get3A_1927 = arith.index_cast %add3A_1924 : i32 to index
        %get3A_1928 = arith.constant 0 : index
        %get3A_1929 = tpu.vector_load %arg7[%get3A_1926, %get3A_1927, %get3A_1928] {strides = array<i32>} : memref<2x256x128xf32, #tpu.memory_space<vmem>>, vector<1x1x16xf32>,
        %get3A_1930 = vector.shape_cast %get3A_1929 : vector<1x1x16xf32> to vector<16xf32>
        %mul3A_1931 = arith.constant 32 : i32
        %mul3A_1932 = arith.muli %add3A_92, %mul3A_1931 : i32
        %add3A_1933 = arith.constant 31 : i32
        %add3A_1934 = arith.addi %mul3A_1932, %add3A_1933 : i32
        %get3A_1935 = arith.constant 0 : i32
        %get3A_1936 = arith.index_cast %get3A_1935 : i32 to index
        %get3A_1937 = arith.index_cast %add3A_1934 : i32 to index
        %get3A_1938 = arith.constant 16 : index
        %get3A_1939 = tpu.vector_load %arg7[%get3A_1936, %get3A_1937, %get3A_1938] {strides = array<i32>} : memref<2x256x128xf32, #tpu.memory_space<vmem>>, vector<1x1x16xf32>,
        %get3A_1940 = vector.shape_cast %get3A_1939 : vector<1x1x16xf32> to vector<16xf32>
        %mul3A_1941 = arith.mulf %get3A_1910, %get3A_1895 : vector<16xf32>
        %add3A_1942 = arith.addf %add3A_1826, %mul3A_1941 : vector<16xf32>
        %mul3A_1943 = arith.mulf %get3A_1920, %get3A_1900 : vector<16xf32>
        %add3A_1944 = arith.addf %add3A_1828, %mul3A_1943 : vector<16xf32>
        %mul3A_1945 = arith.mulf %get3A_1930, %get3A_1895 : vector<16xf32>
        %add3A_1946 = arith.addf %add3A_1830, %mul3A_1945 : vector<16xf32>
        %mul3A_1947 = arith.mulf %get3A_1940, %get3A_1900 : vector<16xf32>
        %add3A_1948 = arith.addf %add3A_1832, %mul3A_1947 : vector<16xf32>
        %add3A_1949 = arith.addf %add3A_1884, %add3A_1942 : vector<16xf32>
        %swap3A = arith.index_cast %mul3A_90 : i32 to index
        %swap3A_1950 = arith.constant 0 : index
        %swap3A_1951 = tpu.vector_load %arg9[%swap3A, %swap3A_1950] {strides = array<i32>} : memref<8x32xf32, #tpu.memory_space<vmem>>, vector<1x16xf32>,
        %swap3A_1952 = vector.shape_cast %swap3A_1951 : vector<1x16xf32> to vector<16xf32>
        %swap3A_1953 = vector.shape_cast %add3A_1949 : vector<16xf32> to vector<1x16xf32>
        tpu.vector_store %arg9[%swap3A, %swap3A_1950], %swap3A_1953 {strides = array<i32>} : memref<8x32xf32, #tpu.memory_space<vmem>>, vector<1x16xf32>,
        %add3A_1954 = arith.addf %add3A_1886, %add3A_1944 : vector<16xf32>
        %swap3A_1955 = arith.index_cast %mul3A_90 : i32 to index
        %swap3A_1956 = arith.constant 16 : index
        %swap3A_1957 = tpu.vector_load %arg9[%swap3A_1955, %swap3A_1956] {strides = array<i32>} : memref<8x32xf32, #tpu.memory_space<vmem>>, vector<1x16xf32>,
        %swap3A_1958 = vector.shape_cast %swap3A_1957 : vector<1x16xf32> to vector<16xf32>
        %swap3A_1959 = vector.shape_cast %add3A_1954 : vector<16xf32> to vector<1x16xf32>
        tpu.vector_store %arg9[%swap3A_1955, %swap3A_1956], %swap3A_1959 {strides = array<i32>} : memref<8x32xf32, #tpu.memory_space<vmem>>, vector<1x16xf32>,
        %add3A_1960 = arith.addf %add3A_1888, %add3A_1946 : vector<16xf32>
        %swap3A_1961 = arith.index_cast %add3A_92 : i32 to index
        %swap3A_1962 = arith.constant 0 : index
        %swap3A_1963 = tpu.vector_load %arg9[%swap3A_1961, %swap3A_1962] {strides = array<i32>} : memref<8x32xf32, #tpu.memory_space<vmem>>, vector<1x16xf32>,
        %swap3A_1964 = vector.shape_cast %swap3A_1963 : vector<1x16xf32> to vector<16xf32>
        %swap3A_1965 = vector.shape_cast %add3A_1960 : vector<16xf32> to vector<1x16xf32>
        tpu.vector_store %arg9[%swap3A_1961, %swap3A_1962], %swap3A_1965 {strides = array<i32>} : memref<8x32xf32, #tpu.memory_space<vmem>>, vector<1x16xf32>,
        %add3A_1966 = arith.addf %add3A_1890, %add3A_1948 : vector<16xf32>
        %swap3A_1967 = arith.index_cast %add3A_92 : i32 to index
        %swap3A_1968 = arith.constant 16 : index
        %swap3A_1969 = tpu.vector_load %arg9[%swap3A_1967, %swap3A_1968] {strides = array<i32>} : memref<8x32xf32, #tpu.memory_space<vmem>>, vector<1x16xf32>,
        %swap3A_1970 = vector.shape_cast %swap3A_1969 : vector<1x16xf32> to vector<16xf32>
        %swap3A_1971 = vector.shape_cast %add3A_1966 : vector<16xf32> to vector<1x16xf32>
        tpu.vector_store %arg9[%swap3A_1967, %swap3A_1968], %swap3A_1971 {strides = array<i32>} : memref<8x32xf32, #tpu.memory_space<vmem>>, vector<1x16xf32>,
        %scan3A_1972 = arith.constant 0 : i32
        scf.yield %scan3A_1972 : i32
      }
      %scan3A_54 = arith.constant 4 : i32
      %mul3A_55 = arith.constant 256 : i32
      %mul3A_56 = arith.muli %add3A, %mul3A_55 : i32
      %mul3A_57 = arith.constant 8 : i32
      %mul3A_58 = arith.muli %mul3A_23, %mul3A_57 : i32
      %add3A_59 = arith.addi %mul3A_56, %mul3A_58 : i32
      "tpu.region"() ({
        %run_scoped3A = tpu.sem_alloc : memref<!tpu.dma_semaphore, #tpu.memory_space<semaphore_mem>>
        %dma_start3A_87 = arith.constant 0 : i32
        %dma_start3A_88 = tpu.memref_slice %arg5[%add3A_59, %dma_start3A_87] : memref<8192x32xf32, #tpu.memory_space<hbm>> -> memref<8x32xf32, #tpu.memory_space<hbm>>
        %dma_start3A_89 = arith.constant 0 : i32
        %dma_start3A_90 = tpu.memref_slice %arg5[%add3A_59, %dma_start3A_89] : memref<8192x32xf32, #tpu.memory_space<hbm>> -> memref<8x32xf32, #tpu.memory_space<hbm>>
        tpu.enqueue_dma source(%arg9 : memref<8x32xf32, #tpu.memory_space<vmem>>) target(%dma_start3A_90 : memref<8x32xf32, #tpu.memory_space<hbm>>) target_semaphore(%run_scoped3A : memref<!tpu.dma_semaphore, #tpu.memory_space<semaphore_mem>>)
        %dma_wait3A_91 = arith.constant 0 : i32
        %dma_wait3A_92 = tpu.memref_slice %arg5[%add3A_59, %dma_wait3A_91] : memref<8192x32xf32, #tpu.memory_space<hbm>> -> memref<8x32xf32, #tpu.memory_space<hbm>>
        %dma_wait3A_93 = arith.constant 0 : i32
        %dma_wait3A_94 = tpu.memref_slice %arg5[%add3A_59, %dma_wait3A_93] : memref<8192x32xf32, #tpu.memory_space<hbm>> -> memref<8x32xf32, #tpu.memory_space<hbm>>
        tpu.wait_dma2 semaphore(%run_scoped3A : memref<!tpu.dma_semaphore, #tpu.memory_space<semaphore_mem>>) src(%arg9 : memref<8x32xf32, #tpu.memory_space<vmem>>) dst(%dma_wait3A_94 : memref<8x32xf32, #tpu.memory_space<hbm>>)
        tpu.yield
      }) : () -> ()
      %dma_wait3A_60 = arith.constant 1 : i32
      %dma_wait3A_61 = arith.constant 0 : i32
      %dma_wait3A_62 = arith.constant 0 : i32
      %dma_wait3A_63 = tpu.memref_slice %arg7[%dma_wait3A_60, %dma_wait3A_61, %dma_wait3A_62] : memref<2x256x128xf32, #tpu.memory_space<vmem>> -> memref<1x256x128xf32, #tpu.memory_space<vmem>>
      %dma_wait3A_64 = tpu.memref_squeeze %dma_wait3A_63 : memref<1x256x128xf32, #tpu.memory_space<vmem>> -> memref<256x128xf32, #tpu.memory_space<vmem>>
      %dma_wait3A_65 = arith.constant 0 : i32
      %dma_wait3A_66 = tpu.memref_slice %arg6[%dma_wait3A_65] : memref<8192xi32, #tpu.memory_space<vmem>> -> memref<256xi32, #tpu.memory_space<vmem>>
      %dma_wait3A_67 = arith.constant 0 : i32
      %dma_wait3A_68 = arith.constant 0 : i32
      %dma_wait3A_69 = tpu.memref_slice %arg2[%dma_wait3A_67, %dma_wait3A_68] : memref<8192x128xf32, #tpu.memory_space<hbm>> -> memref<8192x128xf32, #tpu.memory_space<hbm>>
      tpu.wait_indirect_dma semaphore(%arg11 : memref<!tpu.dma_semaphore, #tpu.memory_space<semaphore_mem>>) src(%dma_wait3A_69 : memref<8192x128xf32, #tpu.memory_space<hbm>>) dst(%dma_wait3A_64 : memref<256x128xf32, #tpu.memory_space<vmem>>)
      %lt3A = arith.constant 15 : i32
      %lt3A_70 = arith.cmpi slt, %scan3A_20, %lt3A : i32
      %convert_element_type3A = arith.extui %lt3A_70 : i1 to i32
      %cond3A = arith.constant 0 : i32
      %cond3A_71 = arith.cmpi ne, %convert_element_type3A, %cond3A : i32
      scf.if %cond3A_71 {
        %add3A_87 = arith.constant 2 : i32
        %add3A_88 = arith.addi %mul3A_23, %add3A_87 : i32
        %mul3A_89 = arith.constant 8 : i32
        %mul3A_90 = arith.muli %add3A_88, %mul3A_89 : i32
        %mul3A_91 = arith.constant 32 : i32
        %mul3A_92 = arith.muli %mul3A_90, %mul3A_91 : i32
        %dma_start3A_93 = arith.constant 0 : i32
        %dma_start3A_94 = arith.constant 0 : i32
        %dma_start3A_95 = arith.constant 0 : i32
        %dma_start3A_96 = tpu.memref_slice %arg7[%dma_start3A_93, %dma_start3A_94, %dma_start3A_95] : memref<2x256x128xf32, #tpu.memory_space<vmem>> -> memref<1x256x128xf32, #tpu.memory_space<vmem>>
        %dma_start3A_97 = tpu.memref_squeeze %dma_start3A_96 : memref<1x256x128xf32, #tpu.memory_space<vmem>> -> memref<256x128xf32, #tpu.memory_space<vmem>>
        %dma_start3A_98 = tpu.memref_slice %arg6[%mul3A_92] : memref<8192xi32, #tpu.memory_space<vmem>> -> memref<256xi32, #tpu.memory_space<vmem>>
        %dma_start3A_99 = arith.constant 0 : i32
        %dma_start3A_100 = arith.constant 0 : i32
        %dma_start3A_101 = tpu.memref_slice %arg2[%dma_start3A_99, %dma_start3A_100] : memref<8192x128xf32, #tpu.memory_space<hbm>> -> memref<8192x128xf32, #tpu.memory_space<hbm>>
        tpu.enqueue_indirect_dma source(%dma_start3A_101 : memref<8192x128xf32, #tpu.memory_space<hbm>>) target(%dma_start3A_97 : memref<256x128xf32, #tpu.memory_space<vmem>>) offsets(%dma_start3A_98 : memref<256xi32, #tpu.memory_space<vmem>>) semaphore(%arg10 : memref<!tpu.dma_semaphore, #tpu.memory_space<semaphore_mem>>)
      } else {
      }
      %add3A_72 = arith.constant 1 : i32
      %add3A_73 = arith.addi %mul3A_23, %add3A_72 : i32
      %scan3A_74 = arith.constant 0 : i32
      %scan3A_75 = arith.constant 0 : i32
      %scan3A_76 = arith.constant 4 : i32
      %scan3A_77 = arith.addi %scan3A_75, %scan3A_76 : i32
      %scan3A_78 = arith.constant 1 : i32
      %scan3A_79 = scf.for %scan3A_87 = %scan3A_75 to %scan3A_77 step %scan3A_78 iter_args(%scan3A_88 = %scan3A_74) -> (i32)  : i32 {
        %mul3A_89 = arith.constant 2 : i32
        %mul3A_90 = arith.muli %scan3A_87, %mul3A_89 : i32
        %add3A_91 = arith.constant 1 : i32
        %add3A_92 = arith.addi %mul3A_90, %add3A_91 : i32
        %broadcast_in_dim3A = arith.constant 0.000000e+00 : f32
        %broadcast_in_dim3A_93 = vector.broadcast %broadcast_in_dim3A : f32 to vector<16xf32>
        %get3A = arith.constant 0 : i32
        %get3A_94 = arith.index_cast %get3A : i32 to index
        %get3A_95 = arith.constant 0 : index
        %get3A_96 = tpu.vector_load %arg8[%get3A_94, %get3A_95] {strides = array<i32>} : memref<32x32xf32, #tpu.memory_space<vmem>>, vector<1x16xf32>,
        %get3A_97 = vector.shape_cast %get3A_96 : vector<1x16xf32> to vector<16xf32>
        %get3A_98 = arith.constant 0 : i32
        %get3A_99 = arith.index_cast %get3A_98 : i32 to index
        %get3A_100 = arith.constant 16 : index
        %get3A_101 = tpu.vector_load %arg8[%get3A_99, %get3A_100] {strides = array<i32>} : memref<32x32xf32, #tpu.memory_space<vmem>>, vector<1x16xf32>,
        %get3A_102 = vector.shape_cast %get3A_101 : vector<1x16xf32> to vector<16xf32>
        %mul3A_103 = arith.constant 32 : i32
        %mul3A_104 = arith.muli %mul3A_90, %mul3A_103 : i32
        %add3A_105 = arith.constant 0 : i32
        %add3A_106 = arith.addi %mul3A_104, %add3A_105 : i32
        %get3A_107 = arith.constant 1 : i32
        %get3A_108 = arith.index_cast %get3A_107 : i32 to index
        %get3A_109 = arith.index_cast %add3A_106 : i32 to index
        %get3A_110 = arith.constant 0 : index
        %get3A_111 = tpu.vector_load %arg7[%get3A_108, %get3A_109, %get3A_110] {strides = array<i32>} : memref<2x256x128xf32, #tpu.memory_space<vmem>>, vector<1x1x16xf32>,
        %get3A_112 = vector.shape_cast %get3A_111 : vector<1x1x16xf32> to vector<16xf32>
        %mul3A_113 = arith.constant 32 : i32
        %mul3A_114 = arith.muli %mul3A_90, %mul3A_113 : i32
        %add3A_115 = arith.constant 0 : i32
        %add3A_116 = arith.addi %mul3A_114, %add3A_115 : i32
        %get3A_117 = arith.constant 1 : i32
        %get3A_118 = arith.index_cast %get3A_117 : i32 to index
        %get3A_119 = arith.index_cast %add3A_116 : i32 to index
        %get3A_120 = arith.constant 16 : index
        %get3A_121 = tpu.vector_load %arg7[%get3A_118, %get3A_119, %get3A_120] {strides = array<i32>} : memref<2x256x128xf32, #tpu.memory_space<vmem>>, vector<1x1x16xf32>,
        %get3A_122 = vector.shape_cast %get3A_121 : vector<1x1x16xf32> to vector<16xf32>
        %mul3A_123 = arith.constant 32 : i32
        %mul3A_124 = arith.muli %add3A_92, %mul3A_123 : i32
        %add3A_125 = arith.constant 0 : i32
        %add3A_126 = arith.addi %mul3A_124, %add3A_125 : i32
        %get3A_127 = arith.constant 1 : i32
        %get3A_128 = arith.index_cast %get3A_127 : i32 to index
        %get3A_129 = arith.index_cast %add3A_126 : i32 to index
        %get3A_130 = arith.constant 0 : index
        %get3A_131 = tpu.vector_load %arg7[%get3A_128, %get3A_129, %get3A_130] {strides = array<i32>} : memref<2x256x128xf32, #tpu.memory_space<vmem>>, vector<1x1x16xf32>,
        %get3A_132 = vector.shape_cast %get3A_131 : vector<1x1x16xf32> to vector<16xf32>
        %mul3A_133 = arith.constant 32 : i32
        %mul3A_134 = arith.muli %add3A_92, %mul3A_133 : i32
        %add3A_135 = arith.constant 0 : i32
        %add3A_136 = arith.addi %mul3A_134, %add3A_135 : i32
        %get3A_137 = arith.constant 1 : i32
        %get3A_138 = arith.index_cast %get3A_137 : i32 to index
        %get3A_139 = arith.index_cast %add3A_136 : i32 to index
        %get3A_140 = arith.constant 16 : index
        %get3A_141 = tpu.vector_load %arg7[%get3A_138, %get3A_139, %get3A_140] {strides = array<i32>} : memref<2x256x128xf32, #tpu.memory_space<vmem>>, vector<1x1x16xf32>,
        %get3A_142 = vector.shape_cast %get3A_141 : vector<1x1x16xf32> to vector<16xf32>
        %mul3A_143 = arith.mulf %get3A_112, %get3A_97 : vector<16xf32>
        %add3A_144 = arith.addf %broadcast_in_dim3A_93, %mul3A_143 : vector<16xf32>
        %mul3A_145 = arith.mulf %get3A_122, %get3A_102 : vector<16xf32>
        %add3A_146 = arith.addf %broadcast_in_dim3A_93, %mul3A_145 : vector<16xf32>
        %mul3A_147 = arith.mulf %get3A_132, %get3A_97 : vector<16xf32>
        %add3A_148 = arith.addf %broadcast_in_dim3A_93, %mul3A_147 : vector<16xf32>
        %mul3A_149 = arith.mulf %get3A_142, %get3A_102 : vector<16xf32>
        %add3A_150 = arith.addf %broadcast_in_dim3A_93, %mul3A_149 : vector<16xf32>
        %get3A_151 = arith.constant 1 : i32
        %get3A_152 = arith.index_cast %get3A_151 : i32 to index
        %get3A_153 = arith.constant 0 : index
        %get3A_154 = tpu.vector_load %arg8[%get3A_152, %get3A_153] {strides = array<i32>} : memref<32x32xf32, #tpu.memory_space<vmem>>, vector<1x16xf32>,
        %get3A_155 = vector.shape_cast %get3A_154 : vector<1x16xf32> to vector<16xf32>
        %get3A_156 = arith.constant 1 : i32
        %get3A_157 = arith.index_cast %get3A_156 : i32 to index
        %get3A_158 = arith.constant 16 : index
        %get3A_159 = tpu.vector_load %arg8[%get3A_157, %get3A_158] {strides = array<i32>} : memref<32x32xf32, #tpu.memory_space<vmem>>, vector<1x16xf32>,
        %get3A_160 = vector.shape_cast %get3A_159 : vector<1x16xf32> to vector<16xf32>
        %mul3A_161 = arith.constant 32 : i32
        %mul3A_162 = arith.muli %mul3A_90, %mul3A_161 : i32
        %add3A_163 = arith.constant 1 : i32
        %add3A_164 = arith.addi %mul3A_162, %add3A_163 : i32
        %get3A_165 = arith.constant 1 : i32
        %get3A_166 = arith.index_cast %get3A_165 : i32 to index
        %get3A_167 = arith.index_cast %add3A_164 : i32 to index
        %get3A_168 = arith.constant 0 : index
        %get3A_169 = tpu.vector_load %arg7[%get3A_166, %get3A_167, %get3A_168] {strides = array<i32>} : memref<2x256x128xf32, #tpu.memory_space<vmem>>, vector<1x1x16xf32>,
        %get3A_170 = vector.shape_cast %get3A_169 : vector<1x1x16xf32> to vector<16xf32>
        %mul3A_171 = arith.constant 32 : i32
        %mul3A_172 = arith.muli %mul3A_90, %mul3A_171 : i32
        %add3A_173 = arith.constant 1 : i32
        %add3A_174 = arith.addi %mul3A_172, %add3A_173 : i32
        %get3A_175 = arith.constant 1 : i32
        %get3A_176 = arith.index_cast %get3A_175 : i32 to index
        %get3A_177 = arith.index_cast %add3A_174 : i32 to index
        %get3A_178 = arith.constant 16 : index
        %get3A_179 = tpu.vector_load %arg7[%get3A_176, %get3A_177, %get3A_178] {strides = array<i32>} : memref<2x256x128xf32, #tpu.memory_space<vmem>>, vector<1x1x16xf32>,
        %get3A_180 = vector.shape_cast %get3A_179 : vector<1x1x16xf32> to vector<16xf32>
        %mul3A_181 = arith.constant 32 : i32
        %mul3A_182 = arith.muli %add3A_92, %mul3A_181 : i32
        %add3A_183 = arith.constant 1 : i32
        %add3A_184 = arith.addi %mul3A_182, %add3A_183 : i32
        %get3A_185 = arith.constant 1 : i32
        %get3A_186 = arith.index_cast %get3A_185 : i32 to index
        %get3A_187 = arith.index_cast %add3A_184 : i32 to index
        %get3A_188 = arith.constant 0 : index
        %get3A_189 = tpu.vector_load %arg7[%get3A_186, %get3A_187, %get3A_188] {strides = array<i32>} : memref<2x256x128xf32, #tpu.memory_space<vmem>>, vector<1x1x16xf32>,
        %get3A_190 = vector.shape_cast %get3A_189 : vector<1x1x16xf32> to vector<16xf32>
        %mul3A_191 = arith.constant 32 : i32
        %mul3A_192 = arith.muli %add3A_92, %mul3A_191 : i32
        %add3A_193 = arith.constant 1 : i32
        %add3A_194 = arith.addi %mul3A_192, %add3A_193 : i32
        %get3A_195 = arith.constant 1 : i32
        %get3A_196 = arith.index_cast %get3A_195 : i32 to index
        %get3A_197 = arith.index_cast %add3A_194 : i32 to index
        %get3A_198 = arith.constant 16 : index
        %get3A_199 = tpu.vector_load %arg7[%get3A_196, %get3A_197, %get3A_198] {strides = array<i32>} : memref<2x256x128xf32, #tpu.memory_space<vmem>>, vector<1x1x16xf32>,
        %get3A_200 = vector.shape_cast %get3A_199 : vector<1x1x16xf32> to vector<16xf32>
        %mul3A_201 = arith.mulf %get3A_170, %get3A_155 : vector<16xf32>
        %add3A_202 = arith.addf %broadcast_in_dim3A_93, %mul3A_201 : vector<16xf32>
        %mul3A_203 = arith.mulf %get3A_180, %get3A_160 : vector<16xf32>
        %add3A_204 = arith.addf %broadcast_in_dim3A_93, %mul3A_203 : vector<16xf32>
        %mul3A_205 = arith.mulf %get3A_190, %get3A_155 : vector<16xf32>
        %add3A_206 = arith.addf %broadcast_in_dim3A_93, %mul3A_205 : vector<16xf32>
        %mul3A_207 = arith.mulf %get3A_200, %get3A_160 : vector<16xf32>
        %add3A_208 = arith.addf %broadcast_in_dim3A_93, %mul3A_207 : vector<16xf32>
        %get3A_209 = arith.constant 2 : i32
        %get3A_210 = arith.index_cast %get3A_209 : i32 to index
        %get3A_211 = arith.constant 0 : index
        %get3A_212 = tpu.vector_load %arg8[%get3A_210, %get3A_211] {strides = array<i32>} : memref<32x32xf32, #tpu.memory_space<vmem>>, vector<1x16xf32>,
        %get3A_213 = vector.shape_cast %get3A_212 : vector<1x16xf32> to vector<16xf32>
        %get3A_214 = arith.constant 2 : i32
        %get3A_215 = arith.index_cast %get3A_214 : i32 to index
        %get3A_216 = arith.constant 16 : index
        %get3A_217 = tpu.vector_load %arg8[%get3A_215, %get3A_216] {strides = array<i32>} : memref<32x32xf32, #tpu.memory_space<vmem>>, vector<1x16xf32>,
        %get3A_218 = vector.shape_cast %get3A_217 : vector<1x16xf32> to vector<16xf32>
        %mul3A_219 = arith.constant 32 : i32
        %mul3A_220 = arith.muli %mul3A_90, %mul3A_219 : i32
        %add3A_221 = arith.constant 2 : i32
        %add3A_222 = arith.addi %mul3A_220, %add3A_221 : i32
        %get3A_223 = arith.constant 1 : i32
        %get3A_224 = arith.index_cast %get3A_223 : i32 to index
        %get3A_225 = arith.index_cast %add3A_222 : i32 to index
        %get3A_226 = arith.constant 0 : index
        %get3A_227 = tpu.vector_load %arg7[%get3A_224, %get3A_225, %get3A_226] {strides = array<i32>} : memref<2x256x128xf32, #tpu.memory_space<vmem>>, vector<1x1x16xf32>,
        %get3A_228 = vector.shape_cast %get3A_227 : vector<1x1x16xf32> to vector<16xf32>
        %mul3A_229 = arith.constant 32 : i32
        %mul3A_230 = arith.muli %mul3A_90, %mul3A_229 : i32
        %add3A_231 = arith.constant 2 : i32
        %add3A_232 = arith.addi %mul3A_230, %add3A_231 : i32
        %get3A_233 = arith.constant 1 : i32
        %get3A_234 = arith.index_cast %get3A_233 : i32 to index
        %get3A_235 = arith.index_cast %add3A_232 : i32 to index
        %get3A_236 = arith.constant 16 : index
        %get3A_237 = tpu.vector_load %arg7[%get3A_234, %get3A_235, %get3A_236] {strides = array<i32>} : memref<2x256x128xf32, #tpu.memory_space<vmem>>, vector<1x1x16xf32>,
        %get3A_238 = vector.shape_cast %get3A_237 : vector<1x1x16xf32> to vector<16xf32>
        %mul3A_239 = arith.constant 32 : i32
        %mul3A_240 = arith.muli %add3A_92, %mul3A_239 : i32
        %add3A_241 = arith.constant 2 : i32
        %add3A_242 = arith.addi %mul3A_240, %add3A_241 : i32
        %get3A_243 = arith.constant 1 : i32
        %get3A_244 = arith.index_cast %get3A_243 : i32 to index
        %get3A_245 = arith.index_cast %add3A_242 : i32 to index
        %get3A_246 = arith.constant 0 : index
        %get3A_247 = tpu.vector_load %arg7[%get3A_244, %get3A_245, %get3A_246] {strides = array<i32>} : memref<2x256x128xf32, #tpu.memory_space<vmem>>, vector<1x1x16xf32>,
        %get3A_248 = vector.shape_cast %get3A_247 : vector<1x1x16xf32> to vector<16xf32>
        %mul3A_249 = arith.constant 32 : i32
        %mul3A_250 = arith.muli %add3A_92, %mul3A_249 : i32
        %add3A_251 = arith.constant 2 : i32
        %add3A_252 = arith.addi %mul3A_250, %add3A_251 : i32
        %get3A_253 = arith.constant 1 : i32
        %get3A_254 = arith.index_cast %get3A_253 : i32 to index
        %get3A_255 = arith.index_cast %add3A_252 : i32 to index
        %get3A_256 = arith.constant 16 : index
        %get3A_257 = tpu.vector_load %arg7[%get3A_254, %get3A_255, %get3A_256] {strides = array<i32>} : memref<2x256x128xf32, #tpu.memory_space<vmem>>, vector<1x1x16xf32>,
        %get3A_258 = vector.shape_cast %get3A_257 : vector<1x1x16xf32> to vector<16xf32>
        %mul3A_259 = arith.mulf %get3A_228, %get3A_213 : vector<16xf32>
        %add3A_260 = arith.addf %add3A_144, %mul3A_259 : vector<16xf32>
        %mul3A_261 = arith.mulf %get3A_238, %get3A_218 : vector<16xf32>
        %add3A_262 = arith.addf %add3A_146, %mul3A_261 : vector<16xf32>
        %mul3A_263 = arith.mulf %get3A_248, %get3A_213 : vector<16xf32>
        %add3A_264 = arith.addf %add3A_148, %mul3A_263 : vector<16xf32>
        %mul3A_265 = arith.mulf %get3A_258, %get3A_218 : vector<16xf32>
        %add3A_266 = arith.addf %add3A_150, %mul3A_265 : vector<16xf32>
        %get3A_267 = arith.constant 3 : i32
        %get3A_268 = arith.index_cast %get3A_267 : i32 to index
        %get3A_269 = arith.constant 0 : index
        %get3A_270 = tpu.vector_load %arg8[%get3A_268, %get3A_269] {strides = array<i32>} : memref<32x32xf32, #tpu.memory_space<vmem>>, vector<1x16xf32>,
        %get3A_271 = vector.shape_cast %get3A_270 : vector<1x16xf32> to vector<16xf32>
        %get3A_272 = arith.constant 3 : i32
        %get3A_273 = arith.index_cast %get3A_272 : i32 to index
        %get3A_274 = arith.constant 16 : index
        %get3A_275 = tpu.vector_load %arg8[%get3A_273, %get3A_274] {strides = array<i32>} : memref<32x32xf32, #tpu.memory_space<vmem>>, vector<1x16xf32>,
        %get3A_276 = vector.shape_cast %get3A_275 : vector<1x16xf32> to vector<16xf32>
        %mul3A_277 = arith.constant 32 : i32
        %mul3A_278 = arith.muli %mul3A_90, %mul3A_277 : i32
        %add3A_279 = arith.constant 3 : i32
        %add3A_280 = arith.addi %mul3A_278, %add3A_279 : i32
        %get3A_281 = arith.constant 1 : i32
        %get3A_282 = arith.index_cast %get3A_281 : i32 to index
        %get3A_283 = arith.index_cast %add3A_280 : i32 to index
        %get3A_284 = arith.constant 0 : index
        %get3A_285 = tpu.vector_load %arg7[%get3A_282, %get3A_283, %get3A_284] {strides = array<i32>} : memref<2x256x128xf32, #tpu.memory_space<vmem>>, vector<1x1x16xf32>,
        %get3A_286 = vector.shape_cast %get3A_285 : vector<1x1x16xf32> to vector<16xf32>
        %mul3A_287 = arith.constant 32 : i32
        %mul3A_288 = arith.muli %mul3A_90, %mul3A_287 : i32
        %add3A_289 = arith.constant 3 : i32
        %add3A_290 = arith.addi %mul3A_288, %add3A_289 : i32
        %get3A_291 = arith.constant 1 : i32
        %get3A_292 = arith.index_cast %get3A_291 : i32 to index
        %get3A_293 = arith.index_cast %add3A_290 : i32 to index
        %get3A_294 = arith.constant 16 : index
        %get3A_295 = tpu.vector_load %arg7[%get3A_292, %get3A_293, %get3A_294] {strides = array<i32>} : memref<2x256x128xf32, #tpu.memory_space<vmem>>, vector<1x1x16xf32>,
        %get3A_296 = vector.shape_cast %get3A_295 : vector<1x1x16xf32> to vector<16xf32>
        %mul3A_297 = arith.constant 32 : i32
        %mul3A_298 = arith.muli %add3A_92, %mul3A_297 : i32
        %add3A_299 = arith.constant 3 : i32
        %add3A_300 = arith.addi %mul3A_298, %add3A_299 : i32
        %get3A_301 = arith.constant 1 : i32
        %get3A_302 = arith.index_cast %get3A_301 : i32 to index
        %get3A_303 = arith.index_cast %add3A_300 : i32 to index
        %get3A_304 = arith.constant 0 : index
        %get3A_305 = tpu.vector_load %arg7[%get3A_302, %get3A_303, %get3A_304] {strides = array<i32>} : memref<2x256x128xf32, #tpu.memory_space<vmem>>, vector<1x1x16xf32>,
        %get3A_306 = vector.shape_cast %get3A_305 : vector<1x1x16xf32> to vector<16xf32>
        %mul3A_307 = arith.constant 32 : i32
        %mul3A_308 = arith.muli %add3A_92, %mul3A_307 : i32
        %add3A_309 = arith.constant 3 : i32
        %add3A_310 = arith.addi %mul3A_308, %add3A_309 : i32
        %get3A_311 = arith.constant 1 : i32
        %get3A_312 = arith.index_cast %get3A_311 : i32 to index
        %get3A_313 = arith.index_cast %add3A_310 : i32 to index
        %get3A_314 = arith.constant 16 : index
        %get3A_315 = tpu.vector_load %arg7[%get3A_312, %get3A_313, %get3A_314] {strides = array<i32>} : memref<2x256x128xf32, #tpu.memory_space<vmem>>, vector<1x1x16xf32>,
        %get3A_316 = vector.shape_cast %get3A_315 : vector<1x1x16xf32> to vector<16xf32>
        %mul3A_317 = arith.mulf %get3A_286, %get3A_271 : vector<16xf32>
        %add3A_318 = arith.addf %add3A_202, %mul3A_317 : vector<16xf32>
        %mul3A_319 = arith.mulf %get3A_296, %get3A_276 : vector<16xf32>
        %add3A_320 = arith.addf %add3A_204, %mul3A_319 : vector<16xf32>
        %mul3A_321 = arith.mulf %get3A_306, %get3A_271 : vector<16xf32>
        %add3A_322 = arith.addf %add3A_206, %mul3A_321 : vector<16xf32>
        %mul3A_323 = arith.mulf %get3A_316, %get3A_276 : vector<16xf32>
        %add3A_324 = arith.addf %add3A_208, %mul3A_323 : vector<16xf32>
        %get3A_325 = arith.constant 4 : i32
        %get3A_326 = arith.index_cast %get3A_325 : i32 to index
        %get3A_327 = arith.constant 0 : index
        %get3A_328 = tpu.vector_load %arg8[%get3A_326, %get3A_327] {strides = array<i32>} : memref<32x32xf32, #tpu.memory_space<vmem>>, vector<1x16xf32>,
        %get3A_329 = vector.shape_cast %get3A_328 : vector<1x16xf32> to vector<16xf32>
        %get3A_330 = arith.constant 4 : i32
        %get3A_331 = arith.index_cast %get3A_330 : i32 to index
        %get3A_332 = arith.constant 16 : index
        %get3A_333 = tpu.vector_load %arg8[%get3A_331, %get3A_332] {strides = array<i32>} : memref<32x32xf32, #tpu.memory_space<vmem>>, vector<1x16xf32>,
        %get3A_334 = vector.shape_cast %get3A_333 : vector<1x16xf32> to vector<16xf32>
        %mul3A_335 = arith.constant 32 : i32
        %mul3A_336 = arith.muli %mul3A_90, %mul3A_335 : i32
        %add3A_337 = arith.constant 4 : i32
        %add3A_338 = arith.addi %mul3A_336, %add3A_337 : i32
        %get3A_339 = arith.constant 1 : i32
        %get3A_340 = arith.index_cast %get3A_339 : i32 to index
        %get3A_341 = arith.index_cast %add3A_338 : i32 to index
        %get3A_342 = arith.constant 0 : index
        %get3A_343 = tpu.vector_load %arg7[%get3A_340, %get3A_341, %get3A_342] {strides = array<i32>} : memref<2x256x128xf32, #tpu.memory_space<vmem>>, vector<1x1x16xf32>,
        %get3A_344 = vector.shape_cast %get3A_343 : vector<1x1x16xf32> to vector<16xf32>
        %mul3A_345 = arith.constant 32 : i32
        %mul3A_346 = arith.muli %mul3A_90, %mul3A_345 : i32
        %add3A_347 = arith.constant 4 : i32
        %add3A_348 = arith.addi %mul3A_346, %add3A_347 : i32
        %get3A_349 = arith.constant 1 : i32
        %get3A_350 = arith.index_cast %get3A_349 : i32 to index
        %get3A_351 = arith.index_cast %add3A_348 : i32 to index
        %get3A_352 = arith.constant 16 : index
        %get3A_353 = tpu.vector_load %arg7[%get3A_350, %get3A_351, %get3A_352] {strides = array<i32>} : memref<2x256x128xf32, #tpu.memory_space<vmem>>, vector<1x1x16xf32>,
        %get3A_354 = vector.shape_cast %get3A_353 : vector<1x1x16xf32> to vector<16xf32>
        %mul3A_355 = arith.constant 32 : i32
        %mul3A_356 = arith.muli %add3A_92, %mul3A_355 : i32
        %add3A_357 = arith.constant 4 : i32
        %add3A_358 = arith.addi %mul3A_356, %add3A_357 : i32
        %get3A_359 = arith.constant 1 : i32
        %get3A_360 = arith.index_cast %get3A_359 : i32 to index
        %get3A_361 = arith.index_cast %add3A_358 : i32 to index
        %get3A_362 = arith.constant 0 : index
        %get3A_363 = tpu.vector_load %arg7[%get3A_360, %get3A_361, %get3A_362] {strides = array<i32>} : memref<2x256x128xf32, #tpu.memory_space<vmem>>, vector<1x1x16xf32>,
        %get3A_364 = vector.shape_cast %get3A_363 : vector<1x1x16xf32> to vector<16xf32>
        %mul3A_365 = arith.constant 32 : i32
        %mul3A_366 = arith.muli %add3A_92, %mul3A_365 : i32
        %add3A_367 = arith.constant 4 : i32
        %add3A_368 = arith.addi %mul3A_366, %add3A_367 : i32
        %get3A_369 = arith.constant 1 : i32
        %get3A_370 = arith.index_cast %get3A_369 : i32 to index
        %get3A_371 = arith.index_cast %add3A_368 : i32 to index
        %get3A_372 = arith.constant 16 : index
        %get3A_373 = tpu.vector_load %arg7[%get3A_370, %get3A_371, %get3A_372] {strides = array<i32>} : memref<2x256x128xf32, #tpu.memory_space<vmem>>, vector<1x1x16xf32>,
        %get3A_374 = vector.shape_cast %get3A_373 : vector<1x1x16xf32> to vector<16xf32>
        %mul3A_375 = arith.mulf %get3A_344, %get3A_329 : vector<16xf32>
        %add3A_376 = arith.addf %add3A_260, %mul3A_375 : vector<16xf32>
        %mul3A_377 = arith.mulf %get3A_354, %get3A_334 : vector<16xf32>
        %add3A_378 = arith.addf %add3A_262, %mul3A_377 : vector<16xf32>
        %mul3A_379 = arith.mulf %get3A_364, %get3A_329 : vector<16xf32>
        %add3A_380 = arith.addf %add3A_264, %mul3A_379 : vector<16xf32>
        %mul3A_381 = arith.mulf %get3A_374, %get3A_334 : vector<16xf32>
        %add3A_382 = arith.addf %add3A_266, %mul3A_381 : vector<16xf32>
        %get3A_383 = arith.constant 5 : i32
        %get3A_384 = arith.index_cast %get3A_383 : i32 to index
        %get3A_385 = arith.constant 0 : index
        %get3A_386 = tpu.vector_load %arg8[%get3A_384, %get3A_385] {strides = array<i32>} : memref<32x32xf32, #tpu.memory_space<vmem>>, vector<1x16xf32>,
        %get3A_387 = vector.shape_cast %get3A_386 : vector<1x16xf32> to vector<16xf32>
        %get3A_388 = arith.constant 5 : i32
        %get3A_389 = arith.index_cast %get3A_388 : i32 to index
        %get3A_390 = arith.constant 16 : index
        %get3A_391 = tpu.vector_load %arg8[%get3A_389, %get3A_390] {strides = array<i32>} : memref<32x32xf32, #tpu.memory_space<vmem>>, vector<1x16xf32>,
        %get3A_392 = vector.shape_cast %get3A_391 : vector<1x16xf32> to vector<16xf32>
        %mul3A_393 = arith.constant 32 : i32
        %mul3A_394 = arith.muli %mul3A_90, %mul3A_393 : i32
        %add3A_395 = arith.constant 5 : i32
        %add3A_396 = arith.addi %mul3A_394, %add3A_395 : i32
        %get3A_397 = arith.constant 1 : i32
        %get3A_398 = arith.index_cast %get3A_397 : i32 to index
        %get3A_399 = arith.index_cast %add3A_396 : i32 to index
        %get3A_400 = arith.constant 0 : index
        %get3A_401 = tpu.vector_load %arg7[%get3A_398, %get3A_399, %get3A_400] {strides = array<i32>} : memref<2x256x128xf32, #tpu.memory_space<vmem>>, vector<1x1x16xf32>,
        %get3A_402 = vector.shape_cast %get3A_401 : vector<1x1x16xf32> to vector<16xf32>
        %mul3A_403 = arith.constant 32 : i32
        %mul3A_404 = arith.muli %mul3A_90, %mul3A_403 : i32
        %add3A_405 = arith.constant 5 : i32
        %add3A_406 = arith.addi %mul3A_404, %add3A_405 : i32
        %get3A_407 = arith.constant 1 : i32
        %get3A_408 = arith.index_cast %get3A_407 : i32 to index
        %get3A_409 = arith.index_cast %add3A_406 : i32 to index
        %get3A_410 = arith.constant 16 : index
        %get3A_411 = tpu.vector_load %arg7[%get3A_408, %get3A_409, %get3A_410] {strides = array<i32>} : memref<2x256x128xf32, #tpu.memory_space<vmem>>, vector<1x1x16xf32>,
        %get3A_412 = vector.shape_cast %get3A_411 : vector<1x1x16xf32> to vector<16xf32>
        %mul3A_413 = arith.constant 32 : i32
        %mul3A_414 = arith.muli %add3A_92, %mul3A_413 : i32
        %add3A_415 = arith.constant 5 : i32
        %add3A_416 = arith.addi %mul3A_414, %add3A_415 : i32
        %get3A_417 = arith.constant 1 : i32
        %get3A_418 = arith.index_cast %get3A_417 : i32 to index
        %get3A_419 = arith.index_cast %add3A_416 : i32 to index
        %get3A_420 = arith.constant 0 : index
        %get3A_421 = tpu.vector_load %arg7[%get3A_418, %get3A_419, %get3A_420] {strides = array<i32>} : memref<2x256x128xf32, #tpu.memory_space<vmem>>, vector<1x1x16xf32>,
        %get3A_422 = vector.shape_cast %get3A_421 : vector<1x1x16xf32> to vector<16xf32>
        %mul3A_423 = arith.constant 32 : i32
        %mul3A_424 = arith.muli %add3A_92, %mul3A_423 : i32
        %add3A_425 = arith.constant 5 : i32
        %add3A_426 = arith.addi %mul3A_424, %add3A_425 : i32
        %get3A_427 = arith.constant 1 : i32
        %get3A_428 = arith.index_cast %get3A_427 : i32 to index
        %get3A_429 = arith.index_cast %add3A_426 : i32 to index
        %get3A_430 = arith.constant 16 : index
        %get3A_431 = tpu.vector_load %arg7[%get3A_428, %get3A_429, %get3A_430] {strides = array<i32>} : memref<2x256x128xf32, #tpu.memory_space<vmem>>, vector<1x1x16xf32>,
        %get3A_432 = vector.shape_cast %get3A_431 : vector<1x1x16xf32> to vector<16xf32>
        %mul3A_433 = arith.mulf %get3A_402, %get3A_387 : vector<16xf32>
        %add3A_434 = arith.addf %add3A_318, %mul3A_433 : vector<16xf32>
        %mul3A_435 = arith.mulf %get3A_412, %get3A_392 : vector<16xf32>
        %add3A_436 = arith.addf %add3A_320, %mul3A_435 : vector<16xf32>
        %mul3A_437 = arith.mulf %get3A_422, %get3A_387 : vector<16xf32>
        %add3A_438 = arith.addf %add3A_322, %mul3A_437 : vector<16xf32>
        %mul3A_439 = arith.mulf %get3A_432, %get3A_392 : vector<16xf32>
        %add3A_440 = arith.addf %add3A_324, %mul3A_439 : vector<16xf32>
        %get3A_441 = arith.constant 6 : i32
        %get3A_442 = arith.index_cast %get3A_441 : i32 to index
        %get3A_443 = arith.constant 0 : index
        %get3A_444 = tpu.vector_load %arg8[%get3A_442, %get3A_443] {strides = array<i32>} : memref<32x32xf32, #tpu.memory_space<vmem>>, vector<1x16xf32>,
        %get3A_445 = vector.shape_cast %get3A_444 : vector<1x16xf32> to vector<16xf32>
        %get3A_446 = arith.constant 6 : i32
        %get3A_447 = arith.index_cast %get3A_446 : i32 to index
        %get3A_448 = arith.constant 16 : index
        %get3A_449 = tpu.vector_load %arg8[%get3A_447, %get3A_448] {strides = array<i32>} : memref<32x32xf32, #tpu.memory_space<vmem>>, vector<1x16xf32>,
        %get3A_450 = vector.shape_cast %get3A_449 : vector<1x16xf32> to vector<16xf32>
        %mul3A_451 = arith.constant 32 : i32
        %mul3A_452 = arith.muli %mul3A_90, %mul3A_451 : i32
        %add3A_453 = arith.constant 6 : i32
        %add3A_454 = arith.addi %mul3A_452, %add3A_453 : i32
        %get3A_455 = arith.constant 1 : i32
        %get3A_456 = arith.index_cast %get3A_455 : i32 to index
        %get3A_457 = arith.index_cast %add3A_454 : i32 to index
        %get3A_458 = arith.constant 0 : index
        %get3A_459 = tpu.vector_load %arg7[%get3A_456, %get3A_457, %get3A_458] {strides = array<i32>} : memref<2x256x128xf32, #tpu.memory_space<vmem>>, vector<1x1x16xf32>,
        %get3A_460 = vector.shape_cast %get3A_459 : vector<1x1x16xf32> to vector<16xf32>
        %mul3A_461 = arith.constant 32 : i32
        %mul3A_462 = arith.muli %mul3A_90, %mul3A_461 : i32
        %add3A_463 = arith.constant 6 : i32
        %add3A_464 = arith.addi %mul3A_462, %add3A_463 : i32
        %get3A_465 = arith.constant 1 : i32
        %get3A_466 = arith.index_cast %get3A_465 : i32 to index
        %get3A_467 = arith.index_cast %add3A_464 : i32 to index
        %get3A_468 = arith.constant 16 : index
        %get3A_469 = tpu.vector_load %arg7[%get3A_466, %get3A_467, %get3A_468] {strides = array<i32>} : memref<2x256x128xf32, #tpu.memory_space<vmem>>, vector<1x1x16xf32>,
        %get3A_470 = vector.shape_cast %get3A_469 : vector<1x1x16xf32> to vector<16xf32>
        %mul3A_471 = arith.constant 32 : i32
        %mul3A_472 = arith.muli %add3A_92, %mul3A_471 : i32
        %add3A_473 = arith.constant 6 : i32
        %add3A_474 = arith.addi %mul3A_472, %add3A_473 : i32
        %get3A_475 = arith.constant 1 : i32
        %get3A_476 = arith.index_cast %get3A_475 : i32 to index
        %get3A_477 = arith.index_cast %add3A_474 : i32 to index
        %get3A_478 = arith.constant 0 : index
        %get3A_479 = tpu.vector_load %arg7[%get3A_476, %get3A_477, %get3A_478] {strides = array<i32>} : memref<2x256x128xf32, #tpu.memory_space<vmem>>, vector<1x1x16xf32>,
        %get3A_480 = vector.shape_cast %get3A_479 : vector<1x1x16xf32> to vector<16xf32>
        %mul3A_481 = arith.constant 32 : i32
        %mul3A_482 = arith.muli %add3A_92, %mul3A_481 : i32
        %add3A_483 = arith.constant 6 : i32
        %add3A_484 = arith.addi %mul3A_482, %add3A_483 : i32
        %get3A_485 = arith.constant 1 : i32
        %get3A_486 = arith.index_cast %get3A_485 : i32 to index
        %get3A_487 = arith.index_cast %add3A_484 : i32 to index
        %get3A_488 = arith.constant 16 : index
        %get3A_489 = tpu.vector_load %arg7[%get3A_486, %get3A_487, %get3A_488] {strides = array<i32>} : memref<2x256x128xf32, #tpu.memory_space<vmem>>, vector<1x1x16xf32>,
        %get3A_490 = vector.shape_cast %get3A_489 : vector<1x1x16xf32> to vector<16xf32>
        %mul3A_491 = arith.mulf %get3A_460, %get3A_445 : vector<16xf32>
        %add3A_492 = arith.addf %add3A_376, %mul3A_491 : vector<16xf32>
        %mul3A_493 = arith.mulf %get3A_470, %get3A_450 : vector<16xf32>
        %add3A_494 = arith.addf %add3A_378, %mul3A_493 : vector<16xf32>
        %mul3A_495 = arith.mulf %get3A_480, %get3A_445 : vector<16xf32>
        %add3A_496 = arith.addf %add3A_380, %mul3A_495 : vector<16xf32>
        %mul3A_497 = arith.mulf %get3A_490, %get3A_450 : vector<16xf32>
        %add3A_498 = arith.addf %add3A_382, %mul3A_497 : vector<16xf32>
        %get3A_499 = arith.constant 7 : i32
        %get3A_500 = arith.index_cast %get3A_499 : i32 to index
        %get3A_501 = arith.constant 0 : index
        %get3A_502 = tpu.vector_load %arg8[%get3A_500, %get3A_501] {strides = array<i32>} : memref<32x32xf32, #tpu.memory_space<vmem>>, vector<1x16xf32>,
        %get3A_503 = vector.shape_cast %get3A_502 : vector<1x16xf32> to vector<16xf32>
        %get3A_504 = arith.constant 7 : i32
        %get3A_505 = arith.index_cast %get3A_504 : i32 to index
        %get3A_506 = arith.constant 16 : index
        %get3A_507 = tpu.vector_load %arg8[%get3A_505, %get3A_506] {strides = array<i32>} : memref<32x32xf32, #tpu.memory_space<vmem>>, vector<1x16xf32>,
        %get3A_508 = vector.shape_cast %get3A_507 : vector<1x16xf32> to vector<16xf32>
        %mul3A_509 = arith.constant 32 : i32
        %mul3A_510 = arith.muli %mul3A_90, %mul3A_509 : i32
        %add3A_511 = arith.constant 7 : i32
        %add3A_512 = arith.addi %mul3A_510, %add3A_511 : i32
        %get3A_513 = arith.constant 1 : i32
        %get3A_514 = arith.index_cast %get3A_513 : i32 to index
        %get3A_515 = arith.index_cast %add3A_512 : i32 to index
        %get3A_516 = arith.constant 0 : index
        %get3A_517 = tpu.vector_load %arg7[%get3A_514, %get3A_515, %get3A_516] {strides = array<i32>} : memref<2x256x128xf32, #tpu.memory_space<vmem>>, vector<1x1x16xf32>,
        %get3A_518 = vector.shape_cast %get3A_517 : vector<1x1x16xf32> to vector<16xf32>
        %mul3A_519 = arith.constant 32 : i32
        %mul3A_520 = arith.muli %mul3A_90, %mul3A_519 : i32
        %add3A_521 = arith.constant 7 : i32
        %add3A_522 = arith.addi %mul3A_520, %add3A_521 : i32
        %get3A_523 = arith.constant 1 : i32
        %get3A_524 = arith.index_cast %get3A_523 : i32 to index
        %get3A_525 = arith.index_cast %add3A_522 : i32 to index
        %get3A_526 = arith.constant 16 : index
        %get3A_527 = tpu.vector_load %arg7[%get3A_524, %get3A_525, %get3A_526] {strides = array<i32>} : memref<2x256x128xf32, #tpu.memory_space<vmem>>, vector<1x1x16xf32>,
        %get3A_528 = vector.shape_cast %get3A_527 : vector<1x1x16xf32> to vector<16xf32>
        %mul3A_529 = arith.constant 32 : i32
        %mul3A_530 = arith.muli %add3A_92, %mul3A_529 : i32
        %add3A_531 = arith.constant 7 : i32
        %add3A_532 = arith.addi %mul3A_530, %add3A_531 : i32
        %get3A_533 = arith.constant 1 : i32
        %get3A_534 = arith.index_cast %get3A_533 : i32 to index
        %get3A_535 = arith.index_cast %add3A_532 : i32 to index
        %get3A_536 = arith.constant 0 : index
        %get3A_537 = tpu.vector_load %arg7[%get3A_534, %get3A_535, %get3A_536] {strides = array<i32>} : memref<2x256x128xf32, #tpu.memory_space<vmem>>, vector<1x1x16xf32>,
        %get3A_538 = vector.shape_cast %get3A_537 : vector<1x1x16xf32> to vector<16xf32>
        %mul3A_539 = arith.constant 32 : i32
        %mul3A_540 = arith.muli %add3A_92, %mul3A_539 : i32
        %add3A_541 = arith.constant 7 : i32
        %add3A_542 = arith.addi %mul3A_540, %add3A_541 : i32
        %get3A_543 = arith.constant 1 : i32
        %get3A_544 = arith.index_cast %get3A_543 : i32 to index
        %get3A_545 = arith.index_cast %add3A_542 : i32 to index
        %get3A_546 = arith.constant 16 : index
        %get3A_547 = tpu.vector_load %arg7[%get3A_544, %get3A_545, %get3A_546] {strides = array<i32>} : memref<2x256x128xf32, #tpu.memory_space<vmem>>, vector<1x1x16xf32>,
        %get3A_548 = vector.shape_cast %get3A_547 : vector<1x1x16xf32> to vector<16xf32>
        %mul3A_549 = arith.mulf %get3A_518, %get3A_503 : vector<16xf32>
        %add3A_550 = arith.addf %add3A_434, %mul3A_549 : vector<16xf32>
        %mul3A_551 = arith.mulf %get3A_528, %get3A_508 : vector<16xf32>
        %add3A_552 = arith.addf %add3A_436, %mul3A_551 : vector<16xf32>
        %mul3A_553 = arith.mulf %get3A_538, %get3A_503 : vector<16xf32>
        %add3A_554 = arith.addf %add3A_438, %mul3A_553 : vector<16xf32>
        %mul3A_555 = arith.mulf %get3A_548, %get3A_508 : vector<16xf32>
        %add3A_556 = arith.addf %add3A_440, %mul3A_555 : vector<16xf32>
        %get3A_557 = arith.constant 8 : i32
        %get3A_558 = arith.index_cast %get3A_557 : i32 to index
        %get3A_559 = arith.constant 0 : index
        %get3A_560 = tpu.vector_load %arg8[%get3A_558, %get3A_559] {strides = array<i32>} : memref<32x32xf32, #tpu.memory_space<vmem>>, vector<1x16xf32>,
        %get3A_561 = vector.shape_cast %get3A_560 : vector<1x16xf32> to vector<16xf32>
        %get3A_562 = arith.constant 8 : i32
        %get3A_563 = arith.index_cast %get3A_562 : i32 to index
        %get3A_564 = arith.constant 16 : index
        %get3A_565 = tpu.vector_load %arg8[%get3A_563, %get3A_564] {strides = array<i32>} : memref<32x32xf32, #tpu.memory_space<vmem>>, vector<1x16xf32>,
        %get3A_566 = vector.shape_cast %get3A_565 : vector<1x16xf32> to vector<16xf32>
        %mul3A_567 = arith.constant 32 : i32
        %mul3A_568 = arith.muli %mul3A_90, %mul3A_567 : i32
        %add3A_569 = arith.constant 8 : i32
        %add3A_570 = arith.addi %mul3A_568, %add3A_569 : i32
        %get3A_571 = arith.constant 1 : i32
        %get3A_572 = arith.index_cast %get3A_571 : i32 to index
        %get3A_573 = arith.index_cast %add3A_570 : i32 to index
        %get3A_574 = arith.constant 0 : index
        %get3A_575 = tpu.vector_load %arg7[%get3A_572, %get3A_573, %get3A_574] {strides = array<i32>} : memref<2x256x128xf32, #tpu.memory_space<vmem>>, vector<1x1x16xf32>,
        %get3A_576 = vector.shape_cast %get3A_575 : vector<1x1x16xf32> to vector<16xf32>
        %mul3A_577 = arith.constant 32 : i32
        %mul3A_578 = arith.muli %mul3A_90, %mul3A_577 : i32
        %add3A_579 = arith.constant 8 : i32
        %add3A_580 = arith.addi %mul3A_578, %add3A_579 : i32
        %get3A_581 = arith.constant 1 : i32
        %get3A_582 = arith.index_cast %get3A_581 : i32 to index
        %get3A_583 = arith.index_cast %add3A_580 : i32 to index
        %get3A_584 = arith.constant 16 : index
        %get3A_585 = tpu.vector_load %arg7[%get3A_582, %get3A_583, %get3A_584] {strides = array<i32>} : memref<2x256x128xf32, #tpu.memory_space<vmem>>, vector<1x1x16xf32>,
        %get3A_586 = vector.shape_cast %get3A_585 : vector<1x1x16xf32> to vector<16xf32>
        %mul3A_587 = arith.constant 32 : i32
        %mul3A_588 = arith.muli %add3A_92, %mul3A_587 : i32
        %add3A_589 = arith.constant 8 : i32
        %add3A_590 = arith.addi %mul3A_588, %add3A_589 : i32
        %get3A_591 = arith.constant 1 : i32
        %get3A_592 = arith.index_cast %get3A_591 : i32 to index
        %get3A_593 = arith.index_cast %add3A_590 : i32 to index
        %get3A_594 = arith.constant 0 : index
        %get3A_595 = tpu.vector_load %arg7[%get3A_592, %get3A_593, %get3A_594] {strides = array<i32>} : memref<2x256x128xf32, #tpu.memory_space<vmem>>, vector<1x1x16xf32>,
        %get3A_596 = vector.shape_cast %get3A_595 : vector<1x1x16xf32> to vector<16xf32>
        %mul3A_597 = arith.constant 32 : i32
        %mul3A_598 = arith.muli %add3A_92, %mul3A_597 : i32
        %add3A_599 = arith.constant 8 : i32
        %add3A_600 = arith.addi %mul3A_598, %add3A_599 : i32
        %get3A_601 = arith.constant 1 : i32
        %get3A_602 = arith.index_cast %get3A_601 : i32 to index
        %get3A_603 = arith.index_cast %add3A_600 : i32 to index
        %get3A_604 = arith.constant 16 : index
        %get3A_605 = tpu.vector_load %arg7[%get3A_602, %get3A_603, %get3A_604] {strides = array<i32>} : memref<2x256x128xf32, #tpu.memory_space<vmem>>, vector<1x1x16xf32>,
        %get3A_606 = vector.shape_cast %get3A_605 : vector<1x1x16xf32> to vector<16xf32>
        %mul3A_607 = arith.mulf %get3A_576, %get3A_561 : vector<16xf32>
        %add3A_608 = arith.addf %add3A_492, %mul3A_607 : vector<16xf32>
        %mul3A_609 = arith.mulf %get3A_586, %get3A_566 : vector<16xf32>
        %add3A_610 = arith.addf %add3A_494, %mul3A_609 : vector<16xf32>
        %mul3A_611 = arith.mulf %get3A_596, %get3A_561 : vector<16xf32>
        %add3A_612 = arith.addf %add3A_496, %mul3A_611 : vector<16xf32>
        %mul3A_613 = arith.mulf %get3A_606, %get3A_566 : vector<16xf32>
        %add3A_614 = arith.addf %add3A_498, %mul3A_613 : vector<16xf32>
        %get3A_615 = arith.constant 9 : i32
        %get3A_616 = arith.index_cast %get3A_615 : i32 to index
        %get3A_617 = arith.constant 0 : index
        %get3A_618 = tpu.vector_load %arg8[%get3A_616, %get3A_617] {strides = array<i32>} : memref<32x32xf32, #tpu.memory_space<vmem>>, vector<1x16xf32>,
        %get3A_619 = vector.shape_cast %get3A_618 : vector<1x16xf32> to vector<16xf32>
        %get3A_620 = arith.constant 9 : i32
        %get3A_621 = arith.index_cast %get3A_620 : i32 to index
        %get3A_622 = arith.constant 16 : index
        %get3A_623 = tpu.vector_load %arg8[%get3A_621, %get3A_622] {strides = array<i32>} : memref<32x32xf32, #tpu.memory_space<vmem>>, vector<1x16xf32>,
        %get3A_624 = vector.shape_cast %get3A_623 : vector<1x16xf32> to vector<16xf32>
        %mul3A_625 = arith.constant 32 : i32
        %mul3A_626 = arith.muli %mul3A_90, %mul3A_625 : i32
        %add3A_627 = arith.constant 9 : i32
        %add3A_628 = arith.addi %mul3A_626, %add3A_627 : i32
        %get3A_629 = arith.constant 1 : i32
        %get3A_630 = arith.index_cast %get3A_629 : i32 to index
        %get3A_631 = arith.index_cast %add3A_628 : i32 to index
        %get3A_632 = arith.constant 0 : index
        %get3A_633 = tpu.vector_load %arg7[%get3A_630, %get3A_631, %get3A_632] {strides = array<i32>} : memref<2x256x128xf32, #tpu.memory_space<vmem>>, vector<1x1x16xf32>,
        %get3A_634 = vector.shape_cast %get3A_633 : vector<1x1x16xf32> to vector<16xf32>
        %mul3A_635 = arith.constant 32 : i32
        %mul3A_636 = arith.muli %mul3A_90, %mul3A_635 : i32
        %add3A_637 = arith.constant 9 : i32
        %add3A_638 = arith.addi %mul3A_636, %add3A_637 : i32
        %get3A_639 = arith.constant 1 : i32
        %get3A_640 = arith.index_cast %get3A_639 : i32 to index
        %get3A_641 = arith.index_cast %add3A_638 : i32 to index
        %get3A_642 = arith.constant 16 : index
        %get3A_643 = tpu.vector_load %arg7[%get3A_640, %get3A_641, %get3A_642] {strides = array<i32>} : memref<2x256x128xf32, #tpu.memory_space<vmem>>, vector<1x1x16xf32>,
        %get3A_644 = vector.shape_cast %get3A_643 : vector<1x1x16xf32> to vector<16xf32>
        %mul3A_645 = arith.constant 32 : i32
        %mul3A_646 = arith.muli %add3A_92, %mul3A_645 : i32
        %add3A_647 = arith.constant 9 : i32
        %add3A_648 = arith.addi %mul3A_646, %add3A_647 : i32
        %get3A_649 = arith.constant 1 : i32
        %get3A_650 = arith.index_cast %get3A_649 : i32 to index
        %get3A_651 = arith.index_cast %add3A_648 : i32 to index
        %get3A_652 = arith.constant 0 : index
        %get3A_653 = tpu.vector_load %arg7[%get3A_650, %get3A_651, %get3A_652] {strides = array<i32>} : memref<2x256x128xf32, #tpu.memory_space<vmem>>, vector<1x1x16xf32>,
        %get3A_654 = vector.shape_cast %get3A_653 : vector<1x1x16xf32> to vector<16xf32>
        %mul3A_655 = arith.constant 32 : i32
        %mul3A_656 = arith.muli %add3A_92, %mul3A_655 : i32
        %add3A_657 = arith.constant 9 : i32
        %add3A_658 = arith.addi %mul3A_656, %add3A_657 : i32
        %get3A_659 = arith.constant 1 : i32
        %get3A_660 = arith.index_cast %get3A_659 : i32 to index
        %get3A_661 = arith.index_cast %add3A_658 : i32 to index
        %get3A_662 = arith.constant 16 : index
        %get3A_663 = tpu.vector_load %arg7[%get3A_660, %get3A_661, %get3A_662] {strides = array<i32>} : memref<2x256x128xf32, #tpu.memory_space<vmem>>, vector<1x1x16xf32>,
        %get3A_664 = vector.shape_cast %get3A_663 : vector<1x1x16xf32> to vector<16xf32>
        %mul3A_665 = arith.mulf %get3A_634, %get3A_619 : vector<16xf32>
        %add3A_666 = arith.addf %add3A_550, %mul3A_665 : vector<16xf32>
        %mul3A_667 = arith.mulf %get3A_644, %get3A_624 : vector<16xf32>
        %add3A_668 = arith.addf %add3A_552, %mul3A_667 : vector<16xf32>
        %mul3A_669 = arith.mulf %get3A_654, %get3A_619 : vector<16xf32>
        %add3A_670 = arith.addf %add3A_554, %mul3A_669 : vector<16xf32>
        %mul3A_671 = arith.mulf %get3A_664, %get3A_624 : vector<16xf32>
        %add3A_672 = arith.addf %add3A_556, %mul3A_671 : vector<16xf32>
        %get3A_673 = arith.constant 10 : i32
        %get3A_674 = arith.index_cast %get3A_673 : i32 to index
        %get3A_675 = arith.constant 0 : index
        %get3A_676 = tpu.vector_load %arg8[%get3A_674, %get3A_675] {strides = array<i32>} : memref<32x32xf32, #tpu.memory_space<vmem>>, vector<1x16xf32>,
        %get3A_677 = vector.shape_cast %get3A_676 : vector<1x16xf32> to vector<16xf32>
        %get3A_678 = arith.constant 10 : i32
        %get3A_679 = arith.index_cast %get3A_678 : i32 to index
        %get3A_680 = arith.constant 16 : index
        %get3A_681 = tpu.vector_load %arg8[%get3A_679, %get3A_680] {strides = array<i32>} : memref<32x32xf32, #tpu.memory_space<vmem>>, vector<1x16xf32>,
        %get3A_682 = vector.shape_cast %get3A_681 : vector<1x16xf32> to vector<16xf32>
        %mul3A_683 = arith.constant 32 : i32
        %mul3A_684 = arith.muli %mul3A_90, %mul3A_683 : i32
        %add3A_685 = arith.constant 10 : i32
        %add3A_686 = arith.addi %mul3A_684, %add3A_685 : i32
        %get3A_687 = arith.constant 1 : i32
        %get3A_688 = arith.index_cast %get3A_687 : i32 to index
        %get3A_689 = arith.index_cast %add3A_686 : i32 to index
        %get3A_690 = arith.constant 0 : index
        %get3A_691 = tpu.vector_load %arg7[%get3A_688, %get3A_689, %get3A_690] {strides = array<i32>} : memref<2x256x128xf32, #tpu.memory_space<vmem>>, vector<1x1x16xf32>,
        %get3A_692 = vector.shape_cast %get3A_691 : vector<1x1x16xf32> to vector<16xf32>
        %mul3A_693 = arith.constant 32 : i32
        %mul3A_694 = arith.muli %mul3A_90, %mul3A_693 : i32
        %add3A_695 = arith.constant 10 : i32
        %add3A_696 = arith.addi %mul3A_694, %add3A_695 : i32
        %get3A_697 = arith.constant 1 : i32
        %get3A_698 = arith.index_cast %get3A_697 : i32 to index
        %get3A_699 = arith.index_cast %add3A_696 : i32 to index
        %get3A_700 = arith.constant 16 : index
        %get3A_701 = tpu.vector_load %arg7[%get3A_698, %get3A_699, %get3A_700] {strides = array<i32>} : memref<2x256x128xf32, #tpu.memory_space<vmem>>, vector<1x1x16xf32>,
        %get3A_702 = vector.shape_cast %get3A_701 : vector<1x1x16xf32> to vector<16xf32>
        %mul3A_703 = arith.constant 32 : i32
        %mul3A_704 = arith.muli %add3A_92, %mul3A_703 : i32
        %add3A_705 = arith.constant 10 : i32
        %add3A_706 = arith.addi %mul3A_704, %add3A_705 : i32
        %get3A_707 = arith.constant 1 : i32
        %get3A_708 = arith.index_cast %get3A_707 : i32 to index
        %get3A_709 = arith.index_cast %add3A_706 : i32 to index
        %get3A_710 = arith.constant 0 : index
        %get3A_711 = tpu.vector_load %arg7[%get3A_708, %get3A_709, %get3A_710] {strides = array<i32>} : memref<2x256x128xf32, #tpu.memory_space<vmem>>, vector<1x1x16xf32>,
        %get3A_712 = vector.shape_cast %get3A_711 : vector<1x1x16xf32> to vector<16xf32>
        %mul3A_713 = arith.constant 32 : i32
        %mul3A_714 = arith.muli %add3A_92, %mul3A_713 : i32
        %add3A_715 = arith.constant 10 : i32
        %add3A_716 = arith.addi %mul3A_714, %add3A_715 : i32
        %get3A_717 = arith.constant 1 : i32
        %get3A_718 = arith.index_cast %get3A_717 : i32 to index
        %get3A_719 = arith.index_cast %add3A_716 : i32 to index
        %get3A_720 = arith.constant 16 : index
        %get3A_721 = tpu.vector_load %arg7[%get3A_718, %get3A_719, %get3A_720] {strides = array<i32>} : memref<2x256x128xf32, #tpu.memory_space<vmem>>, vector<1x1x16xf32>,
        %get3A_722 = vector.shape_cast %get3A_721 : vector<1x1x16xf32> to vector<16xf32>
        %mul3A_723 = arith.mulf %get3A_692, %get3A_677 : vector<16xf32>
        %add3A_724 = arith.addf %add3A_608, %mul3A_723 : vector<16xf32>
        %mul3A_725 = arith.mulf %get3A_702, %get3A_682 : vector<16xf32>
        %add3A_726 = arith.addf %add3A_610, %mul3A_725 : vector<16xf32>
        %mul3A_727 = arith.mulf %get3A_712, %get3A_677 : vector<16xf32>
        %add3A_728 = arith.addf %add3A_612, %mul3A_727 : vector<16xf32>
        %mul3A_729 = arith.mulf %get3A_722, %get3A_682 : vector<16xf32>
        %add3A_730 = arith.addf %add3A_614, %mul3A_729 : vector<16xf32>
        %get3A_731 = arith.constant 11 : i32
        %get3A_732 = arith.index_cast %get3A_731 : i32 to index
        %get3A_733 = arith.constant 0 : index
        %get3A_734 = tpu.vector_load %arg8[%get3A_732, %get3A_733] {strides = array<i32>} : memref<32x32xf32, #tpu.memory_space<vmem>>, vector<1x16xf32>,
        %get3A_735 = vector.shape_cast %get3A_734 : vector<1x16xf32> to vector<16xf32>
        %get3A_736 = arith.constant 11 : i32
        %get3A_737 = arith.index_cast %get3A_736 : i32 to index
        %get3A_738 = arith.constant 16 : index
        %get3A_739 = tpu.vector_load %arg8[%get3A_737, %get3A_738] {strides = array<i32>} : memref<32x32xf32, #tpu.memory_space<vmem>>, vector<1x16xf32>,
        %get3A_740 = vector.shape_cast %get3A_739 : vector<1x16xf32> to vector<16xf32>
        %mul3A_741 = arith.constant 32 : i32
        %mul3A_742 = arith.muli %mul3A_90, %mul3A_741 : i32
        %add3A_743 = arith.constant 11 : i32
        %add3A_744 = arith.addi %mul3A_742, %add3A_743 : i32
        %get3A_745 = arith.constant 1 : i32
        %get3A_746 = arith.index_cast %get3A_745 : i32 to index
        %get3A_747 = arith.index_cast %add3A_744 : i32 to index
        %get3A_748 = arith.constant 0 : index
        %get3A_749 = tpu.vector_load %arg7[%get3A_746, %get3A_747, %get3A_748] {strides = array<i32>} : memref<2x256x128xf32, #tpu.memory_space<vmem>>, vector<1x1x16xf32>,
        %get3A_750 = vector.shape_cast %get3A_749 : vector<1x1x16xf32> to vector<16xf32>
        %mul3A_751 = arith.constant 32 : i32
        %mul3A_752 = arith.muli %mul3A_90, %mul3A_751 : i32
        %add3A_753 = arith.constant 11 : i32
        %add3A_754 = arith.addi %mul3A_752, %add3A_753 : i32
        %get3A_755 = arith.constant 1 : i32
        %get3A_756 = arith.index_cast %get3A_755 : i32 to index
        %get3A_757 = arith.index_cast %add3A_754 : i32 to index
        %get3A_758 = arith.constant 16 : index
        %get3A_759 = tpu.vector_load %arg7[%get3A_756, %get3A_757, %get3A_758] {strides = array<i32>} : memref<2x256x128xf32, #tpu.memory_space<vmem>>, vector<1x1x16xf32>,
        %get3A_760 = vector.shape_cast %get3A_759 : vector<1x1x16xf32> to vector<16xf32>
        %mul3A_761 = arith.constant 32 : i32
        %mul3A_762 = arith.muli %add3A_92, %mul3A_761 : i32
        %add3A_763 = arith.constant 11 : i32
        %add3A_764 = arith.addi %mul3A_762, %add3A_763 : i32
        %get3A_765 = arith.constant 1 : i32
        %get3A_766 = arith.index_cast %get3A_765 : i32 to index
        %get3A_767 = arith.index_cast %add3A_764 : i32 to index
        %get3A_768 = arith.constant 0 : index
        %get3A_769 = tpu.vector_load %arg7[%get3A_766, %get3A_767, %get3A_768] {strides = array<i32>} : memref<2x256x128xf32, #tpu.memory_space<vmem>>, vector<1x1x16xf32>,
        %get3A_770 = vector.shape_cast %get3A_769 : vector<1x1x16xf32> to vector<16xf32>
        %mul3A_771 = arith.constant 32 : i32
        %mul3A_772 = arith.muli %add3A_92, %mul3A_771 : i32
        %add3A_773 = arith.constant 11 : i32
        %add3A_774 = arith.addi %mul3A_772, %add3A_773 : i32
        %get3A_775 = arith.constant 1 : i32
        %get3A_776 = arith.index_cast %get3A_775 : i32 to index
        %get3A_777 = arith.index_cast %add3A_774 : i32 to index
        %get3A_778 = arith.constant 16 : index
        %get3A_779 = tpu.vector_load %arg7[%get3A_776, %get3A_777, %get3A_778] {strides = array<i32>} : memref<2x256x128xf32, #tpu.memory_space<vmem>>, vector<1x1x16xf32>,
        %get3A_780 = vector.shape_cast %get3A_779 : vector<1x1x16xf32> to vector<16xf32>
        %mul3A_781 = arith.mulf %get3A_750, %get3A_735 : vector<16xf32>
        %add3A_782 = arith.addf %add3A_666, %mul3A_781 : vector<16xf32>
        %mul3A_783 = arith.mulf %get3A_760, %get3A_740 : vector<16xf32>
        %add3A_784 = arith.addf %add3A_668, %mul3A_783 : vector<16xf32>
        %mul3A_785 = arith.mulf %get3A_770, %get3A_735 : vector<16xf32>
        %add3A_786 = arith.addf %add3A_670, %mul3A_785 : vector<16xf32>
        %mul3A_787 = arith.mulf %get3A_780, %get3A_740 : vector<16xf32>
        %add3A_788 = arith.addf %add3A_672, %mul3A_787 : vector<16xf32>
        %get3A_789 = arith.constant 12 : i32
        %get3A_790 = arith.index_cast %get3A_789 : i32 to index
        %get3A_791 = arith.constant 0 : index
        %get3A_792 = tpu.vector_load %arg8[%get3A_790, %get3A_791] {strides = array<i32>} : memref<32x32xf32, #tpu.memory_space<vmem>>, vector<1x16xf32>,
        %get3A_793 = vector.shape_cast %get3A_792 : vector<1x16xf32> to vector<16xf32>
        %get3A_794 = arith.constant 12 : i32
        %get3A_795 = arith.index_cast %get3A_794 : i32 to index
        %get3A_796 = arith.constant 16 : index
        %get3A_797 = tpu.vector_load %arg8[%get3A_795, %get3A_796] {strides = array<i32>} : memref<32x32xf32, #tpu.memory_space<vmem>>, vector<1x16xf32>,
        %get3A_798 = vector.shape_cast %get3A_797 : vector<1x16xf32> to vector<16xf32>
        %mul3A_799 = arith.constant 32 : i32
        %mul3A_800 = arith.muli %mul3A_90, %mul3A_799 : i32
        %add3A_801 = arith.constant 12 : i32
        %add3A_802 = arith.addi %mul3A_800, %add3A_801 : i32
        %get3A_803 = arith.constant 1 : i32
        %get3A_804 = arith.index_cast %get3A_803 : i32 to index
        %get3A_805 = arith.index_cast %add3A_802 : i32 to index
        %get3A_806 = arith.constant 0 : index
        %get3A_807 = tpu.vector_load %arg7[%get3A_804, %get3A_805, %get3A_806] {strides = array<i32>} : memref<2x256x128xf32, #tpu.memory_space<vmem>>, vector<1x1x16xf32>,
        %get3A_808 = vector.shape_cast %get3A_807 : vector<1x1x16xf32> to vector<16xf32>
        %mul3A_809 = arith.constant 32 : i32
        %mul3A_810 = arith.muli %mul3A_90, %mul3A_809 : i32
        %add3A_811 = arith.constant 12 : i32
        %add3A_812 = arith.addi %mul3A_810, %add3A_811 : i32
        %get3A_813 = arith.constant 1 : i32
        %get3A_814 = arith.index_cast %get3A_813 : i32 to index
        %get3A_815 = arith.index_cast %add3A_812 : i32 to index
        %get3A_816 = arith.constant 16 : index
        %get3A_817 = tpu.vector_load %arg7[%get3A_814, %get3A_815, %get3A_816] {strides = array<i32>} : memref<2x256x128xf32, #tpu.memory_space<vmem>>, vector<1x1x16xf32>,
        %get3A_818 = vector.shape_cast %get3A_817 : vector<1x1x16xf32> to vector<16xf32>
        %mul3A_819 = arith.constant 32 : i32
        %mul3A_820 = arith.muli %add3A_92, %mul3A_819 : i32
        %add3A_821 = arith.constant 12 : i32
        %add3A_822 = arith.addi %mul3A_820, %add3A_821 : i32
        %get3A_823 = arith.constant 1 : i32
        %get3A_824 = arith.index_cast %get3A_823 : i32 to index
        %get3A_825 = arith.index_cast %add3A_822 : i32 to index
        %get3A_826 = arith.constant 0 : index
        %get3A_827 = tpu.vector_load %arg7[%get3A_824, %get3A_825, %get3A_826] {strides = array<i32>} : memref<2x256x128xf32, #tpu.memory_space<vmem>>, vector<1x1x16xf32>,
        %get3A_828 = vector.shape_cast %get3A_827 : vector<1x1x16xf32> to vector<16xf32>
        %mul3A_829 = arith.constant 32 : i32
        %mul3A_830 = arith.muli %add3A_92, %mul3A_829 : i32
        %add3A_831 = arith.constant 12 : i32
        %add3A_832 = arith.addi %mul3A_830, %add3A_831 : i32
        %get3A_833 = arith.constant 1 : i32
        %get3A_834 = arith.index_cast %get3A_833 : i32 to index
        %get3A_835 = arith.index_cast %add3A_832 : i32 to index
        %get3A_836 = arith.constant 16 : index
        %get3A_837 = tpu.vector_load %arg7[%get3A_834, %get3A_835, %get3A_836] {strides = array<i32>} : memref<2x256x128xf32, #tpu.memory_space<vmem>>, vector<1x1x16xf32>,
        %get3A_838 = vector.shape_cast %get3A_837 : vector<1x1x16xf32> to vector<16xf32>
        %mul3A_839 = arith.mulf %get3A_808, %get3A_793 : vector<16xf32>
        %add3A_840 = arith.addf %add3A_724, %mul3A_839 : vector<16xf32>
        %mul3A_841 = arith.mulf %get3A_818, %get3A_798 : vector<16xf32>
        %add3A_842 = arith.addf %add3A_726, %mul3A_841 : vector<16xf32>
        %mul3A_843 = arith.mulf %get3A_828, %get3A_793 : vector<16xf32>
        %add3A_844 = arith.addf %add3A_728, %mul3A_843 : vector<16xf32>
        %mul3A_845 = arith.mulf %get3A_838, %get3A_798 : vector<16xf32>
        %add3A_846 = arith.addf %add3A_730, %mul3A_845 : vector<16xf32>
        %get3A_847 = arith.constant 13 : i32
        %get3A_848 = arith.index_cast %get3A_847 : i32 to index
        %get3A_849 = arith.constant 0 : index
        %get3A_850 = tpu.vector_load %arg8[%get3A_848, %get3A_849] {strides = array<i32>} : memref<32x32xf32, #tpu.memory_space<vmem>>, vector<1x16xf32>,
        %get3A_851 = vector.shape_cast %get3A_850 : vector<1x16xf32> to vector<16xf32>
        %get3A_852 = arith.constant 13 : i32
        %get3A_853 = arith.index_cast %get3A_852 : i32 to index
        %get3A_854 = arith.constant 16 : index
        %get3A_855 = tpu.vector_load %arg8[%get3A_853, %get3A_854] {strides = array<i32>} : memref<32x32xf32, #tpu.memory_space<vmem>>, vector<1x16xf32>,
        %get3A_856 = vector.shape_cast %get3A_855 : vector<1x16xf32> to vector<16xf32>
        %mul3A_857 = arith.constant 32 : i32
        %mul3A_858 = arith.muli %mul3A_90, %mul3A_857 : i32
        %add3A_859 = arith.constant 13 : i32
        %add3A_860 = arith.addi %mul3A_858, %add3A_859 : i32
        %get3A_861 = arith.constant 1 : i32
        %get3A_862 = arith.index_cast %get3A_861 : i32 to index
        %get3A_863 = arith.index_cast %add3A_860 : i32 to index
        %get3A_864 = arith.constant 0 : index
        %get3A_865 = tpu.vector_load %arg7[%get3A_862, %get3A_863, %get3A_864] {strides = array<i32>} : memref<2x256x128xf32, #tpu.memory_space<vmem>>, vector<1x1x16xf32>,
        %get3A_866 = vector.shape_cast %get3A_865 : vector<1x1x16xf32> to vector<16xf32>
        %mul3A_867 = arith.constant 32 : i32
        %mul3A_868 = arith.muli %mul3A_90, %mul3A_867 : i32
        %add3A_869 = arith.constant 13 : i32
        %add3A_870 = arith.addi %mul3A_868, %add3A_869 : i32
        %get3A_871 = arith.constant 1 : i32
        %get3A_872 = arith.index_cast %get3A_871 : i32 to index
        %get3A_873 = arith.index_cast %add3A_870 : i32 to index
        %get3A_874 = arith.constant 16 : index
        %get3A_875 = tpu.vector_load %arg7[%get3A_872, %get3A_873, %get3A_874] {strides = array<i32>} : memref<2x256x128xf32, #tpu.memory_space<vmem>>, vector<1x1x16xf32>,
        %get3A_876 = vector.shape_cast %get3A_875 : vector<1x1x16xf32> to vector<16xf32>
        %mul3A_877 = arith.constant 32 : i32
        %mul3A_878 = arith.muli %add3A_92, %mul3A_877 : i32
        %add3A_879 = arith.constant 13 : i32
        %add3A_880 = arith.addi %mul3A_878, %add3A_879 : i32
        %get3A_881 = arith.constant 1 : i32
        %get3A_882 = arith.index_cast %get3A_881 : i32 to index
        %get3A_883 = arith.index_cast %add3A_880 : i32 to index
        %get3A_884 = arith.constant 0 : index
        %get3A_885 = tpu.vector_load %arg7[%get3A_882, %get3A_883, %get3A_884] {strides = array<i32>} : memref<2x256x128xf32, #tpu.memory_space<vmem>>, vector<1x1x16xf32>,
        %get3A_886 = vector.shape_cast %get3A_885 : vector<1x1x16xf32> to vector<16xf32>
        %mul3A_887 = arith.constant 32 : i32
        %mul3A_888 = arith.muli %add3A_92, %mul3A_887 : i32
        %add3A_889 = arith.constant 13 : i32
        %add3A_890 = arith.addi %mul3A_888, %add3A_889 : i32
        %get3A_891 = arith.constant 1 : i32
        %get3A_892 = arith.index_cast %get3A_891 : i32 to index
        %get3A_893 = arith.index_cast %add3A_890 : i32 to index
        %get3A_894 = arith.constant 16 : index
        %get3A_895 = tpu.vector_load %arg7[%get3A_892, %get3A_893, %get3A_894] {strides = array<i32>} : memref<2x256x128xf32, #tpu.memory_space<vmem>>, vector<1x1x16xf32>,
        %get3A_896 = vector.shape_cast %get3A_895 : vector<1x1x16xf32> to vector<16xf32>
        %mul3A_897 = arith.mulf %get3A_866, %get3A_851 : vector<16xf32>
        %add3A_898 = arith.addf %add3A_782, %mul3A_897 : vector<16xf32>
        %mul3A_899 = arith.mulf %get3A_876, %get3A_856 : vector<16xf32>
        %add3A_900 = arith.addf %add3A_784, %mul3A_899 : vector<16xf32>
        %mul3A_901 = arith.mulf %get3A_886, %get3A_851 : vector<16xf32>
        %add3A_902 = arith.addf %add3A_786, %mul3A_901 : vector<16xf32>
        %mul3A_903 = arith.mulf %get3A_896, %get3A_856 : vector<16xf32>
        %add3A_904 = arith.addf %add3A_788, %mul3A_903 : vector<16xf32>
        %get3A_905 = arith.constant 14 : i32
        %get3A_906 = arith.index_cast %get3A_905 : i32 to index
        %get3A_907 = arith.constant 0 : index
        %get3A_908 = tpu.vector_load %arg8[%get3A_906, %get3A_907] {strides = array<i32>} : memref<32x32xf32, #tpu.memory_space<vmem>>, vector<1x16xf32>,
        %get3A_909 = vector.shape_cast %get3A_908 : vector<1x16xf32> to vector<16xf32>
        %get3A_910 = arith.constant 14 : i32
        %get3A_911 = arith.index_cast %get3A_910 : i32 to index
        %get3A_912 = arith.constant 16 : index
        %get3A_913 = tpu.vector_load %arg8[%get3A_911, %get3A_912] {strides = array<i32>} : memref<32x32xf32, #tpu.memory_space<vmem>>, vector<1x16xf32>,
        %get3A_914 = vector.shape_cast %get3A_913 : vector<1x16xf32> to vector<16xf32>
        %mul3A_915 = arith.constant 32 : i32
        %mul3A_916 = arith.muli %mul3A_90, %mul3A_915 : i32
        %add3A_917 = arith.constant 14 : i32
        %add3A_918 = arith.addi %mul3A_916, %add3A_917 : i32
        %get3A_919 = arith.constant 1 : i32
        %get3A_920 = arith.index_cast %get3A_919 : i32 to index
        %get3A_921 = arith.index_cast %add3A_918 : i32 to index
        %get3A_922 = arith.constant 0 : index
        %get3A_923 = tpu.vector_load %arg7[%get3A_920, %get3A_921, %get3A_922] {strides = array<i32>} : memref<2x256x128xf32, #tpu.memory_space<vmem>>, vector<1x1x16xf32>,
        %get3A_924 = vector.shape_cast %get3A_923 : vector<1x1x16xf32> to vector<16xf32>
        %mul3A_925 = arith.constant 32 : i32
        %mul3A_926 = arith.muli %mul3A_90, %mul3A_925 : i32
        %add3A_927 = arith.constant 14 : i32
        %add3A_928 = arith.addi %mul3A_926, %add3A_927 : i32
        %get3A_929 = arith.constant 1 : i32
        %get3A_930 = arith.index_cast %get3A_929 : i32 to index
        %get3A_931 = arith.index_cast %add3A_928 : i32 to index
        %get3A_932 = arith.constant 16 : index
        %get3A_933 = tpu.vector_load %arg7[%get3A_930, %get3A_931, %get3A_932] {strides = array<i32>} : memref<2x256x128xf32, #tpu.memory_space<vmem>>, vector<1x1x16xf32>,
        %get3A_934 = vector.shape_cast %get3A_933 : vector<1x1x16xf32> to vector<16xf32>
        %mul3A_935 = arith.constant 32 : i32
        %mul3A_936 = arith.muli %add3A_92, %mul3A_935 : i32
        %add3A_937 = arith.constant 14 : i32
        %add3A_938 = arith.addi %mul3A_936, %add3A_937 : i32
        %get3A_939 = arith.constant 1 : i32
        %get3A_940 = arith.index_cast %get3A_939 : i32 to index
        %get3A_941 = arith.index_cast %add3A_938 : i32 to index
        %get3A_942 = arith.constant 0 : index
        %get3A_943 = tpu.vector_load %arg7[%get3A_940, %get3A_941, %get3A_942] {strides = array<i32>} : memref<2x256x128xf32, #tpu.memory_space<vmem>>, vector<1x1x16xf32>,
        %get3A_944 = vector.shape_cast %get3A_943 : vector<1x1x16xf32> to vector<16xf32>
        %mul3A_945 = arith.constant 32 : i32
        %mul3A_946 = arith.muli %add3A_92, %mul3A_945 : i32
        %add3A_947 = arith.constant 14 : i32
        %add3A_948 = arith.addi %mul3A_946, %add3A_947 : i32
        %get3A_949 = arith.constant 1 : i32
        %get3A_950 = arith.index_cast %get3A_949 : i32 to index
        %get3A_951 = arith.index_cast %add3A_948 : i32 to index
        %get3A_952 = arith.constant 16 : index
        %get3A_953 = tpu.vector_load %arg7[%get3A_950, %get3A_951, %get3A_952] {strides = array<i32>} : memref<2x256x128xf32, #tpu.memory_space<vmem>>, vector<1x1x16xf32>,
        %get3A_954 = vector.shape_cast %get3A_953 : vector<1x1x16xf32> to vector<16xf32>
        %mul3A_955 = arith.mulf %get3A_924, %get3A_909 : vector<16xf32>
        %add3A_956 = arith.addf %add3A_840, %mul3A_955 : vector<16xf32>
        %mul3A_957 = arith.mulf %get3A_934, %get3A_914 : vector<16xf32>
        %add3A_958 = arith.addf %add3A_842, %mul3A_957 : vector<16xf32>
        %mul3A_959 = arith.mulf %get3A_944, %get3A_909 : vector<16xf32>
        %add3A_960 = arith.addf %add3A_844, %mul3A_959 : vector<16xf32>
        %mul3A_961 = arith.mulf %get3A_954, %get3A_914 : vector<16xf32>
        %add3A_962 = arith.addf %add3A_846, %mul3A_961 : vector<16xf32>
        %get3A_963 = arith.constant 15 : i32
        %get3A_964 = arith.index_cast %get3A_963 : i32 to index
        %get3A_965 = arith.constant 0 : index
        %get3A_966 = tpu.vector_load %arg8[%get3A_964, %get3A_965] {strides = array<i32>} : memref<32x32xf32, #tpu.memory_space<vmem>>, vector<1x16xf32>,
        %get3A_967 = vector.shape_cast %get3A_966 : vector<1x16xf32> to vector<16xf32>
        %get3A_968 = arith.constant 15 : i32
        %get3A_969 = arith.index_cast %get3A_968 : i32 to index
        %get3A_970 = arith.constant 16 : index
        %get3A_971 = tpu.vector_load %arg8[%get3A_969, %get3A_970] {strides = array<i32>} : memref<32x32xf32, #tpu.memory_space<vmem>>, vector<1x16xf32>,
        %get3A_972 = vector.shape_cast %get3A_971 : vector<1x16xf32> to vector<16xf32>
        %mul3A_973 = arith.constant 32 : i32
        %mul3A_974 = arith.muli %mul3A_90, %mul3A_973 : i32
        %add3A_975 = arith.constant 15 : i32
        %add3A_976 = arith.addi %mul3A_974, %add3A_975 : i32
        %get3A_977 = arith.constant 1 : i32
        %get3A_978 = arith.index_cast %get3A_977 : i32 to index
        %get3A_979 = arith.index_cast %add3A_976 : i32 to index
        %get3A_980 = arith.constant 0 : index
        %get3A_981 = tpu.vector_load %arg7[%get3A_978, %get3A_979, %get3A_980] {strides = array<i32>} : memref<2x256x128xf32, #tpu.memory_space<vmem>>, vector<1x1x16xf32>,
        %get3A_982 = vector.shape_cast %get3A_981 : vector<1x1x16xf32> to vector<16xf32>
        %mul3A_983 = arith.constant 32 : i32
        %mul3A_984 = arith.muli %mul3A_90, %mul3A_983 : i32
        %add3A_985 = arith.constant 15 : i32
        %add3A_986 = arith.addi %mul3A_984, %add3A_985 : i32
        %get3A_987 = arith.constant 1 : i32
        %get3A_988 = arith.index_cast %get3A_987 : i32 to index
        %get3A_989 = arith.index_cast %add3A_986 : i32 to index
        %get3A_990 = arith.constant 16 : index
        %get3A_991 = tpu.vector_load %arg7[%get3A_988, %get3A_989, %get3A_990] {strides = array<i32>} : memref<2x256x128xf32, #tpu.memory_space<vmem>>, vector<1x1x16xf32>,
        %get3A_992 = vector.shape_cast %get3A_991 : vector<1x1x16xf32> to vector<16xf32>
        %mul3A_993 = arith.constant 32 : i32
        %mul3A_994 = arith.muli %add3A_92, %mul3A_993 : i32
        %add3A_995 = arith.constant 15 : i32
        %add3A_996 = arith.addi %mul3A_994, %add3A_995 : i32
        %get3A_997 = arith.constant 1 : i32
        %get3A_998 = arith.index_cast %get3A_997 : i32 to index
        %get3A_999 = arith.index_cast %add3A_996 : i32 to index
        %get3A_1000 = arith.constant 0 : index
        %get3A_1001 = tpu.vector_load %arg7[%get3A_998, %get3A_999, %get3A_1000] {strides = array<i32>} : memref<2x256x128xf32, #tpu.memory_space<vmem>>, vector<1x1x16xf32>,
        %get3A_1002 = vector.shape_cast %get3A_1001 : vector<1x1x16xf32> to vector<16xf32>
        %mul3A_1003 = arith.constant 32 : i32
        %mul3A_1004 = arith.muli %add3A_92, %mul3A_1003 : i32
        %add3A_1005 = arith.constant 15 : i32
        %add3A_1006 = arith.addi %mul3A_1004, %add3A_1005 : i32
        %get3A_1007 = arith.constant 1 : i32
        %get3A_1008 = arith.index_cast %get3A_1007 : i32 to index
        %get3A_1009 = arith.index_cast %add3A_1006 : i32 to index
        %get3A_1010 = arith.constant 16 : index
        %get3A_1011 = tpu.vector_load %arg7[%get3A_1008, %get3A_1009, %get3A_1010] {strides = array<i32>} : memref<2x256x128xf32, #tpu.memory_space<vmem>>, vector<1x1x16xf32>,
        %get3A_1012 = vector.shape_cast %get3A_1011 : vector<1x1x16xf32> to vector<16xf32>
        %mul3A_1013 = arith.mulf %get3A_982, %get3A_967 : vector<16xf32>
        %add3A_1014 = arith.addf %add3A_898, %mul3A_1013 : vector<16xf32>
        %mul3A_1015 = arith.mulf %get3A_992, %get3A_972 : vector<16xf32>
        %add3A_1016 = arith.addf %add3A_900, %mul3A_1015 : vector<16xf32>
        %mul3A_1017 = arith.mulf %get3A_1002, %get3A_967 : vector<16xf32>
        %add3A_1018 = arith.addf %add3A_902, %mul3A_1017 : vector<16xf32>
        %mul3A_1019 = arith.mulf %get3A_1012, %get3A_972 : vector<16xf32>
        %add3A_1020 = arith.addf %add3A_904, %mul3A_1019 : vector<16xf32>
        %get3A_1021 = arith.constant 16 : i32
        %get3A_1022 = arith.index_cast %get3A_1021 : i32 to index
        %get3A_1023 = arith.constant 0 : index
        %get3A_1024 = tpu.vector_load %arg8[%get3A_1022, %get3A_1023] {strides = array<i32>} : memref<32x32xf32, #tpu.memory_space<vmem>>, vector<1x16xf32>,
        %get3A_1025 = vector.shape_cast %get3A_1024 : vector<1x16xf32> to vector<16xf32>
        %get3A_1026 = arith.constant 16 : i32
        %get3A_1027 = arith.index_cast %get3A_1026 : i32 to index
        %get3A_1028 = arith.constant 16 : index
        %get3A_1029 = tpu.vector_load %arg8[%get3A_1027, %get3A_1028] {strides = array<i32>} : memref<32x32xf32, #tpu.memory_space<vmem>>, vector<1x16xf32>,
        %get3A_1030 = vector.shape_cast %get3A_1029 : vector<1x16xf32> to vector<16xf32>
        %mul3A_1031 = arith.constant 32 : i32
        %mul3A_1032 = arith.muli %mul3A_90, %mul3A_1031 : i32
        %add3A_1033 = arith.constant 16 : i32
        %add3A_1034 = arith.addi %mul3A_1032, %add3A_1033 : i32
        %get3A_1035 = arith.constant 1 : i32
        %get3A_1036 = arith.index_cast %get3A_1035 : i32 to index
        %get3A_1037 = arith.index_cast %add3A_1034 : i32 to index
        %get3A_1038 = arith.constant 0 : index
        %get3A_1039 = tpu.vector_load %arg7[%get3A_1036, %get3A_1037, %get3A_1038] {strides = array<i32>} : memref<2x256x128xf32, #tpu.memory_space<vmem>>, vector<1x1x16xf32>,
        %get3A_1040 = vector.shape_cast %get3A_1039 : vector<1x1x16xf32> to vector<16xf32>
        %mul3A_1041 = arith.constant 32 : i32
        %mul3A_1042 = arith.muli %mul3A_90, %mul3A_1041 : i32
        %add3A_1043 = arith.constant 16 : i32
        %add3A_1044 = arith.addi %mul3A_1042, %add3A_1043 : i32
        %get3A_1045 = arith.constant 1 : i32
        %get3A_1046 = arith.index_cast %get3A_1045 : i32 to index
        %get3A_1047 = arith.index_cast %add3A_1044 : i32 to index
        %get3A_1048 = arith.constant 16 : index
        %get3A_1049 = tpu.vector_load %arg7[%get3A_1046, %get3A_1047, %get3A_1048] {strides = array<i32>} : memref<2x256x128xf32, #tpu.memory_space<vmem>>, vector<1x1x16xf32>,
        %get3A_1050 = vector.shape_cast %get3A_1049 : vector<1x1x16xf32> to vector<16xf32>
        %mul3A_1051 = arith.constant 32 : i32
        %mul3A_1052 = arith.muli %add3A_92, %mul3A_1051 : i32
        %add3A_1053 = arith.constant 16 : i32
        %add3A_1054 = arith.addi %mul3A_1052, %add3A_1053 : i32
        %get3A_1055 = arith.constant 1 : i32
        %get3A_1056 = arith.index_cast %get3A_1055 : i32 to index
        %get3A_1057 = arith.index_cast %add3A_1054 : i32 to index
        %get3A_1058 = arith.constant 0 : index
        %get3A_1059 = tpu.vector_load %arg7[%get3A_1056, %get3A_1057, %get3A_1058] {strides = array<i32>} : memref<2x256x128xf32, #tpu.memory_space<vmem>>, vector<1x1x16xf32>,
        %get3A_1060 = vector.shape_cast %get3A_1059 : vector<1x1x16xf32> to vector<16xf32>
        %mul3A_1061 = arith.constant 32 : i32
        %mul3A_1062 = arith.muli %add3A_92, %mul3A_1061 : i32
        %add3A_1063 = arith.constant 16 : i32
        %add3A_1064 = arith.addi %mul3A_1062, %add3A_1063 : i32
        %get3A_1065 = arith.constant 1 : i32
        %get3A_1066 = arith.index_cast %get3A_1065 : i32 to index
        %get3A_1067 = arith.index_cast %add3A_1064 : i32 to index
        %get3A_1068 = arith.constant 16 : index
        %get3A_1069 = tpu.vector_load %arg7[%get3A_1066, %get3A_1067, %get3A_1068] {strides = array<i32>} : memref<2x256x128xf32, #tpu.memory_space<vmem>>, vector<1x1x16xf32>,
        %get3A_1070 = vector.shape_cast %get3A_1069 : vector<1x1x16xf32> to vector<16xf32>
        %mul3A_1071 = arith.mulf %get3A_1040, %get3A_1025 : vector<16xf32>
        %add3A_1072 = arith.addf %add3A_956, %mul3A_1071 : vector<16xf32>
        %mul3A_1073 = arith.mulf %get3A_1050, %get3A_1030 : vector<16xf32>
        %add3A_1074 = arith.addf %add3A_958, %mul3A_1073 : vector<16xf32>
        %mul3A_1075 = arith.mulf %get3A_1060, %get3A_1025 : vector<16xf32>
        %add3A_1076 = arith.addf %add3A_960, %mul3A_1075 : vector<16xf32>
        %mul3A_1077 = arith.mulf %get3A_1070, %get3A_1030 : vector<16xf32>
        %add3A_1078 = arith.addf %add3A_962, %mul3A_1077 : vector<16xf32>
        %get3A_1079 = arith.constant 17 : i32
        %get3A_1080 = arith.index_cast %get3A_1079 : i32 to index
        %get3A_1081 = arith.constant 0 : index
        %get3A_1082 = tpu.vector_load %arg8[%get3A_1080, %get3A_1081] {strides = array<i32>} : memref<32x32xf32, #tpu.memory_space<vmem>>, vector<1x16xf32>,
        %get3A_1083 = vector.shape_cast %get3A_1082 : vector<1x16xf32> to vector<16xf32>
        %get3A_1084 = arith.constant 17 : i32
        %get3A_1085 = arith.index_cast %get3A_1084 : i32 to index
        %get3A_1086 = arith.constant 16 : index
        %get3A_1087 = tpu.vector_load %arg8[%get3A_1085, %get3A_1086] {strides = array<i32>} : memref<32x32xf32, #tpu.memory_space<vmem>>, vector<1x16xf32>,
        %get3A_1088 = vector.shape_cast %get3A_1087 : vector<1x16xf32> to vector<16xf32>
        %mul3A_1089 = arith.constant 32 : i32
        %mul3A_1090 = arith.muli %mul3A_90, %mul3A_1089 : i32
        %add3A_1091 = arith.constant 17 : i32
        %add3A_1092 = arith.addi %mul3A_1090, %add3A_1091 : i32
        %get3A_1093 = arith.constant 1 : i32
        %get3A_1094 = arith.index_cast %get3A_1093 : i32 to index
        %get3A_1095 = arith.index_cast %add3A_1092 : i32 to index
        %get3A_1096 = arith.constant 0 : index
        %get3A_1097 = tpu.vector_load %arg7[%get3A_1094, %get3A_1095, %get3A_1096] {strides = array<i32>} : memref<2x256x128xf32, #tpu.memory_space<vmem>>, vector<1x1x16xf32>,
        %get3A_1098 = vector.shape_cast %get3A_1097 : vector<1x1x16xf32> to vector<16xf32>
        %mul3A_1099 = arith.constant 32 : i32
        %mul3A_1100 = arith.muli %mul3A_90, %mul3A_1099 : i32
        %add3A_1101 = arith.constant 17 : i32
        %add3A_1102 = arith.addi %mul3A_1100, %add3A_1101 : i32
        %get3A_1103 = arith.constant 1 : i32
        %get3A_1104 = arith.index_cast %get3A_1103 : i32 to index
        %get3A_1105 = arith.index_cast %add3A_1102 : i32 to index
        %get3A_1106 = arith.constant 16 : index
        %get3A_1107 = tpu.vector_load %arg7[%get3A_1104, %get3A_1105, %get3A_1106] {strides = array<i32>} : memref<2x256x128xf32, #tpu.memory_space<vmem>>, vector<1x1x16xf32>,
        %get3A_1108 = vector.shape_cast %get3A_1107 : vector<1x1x16xf32> to vector<16xf32>
        %mul3A_1109 = arith.constant 32 : i32
        %mul3A_1110 = arith.muli %add3A_92, %mul3A_1109 : i32
        %add3A_1111 = arith.constant 17 : i32
        %add3A_1112 = arith.addi %mul3A_1110, %add3A_1111 : i32
        %get3A_1113 = arith.constant 1 : i32
        %get3A_1114 = arith.index_cast %get3A_1113 : i32 to index
        %get3A_1115 = arith.index_cast %add3A_1112 : i32 to index
        %get3A_1116 = arith.constant 0 : index
        %get3A_1117 = tpu.vector_load %arg7[%get3A_1114, %get3A_1115, %get3A_1116] {strides = array<i32>} : memref<2x256x128xf32, #tpu.memory_space<vmem>>, vector<1x1x16xf32>,
        %get3A_1118 = vector.shape_cast %get3A_1117 : vector<1x1x16xf32> to vector<16xf32>
        %mul3A_1119 = arith.constant 32 : i32
        %mul3A_1120 = arith.muli %add3A_92, %mul3A_1119 : i32
        %add3A_1121 = arith.constant 17 : i32
        %add3A_1122 = arith.addi %mul3A_1120, %add3A_1121 : i32
        %get3A_1123 = arith.constant 1 : i32
        %get3A_1124 = arith.index_cast %get3A_1123 : i32 to index
        %get3A_1125 = arith.index_cast %add3A_1122 : i32 to index
        %get3A_1126 = arith.constant 16 : index
        %get3A_1127 = tpu.vector_load %arg7[%get3A_1124, %get3A_1125, %get3A_1126] {strides = array<i32>} : memref<2x256x128xf32, #tpu.memory_space<vmem>>, vector<1x1x16xf32>,
        %get3A_1128 = vector.shape_cast %get3A_1127 : vector<1x1x16xf32> to vector<16xf32>
        %mul3A_1129 = arith.mulf %get3A_1098, %get3A_1083 : vector<16xf32>
        %add3A_1130 = arith.addf %add3A_1014, %mul3A_1129 : vector<16xf32>
        %mul3A_1131 = arith.mulf %get3A_1108, %get3A_1088 : vector<16xf32>
        %add3A_1132 = arith.addf %add3A_1016, %mul3A_1131 : vector<16xf32>
        %mul3A_1133 = arith.mulf %get3A_1118, %get3A_1083 : vector<16xf32>
        %add3A_1134 = arith.addf %add3A_1018, %mul3A_1133 : vector<16xf32>
        %mul3A_1135 = arith.mulf %get3A_1128, %get3A_1088 : vector<16xf32>
        %add3A_1136 = arith.addf %add3A_1020, %mul3A_1135 : vector<16xf32>
        %get3A_1137 = arith.constant 18 : i32
        %get3A_1138 = arith.index_cast %get3A_1137 : i32 to index
        %get3A_1139 = arith.constant 0 : index
        %get3A_1140 = tpu.vector_load %arg8[%get3A_1138, %get3A_1139] {strides = array<i32>} : memref<32x32xf32, #tpu.memory_space<vmem>>, vector<1x16xf32>,
        %get3A_1141 = vector.shape_cast %get3A_1140 : vector<1x16xf32> to vector<16xf32>
        %get3A_1142 = arith.constant 18 : i32
        %get3A_1143 = arith.index_cast %get3A_1142 : i32 to index
        %get3A_1144 = arith.constant 16 : index
        %get3A_1145 = tpu.vector_load %arg8[%get3A_1143, %get3A_1144] {strides = array<i32>} : memref<32x32xf32, #tpu.memory_space<vmem>>, vector<1x16xf32>,
        %get3A_1146 = vector.shape_cast %get3A_1145 : vector<1x16xf32> to vector<16xf32>
        %mul3A_1147 = arith.constant 32 : i32
        %mul3A_1148 = arith.muli %mul3A_90, %mul3A_1147 : i32
        %add3A_1149 = arith.constant 18 : i32
        %add3A_1150 = arith.addi %mul3A_1148, %add3A_1149 : i32
        %get3A_1151 = arith.constant 1 : i32
        %get3A_1152 = arith.index_cast %get3A_1151 : i32 to index
        %get3A_1153 = arith.index_cast %add3A_1150 : i32 to index
        %get3A_1154 = arith.constant 0 : index
        %get3A_1155 = tpu.vector_load %arg7[%get3A_1152, %get3A_1153, %get3A_1154] {strides = array<i32>} : memref<2x256x128xf32, #tpu.memory_space<vmem>>, vector<1x1x16xf32>,
        %get3A_1156 = vector.shape_cast %get3A_1155 : vector<1x1x16xf32> to vector<16xf32>
        %mul3A_1157 = arith.constant 32 : i32
        %mul3A_1158 = arith.muli %mul3A_90, %mul3A_1157 : i32
        %add3A_1159 = arith.constant 18 : i32
        %add3A_1160 = arith.addi %mul3A_1158, %add3A_1159 : i32
        %get3A_1161 = arith.constant 1 : i32
        %get3A_1162 = arith.index_cast %get3A_1161 : i32 to index
        %get3A_1163 = arith.index_cast %add3A_1160 : i32 to index
        %get3A_1164 = arith.constant 16 : index
        %get3A_1165 = tpu.vector_load %arg7[%get3A_1162, %get3A_1163, %get3A_1164] {strides = array<i32>} : memref<2x256x128xf32, #tpu.memory_space<vmem>>, vector<1x1x16xf32>,
        %get3A_1166 = vector.shape_cast %get3A_1165 : vector<1x1x16xf32> to vector<16xf32>
        %mul3A_1167 = arith.constant 32 : i32
        %mul3A_1168 = arith.muli %add3A_92, %mul3A_1167 : i32
        %add3A_1169 = arith.constant 18 : i32
        %add3A_1170 = arith.addi %mul3A_1168, %add3A_1169 : i32
        %get3A_1171 = arith.constant 1 : i32
        %get3A_1172 = arith.index_cast %get3A_1171 : i32 to index
        %get3A_1173 = arith.index_cast %add3A_1170 : i32 to index
        %get3A_1174 = arith.constant 0 : index
        %get3A_1175 = tpu.vector_load %arg7[%get3A_1172, %get3A_1173, %get3A_1174] {strides = array<i32>} : memref<2x256x128xf32, #tpu.memory_space<vmem>>, vector<1x1x16xf32>,
        %get3A_1176 = vector.shape_cast %get3A_1175 : vector<1x1x16xf32> to vector<16xf32>
        %mul3A_1177 = arith.constant 32 : i32
        %mul3A_1178 = arith.muli %add3A_92, %mul3A_1177 : i32
        %add3A_1179 = arith.constant 18 : i32
        %add3A_1180 = arith.addi %mul3A_1178, %add3A_1179 : i32
        %get3A_1181 = arith.constant 1 : i32
        %get3A_1182 = arith.index_cast %get3A_1181 : i32 to index
        %get3A_1183 = arith.index_cast %add3A_1180 : i32 to index
        %get3A_1184 = arith.constant 16 : index
        %get3A_1185 = tpu.vector_load %arg7[%get3A_1182, %get3A_1183, %get3A_1184] {strides = array<i32>} : memref<2x256x128xf32, #tpu.memory_space<vmem>>, vector<1x1x16xf32>,
        %get3A_1186 = vector.shape_cast %get3A_1185 : vector<1x1x16xf32> to vector<16xf32>
        %mul3A_1187 = arith.mulf %get3A_1156, %get3A_1141 : vector<16xf32>
        %add3A_1188 = arith.addf %add3A_1072, %mul3A_1187 : vector<16xf32>
        %mul3A_1189 = arith.mulf %get3A_1166, %get3A_1146 : vector<16xf32>
        %add3A_1190 = arith.addf %add3A_1074, %mul3A_1189 : vector<16xf32>
        %mul3A_1191 = arith.mulf %get3A_1176, %get3A_1141 : vector<16xf32>
        %add3A_1192 = arith.addf %add3A_1076, %mul3A_1191 : vector<16xf32>
        %mul3A_1193 = arith.mulf %get3A_1186, %get3A_1146 : vector<16xf32>
        %add3A_1194 = arith.addf %add3A_1078, %mul3A_1193 : vector<16xf32>
        %get3A_1195 = arith.constant 19 : i32
        %get3A_1196 = arith.index_cast %get3A_1195 : i32 to index
        %get3A_1197 = arith.constant 0 : index
        %get3A_1198 = tpu.vector_load %arg8[%get3A_1196, %get3A_1197] {strides = array<i32>} : memref<32x32xf32, #tpu.memory_space<vmem>>, vector<1x16xf32>,
        %get3A_1199 = vector.shape_cast %get3A_1198 : vector<1x16xf32> to vector<16xf32>
        %get3A_1200 = arith.constant 19 : i32
        %get3A_1201 = arith.index_cast %get3A_1200 : i32 to index
        %get3A_1202 = arith.constant 16 : index
        %get3A_1203 = tpu.vector_load %arg8[%get3A_1201, %get3A_1202] {strides = array<i32>} : memref<32x32xf32, #tpu.memory_space<vmem>>, vector<1x16xf32>,
        %get3A_1204 = vector.shape_cast %get3A_1203 : vector<1x16xf32> to vector<16xf32>
        %mul3A_1205 = arith.constant 32 : i32
        %mul3A_1206 = arith.muli %mul3A_90, %mul3A_1205 : i32
        %add3A_1207 = arith.constant 19 : i32
        %add3A_1208 = arith.addi %mul3A_1206, %add3A_1207 : i32
        %get3A_1209 = arith.constant 1 : i32
        %get3A_1210 = arith.index_cast %get3A_1209 : i32 to index
        %get3A_1211 = arith.index_cast %add3A_1208 : i32 to index
        %get3A_1212 = arith.constant 0 : index
        %get3A_1213 = tpu.vector_load %arg7[%get3A_1210, %get3A_1211, %get3A_1212] {strides = array<i32>} : memref<2x256x128xf32, #tpu.memory_space<vmem>>, vector<1x1x16xf32>,
        %get3A_1214 = vector.shape_cast %get3A_1213 : vector<1x1x16xf32> to vector<16xf32>
        %mul3A_1215 = arith.constant 32 : i32
        %mul3A_1216 = arith.muli %mul3A_90, %mul3A_1215 : i32
        %add3A_1217 = arith.constant 19 : i32
        %add3A_1218 = arith.addi %mul3A_1216, %add3A_1217 : i32
        %get3A_1219 = arith.constant 1 : i32
        %get3A_1220 = arith.index_cast %get3A_1219 : i32 to index
        %get3A_1221 = arith.index_cast %add3A_1218 : i32 to index
        %get3A_1222 = arith.constant 16 : index
        %get3A_1223 = tpu.vector_load %arg7[%get3A_1220, %get3A_1221, %get3A_1222] {strides = array<i32>} : memref<2x256x128xf32, #tpu.memory_space<vmem>>, vector<1x1x16xf32>,
        %get3A_1224 = vector.shape_cast %get3A_1223 : vector<1x1x16xf32> to vector<16xf32>
        %mul3A_1225 = arith.constant 32 : i32
        %mul3A_1226 = arith.muli %add3A_92, %mul3A_1225 : i32
        %add3A_1227 = arith.constant 19 : i32
        %add3A_1228 = arith.addi %mul3A_1226, %add3A_1227 : i32
        %get3A_1229 = arith.constant 1 : i32
        %get3A_1230 = arith.index_cast %get3A_1229 : i32 to index
        %get3A_1231 = arith.index_cast %add3A_1228 : i32 to index
        %get3A_1232 = arith.constant 0 : index
        %get3A_1233 = tpu.vector_load %arg7[%get3A_1230, %get3A_1231, %get3A_1232] {strides = array<i32>} : memref<2x256x128xf32, #tpu.memory_space<vmem>>, vector<1x1x16xf32>,
        %get3A_1234 = vector.shape_cast %get3A_1233 : vector<1x1x16xf32> to vector<16xf32>
        %mul3A_1235 = arith.constant 32 : i32
        %mul3A_1236 = arith.muli %add3A_92, %mul3A_1235 : i32
        %add3A_1237 = arith.constant 19 : i32
        %add3A_1238 = arith.addi %mul3A_1236, %add3A_1237 : i32
        %get3A_1239 = arith.constant 1 : i32
        %get3A_1240 = arith.index_cast %get3A_1239 : i32 to index
        %get3A_1241 = arith.index_cast %add3A_1238 : i32 to index
        %get3A_1242 = arith.constant 16 : index
        %get3A_1243 = tpu.vector_load %arg7[%get3A_1240, %get3A_1241, %get3A_1242] {strides = array<i32>} : memref<2x256x128xf32, #tpu.memory_space<vmem>>, vector<1x1x16xf32>,
        %get3A_1244 = vector.shape_cast %get3A_1243 : vector<1x1x16xf32> to vector<16xf32>
        %mul3A_1245 = arith.mulf %get3A_1214, %get3A_1199 : vector<16xf32>
        %add3A_1246 = arith.addf %add3A_1130, %mul3A_1245 : vector<16xf32>
        %mul3A_1247 = arith.mulf %get3A_1224, %get3A_1204 : vector<16xf32>
        %add3A_1248 = arith.addf %add3A_1132, %mul3A_1247 : vector<16xf32>
        %mul3A_1249 = arith.mulf %get3A_1234, %get3A_1199 : vector<16xf32>
        %add3A_1250 = arith.addf %add3A_1134, %mul3A_1249 : vector<16xf32>
        %mul3A_1251 = arith.mulf %get3A_1244, %get3A_1204 : vector<16xf32>
        %add3A_1252 = arith.addf %add3A_1136, %mul3A_1251 : vector<16xf32>
        %get3A_1253 = arith.constant 20 : i32
        %get3A_1254 = arith.index_cast %get3A_1253 : i32 to index
        %get3A_1255 = arith.constant 0 : index
        %get3A_1256 = tpu.vector_load %arg8[%get3A_1254, %get3A_1255] {strides = array<i32>} : memref<32x32xf32, #tpu.memory_space<vmem>>, vector<1x16xf32>,
        %get3A_1257 = vector.shape_cast %get3A_1256 : vector<1x16xf32> to vector<16xf32>
        %get3A_1258 = arith.constant 20 : i32
        %get3A_1259 = arith.index_cast %get3A_1258 : i32 to index
        %get3A_1260 = arith.constant 16 : index
        %get3A_1261 = tpu.vector_load %arg8[%get3A_1259, %get3A_1260] {strides = array<i32>} : memref<32x32xf32, #tpu.memory_space<vmem>>, vector<1x16xf32>,
        %get3A_1262 = vector.shape_cast %get3A_1261 : vector<1x16xf32> to vector<16xf32>
        %mul3A_1263 = arith.constant 32 : i32
        %mul3A_1264 = arith.muli %mul3A_90, %mul3A_1263 : i32
        %add3A_1265 = arith.constant 20 : i32
        %add3A_1266 = arith.addi %mul3A_1264, %add3A_1265 : i32
        %get3A_1267 = arith.constant 1 : i32
        %get3A_1268 = arith.index_cast %get3A_1267 : i32 to index
        %get3A_1269 = arith.index_cast %add3A_1266 : i32 to index
        %get3A_1270 = arith.constant 0 : index
        %get3A_1271 = tpu.vector_load %arg7[%get3A_1268, %get3A_1269, %get3A_1270] {strides = array<i32>} : memref<2x256x128xf32, #tpu.memory_space<vmem>>, vector<1x1x16xf32>,
        %get3A_1272 = vector.shape_cast %get3A_1271 : vector<1x1x16xf32> to vector<16xf32>
        %mul3A_1273 = arith.constant 32 : i32
        %mul3A_1274 = arith.muli %mul3A_90, %mul3A_1273 : i32
        %add3A_1275 = arith.constant 20 : i32
        %add3A_1276 = arith.addi %mul3A_1274, %add3A_1275 : i32
        %get3A_1277 = arith.constant 1 : i32
        %get3A_1278 = arith.index_cast %get3A_1277 : i32 to index
        %get3A_1279 = arith.index_cast %add3A_1276 : i32 to index
        %get3A_1280 = arith.constant 16 : index
        %get3A_1281 = tpu.vector_load %arg7[%get3A_1278, %get3A_1279, %get3A_1280] {strides = array<i32>} : memref<2x256x128xf32, #tpu.memory_space<vmem>>, vector<1x1x16xf32>,
        %get3A_1282 = vector.shape_cast %get3A_1281 : vector<1x1x16xf32> to vector<16xf32>
        %mul3A_1283 = arith.constant 32 : i32
        %mul3A_1284 = arith.muli %add3A_92, %mul3A_1283 : i32
        %add3A_1285 = arith.constant 20 : i32
        %add3A_1286 = arith.addi %mul3A_1284, %add3A_1285 : i32
        %get3A_1287 = arith.constant 1 : i32
        %get3A_1288 = arith.index_cast %get3A_1287 : i32 to index
        %get3A_1289 = arith.index_cast %add3A_1286 : i32 to index
        %get3A_1290 = arith.constant 0 : index
        %get3A_1291 = tpu.vector_load %arg7[%get3A_1288, %get3A_1289, %get3A_1290] {strides = array<i32>} : memref<2x256x128xf32, #tpu.memory_space<vmem>>, vector<1x1x16xf32>,
        %get3A_1292 = vector.shape_cast %get3A_1291 : vector<1x1x16xf32> to vector<16xf32>
        %mul3A_1293 = arith.constant 32 : i32
        %mul3A_1294 = arith.muli %add3A_92, %mul3A_1293 : i32
        %add3A_1295 = arith.constant 20 : i32
        %add3A_1296 = arith.addi %mul3A_1294, %add3A_1295 : i32
        %get3A_1297 = arith.constant 1 : i32
        %get3A_1298 = arith.index_cast %get3A_1297 : i32 to index
        %get3A_1299 = arith.index_cast %add3A_1296 : i32 to index
        %get3A_1300 = arith.constant 16 : index
        %get3A_1301 = tpu.vector_load %arg7[%get3A_1298, %get3A_1299, %get3A_1300] {strides = array<i32>} : memref<2x256x128xf32, #tpu.memory_space<vmem>>, vector<1x1x16xf32>,
        %get3A_1302 = vector.shape_cast %get3A_1301 : vector<1x1x16xf32> to vector<16xf32>
        %mul3A_1303 = arith.mulf %get3A_1272, %get3A_1257 : vector<16xf32>
        %add3A_1304 = arith.addf %add3A_1188, %mul3A_1303 : vector<16xf32>
        %mul3A_1305 = arith.mulf %get3A_1282, %get3A_1262 : vector<16xf32>
        %add3A_1306 = arith.addf %add3A_1190, %mul3A_1305 : vector<16xf32>
        %mul3A_1307 = arith.mulf %get3A_1292, %get3A_1257 : vector<16xf32>
        %add3A_1308 = arith.addf %add3A_1192, %mul3A_1307 : vector<16xf32>
        %mul3A_1309 = arith.mulf %get3A_1302, %get3A_1262 : vector<16xf32>
        %add3A_1310 = arith.addf %add3A_1194, %mul3A_1309 : vector<16xf32>
        %get3A_1311 = arith.constant 21 : i32
        %get3A_1312 = arith.index_cast %get3A_1311 : i32 to index
        %get3A_1313 = arith.constant 0 : index
        %get3A_1314 = tpu.vector_load %arg8[%get3A_1312, %get3A_1313] {strides = array<i32>} : memref<32x32xf32, #tpu.memory_space<vmem>>, vector<1x16xf32>,
        %get3A_1315 = vector.shape_cast %get3A_1314 : vector<1x16xf32> to vector<16xf32>
        %get3A_1316 = arith.constant 21 : i32
        %get3A_1317 = arith.index_cast %get3A_1316 : i32 to index
        %get3A_1318 = arith.constant 16 : index
        %get3A_1319 = tpu.vector_load %arg8[%get3A_1317, %get3A_1318] {strides = array<i32>} : memref<32x32xf32, #tpu.memory_space<vmem>>, vector<1x16xf32>,
        %get3A_1320 = vector.shape_cast %get3A_1319 : vector<1x16xf32> to vector<16xf32>
        %mul3A_1321 = arith.constant 32 : i32
        %mul3A_1322 = arith.muli %mul3A_90, %mul3A_1321 : i32
        %add3A_1323 = arith.constant 21 : i32
        %add3A_1324 = arith.addi %mul3A_1322, %add3A_1323 : i32
        %get3A_1325 = arith.constant 1 : i32
        %get3A_1326 = arith.index_cast %get3A_1325 : i32 to index
        %get3A_1327 = arith.index_cast %add3A_1324 : i32 to index
        %get3A_1328 = arith.constant 0 : index
        %get3A_1329 = tpu.vector_load %arg7[%get3A_1326, %get3A_1327, %get3A_1328] {strides = array<i32>} : memref<2x256x128xf32, #tpu.memory_space<vmem>>, vector<1x1x16xf32>,
        %get3A_1330 = vector.shape_cast %get3A_1329 : vector<1x1x16xf32> to vector<16xf32>
        %mul3A_1331 = arith.constant 32 : i32
        %mul3A_1332 = arith.muli %mul3A_90, %mul3A_1331 : i32
        %add3A_1333 = arith.constant 21 : i32
        %add3A_1334 = arith.addi %mul3A_1332, %add3A_1333 : i32
        %get3A_1335 = arith.constant 1 : i32
        %get3A_1336 = arith.index_cast %get3A_1335 : i32 to index
        %get3A_1337 = arith.index_cast %add3A_1334 : i32 to index
        %get3A_1338 = arith.constant 16 : index
        %get3A_1339 = tpu.vector_load %arg7[%get3A_1336, %get3A_1337, %get3A_1338] {strides = array<i32>} : memref<2x256x128xf32, #tpu.memory_space<vmem>>, vector<1x1x16xf32>,
        %get3A_1340 = vector.shape_cast %get3A_1339 : vector<1x1x16xf32> to vector<16xf32>
        %mul3A_1341 = arith.constant 32 : i32
        %mul3A_1342 = arith.muli %add3A_92, %mul3A_1341 : i32
        %add3A_1343 = arith.constant 21 : i32
        %add3A_1344 = arith.addi %mul3A_1342, %add3A_1343 : i32
        %get3A_1345 = arith.constant 1 : i32
        %get3A_1346 = arith.index_cast %get3A_1345 : i32 to index
        %get3A_1347 = arith.index_cast %add3A_1344 : i32 to index
        %get3A_1348 = arith.constant 0 : index
        %get3A_1349 = tpu.vector_load %arg7[%get3A_1346, %get3A_1347, %get3A_1348] {strides = array<i32>} : memref<2x256x128xf32, #tpu.memory_space<vmem>>, vector<1x1x16xf32>,
        %get3A_1350 = vector.shape_cast %get3A_1349 : vector<1x1x16xf32> to vector<16xf32>
        %mul3A_1351 = arith.constant 32 : i32
        %mul3A_1352 = arith.muli %add3A_92, %mul3A_1351 : i32
        %add3A_1353 = arith.constant 21 : i32
        %add3A_1354 = arith.addi %mul3A_1352, %add3A_1353 : i32
        %get3A_1355 = arith.constant 1 : i32
        %get3A_1356 = arith.index_cast %get3A_1355 : i32 to index
        %get3A_1357 = arith.index_cast %add3A_1354 : i32 to index
        %get3A_1358 = arith.constant 16 : index
        %get3A_1359 = tpu.vector_load %arg7[%get3A_1356, %get3A_1357, %get3A_1358] {strides = array<i32>} : memref<2x256x128xf32, #tpu.memory_space<vmem>>, vector<1x1x16xf32>,
        %get3A_1360 = vector.shape_cast %get3A_1359 : vector<1x1x16xf32> to vector<16xf32>
        %mul3A_1361 = arith.mulf %get3A_1330, %get3A_1315 : vector<16xf32>
        %add3A_1362 = arith.addf %add3A_1246, %mul3A_1361 : vector<16xf32>
        %mul3A_1363 = arith.mulf %get3A_1340, %get3A_1320 : vector<16xf32>
        %add3A_1364 = arith.addf %add3A_1248, %mul3A_1363 : vector<16xf32>
        %mul3A_1365 = arith.mulf %get3A_1350, %get3A_1315 : vector<16xf32>
        %add3A_1366 = arith.addf %add3A_1250, %mul3A_1365 : vector<16xf32>
        %mul3A_1367 = arith.mulf %get3A_1360, %get3A_1320 : vector<16xf32>
        %add3A_1368 = arith.addf %add3A_1252, %mul3A_1367 : vector<16xf32>
        %get3A_1369 = arith.constant 22 : i32
        %get3A_1370 = arith.index_cast %get3A_1369 : i32 to index
        %get3A_1371 = arith.constant 0 : index
        %get3A_1372 = tpu.vector_load %arg8[%get3A_1370, %get3A_1371] {strides = array<i32>} : memref<32x32xf32, #tpu.memory_space<vmem>>, vector<1x16xf32>,
        %get3A_1373 = vector.shape_cast %get3A_1372 : vector<1x16xf32> to vector<16xf32>
        %get3A_1374 = arith.constant 22 : i32
        %get3A_1375 = arith.index_cast %get3A_1374 : i32 to index
        %get3A_1376 = arith.constant 16 : index
        %get3A_1377 = tpu.vector_load %arg8[%get3A_1375, %get3A_1376] {strides = array<i32>} : memref<32x32xf32, #tpu.memory_space<vmem>>, vector<1x16xf32>,
        %get3A_1378 = vector.shape_cast %get3A_1377 : vector<1x16xf32> to vector<16xf32>
        %mul3A_1379 = arith.constant 32 : i32
        %mul3A_1380 = arith.muli %mul3A_90, %mul3A_1379 : i32
        %add3A_1381 = arith.constant 22 : i32
        %add3A_1382 = arith.addi %mul3A_1380, %add3A_1381 : i32
        %get3A_1383 = arith.constant 1 : i32
        %get3A_1384 = arith.index_cast %get3A_1383 : i32 to index
        %get3A_1385 = arith.index_cast %add3A_1382 : i32 to index
        %get3A_1386 = arith.constant 0 : index
        %get3A_1387 = tpu.vector_load %arg7[%get3A_1384, %get3A_1385, %get3A_1386] {strides = array<i32>} : memref<2x256x128xf32, #tpu.memory_space<vmem>>, vector<1x1x16xf32>,
        %get3A_1388 = vector.shape_cast %get3A_1387 : vector<1x1x16xf32> to vector<16xf32>
        %mul3A_1389 = arith.constant 32 : i32
        %mul3A_1390 = arith.muli %mul3A_90, %mul3A_1389 : i32
        %add3A_1391 = arith.constant 22 : i32
        %add3A_1392 = arith.addi %mul3A_1390, %add3A_1391 : i32
        %get3A_1393 = arith.constant 1 : i32
        %get3A_1394 = arith.index_cast %get3A_1393 : i32 to index
        %get3A_1395 = arith.index_cast %add3A_1392 : i32 to index
        %get3A_1396 = arith.constant 16 : index
        %get3A_1397 = tpu.vector_load %arg7[%get3A_1394, %get3A_1395, %get3A_1396] {strides = array<i32>} : memref<2x256x128xf32, #tpu.memory_space<vmem>>, vector<1x1x16xf32>,
        %get3A_1398 = vector.shape_cast %get3A_1397 : vector<1x1x16xf32> to vector<16xf32>
        %mul3A_1399 = arith.constant 32 : i32
        %mul3A_1400 = arith.muli %add3A_92, %mul3A_1399 : i32
        %add3A_1401 = arith.constant 22 : i32
        %add3A_1402 = arith.addi %mul3A_1400, %add3A_1401 : i32
        %get3A_1403 = arith.constant 1 : i32
        %get3A_1404 = arith.index_cast %get3A_1403 : i32 to index
        %get3A_1405 = arith.index_cast %add3A_1402 : i32 to index
        %get3A_1406 = arith.constant 0 : index
        %get3A_1407 = tpu.vector_load %arg7[%get3A_1404, %get3A_1405, %get3A_1406] {strides = array<i32>} : memref<2x256x128xf32, #tpu.memory_space<vmem>>, vector<1x1x16xf32>,
        %get3A_1408 = vector.shape_cast %get3A_1407 : vector<1x1x16xf32> to vector<16xf32>
        %mul3A_1409 = arith.constant 32 : i32
        %mul3A_1410 = arith.muli %add3A_92, %mul3A_1409 : i32
        %add3A_1411 = arith.constant 22 : i32
        %add3A_1412 = arith.addi %mul3A_1410, %add3A_1411 : i32
        %get3A_1413 = arith.constant 1 : i32
        %get3A_1414 = arith.index_cast %get3A_1413 : i32 to index
        %get3A_1415 = arith.index_cast %add3A_1412 : i32 to index
        %get3A_1416 = arith.constant 16 : index
        %get3A_1417 = tpu.vector_load %arg7[%get3A_1414, %get3A_1415, %get3A_1416] {strides = array<i32>} : memref<2x256x128xf32, #tpu.memory_space<vmem>>, vector<1x1x16xf32>,
        %get3A_1418 = vector.shape_cast %get3A_1417 : vector<1x1x16xf32> to vector<16xf32>
        %mul3A_1419 = arith.mulf %get3A_1388, %get3A_1373 : vector<16xf32>
        %add3A_1420 = arith.addf %add3A_1304, %mul3A_1419 : vector<16xf32>
        %mul3A_1421 = arith.mulf %get3A_1398, %get3A_1378 : vector<16xf32>
        %add3A_1422 = arith.addf %add3A_1306, %mul3A_1421 : vector<16xf32>
        %mul3A_1423 = arith.mulf %get3A_1408, %get3A_1373 : vector<16xf32>
        %add3A_1424 = arith.addf %add3A_1308, %mul3A_1423 : vector<16xf32>
        %mul3A_1425 = arith.mulf %get3A_1418, %get3A_1378 : vector<16xf32>
        %add3A_1426 = arith.addf %add3A_1310, %mul3A_1425 : vector<16xf32>
        %get3A_1427 = arith.constant 23 : i32
        %get3A_1428 = arith.index_cast %get3A_1427 : i32 to index
        %get3A_1429 = arith.constant 0 : index
        %get3A_1430 = tpu.vector_load %arg8[%get3A_1428, %get3A_1429] {strides = array<i32>} : memref<32x32xf32, #tpu.memory_space<vmem>>, vector<1x16xf32>,
        %get3A_1431 = vector.shape_cast %get3A_1430 : vector<1x16xf32> to vector<16xf32>
        %get3A_1432 = arith.constant 23 : i32
        %get3A_1433 = arith.index_cast %get3A_1432 : i32 to index
        %get3A_1434 = arith.constant 16 : index
        %get3A_1435 = tpu.vector_load %arg8[%get3A_1433, %get3A_1434] {strides = array<i32>} : memref<32x32xf32, #tpu.memory_space<vmem>>, vector<1x16xf32>,
        %get3A_1436 = vector.shape_cast %get3A_1435 : vector<1x16xf32> to vector<16xf32>
        %mul3A_1437 = arith.constant 32 : i32
        %mul3A_1438 = arith.muli %mul3A_90, %mul3A_1437 : i32
        %add3A_1439 = arith.constant 23 : i32
        %add3A_1440 = arith.addi %mul3A_1438, %add3A_1439 : i32
        %get3A_1441 = arith.constant 1 : i32
        %get3A_1442 = arith.index_cast %get3A_1441 : i32 to index
        %get3A_1443 = arith.index_cast %add3A_1440 : i32 to index
        %get3A_1444 = arith.constant 0 : index
        %get3A_1445 = tpu.vector_load %arg7[%get3A_1442, %get3A_1443, %get3A_1444] {strides = array<i32>} : memref<2x256x128xf32, #tpu.memory_space<vmem>>, vector<1x1x16xf32>,
        %get3A_1446 = vector.shape_cast %get3A_1445 : vector<1x1x16xf32> to vector<16xf32>
        %mul3A_1447 = arith.constant 32 : i32
        %mul3A_1448 = arith.muli %mul3A_90, %mul3A_1447 : i32
        %add3A_1449 = arith.constant 23 : i32
        %add3A_1450 = arith.addi %mul3A_1448, %add3A_1449 : i32
        %get3A_1451 = arith.constant 1 : i32
        %get3A_1452 = arith.index_cast %get3A_1451 : i32 to index
        %get3A_1453 = arith.index_cast %add3A_1450 : i32 to index
        %get3A_1454 = arith.constant 16 : index
        %get3A_1455 = tpu.vector_load %arg7[%get3A_1452, %get3A_1453, %get3A_1454] {strides = array<i32>} : memref<2x256x128xf32, #tpu.memory_space<vmem>>, vector<1x1x16xf32>,
        %get3A_1456 = vector.shape_cast %get3A_1455 : vector<1x1x16xf32> to vector<16xf32>
        %mul3A_1457 = arith.constant 32 : i32
        %mul3A_1458 = arith.muli %add3A_92, %mul3A_1457 : i32
        %add3A_1459 = arith.constant 23 : i32
        %add3A_1460 = arith.addi %mul3A_1458, %add3A_1459 : i32
        %get3A_1461 = arith.constant 1 : i32
        %get3A_1462 = arith.index_cast %get3A_1461 : i32 to index
        %get3A_1463 = arith.index_cast %add3A_1460 : i32 to index
        %get3A_1464 = arith.constant 0 : index
        %get3A_1465 = tpu.vector_load %arg7[%get3A_1462, %get3A_1463, %get3A_1464] {strides = array<i32>} : memref<2x256x128xf32, #tpu.memory_space<vmem>>, vector<1x1x16xf32>,
        %get3A_1466 = vector.shape_cast %get3A_1465 : vector<1x1x16xf32> to vector<16xf32>
        %mul3A_1467 = arith.constant 32 : i32
        %mul3A_1468 = arith.muli %add3A_92, %mul3A_1467 : i32
        %add3A_1469 = arith.constant 23 : i32
        %add3A_1470 = arith.addi %mul3A_1468, %add3A_1469 : i32
        %get3A_1471 = arith.constant 1 : i32
        %get3A_1472 = arith.index_cast %get3A_1471 : i32 to index
        %get3A_1473 = arith.index_cast %add3A_1470 : i32 to index
        %get3A_1474 = arith.constant 16 : index
        %get3A_1475 = tpu.vector_load %arg7[%get3A_1472, %get3A_1473, %get3A_1474] {strides = array<i32>} : memref<2x256x128xf32, #tpu.memory_space<vmem>>, vector<1x1x16xf32>,
        %get3A_1476 = vector.shape_cast %get3A_1475 : vector<1x1x16xf32> to vector<16xf32>
        %mul3A_1477 = arith.mulf %get3A_1446, %get3A_1431 : vector<16xf32>
        %add3A_1478 = arith.addf %add3A_1362, %mul3A_1477 : vector<16xf32>
        %mul3A_1479 = arith.mulf %get3A_1456, %get3A_1436 : vector<16xf32>
        %add3A_1480 = arith.addf %add3A_1364, %mul3A_1479 : vector<16xf32>
        %mul3A_1481 = arith.mulf %get3A_1466, %get3A_1431 : vector<16xf32>
        %add3A_1482 = arith.addf %add3A_1366, %mul3A_1481 : vector<16xf32>
        %mul3A_1483 = arith.mulf %get3A_1476, %get3A_1436 : vector<16xf32>
        %add3A_1484 = arith.addf %add3A_1368, %mul3A_1483 : vector<16xf32>
        %get3A_1485 = arith.constant 24 : i32
        %get3A_1486 = arith.index_cast %get3A_1485 : i32 to index
        %get3A_1487 = arith.constant 0 : index
        %get3A_1488 = tpu.vector_load %arg8[%get3A_1486, %get3A_1487] {strides = array<i32>} : memref<32x32xf32, #tpu.memory_space<vmem>>, vector<1x16xf32>,
        %get3A_1489 = vector.shape_cast %get3A_1488 : vector<1x16xf32> to vector<16xf32>
        %get3A_1490 = arith.constant 24 : i32
        %get3A_1491 = arith.index_cast %get3A_1490 : i32 to index
        %get3A_1492 = arith.constant 16 : index
        %get3A_1493 = tpu.vector_load %arg8[%get3A_1491, %get3A_1492] {strides = array<i32>} : memref<32x32xf32, #tpu.memory_space<vmem>>, vector<1x16xf32>,
        %get3A_1494 = vector.shape_cast %get3A_1493 : vector<1x16xf32> to vector<16xf32>
        %mul3A_1495 = arith.constant 32 : i32
        %mul3A_1496 = arith.muli %mul3A_90, %mul3A_1495 : i32
        %add3A_1497 = arith.constant 24 : i32
        %add3A_1498 = arith.addi %mul3A_1496, %add3A_1497 : i32
        %get3A_1499 = arith.constant 1 : i32
        %get3A_1500 = arith.index_cast %get3A_1499 : i32 to index
        %get3A_1501 = arith.index_cast %add3A_1498 : i32 to index
        %get3A_1502 = arith.constant 0 : index
        %get3A_1503 = tpu.vector_load %arg7[%get3A_1500, %get3A_1501, %get3A_1502] {strides = array<i32>} : memref<2x256x128xf32, #tpu.memory_space<vmem>>, vector<1x1x16xf32>,
        %get3A_1504 = vector.shape_cast %get3A_1503 : vector<1x1x16xf32> to vector<16xf32>
        %mul3A_1505 = arith.constant 32 : i32
        %mul3A_1506 = arith.muli %mul3A_90, %mul3A_1505 : i32
        %add3A_1507 = arith.constant 24 : i32
        %add3A_1508 = arith.addi %mul3A_1506, %add3A_1507 : i32
        %get3A_1509 = arith.constant 1 : i32
        %get3A_1510 = arith.index_cast %get3A_1509 : i32 to index
        %get3A_1511 = arith.index_cast %add3A_1508 : i32 to index
        %get3A_1512 = arith.constant 16 : index
        %get3A_1513 = tpu.vector_load %arg7[%get3A_1510, %get3A_1511, %get3A_1512] {strides = array<i32>} : memref<2x256x128xf32, #tpu.memory_space<vmem>>, vector<1x1x16xf32>,
        %get3A_1514 = vector.shape_cast %get3A_1513 : vector<1x1x16xf32> to vector<16xf32>
        %mul3A_1515 = arith.constant 32 : i32
        %mul3A_1516 = arith.muli %add3A_92, %mul3A_1515 : i32
        %add3A_1517 = arith.constant 24 : i32
        %add3A_1518 = arith.addi %mul3A_1516, %add3A_1517 : i32
        %get3A_1519 = arith.constant 1 : i32
        %get3A_1520 = arith.index_cast %get3A_1519 : i32 to index
        %get3A_1521 = arith.index_cast %add3A_1518 : i32 to index
        %get3A_1522 = arith.constant 0 : index
        %get3A_1523 = tpu.vector_load %arg7[%get3A_1520, %get3A_1521, %get3A_1522] {strides = array<i32>} : memref<2x256x128xf32, #tpu.memory_space<vmem>>, vector<1x1x16xf32>,
        %get3A_1524 = vector.shape_cast %get3A_1523 : vector<1x1x16xf32> to vector<16xf32>
        %mul3A_1525 = arith.constant 32 : i32
        %mul3A_1526 = arith.muli %add3A_92, %mul3A_1525 : i32
        %add3A_1527 = arith.constant 24 : i32
        %add3A_1528 = arith.addi %mul3A_1526, %add3A_1527 : i32
        %get3A_1529 = arith.constant 1 : i32
        %get3A_1530 = arith.index_cast %get3A_1529 : i32 to index
        %get3A_1531 = arith.index_cast %add3A_1528 : i32 to index
        %get3A_1532 = arith.constant 16 : index
        %get3A_1533 = tpu.vector_load %arg7[%get3A_1530, %get3A_1531, %get3A_1532] {strides = array<i32>} : memref<2x256x128xf32, #tpu.memory_space<vmem>>, vector<1x1x16xf32>,
        %get3A_1534 = vector.shape_cast %get3A_1533 : vector<1x1x16xf32> to vector<16xf32>
        %mul3A_1535 = arith.mulf %get3A_1504, %get3A_1489 : vector<16xf32>
        %add3A_1536 = arith.addf %add3A_1420, %mul3A_1535 : vector<16xf32>
        %mul3A_1537 = arith.mulf %get3A_1514, %get3A_1494 : vector<16xf32>
        %add3A_1538 = arith.addf %add3A_1422, %mul3A_1537 : vector<16xf32>
        %mul3A_1539 = arith.mulf %get3A_1524, %get3A_1489 : vector<16xf32>
        %add3A_1540 = arith.addf %add3A_1424, %mul3A_1539 : vector<16xf32>
        %mul3A_1541 = arith.mulf %get3A_1534, %get3A_1494 : vector<16xf32>
        %add3A_1542 = arith.addf %add3A_1426, %mul3A_1541 : vector<16xf32>
        %get3A_1543 = arith.constant 25 : i32
        %get3A_1544 = arith.index_cast %get3A_1543 : i32 to index
        %get3A_1545 = arith.constant 0 : index
        %get3A_1546 = tpu.vector_load %arg8[%get3A_1544, %get3A_1545] {strides = array<i32>} : memref<32x32xf32, #tpu.memory_space<vmem>>, vector<1x16xf32>,
        %get3A_1547 = vector.shape_cast %get3A_1546 : vector<1x16xf32> to vector<16xf32>
        %get3A_1548 = arith.constant 25 : i32
        %get3A_1549 = arith.index_cast %get3A_1548 : i32 to index
        %get3A_1550 = arith.constant 16 : index
        %get3A_1551 = tpu.vector_load %arg8[%get3A_1549, %get3A_1550] {strides = array<i32>} : memref<32x32xf32, #tpu.memory_space<vmem>>, vector<1x16xf32>,
        %get3A_1552 = vector.shape_cast %get3A_1551 : vector<1x16xf32> to vector<16xf32>
        %mul3A_1553 = arith.constant 32 : i32
        %mul3A_1554 = arith.muli %mul3A_90, %mul3A_1553 : i32
        %add3A_1555 = arith.constant 25 : i32
        %add3A_1556 = arith.addi %mul3A_1554, %add3A_1555 : i32
        %get3A_1557 = arith.constant 1 : i32
        %get3A_1558 = arith.index_cast %get3A_1557 : i32 to index
        %get3A_1559 = arith.index_cast %add3A_1556 : i32 to index
        %get3A_1560 = arith.constant 0 : index
        %get3A_1561 = tpu.vector_load %arg7[%get3A_1558, %get3A_1559, %get3A_1560] {strides = array<i32>} : memref<2x256x128xf32, #tpu.memory_space<vmem>>, vector<1x1x16xf32>,
        %get3A_1562 = vector.shape_cast %get3A_1561 : vector<1x1x16xf32> to vector<16xf32>
        %mul3A_1563 = arith.constant 32 : i32
        %mul3A_1564 = arith.muli %mul3A_90, %mul3A_1563 : i32
        %add3A_1565 = arith.constant 25 : i32
        %add3A_1566 = arith.addi %mul3A_1564, %add3A_1565 : i32
        %get3A_1567 = arith.constant 1 : i32
        %get3A_1568 = arith.index_cast %get3A_1567 : i32 to index
        %get3A_1569 = arith.index_cast %add3A_1566 : i32 to index
        %get3A_1570 = arith.constant 16 : index
        %get3A_1571 = tpu.vector_load %arg7[%get3A_1568, %get3A_1569, %get3A_1570] {strides = array<i32>} : memref<2x256x128xf32, #tpu.memory_space<vmem>>, vector<1x1x16xf32>,
        %get3A_1572 = vector.shape_cast %get3A_1571 : vector<1x1x16xf32> to vector<16xf32>
        %mul3A_1573 = arith.constant 32 : i32
        %mul3A_1574 = arith.muli %add3A_92, %mul3A_1573 : i32
        %add3A_1575 = arith.constant 25 : i32
        %add3A_1576 = arith.addi %mul3A_1574, %add3A_1575 : i32
        %get3A_1577 = arith.constant 1 : i32
        %get3A_1578 = arith.index_cast %get3A_1577 : i32 to index
        %get3A_1579 = arith.index_cast %add3A_1576 : i32 to index
        %get3A_1580 = arith.constant 0 : index
        %get3A_1581 = tpu.vector_load %arg7[%get3A_1578, %get3A_1579, %get3A_1580] {strides = array<i32>} : memref<2x256x128xf32, #tpu.memory_space<vmem>>, vector<1x1x16xf32>,
        %get3A_1582 = vector.shape_cast %get3A_1581 : vector<1x1x16xf32> to vector<16xf32>
        %mul3A_1583 = arith.constant 32 : i32
        %mul3A_1584 = arith.muli %add3A_92, %mul3A_1583 : i32
        %add3A_1585 = arith.constant 25 : i32
        %add3A_1586 = arith.addi %mul3A_1584, %add3A_1585 : i32
        %get3A_1587 = arith.constant 1 : i32
        %get3A_1588 = arith.index_cast %get3A_1587 : i32 to index
        %get3A_1589 = arith.index_cast %add3A_1586 : i32 to index
        %get3A_1590 = arith.constant 16 : index
        %get3A_1591 = tpu.vector_load %arg7[%get3A_1588, %get3A_1589, %get3A_1590] {strides = array<i32>} : memref<2x256x128xf32, #tpu.memory_space<vmem>>, vector<1x1x16xf32>,
        %get3A_1592 = vector.shape_cast %get3A_1591 : vector<1x1x16xf32> to vector<16xf32>
        %mul3A_1593 = arith.mulf %get3A_1562, %get3A_1547 : vector<16xf32>
        %add3A_1594 = arith.addf %add3A_1478, %mul3A_1593 : vector<16xf32>
        %mul3A_1595 = arith.mulf %get3A_1572, %get3A_1552 : vector<16xf32>
        %add3A_1596 = arith.addf %add3A_1480, %mul3A_1595 : vector<16xf32>
        %mul3A_1597 = arith.mulf %get3A_1582, %get3A_1547 : vector<16xf32>
        %add3A_1598 = arith.addf %add3A_1482, %mul3A_1597 : vector<16xf32>
        %mul3A_1599 = arith.mulf %get3A_1592, %get3A_1552 : vector<16xf32>
        %add3A_1600 = arith.addf %add3A_1484, %mul3A_1599 : vector<16xf32>
        %get3A_1601 = arith.constant 26 : i32
        %get3A_1602 = arith.index_cast %get3A_1601 : i32 to index
        %get3A_1603 = arith.constant 0 : index
        %get3A_1604 = tpu.vector_load %arg8[%get3A_1602, %get3A_1603] {strides = array<i32>} : memref<32x32xf32, #tpu.memory_space<vmem>>, vector<1x16xf32>,
        %get3A_1605 = vector.shape_cast %get3A_1604 : vector<1x16xf32> to vector<16xf32>
        %get3A_1606 = arith.constant 26 : i32
        %get3A_1607 = arith.index_cast %get3A_1606 : i32 to index
        %get3A_1608 = arith.constant 16 : index
        %get3A_1609 = tpu.vector_load %arg8[%get3A_1607, %get3A_1608] {strides = array<i32>} : memref<32x32xf32, #tpu.memory_space<vmem>>, vector<1x16xf32>,
        %get3A_1610 = vector.shape_cast %get3A_1609 : vector<1x16xf32> to vector<16xf32>
        %mul3A_1611 = arith.constant 32 : i32
        %mul3A_1612 = arith.muli %mul3A_90, %mul3A_1611 : i32
        %add3A_1613 = arith.constant 26 : i32
        %add3A_1614 = arith.addi %mul3A_1612, %add3A_1613 : i32
        %get3A_1615 = arith.constant 1 : i32
        %get3A_1616 = arith.index_cast %get3A_1615 : i32 to index
        %get3A_1617 = arith.index_cast %add3A_1614 : i32 to index
        %get3A_1618 = arith.constant 0 : index
        %get3A_1619 = tpu.vector_load %arg7[%get3A_1616, %get3A_1617, %get3A_1618] {strides = array<i32>} : memref<2x256x128xf32, #tpu.memory_space<vmem>>, vector<1x1x16xf32>,
        %get3A_1620 = vector.shape_cast %get3A_1619 : vector<1x1x16xf32> to vector<16xf32>
        %mul3A_1621 = arith.constant 32 : i32
        %mul3A_1622 = arith.muli %mul3A_90, %mul3A_1621 : i32
        %add3A_1623 = arith.constant 26 : i32
        %add3A_1624 = arith.addi %mul3A_1622, %add3A_1623 : i32
        %get3A_1625 = arith.constant 1 : i32
        %get3A_1626 = arith.index_cast %get3A_1625 : i32 to index
        %get3A_1627 = arith.index_cast %add3A_1624 : i32 to index
        %get3A_1628 = arith.constant 16 : index
        %get3A_1629 = tpu.vector_load %arg7[%get3A_1626, %get3A_1627, %get3A_1628] {strides = array<i32>} : memref<2x256x128xf32, #tpu.memory_space<vmem>>, vector<1x1x16xf32>,
        %get3A_1630 = vector.shape_cast %get3A_1629 : vector<1x1x16xf32> to vector<16xf32>
        %mul3A_1631 = arith.constant 32 : i32
        %mul3A_1632 = arith.muli %add3A_92, %mul3A_1631 : i32
        %add3A_1633 = arith.constant 26 : i32
        %add3A_1634 = arith.addi %mul3A_1632, %add3A_1633 : i32
        %get3A_1635 = arith.constant 1 : i32
        %get3A_1636 = arith.index_cast %get3A_1635 : i32 to index
        %get3A_1637 = arith.index_cast %add3A_1634 : i32 to index
        %get3A_1638 = arith.constant 0 : index
        %get3A_1639 = tpu.vector_load %arg7[%get3A_1636, %get3A_1637, %get3A_1638] {strides = array<i32>} : memref<2x256x128xf32, #tpu.memory_space<vmem>>, vector<1x1x16xf32>,
        %get3A_1640 = vector.shape_cast %get3A_1639 : vector<1x1x16xf32> to vector<16xf32>
        %mul3A_1641 = arith.constant 32 : i32
        %mul3A_1642 = arith.muli %add3A_92, %mul3A_1641 : i32
        %add3A_1643 = arith.constant 26 : i32
        %add3A_1644 = arith.addi %mul3A_1642, %add3A_1643 : i32
        %get3A_1645 = arith.constant 1 : i32
        %get3A_1646 = arith.index_cast %get3A_1645 : i32 to index
        %get3A_1647 = arith.index_cast %add3A_1644 : i32 to index
        %get3A_1648 = arith.constant 16 : index
        %get3A_1649 = tpu.vector_load %arg7[%get3A_1646, %get3A_1647, %get3A_1648] {strides = array<i32>} : memref<2x256x128xf32, #tpu.memory_space<vmem>>, vector<1x1x16xf32>,
        %get3A_1650 = vector.shape_cast %get3A_1649 : vector<1x1x16xf32> to vector<16xf32>
        %mul3A_1651 = arith.mulf %get3A_1620, %get3A_1605 : vector<16xf32>
        %add3A_1652 = arith.addf %add3A_1536, %mul3A_1651 : vector<16xf32>
        %mul3A_1653 = arith.mulf %get3A_1630, %get3A_1610 : vector<16xf32>
        %add3A_1654 = arith.addf %add3A_1538, %mul3A_1653 : vector<16xf32>
        %mul3A_1655 = arith.mulf %get3A_1640, %get3A_1605 : vector<16xf32>
        %add3A_1656 = arith.addf %add3A_1540, %mul3A_1655 : vector<16xf32>
        %mul3A_1657 = arith.mulf %get3A_1650, %get3A_1610 : vector<16xf32>
        %add3A_1658 = arith.addf %add3A_1542, %mul3A_1657 : vector<16xf32>
        %get3A_1659 = arith.constant 27 : i32
        %get3A_1660 = arith.index_cast %get3A_1659 : i32 to index
        %get3A_1661 = arith.constant 0 : index
        %get3A_1662 = tpu.vector_load %arg8[%get3A_1660, %get3A_1661] {strides = array<i32>} : memref<32x32xf32, #tpu.memory_space<vmem>>, vector<1x16xf32>,
        %get3A_1663 = vector.shape_cast %get3A_1662 : vector<1x16xf32> to vector<16xf32>
        %get3A_1664 = arith.constant 27 : i32
        %get3A_1665 = arith.index_cast %get3A_1664 : i32 to index
        %get3A_1666 = arith.constant 16 : index
        %get3A_1667 = tpu.vector_load %arg8[%get3A_1665, %get3A_1666] {strides = array<i32>} : memref<32x32xf32, #tpu.memory_space<vmem>>, vector<1x16xf32>,
        %get3A_1668 = vector.shape_cast %get3A_1667 : vector<1x16xf32> to vector<16xf32>
        %mul3A_1669 = arith.constant 32 : i32
        %mul3A_1670 = arith.muli %mul3A_90, %mul3A_1669 : i32
        %add3A_1671 = arith.constant 27 : i32
        %add3A_1672 = arith.addi %mul3A_1670, %add3A_1671 : i32
        %get3A_1673 = arith.constant 1 : i32
        %get3A_1674 = arith.index_cast %get3A_1673 : i32 to index
        %get3A_1675 = arith.index_cast %add3A_1672 : i32 to index
        %get3A_1676 = arith.constant 0 : index
        %get3A_1677 = tpu.vector_load %arg7[%get3A_1674, %get3A_1675, %get3A_1676] {strides = array<i32>} : memref<2x256x128xf32, #tpu.memory_space<vmem>>, vector<1x1x16xf32>,
        %get3A_1678 = vector.shape_cast %get3A_1677 : vector<1x1x16xf32> to vector<16xf32>
        %mul3A_1679 = arith.constant 32 : i32
        %mul3A_1680 = arith.muli %mul3A_90, %mul3A_1679 : i32
        %add3A_1681 = arith.constant 27 : i32
        %add3A_1682 = arith.addi %mul3A_1680, %add3A_1681 : i32
        %get3A_1683 = arith.constant 1 : i32
        %get3A_1684 = arith.index_cast %get3A_1683 : i32 to index
        %get3A_1685 = arith.index_cast %add3A_1682 : i32 to index
        %get3A_1686 = arith.constant 16 : index
        %get3A_1687 = tpu.vector_load %arg7[%get3A_1684, %get3A_1685, %get3A_1686] {strides = array<i32>} : memref<2x256x128xf32, #tpu.memory_space<vmem>>, vector<1x1x16xf32>,
        %get3A_1688 = vector.shape_cast %get3A_1687 : vector<1x1x16xf32> to vector<16xf32>
        %mul3A_1689 = arith.constant 32 : i32
        %mul3A_1690 = arith.muli %add3A_92, %mul3A_1689 : i32
        %add3A_1691 = arith.constant 27 : i32
        %add3A_1692 = arith.addi %mul3A_1690, %add3A_1691 : i32
        %get3A_1693 = arith.constant 1 : i32
        %get3A_1694 = arith.index_cast %get3A_1693 : i32 to index
        %get3A_1695 = arith.index_cast %add3A_1692 : i32 to index
        %get3A_1696 = arith.constant 0 : index
        %get3A_1697 = tpu.vector_load %arg7[%get3A_1694, %get3A_1695, %get3A_1696] {strides = array<i32>} : memref<2x256x128xf32, #tpu.memory_space<vmem>>, vector<1x1x16xf32>,
        %get3A_1698 = vector.shape_cast %get3A_1697 : vector<1x1x16xf32> to vector<16xf32>
        %mul3A_1699 = arith.constant 32 : i32
        %mul3A_1700 = arith.muli %add3A_92, %mul3A_1699 : i32
        %add3A_1701 = arith.constant 27 : i32
        %add3A_1702 = arith.addi %mul3A_1700, %add3A_1701 : i32
        %get3A_1703 = arith.constant 1 : i32
        %get3A_1704 = arith.index_cast %get3A_1703 : i32 to index
        %get3A_1705 = arith.index_cast %add3A_1702 : i32 to index
        %get3A_1706 = arith.constant 16 : index
        %get3A_1707 = tpu.vector_load %arg7[%get3A_1704, %get3A_1705, %get3A_1706] {strides = array<i32>} : memref<2x256x128xf32, #tpu.memory_space<vmem>>, vector<1x1x16xf32>,
        %get3A_1708 = vector.shape_cast %get3A_1707 : vector<1x1x16xf32> to vector<16xf32>
        %mul3A_1709 = arith.mulf %get3A_1678, %get3A_1663 : vector<16xf32>
        %add3A_1710 = arith.addf %add3A_1594, %mul3A_1709 : vector<16xf32>
        %mul3A_1711 = arith.mulf %get3A_1688, %get3A_1668 : vector<16xf32>
        %add3A_1712 = arith.addf %add3A_1596, %mul3A_1711 : vector<16xf32>
        %mul3A_1713 = arith.mulf %get3A_1698, %get3A_1663 : vector<16xf32>
        %add3A_1714 = arith.addf %add3A_1598, %mul3A_1713 : vector<16xf32>
        %mul3A_1715 = arith.mulf %get3A_1708, %get3A_1668 : vector<16xf32>
        %add3A_1716 = arith.addf %add3A_1600, %mul3A_1715 : vector<16xf32>
        %get3A_1717 = arith.constant 28 : i32
        %get3A_1718 = arith.index_cast %get3A_1717 : i32 to index
        %get3A_1719 = arith.constant 0 : index
        %get3A_1720 = tpu.vector_load %arg8[%get3A_1718, %get3A_1719] {strides = array<i32>} : memref<32x32xf32, #tpu.memory_space<vmem>>, vector<1x16xf32>,
        %get3A_1721 = vector.shape_cast %get3A_1720 : vector<1x16xf32> to vector<16xf32>
        %get3A_1722 = arith.constant 28 : i32
        %get3A_1723 = arith.index_cast %get3A_1722 : i32 to index
        %get3A_1724 = arith.constant 16 : index
        %get3A_1725 = tpu.vector_load %arg8[%get3A_1723, %get3A_1724] {strides = array<i32>} : memref<32x32xf32, #tpu.memory_space<vmem>>, vector<1x16xf32>,
        %get3A_1726 = vector.shape_cast %get3A_1725 : vector<1x16xf32> to vector<16xf32>
        %mul3A_1727 = arith.constant 32 : i32
        %mul3A_1728 = arith.muli %mul3A_90, %mul3A_1727 : i32
        %add3A_1729 = arith.constant 28 : i32
        %add3A_1730 = arith.addi %mul3A_1728, %add3A_1729 : i32
        %get3A_1731 = arith.constant 1 : i32
        %get3A_1732 = arith.index_cast %get3A_1731 : i32 to index
        %get3A_1733 = arith.index_cast %add3A_1730 : i32 to index
        %get3A_1734 = arith.constant 0 : index
        %get3A_1735 = tpu.vector_load %arg7[%get3A_1732, %get3A_1733, %get3A_1734] {strides = array<i32>} : memref<2x256x128xf32, #tpu.memory_space<vmem>>, vector<1x1x16xf32>,
        %get3A_1736 = vector.shape_cast %get3A_1735 : vector<1x1x16xf32> to vector<16xf32>
        %mul3A_1737 = arith.constant 32 : i32
        %mul3A_1738 = arith.muli %mul3A_90, %mul3A_1737 : i32
        %add3A_1739 = arith.constant 28 : i32
        %add3A_1740 = arith.addi %mul3A_1738, %add3A_1739 : i32
        %get3A_1741 = arith.constant 1 : i32
        %get3A_1742 = arith.index_cast %get3A_1741 : i32 to index
        %get3A_1743 = arith.index_cast %add3A_1740 : i32 to index
        %get3A_1744 = arith.constant 16 : index
        %get3A_1745 = tpu.vector_load %arg7[%get3A_1742, %get3A_1743, %get3A_1744] {strides = array<i32>} : memref<2x256x128xf32, #tpu.memory_space<vmem>>, vector<1x1x16xf32>,
        %get3A_1746 = vector.shape_cast %get3A_1745 : vector<1x1x16xf32> to vector<16xf32>
        %mul3A_1747 = arith.constant 32 : i32
        %mul3A_1748 = arith.muli %add3A_92, %mul3A_1747 : i32
        %add3A_1749 = arith.constant 28 : i32
        %add3A_1750 = arith.addi %mul3A_1748, %add3A_1749 : i32
        %get3A_1751 = arith.constant 1 : i32
        %get3A_1752 = arith.index_cast %get3A_1751 : i32 to index
        %get3A_1753 = arith.index_cast %add3A_1750 : i32 to index
        %get3A_1754 = arith.constant 0 : index
        %get3A_1755 = tpu.vector_load %arg7[%get3A_1752, %get3A_1753, %get3A_1754] {strides = array<i32>} : memref<2x256x128xf32, #tpu.memory_space<vmem>>, vector<1x1x16xf32>,
        %get3A_1756 = vector.shape_cast %get3A_1755 : vector<1x1x16xf32> to vector<16xf32>
        %mul3A_1757 = arith.constant 32 : i32
        %mul3A_1758 = arith.muli %add3A_92, %mul3A_1757 : i32
        %add3A_1759 = arith.constant 28 : i32
        %add3A_1760 = arith.addi %mul3A_1758, %add3A_1759 : i32
        %get3A_1761 = arith.constant 1 : i32
        %get3A_1762 = arith.index_cast %get3A_1761 : i32 to index
        %get3A_1763 = arith.index_cast %add3A_1760 : i32 to index
        %get3A_1764 = arith.constant 16 : index
        %get3A_1765 = tpu.vector_load %arg7[%get3A_1762, %get3A_1763, %get3A_1764] {strides = array<i32>} : memref<2x256x128xf32, #tpu.memory_space<vmem>>, vector<1x1x16xf32>,
        %get3A_1766 = vector.shape_cast %get3A_1765 : vector<1x1x16xf32> to vector<16xf32>
        %mul3A_1767 = arith.mulf %get3A_1736, %get3A_1721 : vector<16xf32>
        %add3A_1768 = arith.addf %add3A_1652, %mul3A_1767 : vector<16xf32>
        %mul3A_1769 = arith.mulf %get3A_1746, %get3A_1726 : vector<16xf32>
        %add3A_1770 = arith.addf %add3A_1654, %mul3A_1769 : vector<16xf32>
        %mul3A_1771 = arith.mulf %get3A_1756, %get3A_1721 : vector<16xf32>
        %add3A_1772 = arith.addf %add3A_1656, %mul3A_1771 : vector<16xf32>
        %mul3A_1773 = arith.mulf %get3A_1766, %get3A_1726 : vector<16xf32>
        %add3A_1774 = arith.addf %add3A_1658, %mul3A_1773 : vector<16xf32>
        %get3A_1775 = arith.constant 29 : i32
        %get3A_1776 = arith.index_cast %get3A_1775 : i32 to index
        %get3A_1777 = arith.constant 0 : index
        %get3A_1778 = tpu.vector_load %arg8[%get3A_1776, %get3A_1777] {strides = array<i32>} : memref<32x32xf32, #tpu.memory_space<vmem>>, vector<1x16xf32>,
        %get3A_1779 = vector.shape_cast %get3A_1778 : vector<1x16xf32> to vector<16xf32>
        %get3A_1780 = arith.constant 29 : i32
        %get3A_1781 = arith.index_cast %get3A_1780 : i32 to index
        %get3A_1782 = arith.constant 16 : index
        %get3A_1783 = tpu.vector_load %arg8[%get3A_1781, %get3A_1782] {strides = array<i32>} : memref<32x32xf32, #tpu.memory_space<vmem>>, vector<1x16xf32>,
        %get3A_1784 = vector.shape_cast %get3A_1783 : vector<1x16xf32> to vector<16xf32>
        %mul3A_1785 = arith.constant 32 : i32
        %mul3A_1786 = arith.muli %mul3A_90, %mul3A_1785 : i32
        %add3A_1787 = arith.constant 29 : i32
        %add3A_1788 = arith.addi %mul3A_1786, %add3A_1787 : i32
        %get3A_1789 = arith.constant 1 : i32
        %get3A_1790 = arith.index_cast %get3A_1789 : i32 to index
        %get3A_1791 = arith.index_cast %add3A_1788 : i32 to index
        %get3A_1792 = arith.constant 0 : index
        %get3A_1793 = tpu.vector_load %arg7[%get3A_1790, %get3A_1791, %get3A_1792] {strides = array<i32>} : memref<2x256x128xf32, #tpu.memory_space<vmem>>, vector<1x1x16xf32>,
        %get3A_1794 = vector.shape_cast %get3A_1793 : vector<1x1x16xf32> to vector<16xf32>
        %mul3A_1795 = arith.constant 32 : i32
        %mul3A_1796 = arith.muli %mul3A_90, %mul3A_1795 : i32
        %add3A_1797 = arith.constant 29 : i32
        %add3A_1798 = arith.addi %mul3A_1796, %add3A_1797 : i32
        %get3A_1799 = arith.constant 1 : i32
        %get3A_1800 = arith.index_cast %get3A_1799 : i32 to index
        %get3A_1801 = arith.index_cast %add3A_1798 : i32 to index
        %get3A_1802 = arith.constant 16 : index
        %get3A_1803 = tpu.vector_load %arg7[%get3A_1800, %get3A_1801, %get3A_1802] {strides = array<i32>} : memref<2x256x128xf32, #tpu.memory_space<vmem>>, vector<1x1x16xf32>,
        %get3A_1804 = vector.shape_cast %get3A_1803 : vector<1x1x16xf32> to vector<16xf32>
        %mul3A_1805 = arith.constant 32 : i32
        %mul3A_1806 = arith.muli %add3A_92, %mul3A_1805 : i32
        %add3A_1807 = arith.constant 29 : i32
        %add3A_1808 = arith.addi %mul3A_1806, %add3A_1807 : i32
        %get3A_1809 = arith.constant 1 : i32
        %get3A_1810 = arith.index_cast %get3A_1809 : i32 to index
        %get3A_1811 = arith.index_cast %add3A_1808 : i32 to index
        %get3A_1812 = arith.constant 0 : index
        %get3A_1813 = tpu.vector_load %arg7[%get3A_1810, %get3A_1811, %get3A_1812] {strides = array<i32>} : memref<2x256x128xf32, #tpu.memory_space<vmem>>, vector<1x1x16xf32>,
        %get3A_1814 = vector.shape_cast %get3A_1813 : vector<1x1x16xf32> to vector<16xf32>
        %mul3A_1815 = arith.constant 32 : i32
        %mul3A_1816 = arith.muli %add3A_92, %mul3A_1815 : i32
        %add3A_1817 = arith.constant 29 : i32
        %add3A_1818 = arith.addi %mul3A_1816, %add3A_1817 : i32
        %get3A_1819 = arith.constant 1 : i32
        %get3A_1820 = arith.index_cast %get3A_1819 : i32 to index
        %get3A_1821 = arith.index_cast %add3A_1818 : i32 to index
        %get3A_1822 = arith.constant 16 : index
        %get3A_1823 = tpu.vector_load %arg7[%get3A_1820, %get3A_1821, %get3A_1822] {strides = array<i32>} : memref<2x256x128xf32, #tpu.memory_space<vmem>>, vector<1x1x16xf32>,
        %get3A_1824 = vector.shape_cast %get3A_1823 : vector<1x1x16xf32> to vector<16xf32>
        %mul3A_1825 = arith.mulf %get3A_1794, %get3A_1779 : vector<16xf32>
        %add3A_1826 = arith.addf %add3A_1710, %mul3A_1825 : vector<16xf32>
        %mul3A_1827 = arith.mulf %get3A_1804, %get3A_1784 : vector<16xf32>
        %add3A_1828 = arith.addf %add3A_1712, %mul3A_1827 : vector<16xf32>
        %mul3A_1829 = arith.mulf %get3A_1814, %get3A_1779 : vector<16xf32>
        %add3A_1830 = arith.addf %add3A_1714, %mul3A_1829 : vector<16xf32>
        %mul3A_1831 = arith.mulf %get3A_1824, %get3A_1784 : vector<16xf32>
        %add3A_1832 = arith.addf %add3A_1716, %mul3A_1831 : vector<16xf32>
        %get3A_1833 = arith.constant 30 : i32
        %get3A_1834 = arith.index_cast %get3A_1833 : i32 to index
        %get3A_1835 = arith.constant 0 : index
        %get3A_1836 = tpu.vector_load %arg8[%get3A_1834, %get3A_1835] {strides = array<i32>} : memref<32x32xf32, #tpu.memory_space<vmem>>, vector<1x16xf32>,
        %get3A_1837 = vector.shape_cast %get3A_1836 : vector<1x16xf32> to vector<16xf32>
        %get3A_1838 = arith.constant 30 : i32
        %get3A_1839 = arith.index_cast %get3A_1838 : i32 to index
        %get3A_1840 = arith.constant 16 : index
        %get3A_1841 = tpu.vector_load %arg8[%get3A_1839, %get3A_1840] {strides = array<i32>} : memref<32x32xf32, #tpu.memory_space<vmem>>, vector<1x16xf32>,
        %get3A_1842 = vector.shape_cast %get3A_1841 : vector<1x16xf32> to vector<16xf32>
        %mul3A_1843 = arith.constant 32 : i32
        %mul3A_1844 = arith.muli %mul3A_90, %mul3A_1843 : i32
        %add3A_1845 = arith.constant 30 : i32
        %add3A_1846 = arith.addi %mul3A_1844, %add3A_1845 : i32
        %get3A_1847 = arith.constant 1 : i32
        %get3A_1848 = arith.index_cast %get3A_1847 : i32 to index
        %get3A_1849 = arith.index_cast %add3A_1846 : i32 to index
        %get3A_1850 = arith.constant 0 : index
        %get3A_1851 = tpu.vector_load %arg7[%get3A_1848, %get3A_1849, %get3A_1850] {strides = array<i32>} : memref<2x256x128xf32, #tpu.memory_space<vmem>>, vector<1x1x16xf32>,
        %get3A_1852 = vector.shape_cast %get3A_1851 : vector<1x1x16xf32> to vector<16xf32>
        %mul3A_1853 = arith.constant 32 : i32
        %mul3A_1854 = arith.muli %mul3A_90, %mul3A_1853 : i32
        %add3A_1855 = arith.constant 30 : i32
        %add3A_1856 = arith.addi %mul3A_1854, %add3A_1855 : i32
        %get3A_1857 = arith.constant 1 : i32
        %get3A_1858 = arith.index_cast %get3A_1857 : i32 to index
        %get3A_1859 = arith.index_cast %add3A_1856 : i32 to index
        %get3A_1860 = arith.constant 16 : index
        %get3A_1861 = tpu.vector_load %arg7[%get3A_1858, %get3A_1859, %get3A_1860] {strides = array<i32>} : memref<2x256x128xf32, #tpu.memory_space<vmem>>, vector<1x1x16xf32>,
        %get3A_1862 = vector.shape_cast %get3A_1861 : vector<1x1x16xf32> to vector<16xf32>
        %mul3A_1863 = arith.constant 32 : i32
        %mul3A_1864 = arith.muli %add3A_92, %mul3A_1863 : i32
        %add3A_1865 = arith.constant 30 : i32
        %add3A_1866 = arith.addi %mul3A_1864, %add3A_1865 : i32
        %get3A_1867 = arith.constant 1 : i32
        %get3A_1868 = arith.index_cast %get3A_1867 : i32 to index
        %get3A_1869 = arith.index_cast %add3A_1866 : i32 to index
        %get3A_1870 = arith.constant 0 : index
        %get3A_1871 = tpu.vector_load %arg7[%get3A_1868, %get3A_1869, %get3A_1870] {strides = array<i32>} : memref<2x256x128xf32, #tpu.memory_space<vmem>>, vector<1x1x16xf32>,
        %get3A_1872 = vector.shape_cast %get3A_1871 : vector<1x1x16xf32> to vector<16xf32>
        %mul3A_1873 = arith.constant 32 : i32
        %mul3A_1874 = arith.muli %add3A_92, %mul3A_1873 : i32
        %add3A_1875 = arith.constant 30 : i32
        %add3A_1876 = arith.addi %mul3A_1874, %add3A_1875 : i32
        %get3A_1877 = arith.constant 1 : i32
        %get3A_1878 = arith.index_cast %get3A_1877 : i32 to index
        %get3A_1879 = arith.index_cast %add3A_1876 : i32 to index
        %get3A_1880 = arith.constant 16 : index
        %get3A_1881 = tpu.vector_load %arg7[%get3A_1878, %get3A_1879, %get3A_1880] {strides = array<i32>} : memref<2x256x128xf32, #tpu.memory_space<vmem>>, vector<1x1x16xf32>,
        %get3A_1882 = vector.shape_cast %get3A_1881 : vector<1x1x16xf32> to vector<16xf32>
        %mul3A_1883 = arith.mulf %get3A_1852, %get3A_1837 : vector<16xf32>
        %add3A_1884 = arith.addf %add3A_1768, %mul3A_1883 : vector<16xf32>
        %mul3A_1885 = arith.mulf %get3A_1862, %get3A_1842 : vector<16xf32>
        %add3A_1886 = arith.addf %add3A_1770, %mul3A_1885 : vector<16xf32>
        %mul3A_1887 = arith.mulf %get3A_1872, %get3A_1837 : vector<16xf32>
        %add3A_1888 = arith.addf %add3A_1772, %mul3A_1887 : vector<16xf32>
        %mul3A_1889 = arith.mulf %get3A_1882, %get3A_1842 : vector<16xf32>
        %add3A_1890 = arith.addf %add3A_1774, %mul3A_1889 : vector<16xf32>
        %get3A_1891 = arith.constant 31 : i32
        %get3A_1892 = arith.index_cast %get3A_1891 : i32 to index
        %get3A_1893 = arith.constant 0 : index
        %get3A_1894 = tpu.vector_load %arg8[%get3A_1892, %get3A_1893] {strides = array<i32>} : memref<32x32xf32, #tpu.memory_space<vmem>>, vector<1x16xf32>,
        %get3A_1895 = vector.shape_cast %get3A_1894 : vector<1x16xf32> to vector<16xf32>
        %get3A_1896 = arith.constant 31 : i32
        %get3A_1897 = arith.index_cast %get3A_1896 : i32 to index
        %get3A_1898 = arith.constant 16 : index
        %get3A_1899 = tpu.vector_load %arg8[%get3A_1897, %get3A_1898] {strides = array<i32>} : memref<32x32xf32, #tpu.memory_space<vmem>>, vector<1x16xf32>,
        %get3A_1900 = vector.shape_cast %get3A_1899 : vector<1x16xf32> to vector<16xf32>
        %mul3A_1901 = arith.constant 32 : i32
        %mul3A_1902 = arith.muli %mul3A_90, %mul3A_1901 : i32
        %add3A_1903 = arith.constant 31 : i32
        %add3A_1904 = arith.addi %mul3A_1902, %add3A_1903 : i32
        %get3A_1905 = arith.constant 1 : i32
        %get3A_1906 = arith.index_cast %get3A_1905 : i32 to index
        %get3A_1907 = arith.index_cast %add3A_1904 : i32 to index
        %get3A_1908 = arith.constant 0 : index
        %get3A_1909 = tpu.vector_load %arg7[%get3A_1906, %get3A_1907, %get3A_1908] {strides = array<i32>} : memref<2x256x128xf32, #tpu.memory_space<vmem>>, vector<1x1x16xf32>,
        %get3A_1910 = vector.shape_cast %get3A_1909 : vector<1x1x16xf32> to vector<16xf32>
        %mul3A_1911 = arith.constant 32 : i32
        %mul3A_1912 = arith.muli %mul3A_90, %mul3A_1911 : i32
        %add3A_1913 = arith.constant 31 : i32
        %add3A_1914 = arith.addi %mul3A_1912, %add3A_1913 : i32
        %get3A_1915 = arith.constant 1 : i32
        %get3A_1916 = arith.index_cast %get3A_1915 : i32 to index
        %get3A_1917 = arith.index_cast %add3A_1914 : i32 to index
        %get3A_1918 = arith.constant 16 : index
        %get3A_1919 = tpu.vector_load %arg7[%get3A_1916, %get3A_1917, %get3A_1918] {strides = array<i32>} : memref<2x256x128xf32, #tpu.memory_space<vmem>>, vector<1x1x16xf32>,
        %get3A_1920 = vector.shape_cast %get3A_1919 : vector<1x1x16xf32> to vector<16xf32>
        %mul3A_1921 = arith.constant 32 : i32
        %mul3A_1922 = arith.muli %add3A_92, %mul3A_1921 : i32
        %add3A_1923 = arith.constant 31 : i32
        %add3A_1924 = arith.addi %mul3A_1922, %add3A_1923 : i32
        %get3A_1925 = arith.constant 1 : i32
        %get3A_1926 = arith.index_cast %get3A_1925 : i32 to index
        %get3A_1927 = arith.index_cast %add3A_1924 : i32 to index
        %get3A_1928 = arith.constant 0 : index
        %get3A_1929 = tpu.vector_load %arg7[%get3A_1926, %get3A_1927, %get3A_1928] {strides = array<i32>} : memref<2x256x128xf32, #tpu.memory_space<vmem>>, vector<1x1x16xf32>,
        %get3A_1930 = vector.shape_cast %get3A_1929 : vector<1x1x16xf32> to vector<16xf32>
        %mul3A_1931 = arith.constant 32 : i32
        %mul3A_1932 = arith.muli %add3A_92, %mul3A_1931 : i32
        %add3A_1933 = arith.constant 31 : i32
        %add3A_1934 = arith.addi %mul3A_1932, %add3A_1933 : i32
        %get3A_1935 = arith.constant 1 : i32
        %get3A_1936 = arith.index_cast %get3A_1935 : i32 to index
        %get3A_1937 = arith.index_cast %add3A_1934 : i32 to index
        %get3A_1938 = arith.constant 16 : index
        %get3A_1939 = tpu.vector_load %arg7[%get3A_1936, %get3A_1937, %get3A_1938] {strides = array<i32>} : memref<2x256x128xf32, #tpu.memory_space<vmem>>, vector<1x1x16xf32>,
        %get3A_1940 = vector.shape_cast %get3A_1939 : vector<1x1x16xf32> to vector<16xf32>
        %mul3A_1941 = arith.mulf %get3A_1910, %get3A_1895 : vector<16xf32>
        %add3A_1942 = arith.addf %add3A_1826, %mul3A_1941 : vector<16xf32>
        %mul3A_1943 = arith.mulf %get3A_1920, %get3A_1900 : vector<16xf32>
        %add3A_1944 = arith.addf %add3A_1828, %mul3A_1943 : vector<16xf32>
        %mul3A_1945 = arith.mulf %get3A_1930, %get3A_1895 : vector<16xf32>
        %add3A_1946 = arith.addf %add3A_1830, %mul3A_1945 : vector<16xf32>
        %mul3A_1947 = arith.mulf %get3A_1940, %get3A_1900 : vector<16xf32>
        %add3A_1948 = arith.addf %add3A_1832, %mul3A_1947 : vector<16xf32>
        %add3A_1949 = arith.addf %add3A_1884, %add3A_1942 : vector<16xf32>
        %swap3A = arith.index_cast %mul3A_90 : i32 to index
        %swap3A_1950 = arith.constant 0 : index
        %swap3A_1951 = tpu.vector_load %arg9[%swap3A, %swap3A_1950] {strides = array<i32>} : memref<8x32xf32, #tpu.memory_space<vmem>>, vector<1x16xf32>,
        %swap3A_1952 = vector.shape_cast %swap3A_1951 : vector<1x16xf32> to vector<16xf32>
        %swap3A_1953 = vector.shape_cast %add3A_1949 : vector<16xf32> to vector<1x16xf32>
        tpu.vector_store %arg9[%swap3A, %swap3A_1950], %swap3A_1953 {strides = array<i32>} : memref<8x32xf32, #tpu.memory_space<vmem>>, vector<1x16xf32>,
        %add3A_1954 = arith.addf %add3A_1886, %add3A_1944 : vector<16xf32>
        %swap3A_1955 = arith.index_cast %mul3A_90 : i32 to index
        %swap3A_1956 = arith.constant 16 : index
        %swap3A_1957 = tpu.vector_load %arg9[%swap3A_1955, %swap3A_1956] {strides = array<i32>} : memref<8x32xf32, #tpu.memory_space<vmem>>, vector<1x16xf32>,
        %swap3A_1958 = vector.shape_cast %swap3A_1957 : vector<1x16xf32> to vector<16xf32>
        %swap3A_1959 = vector.shape_cast %add3A_1954 : vector<16xf32> to vector<1x16xf32>
        tpu.vector_store %arg9[%swap3A_1955, %swap3A_1956], %swap3A_1959 {strides = array<i32>} : memref<8x32xf32, #tpu.memory_space<vmem>>, vector<1x16xf32>,
        %add3A_1960 = arith.addf %add3A_1888, %add3A_1946 : vector<16xf32>
        %swap3A_1961 = arith.index_cast %add3A_92 : i32 to index
        %swap3A_1962 = arith.constant 0 : index
        %swap3A_1963 = tpu.vector_load %arg9[%swap3A_1961, %swap3A_1962] {strides = array<i32>} : memref<8x32xf32, #tpu.memory_space<vmem>>, vector<1x16xf32>,
        %swap3A_1964 = vector.shape_cast %swap3A_1963 : vector<1x16xf32> to vector<16xf32>
        %swap3A_1965 = vector.shape_cast %add3A_1960 : vector<16xf32> to vector<1x16xf32>
        tpu.vector_store %arg9[%swap3A_1961, %swap3A_1962], %swap3A_1965 {strides = array<i32>} : memref<8x32xf32, #tpu.memory_space<vmem>>, vector<1x16xf32>,
        %add3A_1966 = arith.addf %add3A_1890, %add3A_1948 : vector<16xf32>
        %swap3A_1967 = arith.index_cast %add3A_92 : i32 to index
        %swap3A_1968 = arith.constant 16 : index
        %swap3A_1969 = tpu.vector_load %arg9[%swap3A_1967, %swap3A_1968] {strides = array<i32>} : memref<8x32xf32, #tpu.memory_space<vmem>>, vector<1x16xf32>,
        %swap3A_1970 = vector.shape_cast %swap3A_1969 : vector<1x16xf32> to vector<16xf32>
        %swap3A_1971 = vector.shape_cast %add3A_1966 : vector<16xf32> to vector<1x16xf32>
        tpu.vector_store %arg9[%swap3A_1967, %swap3A_1968], %swap3A_1971 {strides = array<i32>} : memref<8x32xf32, #tpu.memory_space<vmem>>, vector<1x16xf32>,
        %scan3A_1972 = arith.constant 0 : i32
        scf.yield %scan3A_1972 : i32
      }
      %scan3A_80 = arith.constant 4 : i32
      %mul3A_81 = arith.constant 256 : i32
      %mul3A_82 = arith.muli %add3A, %mul3A_81 : i32
      %mul3A_83 = arith.constant 8 : i32
      %mul3A_84 = arith.muli %add3A_73, %mul3A_83 : i32
      %add3A_85 = arith.addi %mul3A_82, %mul3A_84 : i32
      "tpu.region"() ({
        %run_scoped3A = tpu.sem_alloc : memref<!tpu.dma_semaphore, #tpu.memory_space<semaphore_mem>>
        %dma_start3A_87 = arith.constant 0 : i32
        %dma_start3A_88 = tpu.memref_slice %arg5[%add3A_85, %dma_start3A_87] : memref<8192x32xf32, #tpu.memory_space<hbm>> -> memref<8x32xf32, #tpu.memory_space<hbm>>
        %dma_start3A_89 = arith.constant 0 : i32
        %dma_start3A_90 = tpu.memref_slice %arg5[%add3A_85, %dma_start3A_89] : memref<8192x32xf32, #tpu.memory_space<hbm>> -> memref<8x32xf32, #tpu.memory_space<hbm>>
        tpu.enqueue_dma source(%arg9 : memref<8x32xf32, #tpu.memory_space<vmem>>) target(%dma_start3A_90 : memref<8x32xf32, #tpu.memory_space<hbm>>) target_semaphore(%run_scoped3A : memref<!tpu.dma_semaphore, #tpu.memory_space<semaphore_mem>>)
        %dma_wait3A_91 = arith.constant 0 : i32
        %dma_wait3A_92 = tpu.memref_slice %arg5[%add3A_85, %dma_wait3A_91] : memref<8192x32xf32, #tpu.memory_space<hbm>> -> memref<8x32xf32, #tpu.memory_space<hbm>>
        %dma_wait3A_93 = arith.constant 0 : i32
        %dma_wait3A_94 = tpu.memref_slice %arg5[%add3A_85, %dma_wait3A_93] : memref<8192x32xf32, #tpu.memory_space<hbm>> -> memref<8x32xf32, #tpu.memory_space<hbm>>
        tpu.wait_dma2 semaphore(%run_scoped3A : memref<!tpu.dma_semaphore, #tpu.memory_space<semaphore_mem>>) src(%arg9 : memref<8x32xf32, #tpu.memory_space<vmem>>) dst(%dma_wait3A_94 : memref<8x32xf32, #tpu.memory_space<hbm>>)
        tpu.yield
      }) : () -> ()
      %scan3A_86 = arith.constant 0 : i32
      scf.yield %scan3A_86 : i32
    }
    %scan3A_19 = arith.constant 16 : i32
    return
  }
}

module attributes {stable_mosaic.version = 14 : i64} {
  func.func @_y_body(%arg0: memref<8192x24xf32, #tpu.memory_space<vmem>>, %arg1: memref<8192x128xf32, #tpu.memory_space<vmem>>) attributes {dimension_semantics = [], scalar_prefetch = 0 : i64, scratch_operands = 0 : i64, tpu.core_type = #tpu.core_type<tc>} {
    %get3A = arith.constant 0 : index
    %get3A_0 = arith.constant 0 : index
    %get3A_1 = vector.load %arg0[%get3A, %get3A_0] : memref<8192x24xf32, #tpu.memory_space<vmem>>, vector<8192x24xf32>
    %slice3A = vector.extract_strided_slice %get3A_1 {offsets = [0, 0], sizes = [8192, 8], strides = [1, 1]} : vector<8192x24xf32> to vector<8192x8xf32>
    %jit3A = arith.constant -1.000000e+00 : f32
    %jit3A_2 = arith.constant 1.000000e+00 : f32
    %max3A = vector.broadcast %jit3A : f32 to vector<8192x8xf32>
    %max3A_3 = arith.maximumf %max3A, %slice3A : vector<8192x8xf32>
    %min3A = vector.broadcast %jit3A_2 : f32 to vector<8192x8xf32>
    %min3A_4 = arith.minimumf %min3A, %max3A_3 : vector<8192x8xf32>
    %sub3A = arith.constant 1.000000e+00 : f32
    %sub3A_5 = vector.broadcast %sub3A : f32 to vector<8192x8xf32>
    %sub3A_6 = arith.subf %sub3A_5, %min3A_4 : vector<8192x8xf32>
    %sqrt3A = math.sqrt %sub3A_6 : vector<8192x8xf32>
    %add3A = arith.constant 1.000000e+00 : f32
    %add3A_7 = vector.broadcast %add3A : f32 to vector<8192x8xf32>
    %add3A_8 = arith.addf %add3A_7, %min3A_4 : vector<8192x8xf32>
    %sqrt3A_9 = math.sqrt %add3A_8 : vector<8192x8xf32>
    %atan23A = math.atan2 %sqrt3A, %sqrt3A_9 : vector<8192x8xf32>
    %mul3A = arith.constant 2.000000e+00 : f32
    %mul3A_10 = vector.broadcast %mul3A : f32 to vector<8192x8xf32>
    %mul3A_11 = arith.mulf %mul3A_10, %atan23A : vector<8192x8xf32>
    %sin3A = math.sin %mul3A_11 : vector<8192x8xf32>
    %add3A_12 = arith.constant 9.99999974E-5 : f32
    %add3A_13 = vector.broadcast %add3A_12 : f32 to vector<8192x8xf32>
    %add3A_14 = arith.addf %sin3A, %add3A_13 : vector<8192x8xf32>
    %div3A = arith.divf %mul3A_11, %add3A_14 : vector<8192x8xf32>
    %cos3A = math.cos %mul3A_11 : vector<8192x8xf32>
    %sub3A_15 = arith.subf %slice3A, %cos3A : vector<8192x8xf32>
    %mul3A_16 = arith.mulf %sub3A_15, %div3A : vector<8192x8xf32>
    %slice3A_17 = vector.extract_strided_slice %get3A_1 {offsets = [0, 8], sizes = [8192, 8], strides = [1, 1]} : vector<8192x24xf32> to vector<8192x8xf32>
    %mul3A_18 = arith.mulf %slice3A_17, %div3A : vector<8192x8xf32>
    %slice3A_19 = vector.extract_strided_slice %get3A_1 {offsets = [0, 16], sizes = [8192, 8], strides = [1, 1]} : vector<8192x24xf32> to vector<8192x8xf32>
    %mul3A_20 = arith.mulf %slice3A_19, %div3A : vector<8192x8xf32>
    %broadcast_in_dim3A = arith.constant 0.000000e+00 : f32
    %broadcast_in_dim3A_21 = vector.broadcast %broadcast_in_dim3A : f32 to vector<8192x104xf32>
    %concatenate3A = tpu.concatenate %mul3A_16, %mul3A_18, %mul3A_20, %broadcast_in_dim3A_21 in 1 : vector<8192x8xf32>, vector<8192x8xf32>, vector<8192x8xf32>, vector<8192x104xf32> -> vector<8192x128xf32>
    %swap3A = arith.constant 0 : index
    %swap3A_22 = arith.constant 0 : index
    %swap3A_23 = vector.load %arg1[%swap3A, %swap3A_22] : memref<8192x128xf32, #tpu.memory_space<vmem>>, vector<8192x128xf32>
    tpu.vector_store %arg1[%swap3A, %swap3A_22], %concatenate3A {strides = array<i32>} : memref<8192x128xf32, #tpu.memory_space<vmem>>, vector<8192x128xf32>,
    return
  }
}

module attributes {stable_mosaic.version = 14 : i64} {
  func.func @_topk_body(%arg0: i32, %arg1: memref<512x2048xf32, #tpu.memory_space<vmem>>, %arg2: memref<512x32xi32, #tpu.memory_space<vmem>>) attributes {dimension_semantics = [#tpu.dimension_semantics<arbitrary>], iteration_bounds = array<i64: 16>, scalar_prefetch = 0 : i64, scratch_operands = 0 : i64, tpu.core_type = #tpu.core_type<tc>, window_params = [{transform_indices = @transform_0, window_bounds = array<i64: 512, 2048>}, {transform_indices = @transform_1, window_bounds = array<i64: 512, 32>}]} {
    %get3A = arith.constant 0 : index
    %get3A_0 = arith.constant 0 : index
    %get3A_1 = vector.load %arg1[%get3A, %get3A_0] : memref<512x2048xf32, #tpu.memory_space<vmem>>, vector<512x2048xf32>
    %iota3A = tpu.iota {dimensions = array<i32: 1>} : vector<512x2048xi32>
    %iota3A_2 = tpu.iota {dimensions = array<i32: 1>} : vector<512x32xi32>
    %jit3A = arith.constant 4 : i32
    %div3A = arith.divsi %arg0, %jit3A : i32
    %sign3A = arith.constant 0 : i32
    %sign3A_3 = arith.cmpi sgt, %arg0, %sign3A : i32
    %sign3A_4 = arith.extui %sign3A_3 : i1 to i32
    %sign3A_5 = arith.constant 0 : i32
    %sign3A_6 = arith.cmpi slt, %arg0, %sign3A_5 : i32
    %sign3A_7 = arith.extui %sign3A_6 : i1 to i32
    %sign3A_8 = arith.subi %sign3A_4, %sign3A_7 : i32
    %sign3A_9 = arith.constant 0 : i32
    %sign3A_10 = arith.cmpi sgt, %jit3A, %sign3A_9 : i32
    %sign3A_11 = arith.extui %sign3A_10 : i1 to i32
    %sign3A_12 = arith.constant 0 : i32
    %sign3A_13 = arith.cmpi slt, %jit3A, %sign3A_12 : i32
    %sign3A_14 = arith.extui %sign3A_13 : i1 to i32
    %sign3A_15 = arith.subi %sign3A_11, %sign3A_14 : i32
    %ne3A = arith.cmpi ne, %sign3A_8, %sign3A_15 : i32
    %rem3A = arith.remsi %arg0, %jit3A : i32
    %ne3A_16 = arith.constant 0 : i32
    %ne3A_17 = arith.cmpi ne, %rem3A, %ne3A_16 : i32
    %and3A = arith.andi %ne3A, %ne3A_17 : i1
    %sub3A = arith.constant 1 : i32
    %sub3A_18 = arith.subi %div3A, %sub3A : i32
    %select_n3A = arith.select %and3A, %sub3A_18, %div3A : i32
    %mul3A = arith.constant 2048 : i32
    %mul3A_19 = arith.muli %select_n3A, %mul3A : i32
    %broadcast_in_dim3A = arith.constant 0 : i32
    %broadcast_in_dim3A_20 = vector.broadcast %broadcast_in_dim3A : i32 to vector<512x32xi32>
    %scan3A = arith.constant 0 : i32
    %argmax3A = tpu.reduce_index %get3A_1 {axis = 1 : i32, kind = #tpu.reduction_kind<arg_max>} : vector<512x2048xf32> -> vector<512xi32>
    %broadcast_in_dim3A_21 = vector.shape_cast %argmax3A : vector<512xi32> to vector<512x1xi32>
    %eq3A = vector.broadcast %scan3A : i32 to vector<512x32xi32>
    %eq3A_22 = arith.cmpi eq, %iota3A_2, %eq3A : vector<512x32xi32>
    %add3A = vector.broadcast %mul3A_19 : i32 to vector<512x1xi32>
    %add3A_23 = arith.addi %broadcast_in_dim3A_21, %add3A : vector<512x1xi32>
    %jit3A_24 = arith.constant 0 : i32
    %broadcast_in_dim3A_25 = vector.shape_cast %add3A_23 : vector<512x1xi32> to vector<512x1xi32>
    %broadcast_in_dim3A_26 = vector.broadcast %broadcast_in_dim3A_25 : vector<512x1xi32> to vector<512x32xi32>
    %broadcast_in_dim3A_27 = vector.broadcast %jit3A_24 : i32 to vector<512x32xi32>
    %select_n3A_28 = arith.select %eq3A_22, %broadcast_in_dim3A_26, %broadcast_in_dim3A_27 : vector<512x32xi1>, vector<512x32xi32>
    %add3A_29 = arith.addi %broadcast_in_dim3A_20, %select_n3A_28 : vector<512x32xi32>
    %eq3A_30 = vector.broadcast %broadcast_in_dim3A_21 : vector<512x1xi32> to vector<512x2048xi32>
    %eq3A_31 = arith.cmpi eq, %iota3A, %eq3A_30 : vector<512x2048xi32>
    %jit3A_32 = arith.constant -1.000000e+00 : f32
    %broadcast_in_dim3A_33 = vector.broadcast %jit3A_32 : f32 to vector<512x2048xf32>
    %select_n3A_34 = arith.select %eq3A_31, %broadcast_in_dim3A_33, %get3A_1 : vector<512x2048xi1>, vector<512x2048xf32>
    %scan3A_35 = arith.constant 1 : i32
    %argmax3A_36 = tpu.reduce_index %select_n3A_34 {axis = 1 : i32, kind = #tpu.reduction_kind<arg_max>} : vector<512x2048xf32> -> vector<512xi32>
    %broadcast_in_dim3A_37 = vector.shape_cast %argmax3A_36 : vector<512xi32> to vector<512x1xi32>
    %eq3A_38 = vector.broadcast %scan3A_35 : i32 to vector<512x32xi32>
    %eq3A_39 = arith.cmpi eq, %iota3A_2, %eq3A_38 : vector<512x32xi32>
    %add3A_40 = vector.broadcast %mul3A_19 : i32 to vector<512x1xi32>
    %add3A_41 = arith.addi %broadcast_in_dim3A_37, %add3A_40 : vector<512x1xi32>
    %jit3A_42 = arith.constant 0 : i32
    %broadcast_in_dim3A_43 = vector.shape_cast %add3A_41 : vector<512x1xi32> to vector<512x1xi32>
    %broadcast_in_dim3A_44 = vector.broadcast %broadcast_in_dim3A_43 : vector<512x1xi32> to vector<512x32xi32>
    %broadcast_in_dim3A_45 = vector.broadcast %jit3A_42 : i32 to vector<512x32xi32>
    %select_n3A_46 = arith.select %eq3A_39, %broadcast_in_dim3A_44, %broadcast_in_dim3A_45 : vector<512x32xi1>, vector<512x32xi32>
    %add3A_47 = arith.addi %add3A_29, %select_n3A_46 : vector<512x32xi32>
    %eq3A_48 = vector.broadcast %broadcast_in_dim3A_37 : vector<512x1xi32> to vector<512x2048xi32>
    %eq3A_49 = arith.cmpi eq, %iota3A, %eq3A_48 : vector<512x2048xi32>
    %jit3A_50 = arith.constant -1.000000e+00 : f32
    %broadcast_in_dim3A_51 = vector.broadcast %jit3A_50 : f32 to vector<512x2048xf32>
    %select_n3A_52 = arith.select %eq3A_49, %broadcast_in_dim3A_51, %select_n3A_34 : vector<512x2048xi1>, vector<512x2048xf32>
    %scan3A_53 = arith.constant 2 : i32
    %argmax3A_54 = tpu.reduce_index %select_n3A_52 {axis = 1 : i32, kind = #tpu.reduction_kind<arg_max>} : vector<512x2048xf32> -> vector<512xi32>
    %broadcast_in_dim3A_55 = vector.shape_cast %argmax3A_54 : vector<512xi32> to vector<512x1xi32>
    %eq3A_56 = vector.broadcast %scan3A_53 : i32 to vector<512x32xi32>
    %eq3A_57 = arith.cmpi eq, %iota3A_2, %eq3A_56 : vector<512x32xi32>
    %add3A_58 = vector.broadcast %mul3A_19 : i32 to vector<512x1xi32>
    %add3A_59 = arith.addi %broadcast_in_dim3A_55, %add3A_58 : vector<512x1xi32>
    %jit3A_60 = arith.constant 0 : i32
    %broadcast_in_dim3A_61 = vector.shape_cast %add3A_59 : vector<512x1xi32> to vector<512x1xi32>
    %broadcast_in_dim3A_62 = vector.broadcast %broadcast_in_dim3A_61 : vector<512x1xi32> to vector<512x32xi32>
    %broadcast_in_dim3A_63 = vector.broadcast %jit3A_60 : i32 to vector<512x32xi32>
    %select_n3A_64 = arith.select %eq3A_57, %broadcast_in_dim3A_62, %broadcast_in_dim3A_63 : vector<512x32xi1>, vector<512x32xi32>
    %add3A_65 = arith.addi %add3A_47, %select_n3A_64 : vector<512x32xi32>
    %eq3A_66 = vector.broadcast %broadcast_in_dim3A_55 : vector<512x1xi32> to vector<512x2048xi32>
    %eq3A_67 = arith.cmpi eq, %iota3A, %eq3A_66 : vector<512x2048xi32>
    %jit3A_68 = arith.constant -1.000000e+00 : f32
    %broadcast_in_dim3A_69 = vector.broadcast %jit3A_68 : f32 to vector<512x2048xf32>
    %select_n3A_70 = arith.select %eq3A_67, %broadcast_in_dim3A_69, %select_n3A_52 : vector<512x2048xi1>, vector<512x2048xf32>
    %scan3A_71 = arith.constant 3 : i32
    %argmax3A_72 = tpu.reduce_index %select_n3A_70 {axis = 1 : i32, kind = #tpu.reduction_kind<arg_max>} : vector<512x2048xf32> -> vector<512xi32>
    %broadcast_in_dim3A_73 = vector.shape_cast %argmax3A_72 : vector<512xi32> to vector<512x1xi32>
    %eq3A_74 = vector.broadcast %scan3A_71 : i32 to vector<512x32xi32>
    %eq3A_75 = arith.cmpi eq, %iota3A_2, %eq3A_74 : vector<512x32xi32>
    %add3A_76 = vector.broadcast %mul3A_19 : i32 to vector<512x1xi32>
    %add3A_77 = arith.addi %broadcast_in_dim3A_73, %add3A_76 : vector<512x1xi32>
    %jit3A_78 = arith.constant 0 : i32
    %broadcast_in_dim3A_79 = vector.shape_cast %add3A_77 : vector<512x1xi32> to vector<512x1xi32>
    %broadcast_in_dim3A_80 = vector.broadcast %broadcast_in_dim3A_79 : vector<512x1xi32> to vector<512x32xi32>
    %broadcast_in_dim3A_81 = vector.broadcast %jit3A_78 : i32 to vector<512x32xi32>
    %select_n3A_82 = arith.select %eq3A_75, %broadcast_in_dim3A_80, %broadcast_in_dim3A_81 : vector<512x32xi1>, vector<512x32xi32>
    %add3A_83 = arith.addi %add3A_65, %select_n3A_82 : vector<512x32xi32>
    %eq3A_84 = vector.broadcast %broadcast_in_dim3A_73 : vector<512x1xi32> to vector<512x2048xi32>
    %eq3A_85 = arith.cmpi eq, %iota3A, %eq3A_84 : vector<512x2048xi32>
    %jit3A_86 = arith.constant -1.000000e+00 : f32
    %broadcast_in_dim3A_87 = vector.broadcast %jit3A_86 : f32 to vector<512x2048xf32>
    %select_n3A_88 = arith.select %eq3A_85, %broadcast_in_dim3A_87, %select_n3A_70 : vector<512x2048xi1>, vector<512x2048xf32>
    %scan3A_89 = arith.constant 4 : i32
    %argmax3A_90 = tpu.reduce_index %select_n3A_88 {axis = 1 : i32, kind = #tpu.reduction_kind<arg_max>} : vector<512x2048xf32> -> vector<512xi32>
    %broadcast_in_dim3A_91 = vector.shape_cast %argmax3A_90 : vector<512xi32> to vector<512x1xi32>
    %eq3A_92 = vector.broadcast %scan3A_89 : i32 to vector<512x32xi32>
    %eq3A_93 = arith.cmpi eq, %iota3A_2, %eq3A_92 : vector<512x32xi32>
    %add3A_94 = vector.broadcast %mul3A_19 : i32 to vector<512x1xi32>
    %add3A_95 = arith.addi %broadcast_in_dim3A_91, %add3A_94 : vector<512x1xi32>
    %jit3A_96 = arith.constant 0 : i32
    %broadcast_in_dim3A_97 = vector.shape_cast %add3A_95 : vector<512x1xi32> to vector<512x1xi32>
    %broadcast_in_dim3A_98 = vector.broadcast %broadcast_in_dim3A_97 : vector<512x1xi32> to vector<512x32xi32>
    %broadcast_in_dim3A_99 = vector.broadcast %jit3A_96 : i32 to vector<512x32xi32>
    %select_n3A_100 = arith.select %eq3A_93, %broadcast_in_dim3A_98, %broadcast_in_dim3A_99 : vector<512x32xi1>, vector<512x32xi32>
    %add3A_101 = arith.addi %add3A_83, %select_n3A_100 : vector<512x32xi32>
    %eq3A_102 = vector.broadcast %broadcast_in_dim3A_91 : vector<512x1xi32> to vector<512x2048xi32>
    %eq3A_103 = arith.cmpi eq, %iota3A, %eq3A_102 : vector<512x2048xi32>
    %jit3A_104 = arith.constant -1.000000e+00 : f32
    %broadcast_in_dim3A_105 = vector.broadcast %jit3A_104 : f32 to vector<512x2048xf32>
    %select_n3A_106 = arith.select %eq3A_103, %broadcast_in_dim3A_105, %select_n3A_88 : vector<512x2048xi1>, vector<512x2048xf32>
    %scan3A_107 = arith.constant 5 : i32
    %argmax3A_108 = tpu.reduce_index %select_n3A_106 {axis = 1 : i32, kind = #tpu.reduction_kind<arg_max>} : vector<512x2048xf32> -> vector<512xi32>
    %broadcast_in_dim3A_109 = vector.shape_cast %argmax3A_108 : vector<512xi32> to vector<512x1xi32>
    %eq3A_110 = vector.broadcast %scan3A_107 : i32 to vector<512x32xi32>
    %eq3A_111 = arith.cmpi eq, %iota3A_2, %eq3A_110 : vector<512x32xi32>
    %add3A_112 = vector.broadcast %mul3A_19 : i32 to vector<512x1xi32>
    %add3A_113 = arith.addi %broadcast_in_dim3A_109, %add3A_112 : vector<512x1xi32>
    %jit3A_114 = arith.constant 0 : i32
    %broadcast_in_dim3A_115 = vector.shape_cast %add3A_113 : vector<512x1xi32> to vector<512x1xi32>
    %broadcast_in_dim3A_116 = vector.broadcast %broadcast_in_dim3A_115 : vector<512x1xi32> to vector<512x32xi32>
    %broadcast_in_dim3A_117 = vector.broadcast %jit3A_114 : i32 to vector<512x32xi32>
    %select_n3A_118 = arith.select %eq3A_111, %broadcast_in_dim3A_116, %broadcast_in_dim3A_117 : vector<512x32xi1>, vector<512x32xi32>
    %add3A_119 = arith.addi %add3A_101, %select_n3A_118 : vector<512x32xi32>
    %eq3A_120 = vector.broadcast %broadcast_in_dim3A_109 : vector<512x1xi32> to vector<512x2048xi32>
    %eq3A_121 = arith.cmpi eq, %iota3A, %eq3A_120 : vector<512x2048xi32>
    %jit3A_122 = arith.constant -1.000000e+00 : f32
    %broadcast_in_dim3A_123 = vector.broadcast %jit3A_122 : f32 to vector<512x2048xf32>
    %select_n3A_124 = arith.select %eq3A_121, %broadcast_in_dim3A_123, %select_n3A_106 : vector<512x2048xi1>, vector<512x2048xf32>
    %scan3A_125 = arith.constant 6 : i32
    %argmax3A_126 = tpu.reduce_index %select_n3A_124 {axis = 1 : i32, kind = #tpu.reduction_kind<arg_max>} : vector<512x2048xf32> -> vector<512xi32>
    %broadcast_in_dim3A_127 = vector.shape_cast %argmax3A_126 : vector<512xi32> to vector<512x1xi32>
    %eq3A_128 = vector.broadcast %scan3A_125 : i32 to vector<512x32xi32>
    %eq3A_129 = arith.cmpi eq, %iota3A_2, %eq3A_128 : vector<512x32xi32>
    %add3A_130 = vector.broadcast %mul3A_19 : i32 to vector<512x1xi32>
    %add3A_131 = arith.addi %broadcast_in_dim3A_127, %add3A_130 : vector<512x1xi32>
    %jit3A_132 = arith.constant 0 : i32
    %broadcast_in_dim3A_133 = vector.shape_cast %add3A_131 : vector<512x1xi32> to vector<512x1xi32>
    %broadcast_in_dim3A_134 = vector.broadcast %broadcast_in_dim3A_133 : vector<512x1xi32> to vector<512x32xi32>
    %broadcast_in_dim3A_135 = vector.broadcast %jit3A_132 : i32 to vector<512x32xi32>
    %select_n3A_136 = arith.select %eq3A_129, %broadcast_in_dim3A_134, %broadcast_in_dim3A_135 : vector<512x32xi1>, vector<512x32xi32>
    %add3A_137 = arith.addi %add3A_119, %select_n3A_136 : vector<512x32xi32>
    %eq3A_138 = vector.broadcast %broadcast_in_dim3A_127 : vector<512x1xi32> to vector<512x2048xi32>
    %eq3A_139 = arith.cmpi eq, %iota3A, %eq3A_138 : vector<512x2048xi32>
    %jit3A_140 = arith.constant -1.000000e+00 : f32
    %broadcast_in_dim3A_141 = vector.broadcast %jit3A_140 : f32 to vector<512x2048xf32>
    %select_n3A_142 = arith.select %eq3A_139, %broadcast_in_dim3A_141, %select_n3A_124 : vector<512x2048xi1>, vector<512x2048xf32>
    %scan3A_143 = arith.constant 7 : i32
    %argmax3A_144 = tpu.reduce_index %select_n3A_142 {axis = 1 : i32, kind = #tpu.reduction_kind<arg_max>} : vector<512x2048xf32> -> vector<512xi32>
    %broadcast_in_dim3A_145 = vector.shape_cast %argmax3A_144 : vector<512xi32> to vector<512x1xi32>
    %eq3A_146 = vector.broadcast %scan3A_143 : i32 to vector<512x32xi32>
    %eq3A_147 = arith.cmpi eq, %iota3A_2, %eq3A_146 : vector<512x32xi32>
    %add3A_148 = vector.broadcast %mul3A_19 : i32 to vector<512x1xi32>
    %add3A_149 = arith.addi %broadcast_in_dim3A_145, %add3A_148 : vector<512x1xi32>
    %jit3A_150 = arith.constant 0 : i32
    %broadcast_in_dim3A_151 = vector.shape_cast %add3A_149 : vector<512x1xi32> to vector<512x1xi32>
    %broadcast_in_dim3A_152 = vector.broadcast %broadcast_in_dim3A_151 : vector<512x1xi32> to vector<512x32xi32>
    %broadcast_in_dim3A_153 = vector.broadcast %jit3A_150 : i32 to vector<512x32xi32>
    %select_n3A_154 = arith.select %eq3A_147, %broadcast_in_dim3A_152, %broadcast_in_dim3A_153 : vector<512x32xi1>, vector<512x32xi32>
    %add3A_155 = arith.addi %add3A_137, %select_n3A_154 : vector<512x32xi32>
    %eq3A_156 = vector.broadcast %broadcast_in_dim3A_145 : vector<512x1xi32> to vector<512x2048xi32>
    %eq3A_157 = arith.cmpi eq, %iota3A, %eq3A_156 : vector<512x2048xi32>
    %jit3A_158 = arith.constant -1.000000e+00 : f32
    %broadcast_in_dim3A_159 = vector.broadcast %jit3A_158 : f32 to vector<512x2048xf32>
    %select_n3A_160 = arith.select %eq3A_157, %broadcast_in_dim3A_159, %select_n3A_142 : vector<512x2048xi1>, vector<512x2048xf32>
    %scan3A_161 = arith.constant 8 : i32
    %argmax3A_162 = tpu.reduce_index %select_n3A_160 {axis = 1 : i32, kind = #tpu.reduction_kind<arg_max>} : vector<512x2048xf32> -> vector<512xi32>
    %broadcast_in_dim3A_163 = vector.shape_cast %argmax3A_162 : vector<512xi32> to vector<512x1xi32>
    %eq3A_164 = vector.broadcast %scan3A_161 : i32 to vector<512x32xi32>
    %eq3A_165 = arith.cmpi eq, %iota3A_2, %eq3A_164 : vector<512x32xi32>
    %add3A_166 = vector.broadcast %mul3A_19 : i32 to vector<512x1xi32>
    %add3A_167 = arith.addi %broadcast_in_dim3A_163, %add3A_166 : vector<512x1xi32>
    %jit3A_168 = arith.constant 0 : i32
    %broadcast_in_dim3A_169 = vector.shape_cast %add3A_167 : vector<512x1xi32> to vector<512x1xi32>
    %broadcast_in_dim3A_170 = vector.broadcast %broadcast_in_dim3A_169 : vector<512x1xi32> to vector<512x32xi32>
    %broadcast_in_dim3A_171 = vector.broadcast %jit3A_168 : i32 to vector<512x32xi32>
    %select_n3A_172 = arith.select %eq3A_165, %broadcast_in_dim3A_170, %broadcast_in_dim3A_171 : vector<512x32xi1>, vector<512x32xi32>
    %add3A_173 = arith.addi %add3A_155, %select_n3A_172 : vector<512x32xi32>
    %eq3A_174 = vector.broadcast %broadcast_in_dim3A_163 : vector<512x1xi32> to vector<512x2048xi32>
    %eq3A_175 = arith.cmpi eq, %iota3A, %eq3A_174 : vector<512x2048xi32>
    %jit3A_176 = arith.constant -1.000000e+00 : f32
    %broadcast_in_dim3A_177 = vector.broadcast %jit3A_176 : f32 to vector<512x2048xf32>
    %select_n3A_178 = arith.select %eq3A_175, %broadcast_in_dim3A_177, %select_n3A_160 : vector<512x2048xi1>, vector<512x2048xf32>
    %scan3A_179 = arith.constant 9 : i32
    %argmax3A_180 = tpu.reduce_index %select_n3A_178 {axis = 1 : i32, kind = #tpu.reduction_kind<arg_max>} : vector<512x2048xf32> -> vector<512xi32>
    %broadcast_in_dim3A_181 = vector.shape_cast %argmax3A_180 : vector<512xi32> to vector<512x1xi32>
    %eq3A_182 = vector.broadcast %scan3A_179 : i32 to vector<512x32xi32>
    %eq3A_183 = arith.cmpi eq, %iota3A_2, %eq3A_182 : vector<512x32xi32>
    %add3A_184 = vector.broadcast %mul3A_19 : i32 to vector<512x1xi32>
    %add3A_185 = arith.addi %broadcast_in_dim3A_181, %add3A_184 : vector<512x1xi32>
    %jit3A_186 = arith.constant 0 : i32
    %broadcast_in_dim3A_187 = vector.shape_cast %add3A_185 : vector<512x1xi32> to vector<512x1xi32>
    %broadcast_in_dim3A_188 = vector.broadcast %broadcast_in_dim3A_187 : vector<512x1xi32> to vector<512x32xi32>
    %broadcast_in_dim3A_189 = vector.broadcast %jit3A_186 : i32 to vector<512x32xi32>
    %select_n3A_190 = arith.select %eq3A_183, %broadcast_in_dim3A_188, %broadcast_in_dim3A_189 : vector<512x32xi1>, vector<512x32xi32>
    %add3A_191 = arith.addi %add3A_173, %select_n3A_190 : vector<512x32xi32>
    %eq3A_192 = vector.broadcast %broadcast_in_dim3A_181 : vector<512x1xi32> to vector<512x2048xi32>
    %eq3A_193 = arith.cmpi eq, %iota3A, %eq3A_192 : vector<512x2048xi32>
    %jit3A_194 = arith.constant -1.000000e+00 : f32
    %broadcast_in_dim3A_195 = vector.broadcast %jit3A_194 : f32 to vector<512x2048xf32>
    %select_n3A_196 = arith.select %eq3A_193, %broadcast_in_dim3A_195, %select_n3A_178 : vector<512x2048xi1>, vector<512x2048xf32>
    %scan3A_197 = arith.constant 10 : i32
    %argmax3A_198 = tpu.reduce_index %select_n3A_196 {axis = 1 : i32, kind = #tpu.reduction_kind<arg_max>} : vector<512x2048xf32> -> vector<512xi32>
    %broadcast_in_dim3A_199 = vector.shape_cast %argmax3A_198 : vector<512xi32> to vector<512x1xi32>
    %eq3A_200 = vector.broadcast %scan3A_197 : i32 to vector<512x32xi32>
    %eq3A_201 = arith.cmpi eq, %iota3A_2, %eq3A_200 : vector<512x32xi32>
    %add3A_202 = vector.broadcast %mul3A_19 : i32 to vector<512x1xi32>
    %add3A_203 = arith.addi %broadcast_in_dim3A_199, %add3A_202 : vector<512x1xi32>
    %jit3A_204 = arith.constant 0 : i32
    %broadcast_in_dim3A_205 = vector.shape_cast %add3A_203 : vector<512x1xi32> to vector<512x1xi32>
    %broadcast_in_dim3A_206 = vector.broadcast %broadcast_in_dim3A_205 : vector<512x1xi32> to vector<512x32xi32>
    %broadcast_in_dim3A_207 = vector.broadcast %jit3A_204 : i32 to vector<512x32xi32>
    %select_n3A_208 = arith.select %eq3A_201, %broadcast_in_dim3A_206, %broadcast_in_dim3A_207 : vector<512x32xi1>, vector<512x32xi32>
    %add3A_209 = arith.addi %add3A_191, %select_n3A_208 : vector<512x32xi32>
    %eq3A_210 = vector.broadcast %broadcast_in_dim3A_199 : vector<512x1xi32> to vector<512x2048xi32>
    %eq3A_211 = arith.cmpi eq, %iota3A, %eq3A_210 : vector<512x2048xi32>
    %jit3A_212 = arith.constant -1.000000e+00 : f32
    %broadcast_in_dim3A_213 = vector.broadcast %jit3A_212 : f32 to vector<512x2048xf32>
    %select_n3A_214 = arith.select %eq3A_211, %broadcast_in_dim3A_213, %select_n3A_196 : vector<512x2048xi1>, vector<512x2048xf32>
    %scan3A_215 = arith.constant 11 : i32
    %argmax3A_216 = tpu.reduce_index %select_n3A_214 {axis = 1 : i32, kind = #tpu.reduction_kind<arg_max>} : vector<512x2048xf32> -> vector<512xi32>
    %broadcast_in_dim3A_217 = vector.shape_cast %argmax3A_216 : vector<512xi32> to vector<512x1xi32>
    %eq3A_218 = vector.broadcast %scan3A_215 : i32 to vector<512x32xi32>
    %eq3A_219 = arith.cmpi eq, %iota3A_2, %eq3A_218 : vector<512x32xi32>
    %add3A_220 = vector.broadcast %mul3A_19 : i32 to vector<512x1xi32>
    %add3A_221 = arith.addi %broadcast_in_dim3A_217, %add3A_220 : vector<512x1xi32>
    %jit3A_222 = arith.constant 0 : i32
    %broadcast_in_dim3A_223 = vector.shape_cast %add3A_221 : vector<512x1xi32> to vector<512x1xi32>
    %broadcast_in_dim3A_224 = vector.broadcast %broadcast_in_dim3A_223 : vector<512x1xi32> to vector<512x32xi32>
    %broadcast_in_dim3A_225 = vector.broadcast %jit3A_222 : i32 to vector<512x32xi32>
    %select_n3A_226 = arith.select %eq3A_219, %broadcast_in_dim3A_224, %broadcast_in_dim3A_225 : vector<512x32xi1>, vector<512x32xi32>
    %add3A_227 = arith.addi %add3A_209, %select_n3A_226 : vector<512x32xi32>
    %eq3A_228 = vector.broadcast %broadcast_in_dim3A_217 : vector<512x1xi32> to vector<512x2048xi32>
    %eq3A_229 = arith.cmpi eq, %iota3A, %eq3A_228 : vector<512x2048xi32>
    %jit3A_230 = arith.constant -1.000000e+00 : f32
    %broadcast_in_dim3A_231 = vector.broadcast %jit3A_230 : f32 to vector<512x2048xf32>
    %select_n3A_232 = arith.select %eq3A_229, %broadcast_in_dim3A_231, %select_n3A_214 : vector<512x2048xi1>, vector<512x2048xf32>
    %scan3A_233 = arith.constant 12 : i32
    %argmax3A_234 = tpu.reduce_index %select_n3A_232 {axis = 1 : i32, kind = #tpu.reduction_kind<arg_max>} : vector<512x2048xf32> -> vector<512xi32>
    %broadcast_in_dim3A_235 = vector.shape_cast %argmax3A_234 : vector<512xi32> to vector<512x1xi32>
    %eq3A_236 = vector.broadcast %scan3A_233 : i32 to vector<512x32xi32>
    %eq3A_237 = arith.cmpi eq, %iota3A_2, %eq3A_236 : vector<512x32xi32>
    %add3A_238 = vector.broadcast %mul3A_19 : i32 to vector<512x1xi32>
    %add3A_239 = arith.addi %broadcast_in_dim3A_235, %add3A_238 : vector<512x1xi32>
    %jit3A_240 = arith.constant 0 : i32
    %broadcast_in_dim3A_241 = vector.shape_cast %add3A_239 : vector<512x1xi32> to vector<512x1xi32>
    %broadcast_in_dim3A_242 = vector.broadcast %broadcast_in_dim3A_241 : vector<512x1xi32> to vector<512x32xi32>
    %broadcast_in_dim3A_243 = vector.broadcast %jit3A_240 : i32 to vector<512x32xi32>
    %select_n3A_244 = arith.select %eq3A_237, %broadcast_in_dim3A_242, %broadcast_in_dim3A_243 : vector<512x32xi1>, vector<512x32xi32>
    %add3A_245 = arith.addi %add3A_227, %select_n3A_244 : vector<512x32xi32>
    %eq3A_246 = vector.broadcast %broadcast_in_dim3A_235 : vector<512x1xi32> to vector<512x2048xi32>
    %eq3A_247 = arith.cmpi eq, %iota3A, %eq3A_246 : vector<512x2048xi32>
    %jit3A_248 = arith.constant -1.000000e+00 : f32
    %broadcast_in_dim3A_249 = vector.broadcast %jit3A_248 : f32 to vector<512x2048xf32>
    %select_n3A_250 = arith.select %eq3A_247, %broadcast_in_dim3A_249, %select_n3A_232 : vector<512x2048xi1>, vector<512x2048xf32>
    %scan3A_251 = arith.constant 13 : i32
    %argmax3A_252 = tpu.reduce_index %select_n3A_250 {axis = 1 : i32, kind = #tpu.reduction_kind<arg_max>} : vector<512x2048xf32> -> vector<512xi32>
    %broadcast_in_dim3A_253 = vector.shape_cast %argmax3A_252 : vector<512xi32> to vector<512x1xi32>
    %eq3A_254 = vector.broadcast %scan3A_251 : i32 to vector<512x32xi32>
    %eq3A_255 = arith.cmpi eq, %iota3A_2, %eq3A_254 : vector<512x32xi32>
    %add3A_256 = vector.broadcast %mul3A_19 : i32 to vector<512x1xi32>
    %add3A_257 = arith.addi %broadcast_in_dim3A_253, %add3A_256 : vector<512x1xi32>
    %jit3A_258 = arith.constant 0 : i32
    %broadcast_in_dim3A_259 = vector.shape_cast %add3A_257 : vector<512x1xi32> to vector<512x1xi32>
    %broadcast_in_dim3A_260 = vector.broadcast %broadcast_in_dim3A_259 : vector<512x1xi32> to vector<512x32xi32>
    %broadcast_in_dim3A_261 = vector.broadcast %jit3A_258 : i32 to vector<512x32xi32>
    %select_n3A_262 = arith.select %eq3A_255, %broadcast_in_dim3A_260, %broadcast_in_dim3A_261 : vector<512x32xi1>, vector<512x32xi32>
    %add3A_263 = arith.addi %add3A_245, %select_n3A_262 : vector<512x32xi32>
    %eq3A_264 = vector.broadcast %broadcast_in_dim3A_253 : vector<512x1xi32> to vector<512x2048xi32>
    %eq3A_265 = arith.cmpi eq, %iota3A, %eq3A_264 : vector<512x2048xi32>
    %jit3A_266 = arith.constant -1.000000e+00 : f32
    %broadcast_in_dim3A_267 = vector.broadcast %jit3A_266 : f32 to vector<512x2048xf32>
    %select_n3A_268 = arith.select %eq3A_265, %broadcast_in_dim3A_267, %select_n3A_250 : vector<512x2048xi1>, vector<512x2048xf32>
    %scan3A_269 = arith.constant 14 : i32
    %argmax3A_270 = tpu.reduce_index %select_n3A_268 {axis = 1 : i32, kind = #tpu.reduction_kind<arg_max>} : vector<512x2048xf32> -> vector<512xi32>
    %broadcast_in_dim3A_271 = vector.shape_cast %argmax3A_270 : vector<512xi32> to vector<512x1xi32>
    %eq3A_272 = vector.broadcast %scan3A_269 : i32 to vector<512x32xi32>
    %eq3A_273 = arith.cmpi eq, %iota3A_2, %eq3A_272 : vector<512x32xi32>
    %add3A_274 = vector.broadcast %mul3A_19 : i32 to vector<512x1xi32>
    %add3A_275 = arith.addi %broadcast_in_dim3A_271, %add3A_274 : vector<512x1xi32>
    %jit3A_276 = arith.constant 0 : i32
    %broadcast_in_dim3A_277 = vector.shape_cast %add3A_275 : vector<512x1xi32> to vector<512x1xi32>
    %broadcast_in_dim3A_278 = vector.broadcast %broadcast_in_dim3A_277 : vector<512x1xi32> to vector<512x32xi32>
    %broadcast_in_dim3A_279 = vector.broadcast %jit3A_276 : i32 to vector<512x32xi32>
    %select_n3A_280 = arith.select %eq3A_273, %broadcast_in_dim3A_278, %broadcast_in_dim3A_279 : vector<512x32xi1>, vector<512x32xi32>
    %add3A_281 = arith.addi %add3A_263, %select_n3A_280 : vector<512x32xi32>
    %eq3A_282 = vector.broadcast %broadcast_in_dim3A_271 : vector<512x1xi32> to vector<512x2048xi32>
    %eq3A_283 = arith.cmpi eq, %iota3A, %eq3A_282 : vector<512x2048xi32>
    %jit3A_284 = arith.constant -1.000000e+00 : f32
    %broadcast_in_dim3A_285 = vector.broadcast %jit3A_284 : f32 to vector<512x2048xf32>
    %select_n3A_286 = arith.select %eq3A_283, %broadcast_in_dim3A_285, %select_n3A_268 : vector<512x2048xi1>, vector<512x2048xf32>
    %scan3A_287 = arith.constant 15 : i32
    %argmax3A_288 = tpu.reduce_index %select_n3A_286 {axis = 1 : i32, kind = #tpu.reduction_kind<arg_max>} : vector<512x2048xf32> -> vector<512xi32>
    %broadcast_in_dim3A_289 = vector.shape_cast %argmax3A_288 : vector<512xi32> to vector<512x1xi32>
    %eq3A_290 = vector.broadcast %scan3A_287 : i32 to vector<512x32xi32>
    %eq3A_291 = arith.cmpi eq, %iota3A_2, %eq3A_290 : vector<512x32xi32>
    %add3A_292 = vector.broadcast %mul3A_19 : i32 to vector<512x1xi32>
    %add3A_293 = arith.addi %broadcast_in_dim3A_289, %add3A_292 : vector<512x1xi32>
    %jit3A_294 = arith.constant 0 : i32
    %broadcast_in_dim3A_295 = vector.shape_cast %add3A_293 : vector<512x1xi32> to vector<512x1xi32>
    %broadcast_in_dim3A_296 = vector.broadcast %broadcast_in_dim3A_295 : vector<512x1xi32> to vector<512x32xi32>
    %broadcast_in_dim3A_297 = vector.broadcast %jit3A_294 : i32 to vector<512x32xi32>
    %select_n3A_298 = arith.select %eq3A_291, %broadcast_in_dim3A_296, %broadcast_in_dim3A_297 : vector<512x32xi1>, vector<512x32xi32>
    %add3A_299 = arith.addi %add3A_281, %select_n3A_298 : vector<512x32xi32>
    %eq3A_300 = vector.broadcast %broadcast_in_dim3A_289 : vector<512x1xi32> to vector<512x2048xi32>
    %eq3A_301 = arith.cmpi eq, %iota3A, %eq3A_300 : vector<512x2048xi32>
    %jit3A_302 = arith.constant -1.000000e+00 : f32
    %broadcast_in_dim3A_303 = vector.broadcast %jit3A_302 : f32 to vector<512x2048xf32>
    %select_n3A_304 = arith.select %eq3A_301, %broadcast_in_dim3A_303, %select_n3A_286 : vector<512x2048xi1>, vector<512x2048xf32>
    %scan3A_305 = arith.constant 16 : i32
    %argmax3A_306 = tpu.reduce_index %select_n3A_304 {axis = 1 : i32, kind = #tpu.reduction_kind<arg_max>} : vector<512x2048xf32> -> vector<512xi32>
    %broadcast_in_dim3A_307 = vector.shape_cast %argmax3A_306 : vector<512xi32> to vector<512x1xi32>
    %eq3A_308 = vector.broadcast %scan3A_305 : i32 to vector<512x32xi32>
    %eq3A_309 = arith.cmpi eq, %iota3A_2, %eq3A_308 : vector<512x32xi32>
    %add3A_310 = vector.broadcast %mul3A_19 : i32 to vector<512x1xi32>
    %add3A_311 = arith.addi %broadcast_in_dim3A_307, %add3A_310 : vector<512x1xi32>
    %jit3A_312 = arith.constant 0 : i32
    %broadcast_in_dim3A_313 = vector.shape_cast %add3A_311 : vector<512x1xi32> to vector<512x1xi32>
    %broadcast_in_dim3A_314 = vector.broadcast %broadcast_in_dim3A_313 : vector<512x1xi32> to vector<512x32xi32>
    %broadcast_in_dim3A_315 = vector.broadcast %jit3A_312 : i32 to vector<512x32xi32>
    %select_n3A_316 = arith.select %eq3A_309, %broadcast_in_dim3A_314, %broadcast_in_dim3A_315 : vector<512x32xi1>, vector<512x32xi32>
    %add3A_317 = arith.addi %add3A_299, %select_n3A_316 : vector<512x32xi32>
    %eq3A_318 = vector.broadcast %broadcast_in_dim3A_307 : vector<512x1xi32> to vector<512x2048xi32>
    %eq3A_319 = arith.cmpi eq, %iota3A, %eq3A_318 : vector<512x2048xi32>
    %jit3A_320 = arith.constant -1.000000e+00 : f32
    %broadcast_in_dim3A_321 = vector.broadcast %jit3A_320 : f32 to vector<512x2048xf32>
    %select_n3A_322 = arith.select %eq3A_319, %broadcast_in_dim3A_321, %select_n3A_304 : vector<512x2048xi1>, vector<512x2048xf32>
    %scan3A_323 = arith.constant 17 : i32
    %argmax3A_324 = tpu.reduce_index %select_n3A_322 {axis = 1 : i32, kind = #tpu.reduction_kind<arg_max>} : vector<512x2048xf32> -> vector<512xi32>
    %broadcast_in_dim3A_325 = vector.shape_cast %argmax3A_324 : vector<512xi32> to vector<512x1xi32>
    %eq3A_326 = vector.broadcast %scan3A_323 : i32 to vector<512x32xi32>
    %eq3A_327 = arith.cmpi eq, %iota3A_2, %eq3A_326 : vector<512x32xi32>
    %add3A_328 = vector.broadcast %mul3A_19 : i32 to vector<512x1xi32>
    %add3A_329 = arith.addi %broadcast_in_dim3A_325, %add3A_328 : vector<512x1xi32>
    %jit3A_330 = arith.constant 0 : i32
    %broadcast_in_dim3A_331 = vector.shape_cast %add3A_329 : vector<512x1xi32> to vector<512x1xi32>
    %broadcast_in_dim3A_332 = vector.broadcast %broadcast_in_dim3A_331 : vector<512x1xi32> to vector<512x32xi32>
    %broadcast_in_dim3A_333 = vector.broadcast %jit3A_330 : i32 to vector<512x32xi32>
    %select_n3A_334 = arith.select %eq3A_327, %broadcast_in_dim3A_332, %broadcast_in_dim3A_333 : vector<512x32xi1>, vector<512x32xi32>
    %add3A_335 = arith.addi %add3A_317, %select_n3A_334 : vector<512x32xi32>
    %eq3A_336 = vector.broadcast %broadcast_in_dim3A_325 : vector<512x1xi32> to vector<512x2048xi32>
    %eq3A_337 = arith.cmpi eq, %iota3A, %eq3A_336 : vector<512x2048xi32>
    %jit3A_338 = arith.constant -1.000000e+00 : f32
    %broadcast_in_dim3A_339 = vector.broadcast %jit3A_338 : f32 to vector<512x2048xf32>
    %select_n3A_340 = arith.select %eq3A_337, %broadcast_in_dim3A_339, %select_n3A_322 : vector<512x2048xi1>, vector<512x2048xf32>
    %scan3A_341 = arith.constant 18 : i32
    %argmax3A_342 = tpu.reduce_index %select_n3A_340 {axis = 1 : i32, kind = #tpu.reduction_kind<arg_max>} : vector<512x2048xf32> -> vector<512xi32>
    %broadcast_in_dim3A_343 = vector.shape_cast %argmax3A_342 : vector<512xi32> to vector<512x1xi32>
    %eq3A_344 = vector.broadcast %scan3A_341 : i32 to vector<512x32xi32>
    %eq3A_345 = arith.cmpi eq, %iota3A_2, %eq3A_344 : vector<512x32xi32>
    %add3A_346 = vector.broadcast %mul3A_19 : i32 to vector<512x1xi32>
    %add3A_347 = arith.addi %broadcast_in_dim3A_343, %add3A_346 : vector<512x1xi32>
    %jit3A_348 = arith.constant 0 : i32
    %broadcast_in_dim3A_349 = vector.shape_cast %add3A_347 : vector<512x1xi32> to vector<512x1xi32>
    %broadcast_in_dim3A_350 = vector.broadcast %broadcast_in_dim3A_349 : vector<512x1xi32> to vector<512x32xi32>
    %broadcast_in_dim3A_351 = vector.broadcast %jit3A_348 : i32 to vector<512x32xi32>
    %select_n3A_352 = arith.select %eq3A_345, %broadcast_in_dim3A_350, %broadcast_in_dim3A_351 : vector<512x32xi1>, vector<512x32xi32>
    %add3A_353 = arith.addi %add3A_335, %select_n3A_352 : vector<512x32xi32>
    %eq3A_354 = vector.broadcast %broadcast_in_dim3A_343 : vector<512x1xi32> to vector<512x2048xi32>
    %eq3A_355 = arith.cmpi eq, %iota3A, %eq3A_354 : vector<512x2048xi32>
    %jit3A_356 = arith.constant -1.000000e+00 : f32
    %broadcast_in_dim3A_357 = vector.broadcast %jit3A_356 : f32 to vector<512x2048xf32>
    %select_n3A_358 = arith.select %eq3A_355, %broadcast_in_dim3A_357, %select_n3A_340 : vector<512x2048xi1>, vector<512x2048xf32>
    %scan3A_359 = arith.constant 19 : i32
    %argmax3A_360 = tpu.reduce_index %select_n3A_358 {axis = 1 : i32, kind = #tpu.reduction_kind<arg_max>} : vector<512x2048xf32> -> vector<512xi32>
    %broadcast_in_dim3A_361 = vector.shape_cast %argmax3A_360 : vector<512xi32> to vector<512x1xi32>
    %eq3A_362 = vector.broadcast %scan3A_359 : i32 to vector<512x32xi32>
    %eq3A_363 = arith.cmpi eq, %iota3A_2, %eq3A_362 : vector<512x32xi32>
    %add3A_364 = vector.broadcast %mul3A_19 : i32 to vector<512x1xi32>
    %add3A_365 = arith.addi %broadcast_in_dim3A_361, %add3A_364 : vector<512x1xi32>
    %jit3A_366 = arith.constant 0 : i32
    %broadcast_in_dim3A_367 = vector.shape_cast %add3A_365 : vector<512x1xi32> to vector<512x1xi32>
    %broadcast_in_dim3A_368 = vector.broadcast %broadcast_in_dim3A_367 : vector<512x1xi32> to vector<512x32xi32>
    %broadcast_in_dim3A_369 = vector.broadcast %jit3A_366 : i32 to vector<512x32xi32>
    %select_n3A_370 = arith.select %eq3A_363, %broadcast_in_dim3A_368, %broadcast_in_dim3A_369 : vector<512x32xi1>, vector<512x32xi32>
    %add3A_371 = arith.addi %add3A_353, %select_n3A_370 : vector<512x32xi32>
    %eq3A_372 = vector.broadcast %broadcast_in_dim3A_361 : vector<512x1xi32> to vector<512x2048xi32>
    %eq3A_373 = arith.cmpi eq, %iota3A, %eq3A_372 : vector<512x2048xi32>
    %jit3A_374 = arith.constant -1.000000e+00 : f32
    %broadcast_in_dim3A_375 = vector.broadcast %jit3A_374 : f32 to vector<512x2048xf32>
    %select_n3A_376 = arith.select %eq3A_373, %broadcast_in_dim3A_375, %select_n3A_358 : vector<512x2048xi1>, vector<512x2048xf32>
    %scan3A_377 = arith.constant 20 : i32
    %argmax3A_378 = tpu.reduce_index %select_n3A_376 {axis = 1 : i32, kind = #tpu.reduction_kind<arg_max>} : vector<512x2048xf32> -> vector<512xi32>
    %broadcast_in_dim3A_379 = vector.shape_cast %argmax3A_378 : vector<512xi32> to vector<512x1xi32>
    %eq3A_380 = vector.broadcast %scan3A_377 : i32 to vector<512x32xi32>
    %eq3A_381 = arith.cmpi eq, %iota3A_2, %eq3A_380 : vector<512x32xi32>
    %add3A_382 = vector.broadcast %mul3A_19 : i32 to vector<512x1xi32>
    %add3A_383 = arith.addi %broadcast_in_dim3A_379, %add3A_382 : vector<512x1xi32>
    %jit3A_384 = arith.constant 0 : i32
    %broadcast_in_dim3A_385 = vector.shape_cast %add3A_383 : vector<512x1xi32> to vector<512x1xi32>
    %broadcast_in_dim3A_386 = vector.broadcast %broadcast_in_dim3A_385 : vector<512x1xi32> to vector<512x32xi32>
    %broadcast_in_dim3A_387 = vector.broadcast %jit3A_384 : i32 to vector<512x32xi32>
    %select_n3A_388 = arith.select %eq3A_381, %broadcast_in_dim3A_386, %broadcast_in_dim3A_387 : vector<512x32xi1>, vector<512x32xi32>
    %add3A_389 = arith.addi %add3A_371, %select_n3A_388 : vector<512x32xi32>
    %eq3A_390 = vector.broadcast %broadcast_in_dim3A_379 : vector<512x1xi32> to vector<512x2048xi32>
    %eq3A_391 = arith.cmpi eq, %iota3A, %eq3A_390 : vector<512x2048xi32>
    %jit3A_392 = arith.constant -1.000000e+00 : f32
    %broadcast_in_dim3A_393 = vector.broadcast %jit3A_392 : f32 to vector<512x2048xf32>
    %select_n3A_394 = arith.select %eq3A_391, %broadcast_in_dim3A_393, %select_n3A_376 : vector<512x2048xi1>, vector<512x2048xf32>
    %scan3A_395 = arith.constant 21 : i32
    %argmax3A_396 = tpu.reduce_index %select_n3A_394 {axis = 1 : i32, kind = #tpu.reduction_kind<arg_max>} : vector<512x2048xf32> -> vector<512xi32>
    %broadcast_in_dim3A_397 = vector.shape_cast %argmax3A_396 : vector<512xi32> to vector<512x1xi32>
    %eq3A_398 = vector.broadcast %scan3A_395 : i32 to vector<512x32xi32>
    %eq3A_399 = arith.cmpi eq, %iota3A_2, %eq3A_398 : vector<512x32xi32>
    %add3A_400 = vector.broadcast %mul3A_19 : i32 to vector<512x1xi32>
    %add3A_401 = arith.addi %broadcast_in_dim3A_397, %add3A_400 : vector<512x1xi32>
    %jit3A_402 = arith.constant 0 : i32
    %broadcast_in_dim3A_403 = vector.shape_cast %add3A_401 : vector<512x1xi32> to vector<512x1xi32>
    %broadcast_in_dim3A_404 = vector.broadcast %broadcast_in_dim3A_403 : vector<512x1xi32> to vector<512x32xi32>
    %broadcast_in_dim3A_405 = vector.broadcast %jit3A_402 : i32 to vector<512x32xi32>
    %select_n3A_406 = arith.select %eq3A_399, %broadcast_in_dim3A_404, %broadcast_in_dim3A_405 : vector<512x32xi1>, vector<512x32xi32>
    %add3A_407 = arith.addi %add3A_389, %select_n3A_406 : vector<512x32xi32>
    %eq3A_408 = vector.broadcast %broadcast_in_dim3A_397 : vector<512x1xi32> to vector<512x2048xi32>
    %eq3A_409 = arith.cmpi eq, %iota3A, %eq3A_408 : vector<512x2048xi32>
    %jit3A_410 = arith.constant -1.000000e+00 : f32
    %broadcast_in_dim3A_411 = vector.broadcast %jit3A_410 : f32 to vector<512x2048xf32>
    %select_n3A_412 = arith.select %eq3A_409, %broadcast_in_dim3A_411, %select_n3A_394 : vector<512x2048xi1>, vector<512x2048xf32>
    %scan3A_413 = arith.constant 22 : i32
    %argmax3A_414 = tpu.reduce_index %select_n3A_412 {axis = 1 : i32, kind = #tpu.reduction_kind<arg_max>} : vector<512x2048xf32> -> vector<512xi32>
    %broadcast_in_dim3A_415 = vector.shape_cast %argmax3A_414 : vector<512xi32> to vector<512x1xi32>
    %eq3A_416 = vector.broadcast %scan3A_413 : i32 to vector<512x32xi32>
    %eq3A_417 = arith.cmpi eq, %iota3A_2, %eq3A_416 : vector<512x32xi32>
    %add3A_418 = vector.broadcast %mul3A_19 : i32 to vector<512x1xi32>
    %add3A_419 = arith.addi %broadcast_in_dim3A_415, %add3A_418 : vector<512x1xi32>
    %jit3A_420 = arith.constant 0 : i32
    %broadcast_in_dim3A_421 = vector.shape_cast %add3A_419 : vector<512x1xi32> to vector<512x1xi32>
    %broadcast_in_dim3A_422 = vector.broadcast %broadcast_in_dim3A_421 : vector<512x1xi32> to vector<512x32xi32>
    %broadcast_in_dim3A_423 = vector.broadcast %jit3A_420 : i32 to vector<512x32xi32>
    %select_n3A_424 = arith.select %eq3A_417, %broadcast_in_dim3A_422, %broadcast_in_dim3A_423 : vector<512x32xi1>, vector<512x32xi32>
    %add3A_425 = arith.addi %add3A_407, %select_n3A_424 : vector<512x32xi32>
    %eq3A_426 = vector.broadcast %broadcast_in_dim3A_415 : vector<512x1xi32> to vector<512x2048xi32>
    %eq3A_427 = arith.cmpi eq, %iota3A, %eq3A_426 : vector<512x2048xi32>
    %jit3A_428 = arith.constant -1.000000e+00 : f32
    %broadcast_in_dim3A_429 = vector.broadcast %jit3A_428 : f32 to vector<512x2048xf32>
    %select_n3A_430 = arith.select %eq3A_427, %broadcast_in_dim3A_429, %select_n3A_412 : vector<512x2048xi1>, vector<512x2048xf32>
    %scan3A_431 = arith.constant 23 : i32
    %argmax3A_432 = tpu.reduce_index %select_n3A_430 {axis = 1 : i32, kind = #tpu.reduction_kind<arg_max>} : vector<512x2048xf32> -> vector<512xi32>
    %broadcast_in_dim3A_433 = vector.shape_cast %argmax3A_432 : vector<512xi32> to vector<512x1xi32>
    %eq3A_434 = vector.broadcast %scan3A_431 : i32 to vector<512x32xi32>
    %eq3A_435 = arith.cmpi eq, %iota3A_2, %eq3A_434 : vector<512x32xi32>
    %add3A_436 = vector.broadcast %mul3A_19 : i32 to vector<512x1xi32>
    %add3A_437 = arith.addi %broadcast_in_dim3A_433, %add3A_436 : vector<512x1xi32>
    %jit3A_438 = arith.constant 0 : i32
    %broadcast_in_dim3A_439 = vector.shape_cast %add3A_437 : vector<512x1xi32> to vector<512x1xi32>
    %broadcast_in_dim3A_440 = vector.broadcast %broadcast_in_dim3A_439 : vector<512x1xi32> to vector<512x32xi32>
    %broadcast_in_dim3A_441 = vector.broadcast %jit3A_438 : i32 to vector<512x32xi32>
    %select_n3A_442 = arith.select %eq3A_435, %broadcast_in_dim3A_440, %broadcast_in_dim3A_441 : vector<512x32xi1>, vector<512x32xi32>
    %add3A_443 = arith.addi %add3A_425, %select_n3A_442 : vector<512x32xi32>
    %eq3A_444 = vector.broadcast %broadcast_in_dim3A_433 : vector<512x1xi32> to vector<512x2048xi32>
    %eq3A_445 = arith.cmpi eq, %iota3A, %eq3A_444 : vector<512x2048xi32>
    %jit3A_446 = arith.constant -1.000000e+00 : f32
    %broadcast_in_dim3A_447 = vector.broadcast %jit3A_446 : f32 to vector<512x2048xf32>
    %select_n3A_448 = arith.select %eq3A_445, %broadcast_in_dim3A_447, %select_n3A_430 : vector<512x2048xi1>, vector<512x2048xf32>
    %scan3A_449 = arith.constant 24 : i32
    %argmax3A_450 = tpu.reduce_index %select_n3A_448 {axis = 1 : i32, kind = #tpu.reduction_kind<arg_max>} : vector<512x2048xf32> -> vector<512xi32>
    %broadcast_in_dim3A_451 = vector.shape_cast %argmax3A_450 : vector<512xi32> to vector<512x1xi32>
    %eq3A_452 = vector.broadcast %scan3A_449 : i32 to vector<512x32xi32>
    %eq3A_453 = arith.cmpi eq, %iota3A_2, %eq3A_452 : vector<512x32xi32>
    %add3A_454 = vector.broadcast %mul3A_19 : i32 to vector<512x1xi32>
    %add3A_455 = arith.addi %broadcast_in_dim3A_451, %add3A_454 : vector<512x1xi32>
    %jit3A_456 = arith.constant 0 : i32
    %broadcast_in_dim3A_457 = vector.shape_cast %add3A_455 : vector<512x1xi32> to vector<512x1xi32>
    %broadcast_in_dim3A_458 = vector.broadcast %broadcast_in_dim3A_457 : vector<512x1xi32> to vector<512x32xi32>
    %broadcast_in_dim3A_459 = vector.broadcast %jit3A_456 : i32 to vector<512x32xi32>
    %select_n3A_460 = arith.select %eq3A_453, %broadcast_in_dim3A_458, %broadcast_in_dim3A_459 : vector<512x32xi1>, vector<512x32xi32>
    %add3A_461 = arith.addi %add3A_443, %select_n3A_460 : vector<512x32xi32>
    %eq3A_462 = vector.broadcast %broadcast_in_dim3A_451 : vector<512x1xi32> to vector<512x2048xi32>
    %eq3A_463 = arith.cmpi eq, %iota3A, %eq3A_462 : vector<512x2048xi32>
    %jit3A_464 = arith.constant -1.000000e+00 : f32
    %broadcast_in_dim3A_465 = vector.broadcast %jit3A_464 : f32 to vector<512x2048xf32>
    %select_n3A_466 = arith.select %eq3A_463, %broadcast_in_dim3A_465, %select_n3A_448 : vector<512x2048xi1>, vector<512x2048xf32>
    %scan3A_467 = arith.constant 25 : i32
    %argmax3A_468 = tpu.reduce_index %select_n3A_466 {axis = 1 : i32, kind = #tpu.reduction_kind<arg_max>} : vector<512x2048xf32> -> vector<512xi32>
    %broadcast_in_dim3A_469 = vector.shape_cast %argmax3A_468 : vector<512xi32> to vector<512x1xi32>
    %eq3A_470 = vector.broadcast %scan3A_467 : i32 to vector<512x32xi32>
    %eq3A_471 = arith.cmpi eq, %iota3A_2, %eq3A_470 : vector<512x32xi32>
    %add3A_472 = vector.broadcast %mul3A_19 : i32 to vector<512x1xi32>
    %add3A_473 = arith.addi %broadcast_in_dim3A_469, %add3A_472 : vector<512x1xi32>
    %jit3A_474 = arith.constant 0 : i32
    %broadcast_in_dim3A_475 = vector.shape_cast %add3A_473 : vector<512x1xi32> to vector<512x1xi32>
    %broadcast_in_dim3A_476 = vector.broadcast %broadcast_in_dim3A_475 : vector<512x1xi32> to vector<512x32xi32>
    %broadcast_in_dim3A_477 = vector.broadcast %jit3A_474 : i32 to vector<512x32xi32>
    %select_n3A_478 = arith.select %eq3A_471, %broadcast_in_dim3A_476, %broadcast_in_dim3A_477 : vector<512x32xi1>, vector<512x32xi32>
    %add3A_479 = arith.addi %add3A_461, %select_n3A_478 : vector<512x32xi32>
    %eq3A_480 = vector.broadcast %broadcast_in_dim3A_469 : vector<512x1xi32> to vector<512x2048xi32>
    %eq3A_481 = arith.cmpi eq, %iota3A, %eq3A_480 : vector<512x2048xi32>
    %jit3A_482 = arith.constant -1.000000e+00 : f32
    %broadcast_in_dim3A_483 = vector.broadcast %jit3A_482 : f32 to vector<512x2048xf32>
    %select_n3A_484 = arith.select %eq3A_481, %broadcast_in_dim3A_483, %select_n3A_466 : vector<512x2048xi1>, vector<512x2048xf32>
    %scan3A_485 = arith.constant 26 : i32
    %argmax3A_486 = tpu.reduce_index %select_n3A_484 {axis = 1 : i32, kind = #tpu.reduction_kind<arg_max>} : vector<512x2048xf32> -> vector<512xi32>
    %broadcast_in_dim3A_487 = vector.shape_cast %argmax3A_486 : vector<512xi32> to vector<512x1xi32>
    %eq3A_488 = vector.broadcast %scan3A_485 : i32 to vector<512x32xi32>
    %eq3A_489 = arith.cmpi eq, %iota3A_2, %eq3A_488 : vector<512x32xi32>
    %add3A_490 = vector.broadcast %mul3A_19 : i32 to vector<512x1xi32>
    %add3A_491 = arith.addi %broadcast_in_dim3A_487, %add3A_490 : vector<512x1xi32>
    %jit3A_492 = arith.constant 0 : i32
    %broadcast_in_dim3A_493 = vector.shape_cast %add3A_491 : vector<512x1xi32> to vector<512x1xi32>
    %broadcast_in_dim3A_494 = vector.broadcast %broadcast_in_dim3A_493 : vector<512x1xi32> to vector<512x32xi32>
    %broadcast_in_dim3A_495 = vector.broadcast %jit3A_492 : i32 to vector<512x32xi32>
    %select_n3A_496 = arith.select %eq3A_489, %broadcast_in_dim3A_494, %broadcast_in_dim3A_495 : vector<512x32xi1>, vector<512x32xi32>
    %add3A_497 = arith.addi %add3A_479, %select_n3A_496 : vector<512x32xi32>
    %eq3A_498 = vector.broadcast %broadcast_in_dim3A_487 : vector<512x1xi32> to vector<512x2048xi32>
    %eq3A_499 = arith.cmpi eq, %iota3A, %eq3A_498 : vector<512x2048xi32>
    %jit3A_500 = arith.constant -1.000000e+00 : f32
    %broadcast_in_dim3A_501 = vector.broadcast %jit3A_500 : f32 to vector<512x2048xf32>
    %select_n3A_502 = arith.select %eq3A_499, %broadcast_in_dim3A_501, %select_n3A_484 : vector<512x2048xi1>, vector<512x2048xf32>
    %scan3A_503 = arith.constant 27 : i32
    %argmax3A_504 = tpu.reduce_index %select_n3A_502 {axis = 1 : i32, kind = #tpu.reduction_kind<arg_max>} : vector<512x2048xf32> -> vector<512xi32>
    %broadcast_in_dim3A_505 = vector.shape_cast %argmax3A_504 : vector<512xi32> to vector<512x1xi32>
    %eq3A_506 = vector.broadcast %scan3A_503 : i32 to vector<512x32xi32>
    %eq3A_507 = arith.cmpi eq, %iota3A_2, %eq3A_506 : vector<512x32xi32>
    %add3A_508 = vector.broadcast %mul3A_19 : i32 to vector<512x1xi32>
    %add3A_509 = arith.addi %broadcast_in_dim3A_505, %add3A_508 : vector<512x1xi32>
    %jit3A_510 = arith.constant 0 : i32
    %broadcast_in_dim3A_511 = vector.shape_cast %add3A_509 : vector<512x1xi32> to vector<512x1xi32>
    %broadcast_in_dim3A_512 = vector.broadcast %broadcast_in_dim3A_511 : vector<512x1xi32> to vector<512x32xi32>
    %broadcast_in_dim3A_513 = vector.broadcast %jit3A_510 : i32 to vector<512x32xi32>
    %select_n3A_514 = arith.select %eq3A_507, %broadcast_in_dim3A_512, %broadcast_in_dim3A_513 : vector<512x32xi1>, vector<512x32xi32>
    %add3A_515 = arith.addi %add3A_497, %select_n3A_514 : vector<512x32xi32>
    %eq3A_516 = vector.broadcast %broadcast_in_dim3A_505 : vector<512x1xi32> to vector<512x2048xi32>
    %eq3A_517 = arith.cmpi eq, %iota3A, %eq3A_516 : vector<512x2048xi32>
    %jit3A_518 = arith.constant -1.000000e+00 : f32
    %broadcast_in_dim3A_519 = vector.broadcast %jit3A_518 : f32 to vector<512x2048xf32>
    %select_n3A_520 = arith.select %eq3A_517, %broadcast_in_dim3A_519, %select_n3A_502 : vector<512x2048xi1>, vector<512x2048xf32>
    %scan3A_521 = arith.constant 28 : i32
    %argmax3A_522 = tpu.reduce_index %select_n3A_520 {axis = 1 : i32, kind = #tpu.reduction_kind<arg_max>} : vector<512x2048xf32> -> vector<512xi32>
    %broadcast_in_dim3A_523 = vector.shape_cast %argmax3A_522 : vector<512xi32> to vector<512x1xi32>
    %eq3A_524 = vector.broadcast %scan3A_521 : i32 to vector<512x32xi32>
    %eq3A_525 = arith.cmpi eq, %iota3A_2, %eq3A_524 : vector<512x32xi32>
    %add3A_526 = vector.broadcast %mul3A_19 : i32 to vector<512x1xi32>
    %add3A_527 = arith.addi %broadcast_in_dim3A_523, %add3A_526 : vector<512x1xi32>
    %jit3A_528 = arith.constant 0 : i32
    %broadcast_in_dim3A_529 = vector.shape_cast %add3A_527 : vector<512x1xi32> to vector<512x1xi32>
    %broadcast_in_dim3A_530 = vector.broadcast %broadcast_in_dim3A_529 : vector<512x1xi32> to vector<512x32xi32>
    %broadcast_in_dim3A_531 = vector.broadcast %jit3A_528 : i32 to vector<512x32xi32>
    %select_n3A_532 = arith.select %eq3A_525, %broadcast_in_dim3A_530, %broadcast_in_dim3A_531 : vector<512x32xi1>, vector<512x32xi32>
    %add3A_533 = arith.addi %add3A_515, %select_n3A_532 : vector<512x32xi32>
    %eq3A_534 = vector.broadcast %broadcast_in_dim3A_523 : vector<512x1xi32> to vector<512x2048xi32>
    %eq3A_535 = arith.cmpi eq, %iota3A, %eq3A_534 : vector<512x2048xi32>
    %jit3A_536 = arith.constant -1.000000e+00 : f32
    %broadcast_in_dim3A_537 = vector.broadcast %jit3A_536 : f32 to vector<512x2048xf32>
    %select_n3A_538 = arith.select %eq3A_535, %broadcast_in_dim3A_537, %select_n3A_520 : vector<512x2048xi1>, vector<512x2048xf32>
    %scan3A_539 = arith.constant 29 : i32
    %argmax3A_540 = tpu.reduce_index %select_n3A_538 {axis = 1 : i32, kind = #tpu.reduction_kind<arg_max>} : vector<512x2048xf32> -> vector<512xi32>
    %broadcast_in_dim3A_541 = vector.shape_cast %argmax3A_540 : vector<512xi32> to vector<512x1xi32>
    %eq3A_542 = vector.broadcast %scan3A_539 : i32 to vector<512x32xi32>
    %eq3A_543 = arith.cmpi eq, %iota3A_2, %eq3A_542 : vector<512x32xi32>
    %add3A_544 = vector.broadcast %mul3A_19 : i32 to vector<512x1xi32>
    %add3A_545 = arith.addi %broadcast_in_dim3A_541, %add3A_544 : vector<512x1xi32>
    %jit3A_546 = arith.constant 0 : i32
    %broadcast_in_dim3A_547 = vector.shape_cast %add3A_545 : vector<512x1xi32> to vector<512x1xi32>
    %broadcast_in_dim3A_548 = vector.broadcast %broadcast_in_dim3A_547 : vector<512x1xi32> to vector<512x32xi32>
    %broadcast_in_dim3A_549 = vector.broadcast %jit3A_546 : i32 to vector<512x32xi32>
    %select_n3A_550 = arith.select %eq3A_543, %broadcast_in_dim3A_548, %broadcast_in_dim3A_549 : vector<512x32xi1>, vector<512x32xi32>
    %add3A_551 = arith.addi %add3A_533, %select_n3A_550 : vector<512x32xi32>
    %eq3A_552 = vector.broadcast %broadcast_in_dim3A_541 : vector<512x1xi32> to vector<512x2048xi32>
    %eq3A_553 = arith.cmpi eq, %iota3A, %eq3A_552 : vector<512x2048xi32>
    %jit3A_554 = arith.constant -1.000000e+00 : f32
    %broadcast_in_dim3A_555 = vector.broadcast %jit3A_554 : f32 to vector<512x2048xf32>
    %select_n3A_556 = arith.select %eq3A_553, %broadcast_in_dim3A_555, %select_n3A_538 : vector<512x2048xi1>, vector<512x2048xf32>
    %scan3A_557 = arith.constant 30 : i32
    %argmax3A_558 = tpu.reduce_index %select_n3A_556 {axis = 1 : i32, kind = #tpu.reduction_kind<arg_max>} : vector<512x2048xf32> -> vector<512xi32>
    %broadcast_in_dim3A_559 = vector.shape_cast %argmax3A_558 : vector<512xi32> to vector<512x1xi32>
    %eq3A_560 = vector.broadcast %scan3A_557 : i32 to vector<512x32xi32>
    %eq3A_561 = arith.cmpi eq, %iota3A_2, %eq3A_560 : vector<512x32xi32>
    %add3A_562 = vector.broadcast %mul3A_19 : i32 to vector<512x1xi32>
    %add3A_563 = arith.addi %broadcast_in_dim3A_559, %add3A_562 : vector<512x1xi32>
    %jit3A_564 = arith.constant 0 : i32
    %broadcast_in_dim3A_565 = vector.shape_cast %add3A_563 : vector<512x1xi32> to vector<512x1xi32>
    %broadcast_in_dim3A_566 = vector.broadcast %broadcast_in_dim3A_565 : vector<512x1xi32> to vector<512x32xi32>
    %broadcast_in_dim3A_567 = vector.broadcast %jit3A_564 : i32 to vector<512x32xi32>
    %select_n3A_568 = arith.select %eq3A_561, %broadcast_in_dim3A_566, %broadcast_in_dim3A_567 : vector<512x32xi1>, vector<512x32xi32>
    %add3A_569 = arith.addi %add3A_551, %select_n3A_568 : vector<512x32xi32>
    %eq3A_570 = vector.broadcast %broadcast_in_dim3A_559 : vector<512x1xi32> to vector<512x2048xi32>
    %eq3A_571 = arith.cmpi eq, %iota3A, %eq3A_570 : vector<512x2048xi32>
    %jit3A_572 = arith.constant -1.000000e+00 : f32
    %broadcast_in_dim3A_573 = vector.broadcast %jit3A_572 : f32 to vector<512x2048xf32>
    %select_n3A_574 = arith.select %eq3A_571, %broadcast_in_dim3A_573, %select_n3A_556 : vector<512x2048xi1>, vector<512x2048xf32>
    %scan3A_575 = arith.constant 31 : i32
    %argmax3A_576 = tpu.reduce_index %select_n3A_574 {axis = 1 : i32, kind = #tpu.reduction_kind<arg_max>} : vector<512x2048xf32> -> vector<512xi32>
    %broadcast_in_dim3A_577 = vector.shape_cast %argmax3A_576 : vector<512xi32> to vector<512x1xi32>
    %eq3A_578 = vector.broadcast %scan3A_575 : i32 to vector<512x32xi32>
    %eq3A_579 = arith.cmpi eq, %iota3A_2, %eq3A_578 : vector<512x32xi32>
    %add3A_580 = vector.broadcast %mul3A_19 : i32 to vector<512x1xi32>
    %add3A_581 = arith.addi %broadcast_in_dim3A_577, %add3A_580 : vector<512x1xi32>
    %jit3A_582 = arith.constant 0 : i32
    %broadcast_in_dim3A_583 = vector.shape_cast %add3A_581 : vector<512x1xi32> to vector<512x1xi32>
    %broadcast_in_dim3A_584 = vector.broadcast %broadcast_in_dim3A_583 : vector<512x1xi32> to vector<512x32xi32>
    %broadcast_in_dim3A_585 = vector.broadcast %jit3A_582 : i32 to vector<512x32xi32>
    %select_n3A_586 = arith.select %eq3A_579, %broadcast_in_dim3A_584, %broadcast_in_dim3A_585 : vector<512x32xi1>, vector<512x32xi32>
    %add3A_587 = arith.addi %add3A_569, %select_n3A_586 : vector<512x32xi32>
    %eq3A_588 = vector.broadcast %broadcast_in_dim3A_577 : vector<512x1xi32> to vector<512x2048xi32>
    %eq3A_589 = arith.cmpi eq, %iota3A, %eq3A_588 : vector<512x2048xi32>
    %jit3A_590 = arith.constant -1.000000e+00 : f32
    %broadcast_in_dim3A_591 = vector.broadcast %jit3A_590 : f32 to vector<512x2048xf32>
    %select_n3A_592 = arith.select %eq3A_589, %broadcast_in_dim3A_591, %select_n3A_574 : vector<512x2048xi1>, vector<512x2048xf32>
    %scan3A_593 = arith.constant 32 : i32
    %swap3A = arith.constant 0 : index
    %swap3A_594 = arith.constant 0 : index
    %swap3A_595 = vector.load %arg2[%swap3A, %swap3A_594] : memref<512x32xi32, #tpu.memory_space<vmem>>, vector<512x32xi32>
    tpu.vector_store %arg2[%swap3A, %swap3A_594], %add3A_587 {strides = array<i32>} : memref<512x32xi32, #tpu.memory_space<vmem>>, vector<512x32xi32>,
    return
  }
  func.func @transform_0(%arg0: i32) -> (i32, i32) {
    %c0_i32 = arith.constant 0 : i32
    %c0_i32_0 = arith.constant 0 : i32
    return %arg0, %c0_i32 : i32, i32
  }
  func.func @transform_1(%arg0: i32) -> (i32, i32) {
    %c0_i32 = arith.constant 0 : i32
    %c0_i32_0 = arith.constant 0 : i32
    return %arg0, %c0_i32 : i32, i32
  }
}

module attributes {stable_mosaic.version = 14 : i64} {
  func.func @_fin_body(%arg0: memref<8192x32xf32, #tpu.memory_space<vmem>>, %arg1: memref<32x48xf32, #tpu.memory_space<vmem>>, %arg2: memref<8192x48xf32, #tpu.memory_space<vmem>>) attributes {dimension_semantics = [], scalar_prefetch = 0 : i64, scratch_operands = 0 : i64, tpu.core_type = #tpu.core_type<tc>} {
    %get3A = arith.constant 0 : index
    %get3A_0 = arith.constant 0 : index
    %get3A_1 = vector.load %arg0[%get3A, %get3A_0] : memref<8192x32xf32, #tpu.memory_space<vmem>>, vector<8192x32xf32>
    %get3A_2 = arith.constant 0 : index
    %get3A_3 = arith.constant 0 : index
    %get3A_4 = vector.load %arg1[%get3A_2, %get3A_3] : memref<32x48xf32, #tpu.memory_space<vmem>>, vector<32x48xf32>
    %dot_general3A = arith.constant dense<0.000000e+00> : vector<8192x48xf32>
    %dot_general3A_5 = tpu.matmul %get3A_1, %get3A_4, %dot_general3A {dimension_numbers = #tpu.dot_dimension_numbers<[1], [0], [0], [1], [0, 0, 1, 1], [], []>, transpose_lhs_hint = false} : vector<8192x32xf32>, vector<32x48xf32>, vector<8192x48xf32> -> vector<8192x48xf32>
    %slice3A = vector.extract_strided_slice %dot_general3A_5 {offsets = [0, 0], sizes = [8192, 16], strides = [1, 1]} : vector<8192x48xf32> to vector<8192x16xf32>
    %slice3A_6 = vector.extract_strided_slice %dot_general3A_5 {offsets = [0, 16], sizes = [8192, 16], strides = [1, 1]} : vector<8192x48xf32> to vector<8192x16xf32>
    %slice3A_7 = vector.extract_strided_slice %dot_general3A_5 {offsets = [0, 32], sizes = [8192, 16], strides = [1, 1]} : vector<8192x48xf32> to vector<8192x16xf32>
    %mul3A = arith.mulf %slice3A, %slice3A : vector<8192x16xf32>
    %mul3A_8 = arith.mulf %slice3A_6, %slice3A_6 : vector<8192x16xf32>
    %add3A = arith.addf %mul3A, %mul3A_8 : vector<8192x16xf32>
    %mul3A_9 = arith.mulf %slice3A_7, %slice3A_7 : vector<8192x16xf32>
    %add3A_10 = arith.addf %add3A, %mul3A_9 : vector<8192x16xf32>
    %sqrt3A = math.sqrt %add3A_10 : vector<8192x16xf32>
    %sin3A = math.sin %sqrt3A : vector<8192x16xf32>
    %max3A = arith.constant 9.99999996E-13 : f32
    %max3A_11 = vector.broadcast %max3A : f32 to vector<8192x16xf32>
    %max3A_12 = arith.maximumf %sqrt3A, %max3A_11 : vector<8192x16xf32>
    %div3A = arith.divf %sin3A, %max3A_12 : vector<8192x16xf32>
    %cos3A = math.cos %sqrt3A : vector<8192x16xf32>
    %mul3A_13 = arith.mulf %div3A, %slice3A : vector<8192x16xf32>
    %add3A_14 = arith.addf %cos3A, %mul3A_13 : vector<8192x16xf32>
    %mul3A_15 = arith.mulf %div3A, %slice3A_6 : vector<8192x16xf32>
    %mul3A_16 = arith.mulf %div3A, %slice3A_7 : vector<8192x16xf32>
    %concatenate3A = tpu.concatenate %add3A_14, %mul3A_15, %mul3A_16 in 1 : vector<8192x16xf32>, vector<8192x16xf32>, vector<8192x16xf32> -> vector<8192x48xf32>
    %swap3A = arith.constant 0 : index
    %swap3A_17 = arith.constant 0 : index
    %swap3A_18 = vector.load %arg2[%swap3A, %swap3A_17] : memref<8192x48xf32, #tpu.memory_space<vmem>>, vector<8192x48xf32>
    tpu.vector_store %arg2[%swap3A, %swap3A_17], %concatenate3A {strides = array<i32>} : memref<8192x48xf32, #tpu.memory_space<vmem>>, vector<8192x48xf32>,
    return
  }
}

</mosaic_0001>

<sc_bundles>
// kernel: kernel.6.cloned.1.call-start
scs
__scs_entry_jumppad:
0x0: {  	(pc) =	sbr.rel $0x88, $3  }
0x1: {  	(tag) =	ssettag $0x0;
	lr =	simm.s32 $0x1  }
0x2: {  	[smem:$0x3F9D] =	sst lr;
	_ =	strace $0xD0000000  }
0x3: {  	_ = 	snop  }
0x4: {  	_ = 	snop  }
0x5: {  	_ = 	snop  }
0x6: {  	_ = 	snop  }
0x7: {  	_ = 	snop  }
__scs_overlays_trampoline_lowered:
0x8: {  	[smem:$0x3FAC] =	sst s0  }
0x9: {  	[smem:$0x3FAD] =	sst s1  }
0xa: {  	[smem:$0x3FAE] =	sst s2  }
0xb: {  	[smem:$0x3FAF] =	sst s3  }
0xc: {  	[smem:$0x3FB0] =	sst s4  }
0xd: {  	[smem:$0x3FB1] =	sst s5  }
0xe: {  	[smem:$0x3FB2] =	sst s6  }
0xf: {  	[smem:$0x3FB3] =	sst s7  }
0x10: {  	[smem:$0x3FB4] =	sst s8  }
0x11: {  	[smem:$0x3FB5] =	sst s9;
	s0 =	simm.s32 @!p0 $0x0  }
0x12: {  	s1 =	sld [smem:$0x3F9B];
	s0 =	simm.s32 @p0 $0x1  }
0x13: {  	[smem:$0x3FB6] =	sst s0;
	s0 =	simm.s32 @!p1 $0x0  }
0x14: {  	s2 =	sld [smem:$0x3F9A];
	s0 =	simm.s32 @p1 $0x1  }
0x15: {  	[smem:$0x3FB7] =	sst s0;
	s0 =	simm.s32 @!p2 $0x0  }
0x16: {  	s3 =	sld [smem:$0x3FDB];
	s0 =	simm.s32 @p2 $0x1  }
0x17: {  	s4 =	simm.s32 $0x1BF5;
	[smem:$0x3FB9] =	sst s0  }
0x18: {  	s0 =	sld [smem:$0x3F9C];
	_ =	swait.ge [sflag:s4], $0x0  }
0x19: {  	s7 =	sld [smem:$0x3F9D]  }
0x1a: {  	s8 =	sadd.s32 $0xFFFFE003, lr  }
0x1b: {  	s9 =	sadd.s32 $0xFFFFFEF7, lr;
	s5 =	simm.s32 $0xFFFFFFFF;
	p2 =	slt.u32 s8, $0xFFFFF086  }
0x1c: {  	p1 =	slt.u32 s9, $0xF7A;
	s5 =	simm.s32 @!p2 $0x0  }
0x1d: {  	s5 =	simm.s32 @p1 $0x1;
	p0 =	seq.s32 s7, s2  }
0x1e: {  	s7 =	smul.u32 @!p0 $0xF7A, s2;
	p2 =	seq.s32 @!p0 s5, $0x0  }
0x1f: {  	s9 =	smul.u32 $0xF7A, s1;
	s8 =	simm.s32 @!p0 $0x1BF5;
	p2 =	por !p2, p0  }
0x20: {  	[sflag:s8] =	ssyncset.s32 @!p0 $0xFFFFF086;
	s6 =	sadd.s32 @!p0 s3, s7;
	s7 =	simm.s32 @!p0 $0x108  }
0x21: {  	s3 =	sadd.s32 s3, s9;
	s6 =	sadd.s32 @!p0 $0x88, s6;
	s7 =	simm.s32 @p2 $0x1082  }
0x22: {  	[simem:s7], [sflag:s8] =	dma.local @!p0 [hbm:s6], $0xF7A  }
0x23: {  	s9 =	sor.u32 $0xD0000000, s2;
	s6 =	simm.s32 $0x108;
	_ =	swait.ge @!p0 [sflag:s8], $0x0  }
0x24: {  	s3 =	sadd.s32 $0x88, s3;
	s6 =	simm.s32 @!p1 $0x1082;
	[sflag:s4] =	ssyncset.s32 $0xFFFFF086  }
0x25: {  	[simem:s6], [sflag:s4] =	dma.local [hbm:s3], $0xF7A  }
0x26: {  	[smem:$0x3F9D] =	sst s1;
	(tag) =	ssettag s2;
	_ =	strace s9  }
0x27: {  	s1 =	sld [smem:$0x3FAD]  }
0x28: {  	s2 =	sld [smem:$0x3FAE]  }
0x29: {  	s4 =	sld [smem:$0x3FB0]  }
0x2a: {  	p0 =	seq.s32 s5, $0x0;
	s5 =	sld [smem:$0x3FB1]  }
0x2b: {  	s6 =	sld [smem:$0x3FB2]  }
0x2c: {  	s7 =	sld [smem:$0x3FB3]  }
0x2d: {  	s3 =	simm.s32 $0x108;
	s8 =	sld [smem:$0x3FB4]  }
0x2e: {  	s3 =	simm.s32 @!p0 $0x1082;
	s9 =	sld [smem:$0x3FB5]  }
0x2f: {  	lr =	sadd.s32 s0, s3;
	s0 =	sld [smem:$0x3FAC]  }
0x30: {  	s3 =	sld [smem:$0x3FAF]  }
0x31: {  	[smem:$0x3FB8] =	sst s10  }
0x32: {  	s10 =	sld [smem:$0x3FB6];
	_ =	sdelay $0x3  }
0x33: {  	p0 =	seq.s32 s10, $0x1;
	s10 =	sld [smem:$0x3FB8];
	_ =	sdelay $0x3  }
0x34: {  	[smem:$0x3FB8] =	sst s10  }
0x35: {  	s10 =	sld [smem:$0x3FB7];
	_ =	sdelay $0x3  }
0x36: {  	p1 =	seq.s32 s10, $0x1;
	s10 =	sld [smem:$0x3FB8];
	_ =	sdelay $0x3  }
0x37: {  	[smem:$0x3FB8] =	sst s10  }
0x38: {  	s10 =	sld [smem:$0x3FB9]  }
0x39: {  	_ = 	snop;
	(pc) =	sbr.ind lr, $3  }
0x3a: {  	_ = 	snop  }
0x3b: {  	_ = 	snop  }
0x3c: {  	p2 =	seq.s32 s10, $0x1;
	s10 =	sld [smem:$0x3FB8]  }
0x3d: {  	_ =	shalt  }
0x3e: {  	_ =	shalt  }
0x3f: {  	_ =	shalt  }
0x40: {  	_ =	shalt  }
0x41: {  	_ =	shalt  }
0x42: {  	_ =	shalt  }
0x43: {  	_ =	shalt  }
0x44: {  	_ =	shalt  }
0x45: {  	_ =	shalt  }
0x46: {  	_ =	shalt  }
0x47: {  	_ =	shalt  }
0x48: {  	_ =	shalt  }
0x49: {  	_ =	shalt  }
0x4a: {  	_ =	shalt  }
0x4b: {  	_ =	shalt  }
0x4c: {  	_ =	shalt  }
0x4d: {  	_ =	shalt  }
0x4e: {  	_ =	shalt  }
0x4f: {  	_ =	shalt  }
0x50: {  	_ =	shalt  }
0x51: {  	_ =	shalt  }
0x52: {  	_ =	shalt  }
0x53: {  	_ =	shalt  }
0x54: {  	_ =	shalt  }
0x55: {  	_ =	shalt  }
0x56: {  	_ =	shalt  }
0x57: {  	_ =	shalt  }
0x58: {  	_ =	shalt  }
0x59: {  	_ =	shalt  }
0x5a: {  	_ =	shalt  }
0x5b: {  	_ =	shalt  }
0x5c: {  	_ =	shalt  }
0x5d: {  	_ =	shalt  }
0x5e: {  	_ =	shalt  }
0x5f: {  	_ =	shalt  }
0x60: {  	_ =	shalt  }
0x61: {  	_ =	shalt  }
0x62: {  	_ =	shalt  }
0x63: {  	_ =	shalt  }
0x64: {  	_ =	shalt  }
0x65: {  	_ =	shalt  }
0x66: {  	_ =	shalt  }
0x67: {  	_ =	shalt  }
0x68: {  	_ =	shalt  }
0x69: {  	_ =	shalt  }
0x6a: {  	_ =	shalt  }
0x6b: {  	_ =	shalt  }
0x6c: {  	_ =	shalt  }
0x6d: {  	_ =	shalt  }
0x6e: {  	_ =	shalt  }
0x6f: {  	_ =	shalt  }
0x70: {  	_ =	shalt  }
0x71: {  	_ =	shalt  }
0x72: {  	_ =	shalt  }
0x73: {  	_ =	shalt  }
0x74: {  	_ =	shalt  }
0x75: {  	_ =	shalt  }
0x76: {  	_ =	shalt  }
0x77: {  	_ =	shalt  }
0x78: {  	_ =	shalt  }
0x79: {  	_ =	shalt  }
0x7a: {  	_ =	shalt  }
0x7b: {  	_ =	shalt  }
0x7c: {  	_ =	shalt  }
0x7d: {  	_ =	shalt  }
0x7e: {  	_ =	shalt  }
0x7f: {  	_ =	shalt  }
0x80: {  	_ =	shalt  }
0x81: {  	_ =	shalt  }
0x82: {  	_ =	shalt  }
0x83: {  	_ =	shalt  }
0x84: {  	_ =	shalt  }
0x85: {  	_ =	shalt  }
0x86: {  	_ =	shalt  }
0x87: {  	_ =	shalt  }
.Lfunc_end0:
.L_simem_size_0:
called_computation_lowered:
.L_overlay_start_0:
0x88: {  	s2 =	sld [smem:$0x3FD9]  }
0x89: {  	s3 =	sld [smem:$0x3FFE];
	_ =	sdelay $0x1  }
0x8a: {  	s1 =	srdreg.scid  }
0x8b: {  	s0 =	sand.u32 $0x1, s1  }
0x8c: {  	s17 =	sshll.u32 s0, $0xA;
	s2 =	sadd.s32 s3, s2  }
0x8d: {  	s2 =	sadd.s32 s2, s17  }
0x8e: {  	[smem:$0x3FC4] =	sst s2  }
0x8f: {  	_ = 	snop  }
0x90: {  	s2 =	sld [smem:$0x3FD0];
	(tm) =	ssettm $0x1  }
0x91: {  	s18 =	sld [smem:$0x3FFB];
	_ =	sdelay $0x3  }
0x92: {  	_ =	strace s18  }
0x93: {  	s3 =	sld [smem:$0x3FFC];
	_ =	sdelay $0x3  }
0x94: {  	_ =	strace s3  }
0x95: {  	s3 =	sld [smem:$0x3FFD];
	_ =	sdelay $0x3  }
0x96: {  	_ =	strace s3  }
0x97: {  	_ =	strace $0x8FFFFFFF  }
0x98: {  	s19 =	sld [smem:$0x3FDB];
	_ =	sdelay $0x1  }
0x99: {  	s4 =	simm.s32 $_scs_section_size  }
0x9a: {  	s5 =	simm.s32 $_size__tile_overlayer_lowered;
	s6 =	simm.s32 $_tile_overlayer_lowered  }
0x9b: {  	s22 =	simm.s32 $0x1BFF;
	s21 =	sshll.u32 s6, $0x1;
	s3 =	sadd.s32 s4, s19  }
0x9c: {  	s7 =	simm.s32 $0x0;
	s20 =	sshll.u32 s5, $0x1;
	s5 =	sadd.s32 s21, s3  }
0x9d: {  	[timem:s7], [sflag:s22] =	dma.local [hbm:s5], s20  }
0x9e: {  	_ =	swait.ge [sflag:s22], s20  }
0x9f: {  	s4 =	ssub.s32 $0x0, s20;
	[sflag:s22] =	ssyncset.done $0x0  }
0xa0: {  	[sflag:s22] =	ssyncadd.s32 s4;
	_ =	sdelay $0x1  }
0xa1: {  	s23 =	simm.s32 $0x1B8B  }
0xa2: {  	_ =	swait.ge [sflag:s23], $0x1  }
0xa3: {  	[sflag:s23] =	ssyncset.done $0x0  }
0xa4: {  	s25 =	simm.s32 $0x1B8E;
	s24 =	sld [smem:$0x3FFE];
	[sflag:s23] =	ssyncadd.s32 $0xFFFFFFFF  }
0xa5: {  	s26 =	simm.s32 $execute0_lowered;
	[smem:$0x3FD2] =	sst s25  }
0xa6: {  	s5 =	sshll.u32 s26, $0x1;
	_ =	strace $0x80000046;
	[dreg:$0x1] =	wrdreg $0xFFFFFFFF  }
0xa7: {  	s28 =	simm.s32 $_size_execute0_lowered;
	s3 =	sadd.s32 s3, s5;
	[dreg:$0x0] =	wrdreg $0x0  }
0xa8: {  	s5 =	sshll.u32 s28, $0x1;
	[dreg:$0x2] =	wrdreg s3  }
0xa9: {  	[dreg:$0x3] =	wrdreg s5  }
0xaa: {  	[dreg:$0x4] =	wrdreg $0xC0  }
0xab: {  	_ =	task [dreg:s7], $0x5FFFF  }
0xac: {  	[dreg:$0x1] =	wrdreg $0xFFFFFFFF  }
0xad: {  	[dreg:$0x0] =	wrdreg $0x60  }
0xae: {  	[dreg:$0x2] =	wrdreg s24  }
0xaf: {  	[dreg:$0x3] =	wrdreg s2  }
0xb0: {  	[dreg:$0x4] =	wrdreg $0x9  }
0xb1: {  	_ =	task.clear_ibuf [dreg:s7], $0x5FFFF;
	_ =	strace $0x90000046  }
0xb2: {  	s29 =	simm.s32 $0x9;
	_ =	strace $0x80000048  }
0xb3: {  	_ =	swait.ge [sflag:s29], $0x1  }
0xb4: {  	[sflag:s29] =	ssyncadd.s32 $0xFFFFFFFF  }
0xb5: {  	_ =	strace $0x90000048  }
0xb6: {  	_ =	sfence  }
0xb7: {  	s30 =	sld [smem:$0x0];
	_ =	sdelay $0x2  }
0xb8: {  	s31 =	sshll.u32 s1, $0xD;
	s1 =	sshrl.u32 s1, $0x2  }
0xb9: {  	s3 =	sand.u32 $0x4000, s31;
	s1 =	sadd.s32 s1, s30  }
0xba: {  	s0 =	sor.u32 s3, s0;
	s1 =	sshll.u32 s1, $0x11  }
0xbb: {  	s0 =	sor.u32 s1, s0  }
0xbc: {  	s0 =	sadd.s32 $0x8F2B, s0  }
0xbd: {  	[sflag:s0] =	ssyncadd.remote.s32 $0x1  }
0xbe: {  	_ =	sfence.sel $0xFFFF  }
0xbf: {  	[dreg:$0x0] =	wrdreg $0xFFFFFFFF;
	(pc) =	sbr.abs _section_cstart, $3  }
0xc0: {  	[dreg:$0x1] =	wrdreg $0xFFFFFFFF  }
0xc1: {  	_ =	task.clear_ibuf [dreg:s7], $0x2FFFF;
	_ =	strace $0x9FFFFFFF  }
0xc2: {  	(tm) =	ssettm $0x7FFFFFFF  }
0xc3: {  	_ =	shalt  }
tec
execute0_lowered:
.L_overlay_start_1:
0x0: {  	(tag) =	ssettag $0x1  }
0x1: {  	s5 =	rddreg [dreg:$0x0]  }
0x2: {  	s6 =	rddreg [dreg:$0x1]  }
0x3: {  	s0 =	rddreg [dreg:$0x2];
	s2 =	simm.s32 $0x0  }
0x4: {  	s3 =	srdreg.scid;
	s1 =	stileid.u32;
	s11 =	simm.s32 $0x2000  }
0x5: {  	s12 =	simm.s32 $0x1;
	s13 =	simm.s32 $0xA000;
	s14 =	simm.s32 $0x13000  }
0x6: {  	s15 =	simm.s32 $0x2;
	s16 =	simm.s32 $0x0;
	[smem:$0x7FF] =	sst s2  }
0x7: {  	s4 =	sand.u32 $0x1, s3;
	s7 =	sshll.u32 s1, $0x1;
	s3 =	sadd.s32 $0x200, s5  }
0x8: {  	_ =	strace $0x80000047;
	s7 =	sor.u32 s4, s7;
	s8 =	ssub.s32 $0x2, s4  }
0x9: {  	s4 =	sadd.s32 $0x20200, s5;
	s9 =	sshll.u32 s7, $0xC;
	s10 =	sshrl.u32 s8, $0x1  }
0xa: {  	s31 =	sshll.u32 s7, $0xA;
	s9 =	sadd.s32 s9, s5;
	s8 =	ssub.s32 s8, s10  }
0xb: {  	s5 =	sadd.s32 s6, s31;
	s10 =	simm.s32 $0x100;
	s6 =	sadd.s32 $0x20400, s9  }
0xc: {  	s7 =	smax.u32 s8, $0x1;
	s8 =	simm.s32 $0x12000;
	s9 =	simm.s32 $0x3  }
.LBB2_1:
0xd: {  	[tilespmem:s8], [sflag:$0x3] =	stream.linear.gather [hbm4b:s4+s2], $0x1000, $0x38;
	[tilespmem:$0x13400] =	vst v63  }
0xe: {  	_ =	swait.ge [sflag:s9], $0x1000  }
0xf: {  	[sflag:s9] =	ssyncset.done $0x0  }
0x10: {  	[sflag:s9] =	ssyncadd.s32 $0xFFFFF000  }
0x11: {  	[tilespmem:s2], [sflag:$0x3] =	stream.linear.gather [hbm4b:s5+s2], $0x2000, $0x38;
	[tilespmem:$0x13400] =	vst v63  }
0x12: {  	_ =	swait.ge [sflag:s9], $0x2000  }
0x13: {  	[sflag:s9] =	ssyncset.done $0x0  }
0x14: {  	s17 =	simm.s32 $0x0;
	[sflag:s9] =	ssyncadd.s32 $0xFFFFE000  }
0x15: {  	[tilespmem:s11], [sflag:$0x1] =	stream.indirect.gather [hbm4b:s3+s10], $0x80, s2, s10, $0xb8;
	[tilespmem:$0x13400] =	vst v63  }
.LBB2_2:
0x16: {  	_ =	swait.ge [sflag:s12], $0x8000;
	s18 =	sshllo.u32 s17, $0x1  }
0x17: {  	[sflag:s12] =	ssyncset.done $0x0;
	s19 =	sshll.u32 s18, $0x8  }
0x18: {  	[sflag:s12] =	ssyncadd.s32 $0xFFFF8000;
	s19 =	sand.u32 $0x3FFFFF00, s19  }
0x19: {  	[tilespmem:s13], [sflag:$0x2] =	stream.indirect.gather [hbm4b:s3+s10], $0x80, s19, s10, $0xb8;
	[tilespmem:$0x13400] =	vst v63  }
0x1a: {  	s20 =	simm.s32 $0x3000;
	s19 =	simm.s32 $0x0  }
.LBB2_3:
0x1b: {  	v9 =	vld [tilespmem:$0x12000]  }
0x1c: {  	v10 =	vld [tilespmem:$0x12010]  }
0x1d: {  	v32 =	vld [tilespmem:s20+$0xFFFFF000]  }
0x1e: {  	v20 =	vld [tilespmem:s20+$0xFFFFF010]  }
0x1f: {  	v15 =	vld [tilespmem:s20+$0x0]  }
0x20: {  	v19 =	vld [tilespmem:s20+$0x10]  }
0x21: {  	v2 =	vld [tilespmem:$0x12080]  }
0x22: {  	v25 =	vld [tilespmem:$0x12090]  }
0x23: {  	v21 =	vld [tilespmem:s20+$0xFFFFF080]  }
0x24: {  	v49 =	vld [tilespmem:s20+$0xFFFFF090]  }
0x25: {  	v18 =	vld [tilespmem:s20+$0x80]  }
0x26: {  	v48 =	vld [tilespmem:s20+$0x90]  }
0x27: {  	v0 =	vld [tilespmem:$0x12100]  }
0x28: {  	v1 =	vld [tilespmem:$0x12110]  }
0x29: {  	v13 =	vld [tilespmem:s20+$0xFFFFF100]  }
0x2a: {  	v16 =	vld [tilespmem:s20+$0xFFFFF110]  }
0x2b: {  	v14 =	vld [tilespmem:s20+$0x100]  }
0x2c: {  	v17 =	vld [tilespmem:s20+$0x110]  }
0x2d: {  	v3 =	vld [tilespmem:$0x12180]  }
0x2e: {  	v4 =	vld [tilespmem:$0x12190]  }
0x2f: {  	v23 =	vld [tilespmem:s20+$0xFFFFF180]  }
0x30: {  	v38 =	vld [tilespmem:s20+$0xFFFFF190]  }
0x31: {  	v36 =	vld [tilespmem:s20+$0x180]  }
0x32: {  	v39 =	vld [tilespmem:s20+$0x190]  }
0x33: {  	v50 =	vld [tilespmem:$0x12200]  }
0x34: {  	v51 =	vld [tilespmem:$0x12210]  }
0x35: {  	v46 =	vld [tilespmem:s20+$0xFFFFF200]  }
0x36: {  	v47 =	vld [tilespmem:s20+$0xFFFFF210]  }
0x37: {  	v54 =	vld [tilespmem:s20+$0x200]  }
0x38: {  	v55 =	vld [tilespmem:s20+$0x210]  }
0x39: {  	v40 =	vld [tilespmem:$0x12280]  }
0x3a: {  	v45 =	vld [tilespmem:$0x12290]  }
0x3b: {  	v58 =	vld [tilespmem:s20+$0xFFFFF280]  }
0x3c: {  	v57 =	vld [tilespmem:s20+$0xFFFFF290]  }
0x3d: {  	v59 =	vld [tilespmem:s20+$0x280]  }
0x3e: {  	v60 =	vld [tilespmem:s20+$0x290]  }
0x3f: {  	v22 =	vld [tilespmem:$0x12300]  }
0x40: {  	v31 =	vld [tilespmem:$0x12310]  }
0x41: {  	v62 =	vld [tilespmem:s20+$0xFFFFF300]  }
0x42: {  	v5 =	vld [tilespmem:s20+$0xFFFFF310]  }
0x43: {  	v8 =	vld [tilespmem:s20+$0x300]  }
0x44: {  	v11 =	vld [tilespmem:s20+$0x310]  }
0x45: {  	v6 =	vld [tilespmem:$0x12390]  }
0x46: {  	v7 =	vld [tilespmem:s20+$0xFFFFF380]  }
0x47: {  	v12 =	vld [tilespmem:s20+$0xFFFFF390]  }
0x48: {  	v24 =	vld [tilespmem:s20+$0x380]  }
0x49: {  	v26 =	vld [tilespmem:s20+$0x390]  }
0x4a: {  	v27 =	vld [tilespmem:s20+$0xFFFFF410]  }
0x4b: {  	v28 =	vld [tilespmem:s20+$0x400]  }
0x4c: {  	v29 =	vld [tilespmem:s20+$0x410]  }
0x4d: {  	v30 =	vld [tilespmem:s20+$0xFFFFF490]  }
0x4e: {  	v33 =	vld [tilespmem:s20+$0x480]  }
0x4f: {  	v34 =	vld [tilespmem:s20+$0x490]  }
0x50: {  	v61 =	vld [tilespmem:$0x12500]  }
0x51: {  	v56 =	vld [tilespmem:$0x12510]  }
0x52: {  	v35 =	vld [tilespmem:s20+$0xFFFFF500]  }
0x53: {  	v37 =	vld [tilespmem:s20+$0xFFFFF510]  }
0x54: {  	v41 =	vld [tilespmem:s20+$0x500]  }
0x55: {  	v42 =	vld [tilespmem:s20+$0x510]  }
0x56: {  	v52 =	vld [tilespmem:$0x12580]  }
0x57: {  	v53 =	vld [tilespmem:$0x12590]  }
0x58: {  	v43 =	vld [tilespmem:s20+$0xFFFFF580]  }
0x59: {  	v44 =	vld [tilespmem:s20+$0xFFFFF590]  }
0x5a: {  	v63 =	vld [tilespmem:s20+$0x580]  }
0x5b: {  	[tilespmem:$0x1FC90] =	vst v5;
	v5 =	vld [tilespmem:$0x12380]  }
0x5c: {  	[tilespmem:$0x1FCA0] =	vst v8;
	v8 =	vld [tilespmem:$0x12400]  }
0x5d: {  	[tilespmem:$0x1FCC0] =	vst v7;
	v7 =	vld [tilespmem:$0x12410]  }
0x5e: {  	[tilespmem:$0x1FCB0] =	vst v11;
	v11 =	vld [tilespmem:s20+$0xFFFFF400]  }
0x5f: {  	[tilespmem:$0x1FCD0] =	vst v12;
	v12 =	vld [tilespmem:$0x12480]  }
0x60: {  	[tilespmem:$0x1FCE0] =	vst v24;
	v24 =	vld [tilespmem:s20+$0xFFFFF480]  }
0x61: {  	[tilespmem:$0x1FD20] =	vst v28;
	v28 =	vld [tilespmem:s20+$0x590]  }
0x62: {  	[tilespmem:$0x1FDA0] =	vst v41;
	v41 =	vld [tilespmem:$0x12600]  }
0x63: {  	[tilespmem:$0x1FDB0] =	vst v42;
	v42 =	vld [tilespmem:$0x12610]  }
0x64: {  	[tilespmem:$0x1FD30] =	vst v29;
	v29 =	vld [tilespmem:s20+$0xFFFFF600]  }
0x65: {  	[tilespmem:$0x1FD50] =	vst v30;
	v30 =	vld [tilespmem:s20+$0xFFFFF610]  }
0x66: {  	[tilespmem:$0x1FD60] =	vst v33;
	v33 =	vld [tilespmem:s20+$0x600]  }
0x67: {  	[tilespmem:$0x1FD70] =	vst v34;
	v34 =	vld [tilespmem:s20+$0x610]  }
0x68: {  	[tilespmem:$0x1FD90] =	vst v37;
	v37 =	vld [tilespmem:$0x12680]  }
0x69: {  	[tilespmem:$0x1FD80] =	vst v35;
	v35 =	vld [tilespmem:s20+$0xFFFFF680]  }
0x6a: {  	[tilespmem:$0x1FDC0] =	vst v43;
	v43 =	vld [tilespmem:s20+$0xFFFFF690]  }
0x6b: {  	[tilespmem:$0x1FDD0] =	vst v44;
	v44 =	vld [tilespmem:s20+$0x680]  }
0x6c: {  	[tilespmem:$0x1FDE0] =	vst v63;
	v63 =	vld [tilespmem:s20+$0x690];
	v32 =	vmul.f32 v32, v9;
	v15 =	vmul.f32 v15, v9  }
0x6d: {  	[tilespmem:$0x1FCF0] =	vst v26;
	v26 =	vld [tilespmem:$0x12700];
	v20 =	vmul.f32 v20, v10;
	v19 =	vmul.f32 v19, v10  }
0x6e: {  	[tilespmem:$0x1FD10] =	vst v27;
	v27 =	vld [tilespmem:$0x12710];
	v13 =	vmul.f32 v13, v0;
	v21 =	vmul.f32 v21, v2  }
0x6f: {  	v2 =	vmul.f32 v18, v2;
	v9 =	vld [tilespmem:$0x12980];
	v0 =	vmul.f32 v14, v0  }
0x70: {  	v14 =	vmul.f32 v16, v1;
	v1 =	vmul.f32 v17, v1;
	v10 =	vadd.f32 $0.0e+00, v32;
	v32 =	vld [tilespmem:s20+$0x910]  }
0x71: {  	v49 =	vmul.f32 v49, v25;
	v46 =	vmul.f32 v46, v50;
	v16 =	vadd.f32 $0.0e+00, v20;
	v20 =	vld [tilespmem:s20+$0xFFFFF980]  }
0x72: {  	v17 =	vadd.f32 $0.0e+00, v19;
	v18 =	vadd.f32 $0.0e+00, v21;
	v19 =	vmul.f32 v23, v3;
	v21 =	vld [tilespmem:s20+$0x980]  }
0x73: {  	v23 =	vmul.f32 v48, v25;
	v3 =	vmul.f32 v36, v3;
	v25 =	vld [tilespmem:$0x12A00]  }
0x74: {  	v36 =	vmul.f32 v47, v51;
	v47 =	vmul.f32 v54, v50;
	v50 =	vld [tilespmem:s20+$0xFFFFFA10]  }
0x75: {  	v60 =	vmul.f32 v60, v45;
	v15 =	vadd.f32 $0.0e+00, v15;
	v54 =	vmul.f32 v57, v45;
	v45 =	vld [tilespmem:$0x12A80]  }
0x76: {  	v13 =	vadd.f32 v13, v10;
	v10 =	vld [tilespmem:$0x12990]  }
0x77: {  	v0 =	vadd.f32 v0, v15;
	v15 =	vadd.f32 $0.0e+00, v49;
	v49 =	vmul.f32 v55, v51;
	v55 =	vld [tilespmem:s20+$0xA00]  }
0x78: {  	v51 =	vmul.f32 v58, v40;
	v58 =	vld [tilespmem:s20+$0xA10]  }
0x79: {  	v14 =	vadd.f32 v14, v16;
	v16 =	vadd.f32 $0.0e+00, v23;
	v23 =	vld [tilespmem:$0x1FC90]  }
0x7a: {  	v59 =	vmul.f32 v59, v40;
	v40 =	vld [tilespmem:s20+$0xFFFFFA80]  }
0x7b: {  	[tilespmem:$0x1FD00] =	vst v11;
	v11 =	vld [tilespmem:$0x12490]  }
0x7c: {  	[tilespmem:$0x1FE20] =	vst v33;
	v33 =	vld [tilespmem:$0x12690]  }
0x7d: {  	[tilespmem:$0x1FDF0] =	vst v28;
	v28 =	vld [tilespmem:s20+$0xFFFFF700]  }
0x7e: {  	[tilespmem:$0x1FE00] =	vst v29;
	v29 =	vld [tilespmem:s20+$0xFFFFF710]  }
0x7f: {  	[tilespmem:$0x1FE10] =	vst v30;
	v30 =	vld [tilespmem:s20+$0x700]  }
0x80: {  	[tilespmem:$0x1FE30] =	vst v34;
	v34 =	vld [tilespmem:s20+$0x710]  }
0x81: {  	[tilespmem:$0x1FD40] =	vst v24;
	v24 =	vld [tilespmem:$0x12790]  }
0x82: {  	[tilespmem:$0x1FE40] =	vst v35;
	v35 =	vld [tilespmem:s20+$0xFFFFF790]  }
0x83: {  	[tilespmem:$0x1FE50] =	vst v43;
	v43 =	vld [tilespmem:s20+$0x780]  }
0x84: {  	v38 =	vmul.f32 v38, v4;
	[tilespmem:$0x1FE60] =	vst v44;
	v44 =	vld [tilespmem:s20+$0x790]  }
0x85: {  	v4 =	vmul.f32 v39, v4;
	v1 =	vadd.f32 v1, v17;
	v17 =	vadd.f32 v19, v18;
	[tilespmem:$0x1FE70] =	vst v63;
	v63 =	vld [tilespmem:s20+$0xFFFFF810]  }
0x86: {  	v15 =	vadd.f32 v38, v15;
	v38 =	vld [tilespmem:s20+$0xFFFFFA00]  }
0x87: {  	v39 =	vadd.f32 v4, v16;
	v4 =	vadd.f32 v51, v17;
	v51 =	vld [tilespmem:$0x12A90]  }
0x88: {  	v14 =	vadd.f32 v36, v14;
	v36 =	vld [tilespmem:$0x1FCA0]  }
0x89: {  	v13 =	vadd.f32 v46, v13;
	v46 =	vld [tilespmem:$0x1FCC0]  }
0x8a: {  	v0 =	vadd.f32 v47, v0;
	v47 =	vld [tilespmem:$0x1FCD0]  }
0x8b: {  	v1 =	vadd.f32 v49, v1;
	v49 =	vld [tilespmem:$0x1FCE0]  }
0x8c: {  	v57 =	vld [tilespmem:$0x1FD00]  }
0x8d: {  	v2 =	vadd.f32 $0.0e+00, v2;
	[tilespmem:$0x1FFA0] =	vst v32;
	v32 =	vld [tilespmem:s20+$0xFFFFF990]  }
0x8e: {  	[tilespmem:$0x1FFD0] =	vst v21;
	v21 =	vmul.f32 v62, v22;
	v15 =	vadd.f32 v54, v15;
	v54 =	vld [tilespmem:$0x1FCF0]  }
0x8f: {  	v2 =	vadd.f32 v3, v2;
	v18 =	vadd.f32 v60, v39;
	v60 =	vld [tilespmem:$0x1FD10]  }
0x90: {  	v17 =	vadd.f32 v21, v13;
	v13 =	vld [tilespmem:s20+$0xFFFFFA90]  }
0x91: {  	v16 =	vadd.f32 v59, v2;
	v2 =	vmul.f32 v23, v31;
	v23 =	vld [tilespmem:$0x1FD20]  }
0x92: {  	[tilespmem:$0x1FE80] =	vst v28;
	v28 =	vld [tilespmem:$0x12780]  }
0x93: {  	[tilespmem:$0x1FE90] =	vst v29;
	v29 =	vld [tilespmem:s20+$0xFFFFF780]  }
0x94: {  	[tilespmem:$0x1FEA0] =	vst v30;
	v30 =	vld [tilespmem:$0x12810]  }
0x95: {  	[tilespmem:$0x1FEB0] =	vst v34;
	v34 =	vld [tilespmem:s20+$0xFFFFF800]  }
0x96: {  	[tilespmem:$0x1FEE0] =	vst v43;
	v43 =	vld [tilespmem:s20+$0x800]  }
0x97: {  	[tilespmem:$0x1FEF0] =	vst v44;
	v44 =	vld [tilespmem:s20+$0x810]  }
0x98: {  	[tilespmem:$0x1FED0] =	vst v35;
	v35 =	vld [tilespmem:$0x12890]  }
0x99: {  	[tilespmem:$0x1FF10] =	vst v63;
	v63 =	vld [tilespmem:s20+$0xFFFFF890]  }
0x9a: {  	[tilespmem:$0x1FFF0] =	vst v38;
	v38 =	vld [tilespmem:$0x1FCB0]  }
0x9b: {  	v3 =	vmul.f32 v36, v22;
	v22 =	vld [tilespmem:s20+$0xA90]  }
0x9c: {  	v36 =	vld [tilespmem:$0x1FD30]  }
0x9d: {  	v14 =	vadd.f32 v2, v14;
	v2 =	vmul.f32 v46, v5;
	v46 =	vld [tilespmem:$0x1FD50]  }
0x9e: {  	[tilespmem:$0x1FFB0] =	vst v20;
	v20 =	vmul.f32 v47, v6;
	v47 =	vld [tilespmem:$0x1FD60]  }
0x9f: {  	v59 =	vmul.f32 v57, v8;
	v57 =	vld [tilespmem:$0x1FD80]  }
0xa0: {  	[tilespmem:$0x1FFC0] =	vst v32;
	v32 =	vld [tilespmem:s20+$0x990]  }
0xa1: {  	v4 =	vadd.f32 v2, v4;
	v2 =	vld [tilespmem:$0x12B00]  }
0xa2: {  	v48 =	vadd.f32 v3, v0;
	v3 =	vld [tilespmem:$0x12B10]  }
0xa3: {  	v0 =	vmul.f32 v49, v5;
	v49 =	vld [tilespmem:$0x1FD70]  }
0xa4: {  	v62 =	vmul.f32 v60, v7;
	v60 =	vld [tilespmem:$0x1FD90]  }
0xa5: {  	[tilespmem:$0x1FEC0] =	vst v29;
	v29 =	vld [tilespmem:$0x12800]  }
0xa6: {  	[tilespmem:$0x1FF00] =	vst v34;
	v34 =	vld [tilespmem:$0x12880]  }
0xa7: {  	[tilespmem:$0x1FF20] =	vst v43;
	v43 =	vld [tilespmem:s20+$0xFFFFF880]  }
0xa8: {  	[tilespmem:$0x1FF50] =	vst v63;
	v63 =	vld [tilespmem:s20+$0x880]  }
0xa9: {  	v6 =	vmul.f32 v54, v6;
	[tilespmem:$0x1FF30] =	vst v44;
	v44 =	vld [tilespmem:$0x12910]  }
0xaa: {  	v5 =	vadd.f32 v20, v15;
	v15 =	vadd.f32 v0, v16;
	v0 =	vld [tilespmem:s20+$0xFFFFFB00]  }
0xab: {  	v18 =	vadd.f32 v6, v18;
	v6 =	vld [tilespmem:s20+$0xFFFFFB10]  }
0xac: {  	v39 =	vmul.f32 v38, v31;
	v31 =	vld [tilespmem:s20+$0xA80]  }
0xad: {  	v8 =	vmul.f32 v23, v8;
	v38 =	vld [tilespmem:$0x1FD40]  }
0xae: {  	v7 =	vmul.f32 v36, v7;
	v36 =	vld [tilespmem:$0x1FDA0]  }
0xaf: {  	v19 =	vadd.f32 v8, v48;
	v8 =	vld [tilespmem:s20+$0xFFFFFB80]  }
0xb0: {  	v48 =	vmul.f32 v47, v12;
	v47 =	vld [tilespmem:$0x1FDC0]  }
0xb1: {  	v16 =	vadd.f32 v59, v17;
	v59 =	vmul.f32 v57, v61;
	[tilespmem:$0x1FFE0] =	vst v32;
	v32 =	vld [tilespmem:$0x12A10]  }
0xb2: {  	v15 =	vadd.f32 v48, v15;
	v48 =	vld [tilespmem:$0x1FDD0]  }
0xb3: {  	v16 =	vadd.f32 v59, v16;
	v59 =	vld [tilespmem:$0x1FE20]  }
0xb4: {  	v14 =	vadd.f32 v62, v14;
	v62 =	vmul.f32 v60, v56;
	v60 =	vld [tilespmem:$0x1FE30]  }
0xb5: {  	v1 =	vadd.f32 v39, v1;
	[tilespmem:$0x1FF60] =	vst v63;
	v63 =	vld [tilespmem:s20+$0x890]  }
0xb6: {  	[tilespmem:$0x1FF40] =	vst v43;
	v43 =	vld [tilespmem:$0x12900]  }
0xb7: {  	v20 =	vadd.f32 v7, v1;
	v7 =	vld [tilespmem:s20+$0xB00]  }
0xb8: {  	v1 =	vmul.f32 v46, v11;
	v11 =	vmul.f32 v49, v11;
	v49 =	vld [tilespmem:$0x1FDE0]  }
0xb9: {  	v14 =	vadd.f32 v62, v14;
	v62 =	vld [tilespmem:$0x1FE50]  }
0xba: {  	v39 =	vmul.f32 v38, v12;
	v38 =	vmul.f32 v36, v61;
	v36 =	vld [tilespmem:s20+$0xFFFFFB90]  }
0xbb: {  	v61 =	vld [tilespmem:$0x1FE40]  }
0xbc: {  	v54 =	vadd.f32 v1, v5;
	v1 =	vld [tilespmem:$0x12B80]  }
0xbd: {  	v5 =	vld [tilespmem:$0x12B90]  }
0xbe: {  	v17 =	vadd.f32 v39, v4;
	v4 =	vld [tilespmem:s20+$0xB10]  }
0xbf: {  	v39 =	vld [tilespmem:$0x1FDB0]  }
0xc0: {  	v11 =	vadd.f32 v11, v18;
	v18 =	vadd.f32 v38, v19;
	v19 =	vmul.f32 v47, v52;
	v47 =	vld [tilespmem:s20+$0xFFFFFC00]  }
0xc1: {  	v23 =	vmul.f32 v48, v53;
	v48 =	vld [tilespmem:$0x1FE70]  }
0xc2: {  	[tilespmem:$0x1FF70] =	vst v63;
	v63 =	vld [tilespmem:s20+$0xFFFFF900]  }
0xc3: {  	v21 =	vmul.f32 v49, v52;
	v52 =	vld [tilespmem:$0x1FDF0]  }
0xc4: {  	v17 =	vadd.f32 v19, v17;
	v19 =	vld [tilespmem:$0x12C00]  }
0xc5: {  	v49 =	vld [tilespmem:$0x1FE80]  }
0xc6: {  	v12 =	vadd.f32 v23, v54;
	v23 =	vmul.f32 v59, v41;
	v59 =	vld [tilespmem:$0x1FEE0]  }
0xc7: {  	v0 =	vmul.f32 v0, v2;
	v2 =	vmul.f32 v7, v2;
	v7 =	vld [tilespmem:s20+$0xFFFFFE10]  }
0xc8: {  	v15 =	vadd.f32 v21, v15;
	v21 =	vmul.f32 v61, v37;
	v61 =	vld [tilespmem:$0x1FF00]  }
0xc9: {  	v46 =	vmul.f32 v39, v56;
	v39 =	vld [tilespmem:s20+$0xB80]  }
0xca: {  	v56 =	vld [tilespmem:$0x1FE10]  }
0xcb: {  	v6 =	vmul.f32 v6, v3;
	v3 =	vmul.f32 v4, v3;
	v4 =	vld [tilespmem:s20+$0xE00]  }
0xcc: {  	[tilespmem:$0x1FF80] =	vst v63;
	v63 =	vld [tilespmem:s20+$0xFFFFF910]  }
0xcd: {  	v38 =	vmul.f32 v52, v53;
	v53 =	vld [tilespmem:$0x1FE00]  }
0xce: {  	v20 =	vadd.f32 v46, v20;
	v46 =	vld [tilespmem:s20+$0xB90]  }
0xcf: {  	v17 =	vadd.f32 v21, v17;
	v52 =	vld [tilespmem:$0x1FE90]  }
0xd0: {  	v21 =	vmul.f32 v48, v33;
	v11 =	vadd.f32 v38, v11;
	v38 =	vmul.f32 v60, v42;
	v60 =	vld [tilespmem:$0x1FEF0]  }
0xd1: {  	v57 =	vmul.f32 v56, v42;
	v42 =	vmul.f32 v62, v33;
	v33 =	vld [tilespmem:s20+$0xC00]  }
0xd2: {  	v56 =	vld [tilespmem:$0x1FEC0]  }
0xd3: {  	v62 =	vld [tilespmem:$0x1FF10]  }
0xd4: {  	v20 =	vadd.f32 v38, v20;
	v38 =	vld [tilespmem:$0x1FE60]  }
0xd5: {  	[tilespmem:$0x1FF90] =	vst v63;
	v63 =	vld [tilespmem:s20+$0x900]  }
0xd6: {  	v54 =	vmul.f32 v53, v41;
	v41 =	vld [tilespmem:$0x12C10]  }
0xd7: {  	v12 =	vadd.f32 v42, v12;
	v42 =	vld [tilespmem:s20+$0xC10]  }
0xd8: {  	v53 =	vld [tilespmem:$0x1FEA0]  }
0xd9: {  	v14 =	vadd.f32 v57, v14;
	v57 =	vld [tilespmem:$0x1FED0]  }
0xda: {  	v16 =	vadd.f32 v54, v16;
	v54 =	vld [tilespmem:$0x1FEB0]  }
0xdb: {  	v48 =	vmul.f32 v62, v30;
	v62 =	vld [tilespmem:$0x1FFB0]  }
0xdc: {  	v18 =	vadd.f32 v23, v18;
	v23 =	vmul.f32 v38, v37;
	v37 =	vld [tilespmem:s20+$0xFFFFFC10]  }
0xdd: {  	v38 =	vmul.f32 v52, v27;
	v52 =	vld [tilespmem:$0x1FF40]  }
0xde: {  	v11 =	vadd.f32 v21, v11;
	v21 =	vmul.f32 v53, v26;
	v53 =	vld [tilespmem:$0x1FF50]  }
0xdf: {  	v14 =	vadd.f32 v38, v14;
	v38 =	vld [tilespmem:$0x12C90]  }
0xe0: {  	v15 =	vadd.f32 v23, v15;
	v23 =	vmul.f32 v49, v26;
	v49 =	vld [tilespmem:s20+$0xC80]  }
0xe1: {  	v26 =	vmul.f32 v54, v27;
	v27 =	vld [tilespmem:$0x12C80]  }
0xe2: {  	v54 =	vld [tilespmem:$0x1FF60]  }
0xe3: {  	v18 =	vadd.f32 v21, v18;
	v21 =	vmul.f32 v57, v24;
	v57 =	vld [tilespmem:$0x1FF80]  }
0xe4: {  	v24 =	vmul.f32 v60, v24;
	v60 =	vmul.f32 v63, v43;
	v63 =	vld [tilespmem:$0x1FFC0]  }
0xe5: {  	v14 =	vadd.f32 v48, v14;
	v48 =	vld [tilespmem:$0x1FF30]  }
0xe6: {  	v16 =	vadd.f32 v23, v16;
	v23 =	vmul.f32 v56, v28;
	v56 =	vld [tilespmem:$0x1FF70]  }
0xe7: {  	v20 =	vadd.f32 v26, v20;
	v26 =	vld [tilespmem:s20+$0xFFFFFC80]  }
0xe8: {  	v11 =	vadd.f32 v24, v11;
	v24 =	vld [tilespmem:$0x1FF20]  }
0xe9: {  	v8 =	vmul.f32 v8, v1;
	v12 =	vadd.f32 v21, v12;
	v21 =	vmul.f32 v61, v29;
	v61 =	vld [tilespmem:$0x1FFA0]  }
0xea: {  	v1 =	vmul.f32 v39, v1;
	v39 =	vmul.f32 v37, v41;
	v37 =	vld [tilespmem:s20+$0xF00]  }
0xeb: {  	v17 =	vadd.f32 v23, v17;
	v23 =	vmul.f32 v59, v28;
	v28 =	vld [tilespmem:s20+$0xFFFFFC90]  }
0xec: {  	v59 =	vld [tilespmem:$0x1FF90]  }
0xed: {  	v16 =	vadd.f32 v21, v16;
	v21 =	vmul.f32 v48, v30;
	v48 =	vld [tilespmem:$0x12D10]  }
0xee: {  	v30 =	vmul.f32 v53, v35;
	v53 =	vld [tilespmem:$0x12D80]  }
0xef: {  	v15 =	vadd.f32 v23, v15;
	v23 =	vmul.f32 v24, v29;
	v24 =	vld [tilespmem:s20+$0xC90]  }
0xf0: {  	v29 =	vld [tilespmem:$0x12D00]  }
0xf1: {  	v13 =	vmul.f32 v13, v51;
	v12 =	vadd.f32 v30, v12;
	v30 =	vld [tilespmem:s20+$0xFFFFFD10]  }
0xf2: {  	v22 =	vmul.f32 v22, v51;
	v20 =	vadd.f32 v21, v20;
	v21 =	vmul.f32 v54, v34;
	v54 =	vld [tilespmem:$0x1FFE0]  }
0xf3: {  	v18 =	vadd.f32 v23, v18;
	v23 =	vmul.f32 v52, v34;
	v34 =	vmul.f32 v56, v35;
	v35 =	vld [tilespmem:s20+$0xFFFFFD00]  }
0xf4: {  	v52 =	vmul.f32 v63, v10;
	v56 =	vld [tilespmem:$0x1FFF0];
	v63 =	vmul.f32 v31, v45  }
0xf5: {  	v31 =	vmul.f32 v36, v5;
	v5 =	vmul.f32 v46, v5;
	v46 =	vld [tilespmem:s20+$0xFFFFFE90]  }
0xf6: {  	v15 =	vadd.f32 v21, v15;
	v21 =	vmul.f32 v59, v44;
	v59 =	vmul.f32 v55, v25;
	v55 =	vld [tilespmem:s20+$0xE90]  }
0xf7: {  	v51 =	vmul.f32 v28, v38;
	v36 =	vmul.f32 v47, v19;
	v11 =	vadd.f32 v34, v11;
	v34 =	vld [tilespmem:s20+$0xD00]  }
0xf8: {  	v17 =	vadd.f32 v23, v17;
	v23 =	vmul.f32 v57, v43;
	v43 =	vmul.f32 v61, v44;
	v44 =	vld [tilespmem:s20+$0xD10]  }
0xf9: {  	v47 =	vmul.f32 v26, v27;
	v18 =	vadd.f32 v60, v18;
	v57 =	vmul.f32 v50, v32;
	v50 =	vld [tilespmem:s20+$0xFFFFFD90]  }
0xfa: {  	v12 =	vadd.f32 v52, v12;
	v60 =	vmul.f32 v58, v32;
	v32 =	vld [tilespmem:s20+$0xD80];
	v61 =	vmul.f32 v40, v45  }
0xfb: {  	v40 =	vld [tilespmem:s20+$0xD90];
	v14 =	vadd.f32 v21, v14;
	v21 =	vmul.f32 v62, v9;
	v16 =	vadd.f32 v23, v16  }
0xfc: {  	v20 =	vadd.f32 v43, v20;
	v43 =	vld [tilespmem:$0x1FFD0];
	v10 =	vmul.f32 v54, v10;
	v12 =	vadd.f32 v13, v12  }
0xfd: {  	v45 =	vmul.f32 v42, v41;
	v52 =	vld [tilespmem:s20+$0xE80];
	v17 =	vadd.f32 v21, v17;
	v14 =	vadd.f32 v57, v14  }
0xfe: {  	v41 =	vld [tilespmem:$0x12F80];
	v54 =	vmul.f32 v49, v27;
	v10 =	vadd.f32 v10, v11;
	v11 =	vadd.f32 v59, v18  }
0xff: {  	v23 =	vld [tilespmem:$0x12D90];
	v57 =	vmul.f32 v24, v38;
	v62 =	vadd.f32 v60, v20;
	v6 =	vadd.f32 v6, v14  }
0x100: {  	v13 =	vld [tilespmem:s20+$0xFFFFFE00];
	v59 =	vmul.f32 v35, v29;
	v10 =	vadd.f32 v22, v10;
	v2 =	vadd.f32 v2, v11  }
0x101: {  	v21 =	vld [tilespmem:s20+$0xFFFFFD80];
	v3 =	vadd.f32 v3, v62;
	v11 =	vadd.f32 v31, v12;
	v9 =	vmul.f32 v43, v9  }
0x102: {  	v20 =	vld [tilespmem:$0x12E00];
	v43 =	vmul.f32 v33, v19;
	v6 =	vadd.f32 v39, v6;
	v5 =	vadd.f32 v5, v10  }
0x103: {  	v60 =	vmul.f32 v30, v48;
	v35 =	vld [tilespmem:s20+$0xFFFFFF10];
	v3 =	vadd.f32 v45, v3;
	v9 =	vadd.f32 v9, v15  }
0x104: {  	v14 =	vld [tilespmem:s20+$0xE10];
	v15 =	vmul.f32 v56, v25;
	v2 =	vadd.f32 v43, v2;
	v56 =	vadd.f32 v51, v11  }
0x105: {  	v62 =	vmul.f32 v34, v29;
	v25 =	vld [tilespmem:$0x12E10];
	v6 =	vadd.f32 v60, v6;
	v5 =	vadd.f32 v57, v5  }
0x106: {  	v38 =	vmul.f32 v32, v53;
	v39 =	vld [tilespmem:s20+$0xF10];
	v15 =	vadd.f32 v15, v16;
	v16 =	vadd.f32 v61, v17  }
0x107: {  	v10 =	vld [tilespmem:s20+$0xFFFFFE80];
	v9 =	vadd.f32 v63, v9;
	v63 =	vmul.f32 v44, v48;
	v2 =	vadd.f32 v62, v2  }
0x108: {  	v4 =	vmul.f32 v4, v20;
	v61 =	vld [tilespmem:$0x12F10];
	v0 =	vadd.f32 v0, v15;
	v8 =	vadd.f32 v8, v16  }
0x109: {  	v34 =	vmul.f32 v21, v53;
	v44 =	vld [tilespmem:s20+$0xFFFFFF80];
	v1 =	vadd.f32 v1, v9;
	v3 =	vadd.f32 v63, v3  }
0x10a: {  	v15 =	vld [tilespmem:$0x12E80];
	v2 =	vadd.f32 v4, v2;
	v7 =	vmul.f32 v7, v25;
	v43 =	vmul.f32 v14, v25  }
0x10b: {  	v16 =	vld [tilespmem:$0x12E90];
	v0 =	vadd.f32 v36, v0;
	v8 =	vadd.f32 v47, v8;
	v36 =	vmul.f32 v50, v23  }
0x10c: {  	v58 =	vld [tilespmem:$0x12F00];
	v1 =	vadd.f32 v54, v1;
	v23 =	vmul.f32 v40, v23;
	v40 =	vmul.f32 v13, v20  }
0x10d: {  	v33 =	vld [tilespmem:s20+$0xFFFFFF00];
	v6 =	vadd.f32 v7, v6;
	v3 =	vadd.f32 v43, v3;
	v54 =	vmul.f32 v35, v61  }
0x10e: {  	v42 =	vld [tilespmem:$0x12F90];
	v11 =	vmul.f32 v44, v41;
	v0 =	vadd.f32 v59, v0;
	v8 =	vadd.f32 v34, v8  }
0x10f: {  	v47 =	vld [tilespmem:s20+$0xFFFFFF90];
	v9 =	vadd.f32 v36, v56;
	v1 =	vadd.f32 v38, v1;
	v56 =	vmul.f32 v39, v61  }
0x110: {  	v50 =	vld [tilespmem:s20+$0xF80];
	v5 =	vadd.f32 v23, v5;
	v45 =	vmul.f32 v10, v15;
	v46 =	vmul.f32 v46, v16  }
0x111: {  	v53 =	vld [tilespmem:s20+$0xF90];
	v48 =	vmul.f32 v52, v15;
	v49 =	vmul.f32 v55, v16;
	v6 =	vadd.f32 v54, v6  }
0x112: {  	v52 =	vmul.f32 v33, v58;
	v0 =	vadd.f32 v40, v0;
	v3 =	vadd.f32 v56, v3  }
0x113: {  	v55 =	vmul.f32 v37, v58;
	v4 =	vadd.f32 v45, v8;
	v51 =	vadd.f32 v46, v9  }
0x114: {  	v1 =	vadd.f32 v48, v1;
	v5 =	vadd.f32 v49, v5;
	v14 =	vmul.f32 v47, v42  }
0x115: {  	v57 =	vmul.f32 v50, v41;
	v0 =	vadd.f32 v52, v0;
	v4 =	vadd.f32 v11, v4  }
0x116: {  	v59 =	vmul.f32 v53, v42;
	v2 =	vadd.f32 v55, v2;
	v58 =	vadd.f32 v14, v51  }
0x117: {  	p0 =	sne.s32 s19, $0xC00;
	v1 =	vadd.f32 v57, v1;
	v0 =	vadd.f32 v4, v0  }
.Ltmp0:
0x118: {  	s21 =	sshra.s32 s19, $0x2;
	v60 =	vadd.f32 v59, v5;
	v61 =	vadd.f32 v58, v6;
	(pc) =	sbr.rel @p0 .LBB2_3-.Ltmp0, $4  }
0x119: {  	v62 =	vadd.f32 v1, v2;
	[tilespmem:s21+$0x13000] =	vst v0  }
0x11a: {  	v63 =	vadd.f32 v60, v3;
	[tilespmem:s21+$0x13010] =	vst v61  }
0x11b: {  	[tilespmem:s21+$0x13080] =	vst v62  }
0x11c: {  	s19 =	sadd.s32 $0x400, s19;
	s20 =	sadd.s32 $0x2000, s20;
	[tilespmem:s21+$0x13090] =	vst v63  }
0x11d: {  	s19 =	sshll.u32 s17, $0x8  }
0x11e: {  	s19 =	sadd.s32 s19, s6  }
0x11f: {  	[hbm4b:s19+s2] =	stream.linear.scatter [tilespmem:s14], [sflag:$0x3], $0x400, $0x38;
	[tilespmem:$0x13400] =	vst v63  }
0x120: {  	_ =	swait.ge [sflag:s9], $0x400  }
0x121: {  	[sflag:s9] =	ssyncset.done $0x0  }
0x122: {  	p0 =	seq.s32 s17, $0xF;
	[sflag:s9] =	ssyncadd.s32 $0xFFFFFC00  }
0x123: {  	s19 =	sshll.u32 @!p0 s17, $0x9;
	_ =	swait.ge [sflag:s15], $0x8000  }
0x124: {  	s20 =	simm.s32 @!p0 $0x100;
	s19 =	sand.u32 @!p0 $0x3FFFFE00, s19;
	[sflag:s15] =	ssyncset.done $0x0  }
0x125: {  	s21 =	simm.s32 @!p0 $0x2000;
	s19 =	sadd.s32 @!p0 $0x200, s19;
	[sflag:s15] =	ssyncadd.s32 $0xFFFF8000  }
0x126: {  	[tilespmem:s21], [sflag:$0x1] =	stream.indirect.gather @!p0 [hbm4b:s3+s20], $0x80, s19, s20, $0xb8;
	[tilespmem:$0x13400] =	vst v63  }
0x127: {  	s19 =	simm.s32 $0x0;
	s20 =	simm.s32 $0x13090  }
.LBB2_5:
0x128: {  	v9 =	vld [tilespmem:$0x12000]  }
0x129: {  	v10 =	vld [tilespmem:$0x12010]  }
0x12a: {  	v2 =	vld [tilespmem:$0x12080]  }
0x12b: {  	v25 =	vld [tilespmem:$0x12090]  }
0x12c: {  	v0 =	vld [tilespmem:$0x12100]  }
0x12d: {  	v1 =	vld [tilespmem:$0x12110]  }
0x12e: {  	v3 =	vld [tilespmem:$0x12180]  }
0x12f: {  	v4 =	vld [tilespmem:$0x12190]  }
0x130: {  	v50 =	vld [tilespmem:$0x12200]  }
0x131: {  	v51 =	vld [tilespmem:$0x12210]  }
0x132: {  	v40 =	vld [tilespmem:$0x12280]  }
0x133: {  	v45 =	vld [tilespmem:$0x12290]  }
0x134: {  	v22 =	vld [tilespmem:$0x12300]  }
0x135: {  	v31 =	vld [tilespmem:$0x12310]  }
0x136: {  	v6 =	vld [tilespmem:$0x12390]  }
0x137: {  	v61 =	vld [tilespmem:$0x12500]  }
0x138: {  	v56 =	vld [tilespmem:$0x12510]  }
0x139: {  	v52 =	vld [tilespmem:$0x12580]  }
0x13a: {  	s21 =	sshra.s32 s19, $0x2;
	v53 =	vld [tilespmem:$0x12590]  }
0x13b: {  	v32 =	vld [tilespmem:s21+$0xA000]  }
0x13c: {  	v20 =	vld [tilespmem:s21+$0xA010]  }
0x13d: {  	v15 =	vld [tilespmem:s21+$0xB000]  }
0x13e: {  	v19 =	vld [tilespmem:s21+$0xB010]  }
0x13f: {  	v21 =	vld [tilespmem:s21+$0xA080]  }
0x140: {  	v49 =	vld [tilespmem:s21+$0xA090]  }
0x141: {  	v18 =	vld [tilespmem:s21+$0xB080]  }
0x142: {  	v48 =	vld [tilespmem:s21+$0xB090]  }
0x143: {  	v13 =	vld [tilespmem:s21+$0xA100]  }
0x144: {  	v16 =	vld [tilespmem:s21+$0xA110]  }
0x145: {  	v14 =	vld [tilespmem:s21+$0xB100]  }
0x146: {  	v17 =	vld [tilespmem:s21+$0xB110]  }
0x147: {  	v23 =	vld [tilespmem:s21+$0xA180]  }
0x148: {  	v38 =	vld [tilespmem:s21+$0xA190]  }
0x149: {  	v36 =	vld [tilespmem:s21+$0xB180]  }
0x14a: {  	v39 =	vld [tilespmem:s21+$0xB190]  }
0x14b: {  	v46 =	vld [tilespmem:s21+$0xA200]  }
0x14c: {  	v47 =	vld [tilespmem:s21+$0xA210]  }
0x14d: {  	v54 =	vld [tilespmem:s21+$0xB200]  }
0x14e: {  	v55 =	vld [tilespmem:s21+$0xB210]  }
0x14f: {  	v58 =	vld [tilespmem:s21+$0xA280]  }
0x150: {  	v57 =	vld [tilespmem:s21+$0xA290]  }
0x151: {  	v59 =	vld [tilespmem:s21+$0xB280]  }
0x152: {  	v60 =	vld [tilespmem:s21+$0xB290]  }
0x153: {  	v62 =	vld [tilespmem:s21+$0xA300]  }
0x154: {  	v5 =	vld [tilespmem:s21+$0xA310]  }
0x155: {  	v8 =	vld [tilespmem:s21+$0xB300]  }
0x156: {  	v11 =	vld [tilespmem:s21+$0xB310]  }
0x157: {  	v7 =	vld [tilespmem:s21+$0xA380]  }
0x158: {  	v12 =	vld [tilespmem:s21+$0xA390]  }
0x159: {  	v24 =	vld [tilespmem:s21+$0xB380]  }
0x15a: {  	v26 =	vld [tilespmem:s21+$0xB390]  }
0x15b: {  	v27 =	vld [tilespmem:s21+$0xA410]  }
0x15c: {  	v28 =	vld [tilespmem:s21+$0xB400]  }
0x15d: {  	v29 =	vld [tilespmem:s21+$0xB410]  }
0x15e: {  	v30 =	vld [tilespmem:s21+$0xA490]  }
0x15f: {  	v33 =	vld [tilespmem:s21+$0xB480]  }
0x160: {  	v34 =	vld [tilespmem:s21+$0xB490]  }
0x161: {  	v35 =	vld [tilespmem:s21+$0xA500]  }
0x162: {  	v37 =	vld [tilespmem:s21+$0xA510]  }
0x163: {  	v41 =	vld [tilespmem:s21+$0xB500]  }
0x164: {  	v42 =	vld [tilespmem:s21+$0xB510]  }
0x165: {  	v43 =	vld [tilespmem:s21+$0xA580]  }
0x166: {  	v44 =	vld [tilespmem:s21+$0xA590]  }
0x167: {  	v63 =	vld [tilespmem:s21+$0xB580]  }
0x168: {  	[tilespmem:$0x1F920] =	vst v5;
	v5 =	vld [tilespmem:$0x12380]  }
0x169: {  	[tilespmem:$0x1F930] =	vst v8;
	v8 =	vld [tilespmem:$0x12400]  }
0x16a: {  	[tilespmem:$0x1F950] =	vst v7;
	v7 =	vld [tilespmem:$0x12410]  }
0x16b: {  	[tilespmem:$0x1F940] =	vst v11;
	v11 =	vld [tilespmem:s21+$0xA400]  }
0x16c: {  	[tilespmem:$0x1F960] =	vst v12;
	v12 =	vld [tilespmem:$0x12480]  }
0x16d: {  	[tilespmem:$0x1F970] =	vst v24;
	v24 =	vld [tilespmem:s21+$0xA480]  }
0x16e: {  	[tilespmem:$0x1F9B0] =	vst v28;
	v28 =	vld [tilespmem:s21+$0xB590]  }
0x16f: {  	[tilespmem:$0x1FA30] =	vst v41;
	v41 =	vld [tilespmem:$0x12600]  }
0x170: {  	[tilespmem:$0x1FA40] =	vst v42;
	v42 =	vld [tilespmem:$0x12610]  }
0x171: {  	[tilespmem:$0x1F9C0] =	vst v29;
	v29 =	vld [tilespmem:s21+$0xA600]  }
0x172: {  	[tilespmem:$0x1F9E0] =	vst v30;
	v30 =	vld [tilespmem:s21+$0xA610]  }
0x173: {  	[tilespmem:$0x1F9F0] =	vst v33;
	v33 =	vld [tilespmem:s21+$0xB600]  }
0x174: {  	[tilespmem:$0x1FA00] =	vst v34;
	v34 =	vld [tilespmem:s21+$0xB610]  }
0x175: {  	[tilespmem:$0x1FA20] =	vst v37;
	v37 =	vld [tilespmem:$0x12680]  }
0x176: {  	[tilespmem:$0x1FA10] =	vst v35;
	v35 =	vld [tilespmem:s21+$0xA680]  }
0x177: {  	[tilespmem:$0x1FA50] =	vst v43;
	v43 =	vld [tilespmem:s21+$0xA690]  }
0x178: {  	[tilespmem:$0x1FA60] =	vst v44;
	v44 =	vld [tilespmem:s21+$0xB680]  }
0x179: {  	[tilespmem:$0x1FA70] =	vst v63;
	v63 =	vld [tilespmem:s21+$0xB690];
	v32 =	vmul.f32 v32, v9;
	v15 =	vmul.f32 v15, v9  }
0x17a: {  	[tilespmem:$0x1F980] =	vst v26;
	v26 =	vld [tilespmem:$0x12700];
	v20 =	vmul.f32 v20, v10;
	v19 =	vmul.f32 v19, v10  }
0x17b: {  	[tilespmem:$0x1F9A0] =	vst v27;
	v27 =	vld [tilespmem:$0x12710];
	v13 =	vmul.f32 v13, v0;
	v21 =	vmul.f32 v21, v2  }
0x17c: {  	v2 =	vmul.f32 v18, v2;
	v9 =	vld [tilespmem:$0x12980];
	v0 =	vmul.f32 v14, v0  }
0x17d: {  	v14 =	vmul.f32 v16, v1;
	v1 =	vmul.f32 v17, v1;
	v10 =	vadd.f32 $0.0e+00, v32;
	v32 =	vld [tilespmem:s21+$0xB910]  }
0x17e: {  	v49 =	vmul.f32 v49, v25;
	v46 =	vmul.f32 v46, v50;
	v16 =	vadd.f32 $0.0e+00, v20;
	v20 =	vld [tilespmem:s21+$0xA980]  }
0x17f: {  	v17 =	vadd.f32 $0.0e+00, v19;
	v18 =	vadd.f32 $0.0e+00, v21;
	v19 =	vmul.f32 v23, v3;
	v21 =	vld [tilespmem:s21+$0xB980]  }
0x180: {  	v23 =	vmul.f32 v48, v25;
	v3 =	vmul.f32 v36, v3;
	v25 =	vld [tilespmem:$0x12A00]  }
0x181: {  	v36 =	vmul.f32 v47, v51;
	v47 =	vmul.f32 v54, v50;
	v50 =	vld [tilespmem:s21+$0xAA10]  }
0x182: {  	v60 =	vmul.f32 v60, v45;
	v15 =	vadd.f32 $0.0e+00, v15;
	v54 =	vmul.f32 v57, v45;
	v45 =	vld [tilespmem:$0x12A80]  }
0x183: {  	v13 =	vadd.f32 v13, v10;
	v10 =	vld [tilespmem:$0x12990]  }
0x184: {  	v0 =	vadd.f32 v0, v15;
	v15 =	vadd.f32 $0.0e+00, v49;
	v49 =	vmul.f32 v55, v51;
	v55 =	vld [tilespmem:s21+$0xBA00]  }
0x185: {  	v51 =	vmul.f32 v58, v40;
	v58 =	vld [tilespmem:s21+$0xBA10]  }
0x186: {  	v14 =	vadd.f32 v14, v16;
	v16 =	vadd.f32 $0.0e+00, v23;
	v23 =	vld [tilespmem:$0x1F920]  }
0x187: {  	v59 =	vmul.f32 v59, v40;
	v40 =	vld [tilespmem:s21+$0xAA80]  }
0x188: {  	[tilespmem:$0x1F990] =	vst v11;
	v11 =	vld [tilespmem:$0x12490]  }
0x189: {  	[tilespmem:$0x1FAB0] =	vst v33;
	v33 =	vld [tilespmem:$0x12690]  }
0x18a: {  	[tilespmem:$0x1FA80] =	vst v28;
	v28 =	vld [tilespmem:s21+$0xA700]  }
0x18b: {  	[tilespmem:$0x1FA90] =	vst v29;
	v29 =	vld [tilespmem:s21+$0xA710]  }
0x18c: {  	[tilespmem:$0x1FAA0] =	vst v30;
	v30 =	vld [tilespmem:s21+$0xB700]  }
0x18d: {  	[tilespmem:$0x1FAC0] =	vst v34;
	v34 =	vld [tilespmem:s21+$0xB710]  }
0x18e: {  	[tilespmem:$0x1F9D0] =	vst v24;
	v24 =	vld [tilespmem:$0x12790]  }
0x18f: {  	[tilespmem:$0x1FAD0] =	vst v35;
	v35 =	vld [tilespmem:s21+$0xA790]  }
0x190: {  	[tilespmem:$0x1FAE0] =	vst v43;
	v43 =	vld [tilespmem:s21+$0xB780]  }
0x191: {  	v38 =	vmul.f32 v38, v4;
	[tilespmem:$0x1FAF0] =	vst v44;
	v44 =	vld [tilespmem:s21+$0xB790]  }
0x192: {  	v4 =	vmul.f32 v39, v4;
	v1 =	vadd.f32 v1, v17;
	v17 =	vadd.f32 v19, v18;
	[tilespmem:$0x1FB00] =	vst v63;
	v63 =	vld [tilespmem:s21+$0xA810]  }
0x193: {  	v15 =	vadd.f32 v38, v15;
	v38 =	vld [tilespmem:s21+$0xAA00]  }
0x194: {  	v39 =	vadd.f32 v4, v16;
	v4 =	vadd.f32 v51, v17;
	v51 =	vld [tilespmem:$0x12A90]  }
0x195: {  	v14 =	vadd.f32 v36, v14;
	v36 =	vld [tilespmem:$0x1F930]  }
0x196: {  	v13 =	vadd.f32 v46, v13;
	v46 =	vld [tilespmem:$0x1F950]  }
0x197: {  	v0 =	vadd.f32 v47, v0;
	v47 =	vld [tilespmem:$0x1F960]  }
0x198: {  	v1 =	vadd.f32 v49, v1;
	v49 =	vld [tilespmem:$0x1F970]  }
0x199: {  	v57 =	vld [tilespmem:$0x1F990]  }
0x19a: {  	v2 =	vadd.f32 $0.0e+00, v2;
	[tilespmem:$0x1FC30] =	vst v32;
	v32 =	vld [tilespmem:s21+$0xA990]  }
0x19b: {  	[tilespmem:$0x1FC60] =	vst v21;
	v21 =	vmul.f32 v62, v22;
	v15 =	vadd.f32 v54, v15;
	v54 =	vld [tilespmem:$0x1F980]  }
0x19c: {  	v2 =	vadd.f32 v3, v2;
	v18 =	vadd.f32 v60, v39;
	v60 =	vld [tilespmem:$0x1F9A0]  }
0x19d: {  	v17 =	vadd.f32 v21, v13;
	v13 =	vld [tilespmem:s21+$0xAA90]  }
0x19e: {  	v16 =	vadd.f32 v59, v2;
	v2 =	vmul.f32 v23, v31;
	v23 =	vld [tilespmem:$0x1F9B0]  }
0x19f: {  	[tilespmem:$0x1FB10] =	vst v28;
	v28 =	vld [tilespmem:$0x12780]  }
0x1a0: {  	[tilespmem:$0x1FB20] =	vst v29;
	v29 =	vld [tilespmem:s21+$0xA780]  }
0x1a1: {  	[tilespmem:$0x1FB30] =	vst v30;
	v30 =	vld [tilespmem:$0x12810]  }
0x1a2: {  	[tilespmem:$0x1FB40] =	vst v34;
	v34 =	vld [tilespmem:s21+$0xA800]  }
0x1a3: {  	[tilespmem:$0x1FB70] =	vst v43;
	v43 =	vld [tilespmem:s21+$0xB800]  }
0x1a4: {  	[tilespmem:$0x1FB80] =	vst v44;
	v44 =	vld [tilespmem:s21+$0xB810]  }
0x1a5: {  	[tilespmem:$0x1FB60] =	vst v35;
	v35 =	vld [tilespmem:$0x12890]  }
0x1a6: {  	[tilespmem:$0x1FBA0] =	vst v63;
	v63 =	vld [tilespmem:s21+$0xA890]  }
0x1a7: {  	[tilespmem:$0x1FC80] =	vst v38;
	v38 =	vld [tilespmem:$0x1F940]  }
0x1a8: {  	v3 =	vmul.f32 v36, v22;
	v22 =	vld [tilespmem:s21+$0xBA90]  }
0x1a9: {  	v36 =	vld [tilespmem:$0x1F9C0]  }
0x1aa: {  	v14 =	vadd.f32 v2, v14;
	v2 =	vmul.f32 v46, v5;
	v46 =	vld [tilespmem:$0x1F9E0]  }
0x1ab: {  	[tilespmem:$0x1FC40] =	vst v20;
	v20 =	vmul.f32 v47, v6;
	v47 =	vld [tilespmem:$0x1F9F0]  }
0x1ac: {  	v59 =	vmul.f32 v57, v8;
	v57 =	vld [tilespmem:$0x1FA10]  }
0x1ad: {  	[tilespmem:$0x1FC50] =	vst v32;
	v32 =	vld [tilespmem:s21+$0xB990]  }
0x1ae: {  	v4 =	vadd.f32 v2, v4;
	v2 =	vld [tilespmem:$0x12B00]  }
0x1af: {  	v48 =	vadd.f32 v3, v0;
	v3 =	vld [tilespmem:$0x12B10]  }
0x1b0: {  	v0 =	vmul.f32 v49, v5;
	v49 =	vld [tilespmem:$0x1FA00]  }
0x1b1: {  	v62 =	vmul.f32 v60, v7;
	v60 =	vld [tilespmem:$0x1FA20]  }
0x1b2: {  	[tilespmem:$0x1FB50] =	vst v29;
	v29 =	vld [tilespmem:$0x12800]  }
0x1b3: {  	[tilespmem:$0x1FB90] =	vst v34;
	v34 =	vld [tilespmem:$0x12880]  }
0x1b4: {  	[tilespmem:$0x1FBB0] =	vst v43;
	v43 =	vld [tilespmem:s21+$0xA880]  }
0x1b5: {  	[tilespmem:$0x1FBE0] =	vst v63;
	v63 =	vld [tilespmem:s21+$0xB880]  }
0x1b6: {  	v6 =	vmul.f32 v54, v6;
	[tilespmem:$0x1FBC0] =	vst v44;
	v44 =	vld [tilespmem:$0x12910]  }
0x1b7: {  	v5 =	vadd.f32 v20, v15;
	v15 =	vadd.f32 v0, v16;
	v0 =	vld [tilespmem:s21+$0xAB00]  }
0x1b8: {  	v18 =	vadd.f32 v6, v18;
	v6 =	vld [tilespmem:s21+$0xAB10]  }
0x1b9: {  	v39 =	vmul.f32 v38, v31;
	v31 =	vld [tilespmem:s21+$0xBA80]  }
0x1ba: {  	v8 =	vmul.f32 v23, v8;
	v38 =	vld [tilespmem:$0x1F9D0]  }
0x1bb: {  	v7 =	vmul.f32 v36, v7;
	v36 =	vld [tilespmem:$0x1FA30]  }
0x1bc: {  	v19 =	vadd.f32 v8, v48;
	v8 =	vld [tilespmem:s21+$0xAB80]  }
0x1bd: {  	v48 =	vmul.f32 v47, v12;
	v47 =	vld [tilespmem:$0x1FA50]  }
0x1be: {  	v16 =	vadd.f32 v59, v17;
	v59 =	vmul.f32 v57, v61;
	[tilespmem:$0x1FC70] =	vst v32;
	v32 =	vld [tilespmem:$0x12A10]  }
0x1bf: {  	v15 =	vadd.f32 v48, v15;
	v48 =	vld [tilespmem:$0x1FA60]  }
0x1c0: {  	v16 =	vadd.f32 v59, v16;
	v59 =	vld [tilespmem:$0x1FAB0]  }
0x1c1: {  	v14 =	vadd.f32 v62, v14;
	v62 =	vmul.f32 v60, v56;
	v60 =	vld [tilespmem:$0x1FAC0]  }
0x1c2: {  	v1 =	vadd.f32 v39, v1;
	[tilespmem:$0x1FBF0] =	vst v63;
	v63 =	vld [tilespmem:s21+$0xB890]  }
0x1c3: {  	[tilespmem:$0x1FBD0] =	vst v43;
	v43 =	vld [tilespmem:$0x12900]  }
0x1c4: {  	v20 =	vadd.f32 v7, v1;
	v7 =	vld [tilespmem:s21+$0xBB00]  }
0x1c5: {  	v1 =	vmul.f32 v46, v11;
	v11 =	vmul.f32 v49, v11;
	v49 =	vld [tilespmem:$0x1FA70]  }
0x1c6: {  	v14 =	vadd.f32 v62, v14;
	v62 =	vld [tilespmem:$0x1FAE0]  }
0x1c7: {  	v39 =	vmul.f32 v38, v12;
	v38 =	vmul.f32 v36, v61;
	v36 =	vld [tilespmem:s21+$0xAB90]  }
0x1c8: {  	v61 =	vld [tilespmem:$0x1FAD0]  }
0x1c9: {  	v54 =	vadd.f32 v1, v5;
	v1 =	vld [tilespmem:$0x12B80]  }
0x1ca: {  	v5 =	vld [tilespmem:$0x12B90]  }
0x1cb: {  	v17 =	vadd.f32 v39, v4;
	v4 =	vld [tilespmem:s21+$0xBB10]  }
0x1cc: {  	v39 =	vld [tilespmem:$0x1FA40]  }
0x1cd: {  	v11 =	vadd.f32 v11, v18;
	v18 =	vadd.f32 v38, v19;
	v19 =	vmul.f32 v47, v52;
	v47 =	vld [tilespmem:s21+$0xAC00]  }
0x1ce: {  	v23 =	vmul.f32 v48, v53;
	v48 =	vld [tilespmem:$0x1FB00]  }
0x1cf: {  	[tilespmem:$0x1FC00] =	vst v63;
	v63 =	vld [tilespmem:s21+$0xA900]  }
0x1d0: {  	v21 =	vmul.f32 v49, v52;
	v52 =	vld [tilespmem:$0x1FA80]  }
0x1d1: {  	v17 =	vadd.f32 v19, v17;
	v19 =	vld [tilespmem:$0x12C00]  }
0x1d2: {  	v49 =	vld [tilespmem:$0x1FB10]  }
0x1d3: {  	v12 =	vadd.f32 v23, v54;
	v23 =	vmul.f32 v59, v41;
	v59 =	vld [tilespmem:$0x1FB70]  }
0x1d4: {  	v0 =	vmul.f32 v0, v2;
	v2 =	vmul.f32 v7, v2;
	v7 =	vld [tilespmem:s21+$0xAE10]  }
0x1d5: {  	v15 =	vadd.f32 v21, v15;
	v21 =	vmul.f32 v61, v37;
	v61 =	vld [tilespmem:$0x1FB90]  }
0x1d6: {  	v46 =	vmul.f32 v39, v56;
	v39 =	vld [tilespmem:s21+$0xBB80]  }
0x1d7: {  	v56 =	vld [tilespmem:$0x1FAA0]  }
0x1d8: {  	v6 =	vmul.f32 v6, v3;
	v3 =	vmul.f32 v4, v3;
	v4 =	vld [tilespmem:s21+$0xBE00]  }
0x1d9: {  	[tilespmem:$0x1FC10] =	vst v63;
	v63 =	vld [tilespmem:s21+$0xA910]  }
0x1da: {  	v38 =	vmul.f32 v52, v53;
	v53 =	vld [tilespmem:$0x1FA90]  }
0x1db: {  	v20 =	vadd.f32 v46, v20;
	v46 =	vld [tilespmem:s21+$0xBB90]  }
0x1dc: {  	v17 =	vadd.f32 v21, v17;
	v52 =	vld [tilespmem:$0x1FB20]  }
0x1dd: {  	v21 =	vmul.f32 v48, v33;
	v11 =	vadd.f32 v38, v11;
	v38 =	vmul.f32 v60, v42;
	v60 =	vld [tilespmem:$0x1FB80]  }
0x1de: {  	v57 =	vmul.f32 v56, v42;
	v42 =	vmul.f32 v62, v33;
	v33 =	vld [tilespmem:s21+$0xBC00]  }
0x1df: {  	v56 =	vld [tilespmem:$0x1FB50]  }
0x1e0: {  	v62 =	vld [tilespmem:$0x1FBA0]  }
0x1e1: {  	v20 =	vadd.f32 v38, v20;
	v38 =	vld [tilespmem:$0x1FAF0]  }
0x1e2: {  	[tilespmem:$0x1FC20] =	vst v63;
	v63 =	vld [tilespmem:s21+$0xB900]  }
0x1e3: {  	v54 =	vmul.f32 v53, v41;
	v41 =	vld [tilespmem:$0x12C10]  }
0x1e4: {  	v12 =	vadd.f32 v42, v12;
	v42 =	vld [tilespmem:s21+$0xBC10]  }
0x1e5: {  	v53 =	vld [tilespmem:$0x1FB30]  }
0x1e6: {  	v14 =	vadd.f32 v57, v14;
	v57 =	vld [tilespmem:$0x1FB60]  }
0x1e7: {  	v16 =	vadd.f32 v54, v16;
	v54 =	vld [tilespmem:$0x1FB40]  }
0x1e8: {  	v48 =	vmul.f32 v62, v30;
	v62 =	vld [tilespmem:$0x1FC40]  }
0x1e9: {  	v18 =	vadd.f32 v23, v18;
	v23 =	vmul.f32 v38, v37;
	v37 =	vld [tilespmem:s21+$0xAC10]  }
0x1ea: {  	v38 =	vmul.f32 v52, v27;
	v52 =	vld [tilespmem:$0x1FBD0]  }
0x1eb: {  	v11 =	vadd.f32 v21, v11;
	v21 =	vmul.f32 v53, v26;
	v53 =	vld [tilespmem:$0x1FBE0]  }
0x1ec: {  	v14 =	vadd.f32 v38, v14;
	v38 =	vld [tilespmem:$0x12C90]  }
0x1ed: {  	v15 =	vadd.f32 v23, v15;
	v23 =	vmul.f32 v49, v26;
	v49 =	vld [tilespmem:s21+$0xBC80]  }
0x1ee: {  	v26 =	vmul.f32 v54, v27;
	v27 =	vld [tilespmem:$0x12C80]  }
0x1ef: {  	v54 =	vld [tilespmem:$0x1FBF0]  }
0x1f0: {  	v18 =	vadd.f32 v21, v18;
	v21 =	vmul.f32 v57, v24;
	v57 =	vld [tilespmem:$0x1FC10]  }
0x1f1: {  	v24 =	vmul.f32 v60, v24;
	v60 =	vmul.f32 v63, v43;
	v63 =	vld [tilespmem:$0x1FC50]  }
0x1f2: {  	v14 =	vadd.f32 v48, v14;
	v48 =	vld [tilespmem:$0x1FBC0]  }
0x1f3: {  	v16 =	vadd.f32 v23, v16;
	v23 =	vmul.f32 v56, v28;
	v56 =	vld [tilespmem:$0x1FC00]  }
0x1f4: {  	v20 =	vadd.f32 v26, v20;
	v26 =	vld [tilespmem:s21+$0xAC80]  }
0x1f5: {  	v11 =	vadd.f32 v24, v11;
	v24 =	vld [tilespmem:$0x1FBB0]  }
0x1f6: {  	v8 =	vmul.f32 v8, v1;
	v12 =	vadd.f32 v21, v12;
	v21 =	vmul.f32 v61, v29;
	v61 =	vld [tilespmem:$0x1FC30]  }
0x1f7: {  	v1 =	vmul.f32 v39, v1;
	v39 =	vmul.f32 v37, v41;
	v37 =	vld [tilespmem:s21+$0xBF00]  }
0x1f8: {  	v17 =	vadd.f32 v23, v17;
	v23 =	vmul.f32 v59, v28;
	v28 =	vld [tilespmem:s21+$0xAC90]  }
0x1f9: {  	v59 =	vld [tilespmem:$0x1FC20]  }
0x1fa: {  	v16 =	vadd.f32 v21, v16;
	v21 =	vmul.f32 v48, v30;
	v48 =	vld [tilespmem:$0x12D10]  }
0x1fb: {  	v30 =	vmul.f32 v53, v35;
	v53 =	vld [tilespmem:$0x12D80]  }
0x1fc: {  	v15 =	vadd.f32 v23, v15;
	v23 =	vmul.f32 v24, v29;
	v24 =	vld [tilespmem:s21+$0xBC90]  }
0x1fd: {  	v29 =	vld [tilespmem:$0x12D00]  }
0x1fe: {  	v13 =	vmul.f32 v13, v51;
	v12 =	vadd.f32 v30, v12;
	v30 =	vld [tilespmem:s21+$0xAD10]  }
0x1ff: {  	v22 =	vmul.f32 v22, v51;
	v20 =	vadd.f32 v21, v20;
	v21 =	vmul.f32 v54, v34;
	v54 =	vld [tilespmem:$0x1FC70]  }
0x200: {  	v18 =	vadd.f32 v23, v18;
	v23 =	vmul.f32 v52, v34;
	v34 =	vmul.f32 v56, v35;
	v35 =	vld [tilespmem:s21+$0xAD00]  }
0x201: {  	v52 =	vmul.f32 v63, v10;
	v56 =	vld [tilespmem:$0x1FC80];
	v63 =	vmul.f32 v31, v45  }
0x202: {  	v31 =	vmul.f32 v36, v5;
	v5 =	vmul.f32 v46, v5;
	v46 =	vld [tilespmem:s21+$0xAE90]  }
0x203: {  	v15 =	vadd.f32 v21, v15;
	v21 =	vmul.f32 v59, v44;
	v59 =	vmul.f32 v55, v25;
	v55 =	vld [tilespmem:s21+$0xBE90]  }
0x204: {  	v51 =	vmul.f32 v28, v38;
	v36 =	vmul.f32 v47, v19;
	v11 =	vadd.f32 v34, v11;
	v34 =	vld [tilespmem:s21+$0xBD00]  }
0x205: {  	v17 =	vadd.f32 v23, v17;
	v23 =	vmul.f32 v57, v43;
	v43 =	vmul.f32 v61, v44;
	v44 =	vld [tilespmem:s21+$0xBD10]  }
0x206: {  	v47 =	vmul.f32 v26, v27;
	v18 =	vadd.f32 v60, v18;
	v57 =	vmul.f32 v50, v32;
	v50 =	vld [tilespmem:s21+$0xAD90]  }
0x207: {  	v12 =	vadd.f32 v52, v12;
	v60 =	vmul.f32 v58, v32;
	v32 =	vld [tilespmem:s21+$0xBD80];
	v61 =	vmul.f32 v40, v45  }
0x208: {  	v40 =	vld [tilespmem:s21+$0xBD90];
	v14 =	vadd.f32 v21, v14;
	v21 =	vmul.f32 v62, v9;
	v16 =	vadd.f32 v23, v16  }
0x209: {  	v20 =	vadd.f32 v43, v20;
	v43 =	vld [tilespmem:$0x1FC60];
	v10 =	vmul.f32 v54, v10;
	v12 =	vadd.f32 v13, v12  }
0x20a: {  	v45 =	vmul.f32 v42, v41;
	v52 =	vld [tilespmem:s21+$0xBE80];
	v17 =	vadd.f32 v21, v17;
	v14 =	vadd.f32 v57, v14  }
0x20b: {  	v41 =	vld [tilespmem:$0x12F80];
	v54 =	vmul.f32 v49, v27;
	v10 =	vadd.f32 v10, v11;
	v11 =	vadd.f32 v59, v18  }
0x20c: {  	v23 =	vld [tilespmem:$0x12D90];
	v57 =	vmul.f32 v24, v38;
	v62 =	vadd.f32 v60, v20;
	v6 =	vadd.f32 v6, v14  }
0x20d: {  	v13 =	vld [tilespmem:s21+$0xAE00];
	v59 =	vmul.f32 v35, v29;
	v10 =	vadd.f32 v22, v10;
	v2 =	vadd.f32 v2, v11  }
0x20e: {  	v21 =	vld [tilespmem:s21+$0xAD80];
	v3 =	vadd.f32 v3, v62;
	v11 =	vadd.f32 v31, v12;
	v9 =	vmul.f32 v43, v9  }
0x20f: {  	v20 =	vld [tilespmem:$0x12E00];
	v43 =	vmul.f32 v33, v19;
	v6 =	vadd.f32 v39, v6;
	v5 =	vadd.f32 v5, v10  }
0x210: {  	v60 =	vmul.f32 v30, v48;
	v35 =	vld [tilespmem:s21+$0xAF10];
	v3 =	vadd.f32 v45, v3;
	v9 =	vadd.f32 v9, v15  }
0x211: {  	v14 =	vld [tilespmem:s21+$0xBE10];
	v15 =	vmul.f32 v56, v25;
	v2 =	vadd.f32 v43, v2;
	v56 =	vadd.f32 v51, v11  }
0x212: {  	v62 =	vmul.f32 v34, v29;
	v25 =	vld [tilespmem:$0x12E10];
	v6 =	vadd.f32 v60, v6;
	v5 =	vadd.f32 v57, v5  }
0x213: {  	v38 =	vmul.f32 v32, v53;
	v39 =	vld [tilespmem:s21+$0xBF10];
	v15 =	vadd.f32 v15, v16;
	v16 =	vadd.f32 v61, v17  }
0x214: {  	v10 =	vld [tilespmem:s21+$0xAE80];
	v9 =	vadd.f32 v63, v9;
	v63 =	vmul.f32 v44, v48;
	v2 =	vadd.f32 v62, v2  }
0x215: {  	v4 =	vmul.f32 v4, v20;
	v61 =	vld [tilespmem:$0x12F10];
	v0 =	vadd.f32 v0, v15;
	v8 =	vadd.f32 v8, v16  }
0x216: {  	v34 =	vmul.f32 v21, v53;
	v44 =	vld [tilespmem:s21+$0xAF80];
	v1 =	vadd.f32 v1, v9;
	v3 =	vadd.f32 v63, v3  }
0x217: {  	v15 =	vld [tilespmem:$0x12E80];
	v2 =	vadd.f32 v4, v2;
	v7 =	vmul.f32 v7, v25;
	v43 =	vmul.f32 v14, v25  }
0x218: {  	v16 =	vld [tilespmem:$0x12E90];
	v0 =	vadd.f32 v36, v0;
	v8 =	vadd.f32 v47, v8;
	v36 =	vmul.f32 v50, v23  }
0x219: {  	v58 =	vld [tilespmem:$0x12F00];
	v1 =	vadd.f32 v54, v1;
	v23 =	vmul.f32 v40, v23;
	v40 =	vmul.f32 v13, v20  }
0x21a: {  	v33 =	vld [tilespmem:s21+$0xAF00];
	v6 =	vadd.f32 v7, v6;
	v3 =	vadd.f32 v43, v3;
	v54 =	vmul.f32 v35, v61  }
0x21b: {  	v42 =	vld [tilespmem:$0x12F90];
	v11 =	vmul.f32 v44, v41;
	v0 =	vadd.f32 v59, v0;
	v8 =	vadd.f32 v34, v8  }
0x21c: {  	v47 =	vld [tilespmem:s21+$0xAF90];
	v9 =	vadd.f32 v36, v56;
	v1 =	vadd.f32 v38, v1;
	v56 =	vmul.f32 v39, v61  }
0x21d: {  	v50 =	vld [tilespmem:s21+$0xBF80];
	v5 =	vadd.f32 v23, v5;
	v45 =	vmul.f32 v10, v15;
	v46 =	vmul.f32 v46, v16  }
0x21e: {  	v53 =	vld [tilespmem:s21+$0xBF90];
	v48 =	vmul.f32 v52, v15;
	v49 =	vmul.f32 v55, v16;
	v6 =	vadd.f32 v54, v6  }
0x21f: {  	v52 =	vmul.f32 v33, v58;
	v0 =	vadd.f32 v40, v0;
	v3 =	vadd.f32 v56, v3  }
0x220: {  	v55 =	vmul.f32 v37, v58;
	v4 =	vadd.f32 v45, v8;
	v51 =	vadd.f32 v46, v9  }
0x221: {  	v1 =	vadd.f32 v48, v1;
	v5 =	vadd.f32 v49, v5;
	v14 =	vmul.f32 v47, v42  }
0x222: {  	v57 =	vmul.f32 v50, v41;
	v0 =	vadd.f32 v52, v0;
	v4 =	vadd.f32 v11, v4  }
0x223: {  	v59 =	vmul.f32 v53, v42;
	v2 =	vadd.f32 v55, v2;
	v58 =	vadd.f32 v14, v51  }
0x224: {  	p0 =	sne.s32 s19, $0x18000;
	v1 =	vadd.f32 v57, v1;
	v0 =	vadd.f32 v4, v0  }
.Ltmp1:
0x225: {  	v60 =	vadd.f32 v59, v5;
	v61 =	vadd.f32 v58, v6;
	(pc) =	sbr.rel @p0 .LBB2_5-.Ltmp1, $4  }
0x226: {  	v62 =	vadd.f32 v1, v2;
	[tilespmem:s20+$0xFFFFFF70] =	vst v0  }
0x227: {  	v63 =	vadd.f32 v60, v3;
	[tilespmem:s20+$0xFFFFFF80] =	vst v61  }
0x228: {  	[tilespmem:s20+$0xFFFFFFF0] =	vst v62  }
0x229: {  	s19 =	sadd.s32 $0x8000, s19;
	[tilespmem:s20+$0x0] =	vst v63;
	s20 =	sadd.s32 $0x100, s20  }
0x22a: {  	s17 =	sadd.s32 $0x1, s17  }
0x22b: {  	s18 =	sshll.u32 s18, $0x7;
	p0 =	sne.s32 s17, $0x10  }
.Ltmp2:
0x22c: {  	s18 =	sadd.s32 s18, s6;
	(pc) =	sbr.rel @p0 .LBB2_2-.Ltmp2, $4  }
0x22d: {  	[hbm4b:s18+s2] =	stream.linear.scatter [tilespmem:s14], [sflag:$0x3], $0x400, $0x38;
	[tilespmem:$0x13400] =	vst v63  }
0x22e: {  	_ =	swait.ge [sflag:s9], $0x400  }
0x22f: {  	[sflag:s9] =	ssyncset.done $0x0  }
0x230: {  	[sflag:s9] =	ssyncadd.s32 $0xFFFFFC00  }
0x231: {  	s16 =	sadd.s32 $0x1, s16  }
0x232: {  	p0 =	sne.s32 s16, s7  }
.Ltmp3:
0x233: {  	_ = 	snop;
	(pc) =	sbr.rel @p0 .LBB2_1-.Ltmp3, $1  }
0x234: {  	_ =	sdelay $0x3  }
0x235: {  	_ =	sfence.sel $0x180000  }
0x236: {  	[bflag:$0x0] =	sbarrier.arrive $0xFFFF  }
0x237: {  	p0 =	sne.s32 s1, $0x0;
	_ =	strace $0x90000047  }
0x238: {  	s0 =	sadd.s32 @!p0 $0x100000, s0;
	[bflag:$0x2] =	sbarrier.arrive $0xFFFF  }
0x239: {  	[sflag:s0] =	ssyncadd.tile.s32 @!p0 $0x1;
	_ =	shalt  }
.Lfunc_end2:
_tile_overlayer_lowered:
.L_overlay_start_2:
0x23a: {  	(tag) =	ssettag $0x2  }
0x23b: {  	s0 =	rddreg [dreg:$0x0];
	s2 =	stileid.u32  }
0x23c: {  	s1 =	rddreg [dreg:$0x1];
	p0 =	sne.s32 s2, $0x0  }
0x23d: {  	s3 =	rddreg [dreg:$0x2];
	[bflag:$0x3] =	sbarrier.arrive $0xFFFF;
	s2 =	simm.s32 @!p0 $0x1C03  }
0x23e: {  	[timem:s3], [sflag:s2] =	dma.local @!p0 [hbm:s0], s1  }
0x23f: {  	s0 =	simm.s32 @!p0 $0x3  }
0x240: {  	_ =	swait.ge @!p0 [sflag:s0], s1  }
0x241: {  	s1 =	ssub.s32 @!p0 $0x0, s1;
	[sflag:s0] =	ssyncset.done @!p0 $0x0  }
0x242: {  	[sflag:s0] =	ssyncadd.s32 @!p0 s1  }
0x243: {  	[bflag:$0x3] =	sbarrier.arrive $0xFFFF  }
0x244: {  	_ =	shalt  }

</sc_bundles>
